<compile_context>
chip_gen: v7x
topology: tpu7x:2x2x1
jax: 0.10.2.dev20260603
libtpu: 0.0.44.dev20260713+nightly
codegen_flags: <defaults>
</compile_context>

<pallas_src>
import functools

import jax
import jax.numpy as jnp
from jax import lax
from jax.experimental import pallas as pl
from jax.experimental.pallas import tpu as pltpu
from jax.experimental.pallas import tpu_sc as plsc

B, L, D = 4, 8192, 768
NC, NS = 2, 16
NW = NC * NS
ROWS_PER_W = L // NW
CH = 32
NCHUNK = ROWS_PER_W // CH
NSTEP = NCHUNK * B
NVPR = D // 16

_mesh = plsc.VectorSubcoreMesh(core_axis_name="c", subcore_axis_name="s")


@functools.partial(
    pl.kernel,
    mesh=_mesh,
    out_type=jax.ShapeDtypeStruct((B, L, D), jnp.float32),
    scratch_types=[
        pltpu.VMEM((CH, D), jnp.float32),
        pltpu.VMEM((CH, D), jnp.float32),
        pltpu.VMEM((CH, D), jnp.float32),
        pltpu.VMEM((CH, D), jnp.float32),
        pltpu.VMEM((CH, D), jnp.float32),
        pltpu.SemaphoreType.DMA((3,)),
        pltpu.SemaphoreType.DMA((3,)),
        pltpu.SemaphoreType.DMA((2,)),
    ],
)
def _sc_add(x_hbm, t_hbm, out_hbm, xb0, xb1, xb2, tb0, tb1,
            in_sem, out_sem, t_sem):
    x_bufs = (xb0, xb1, xb2)
    t_bufs = (tb0, tb1)
    wid = lax.axis_index("s") * NC + lax.axis_index("c")
    base = wid * ROWS_PER_W

    def x_off(step):
        k, b = divmod(step, B)
        return b, base + k * CH

    t_hand = {0: pltpu.async_copy(
        t_hbm.at[pl.ds(base, CH)], t_bufs[0], t_sem.at[0])}
    b0, row0 = x_off(0)
    in_hand = {0: pltpu.async_copy(
        x_hbm.at[b0, pl.ds(row0, CH)], x_bufs[0], in_sem.at[0])}
    out_hand = {}

    for t in range(NSTEP):
        k, b = divmod(t, B)
        p = t % 3
        if b == 0:
            t_hand.pop(k).wait()
            if k + 1 < NCHUNK:
                t_hand[k + 1] = pltpu.async_copy(
                    t_hbm.at[pl.ds(base + (k + 1) * CH, CH)],
                    t_bufs[(k + 1) % 2], t_sem.at[(k + 1) % 2])
        in_hand.pop(t).wait()
        if t + 1 < NSTEP:
            q = (t + 1) % 3
            if t - 2 >= 0:
                out_hand.pop(t - 2).wait()
            bn, rown = x_off(t + 1)
            in_hand[t + 1] = pltpu.async_copy(
                x_hbm.at[bn, pl.ds(rown, CH)], x_bufs[q], in_sem.at[q])

        xb = x_bufs[p]
        tb = t_bufs[k % 2]


        _, row = x_off(t)
        out_hand[t] = pltpu.async_copy(
            x_bufs[p], out_hbm.at[b, pl.ds(row, CH)], out_sem.at[p])

    out_hand.pop(NSTEP - 2).wait()
    out_hand.pop(NSTEP - 1).wait()


def kernel(x, table):
    return _sc_add(x, table)

# --- scband reference (transcript-rebuilt; emitter-appended) ---
"""Pipeline reference for scband-text-position-embeddings-2671469658245 (READ-ONLY COPY).

The authoritative reference and input builder live on the scoring server;
editing this copy changes nothing except your own understanding.
"""

import jax, jax.numpy as jnp
import numpy as np

NUM_EMBEDDINGS = 8192
EMBEDDING_DIM = 768
BATCH = 4

def setup_inputs(seed: int = 0) -> dict:
    key = jax.random.key(seed)
    k1, k2 = jax.random.split(key)
    x = jax.random.normal(k1, (BATCH, NUM_EMBEDDINGS, EMBEDDING_DIM), dtype=jnp.float32)
    # learned position embedding table, nn.Embedding default init ~ N(0,1)
    table = jax.random.normal(k2, (NUM_EMBEDDINGS, EMBEDDING_DIM), dtype=jnp.float32)
    return {"x": x, "table": table}

def reference(x, table):
    batch_size, num_embeddings, embedding_dim = x.shape
    positions = jnp.arange(num_embeddings, dtype=jnp.int64 if jax.config.jax_enable_x64 else jnp.int32)
    positions = jnp.broadcast_to(positions[None, :], (batch_size, num_embeddings))
    pos_emb = jnp.take(table, positions, axis=0)  # [B, L, D] embedding gather
    return x + pos_emb

if __name__ == "__main__":
    import jax
    _d = setup_inputs()
    print(jax.jit(kernel)(*tuple(_d.values())))

</pallas_src>

<mosaic_0001>
#map = affine_map<(d0, d1) -> (0, 0, 0)>
#map1 = affine_map<(d0, d1) -> (0, 0)>
module attributes {stable_mosaic.version = 14 : i64} {
  func.func @_sc_add(%arg0: i32, %arg1: i32, %arg2: memref<4x8192x768xf32, #tpu.memory_space<hbm>>, %arg3: memref<8192x768xf32, #tpu.memory_space<hbm>>, %arg4: memref<4x8192x768xf32, #tpu.memory_space<hbm>>, %arg5: memref<32x768xf32, #tpu.memory_space<vmem>>, %arg6: memref<32x768xf32, #tpu.memory_space<vmem>>, %arg7: memref<32x768xf32, #tpu.memory_space<vmem>>, %arg8: memref<32x768xf32, #tpu.memory_space<vmem>>, %arg9: memref<32x768xf32, #tpu.memory_space<vmem>>, %arg10: memref<3x!tpu.dma_semaphore, #tpu.memory_space<semaphore_mem>>, %arg11: memref<3x!tpu.dma_semaphore, #tpu.memory_space<semaphore_mem>>, %arg12: memref<2x!tpu.dma_semaphore, #tpu.memory_space<semaphore_mem>>) attributes {dimension_semantics = [#tpu.dimension_semantics<core_parallel>, #tpu.dimension_semantics<subcore_parallel>], iteration_bounds = array<i64: 2, 16>, scalar_prefetch = 0 : i64, scratch_operands = 8 : i64, tpu.core_type = #tpu.core_type<sc_vector_subcore>, window_params = [{transform_indices = #map}, {transform_indices = #map1}, {transform_indices = #map}]} {
    %mul3A = arith.constant 2 : i32
    %mul3A_0 = arith.muli %arg1, %mul3A : i32
    %add3A = arith.addi %mul3A_0, %arg0 : i32
    %mul3A_1 = arith.constant 256 : i32
    %mul3A_2 = arith.muli %add3A, %mul3A_1 : i32
    %dma_start3A = arith.constant 0 : i32
    %dma_start3A_3 = arith.constant 0 : i32
    %dma_start3A_4 = tpu.memref_slice %arg3[%mul3A_2, %dma_start3A_3] : memref<8192x768xf32, #tpu.memory_space<hbm>> -> memref<32x768xf32, #tpu.memory_space<hbm>>
    %dma_start3A_5 = tpu.memref_slice %arg12[%dma_start3A] : memref<2x!tpu.dma_semaphore, #tpu.memory_space<semaphore_mem>> -> memref<1x!tpu.dma_semaphore, #tpu.memory_space<semaphore_mem>>
    %dma_start3A_6 = tpu.memref_squeeze %dma_start3A_5 : memref<1x!tpu.dma_semaphore, #tpu.memory_space<semaphore_mem>> -> memref<!tpu.dma_semaphore, #tpu.memory_space<semaphore_mem>>
    %dma_start3A_7 = arith.constant 0 : i32
    %dma_start3A_8 = tpu.memref_slice %arg3[%mul3A_2, %dma_start3A_7] : memref<8192x768xf32, #tpu.memory_space<hbm>> -> memref<32x768xf32, #tpu.memory_space<hbm>>
    tpu.enqueue_dma source(%dma_start3A_8 : memref<32x768xf32, #tpu.memory_space<hbm>>) target(%arg8 : memref<32x768xf32, #tpu.memory_space<vmem>>) target_semaphore(%dma_start3A_6 : memref<!tpu.dma_semaphore, #tpu.memory_space<semaphore_mem>>)
    %add3A_9 = arith.constant 0 : i32
    %add3A_10 = arith.addi %mul3A_2, %add3A_9 : i32
    %dma_start3A_11 = arith.constant 0 : i32
    %dma_start3A_12 = arith.constant 0 : i32
    %dma_start3A_13 = arith.constant 0 : i32
    %dma_start3A_14 = tpu.memref_slice %arg2[%dma_start3A_11, %add3A_10, %dma_start3A_13] : memref<4x8192x768xf32, #tpu.memory_space<hbm>> -> memref<1x32x768xf32, #tpu.memory_space<hbm>>
    %dma_start3A_15 = tpu.memref_squeeze %dma_start3A_14 : memref<1x32x768xf32, #tpu.memory_space<hbm>> -> memref<32x768xf32, #tpu.memory_space<hbm>>
    %dma_start3A_16 = tpu.memref_slice %arg10[%dma_start3A_12] : memref<3x!tpu.dma_semaphore, #tpu.memory_space<semaphore_mem>> -> memref<1x!tpu.dma_semaphore, #tpu.memory_space<semaphore_mem>>
    %dma_start3A_17 = tpu.memref_squeeze %dma_start3A_16 : memref<1x!tpu.dma_semaphore, #tpu.memory_space<semaphore_mem>> -> memref<!tpu.dma_semaphore, #tpu.memory_space<semaphore_mem>>
    %dma_start3A_18 = arith.constant 0 : i32
    %dma_start3A_19 = tpu.memref_slice %arg2[%dma_start3A_11, %add3A_10, %dma_start3A_18] : memref<4x8192x768xf32, #tpu.memory_space<hbm>> -> memref<1x32x768xf32, #tpu.memory_space<hbm>>
    %dma_start3A_20 = tpu.memref_squeeze %dma_start3A_19 : memref<1x32x768xf32, #tpu.memory_space<hbm>> -> memref<32x768xf32, #tpu.memory_space<hbm>>
    tpu.enqueue_dma source(%dma_start3A_20 : memref<32x768xf32, #tpu.memory_space<hbm>>) target(%arg5 : memref<32x768xf32, #tpu.memory_space<vmem>>) target_semaphore(%dma_start3A_17 : memref<!tpu.dma_semaphore, #tpu.memory_space<semaphore_mem>>)
    %dma_wait3A = arith.constant 0 : i32
    %dma_wait3A_21 = arith.constant 0 : i32
    %dma_wait3A_22 = tpu.memref_slice %arg3[%mul3A_2, %dma_wait3A_21] : memref<8192x768xf32, #tpu.memory_space<hbm>> -> memref<32x768xf32, #tpu.memory_space<hbm>>
    %dma_wait3A_23 = tpu.memref_slice %arg12[%dma_wait3A] : memref<2x!tpu.dma_semaphore, #tpu.memory_space<semaphore_mem>> -> memref<1x!tpu.dma_semaphore, #tpu.memory_space<semaphore_mem>>
    %dma_wait3A_24 = tpu.memref_squeeze %dma_wait3A_23 : memref<1x!tpu.dma_semaphore, #tpu.memory_space<semaphore_mem>> -> memref<!tpu.dma_semaphore, #tpu.memory_space<semaphore_mem>>
    %dma_wait3A_25 = arith.constant 0 : i32
    %dma_wait3A_26 = tpu.memref_slice %arg3[%mul3A_2, %dma_wait3A_25] : memref<8192x768xf32, #tpu.memory_space<hbm>> -> memref<32x768xf32, #tpu.memory_space<hbm>>
    tpu.wait_dma2 semaphore(%dma_wait3A_24 : memref<!tpu.dma_semaphore, #tpu.memory_space<semaphore_mem>>) src(%dma_wait3A_26 : memref<32x768xf32, #tpu.memory_space<hbm>>) dst(%arg8 : memref<32x768xf32, #tpu.memory_space<vmem>>)
    %add3A_27 = arith.constant 32 : i32
    %add3A_28 = arith.addi %mul3A_2, %add3A_27 : i32
    %dma_start3A_29 = arith.constant 1 : i32
    %dma_start3A_30 = arith.constant 0 : i32
    %dma_start3A_31 = tpu.memref_slice %arg3[%add3A_28, %dma_start3A_30] : memref<8192x768xf32, #tpu.memory_space<hbm>> -> memref<32x768xf32, #tpu.memory_space<hbm>>
    %dma_start3A_32 = tpu.memref_slice %arg12[%dma_start3A_29] : memref<2x!tpu.dma_semaphore, #tpu.memory_space<semaphore_mem>> -> memref<1x!tpu.dma_semaphore, #tpu.memory_space<semaphore_mem>>
    %dma_start3A_33 = tpu.memref_squeeze %dma_start3A_32 : memref<1x!tpu.dma_semaphore, #tpu.memory_space<semaphore_mem>> -> memref<!tpu.dma_semaphore, #tpu.memory_space<semaphore_mem>>
    %dma_start3A_34 = arith.constant 0 : i32
    %dma_start3A_35 = tpu.memref_slice %arg3[%add3A_28, %dma_start3A_34] : memref<8192x768xf32, #tpu.memory_space<hbm>> -> memref<32x768xf32, #tpu.memory_space<hbm>>
    tpu.enqueue_dma source(%dma_start3A_35 : memref<32x768xf32, #tpu.memory_space<hbm>>) target(%arg9 : memref<32x768xf32, #tpu.memory_space<vmem>>) target_semaphore(%dma_start3A_33 : memref<!tpu.dma_semaphore, #tpu.memory_space<semaphore_mem>>)
    %dma_wait3A_36 = arith.constant 0 : i32
    %dma_wait3A_37 = arith.constant 0 : i32
    %dma_wait3A_38 = arith.constant 0 : i32
    %dma_wait3A_39 = tpu.memref_slice %arg2[%dma_wait3A_36, %add3A_10, %dma_wait3A_38] : memref<4x8192x768xf32, #tpu.memory_space<hbm>> -> memref<1x32x768xf32, #tpu.memory_space<hbm>>
    %dma_wait3A_40 = tpu.memref_squeeze %dma_wait3A_39 : memref<1x32x768xf32, #tpu.memory_space<hbm>> -> memref<32x768xf32, #tpu.memory_space<hbm>>
    %dma_wait3A_41 = tpu.memref_slice %arg10[%dma_wait3A_37] : memref<3x!tpu.dma_semaphore, #tpu.memory_space<semaphore_mem>> -> memref<1x!tpu.dma_semaphore, #tpu.memory_space<semaphore_mem>>
    %dma_wait3A_42 = tpu.memref_squeeze %dma_wait3A_41 : memref<1x!tpu.dma_semaphore, #tpu.memory_space<semaphore_mem>> -> memref<!tpu.dma_semaphore, #tpu.memory_space<semaphore_mem>>
    %dma_wait3A_43 = arith.constant 0 : i32
    %dma_wait3A_44 = tpu.memref_slice %arg2[%dma_wait3A_36, %add3A_10, %dma_wait3A_43] : memref<4x8192x768xf32, #tpu.memory_space<hbm>> -> memref<1x32x768xf32, #tpu.memory_space<hbm>>
    %dma_wait3A_45 = tpu.memref_squeeze %dma_wait3A_44 : memref<1x32x768xf32, #tpu.memory_space<hbm>> -> memref<32x768xf32, #tpu.memory_space<hbm>>
    tpu.wait_dma2 semaphore(%dma_wait3A_42 : memref<!tpu.dma_semaphore, #tpu.memory_space<semaphore_mem>>) src(%dma_wait3A_45 : memref<32x768xf32, #tpu.memory_space<hbm>>) dst(%arg5 : memref<32x768xf32, #tpu.memory_space<vmem>>)
    %add3A_46 = arith.constant 0 : i32
    %add3A_47 = arith.addi %mul3A_2, %add3A_46 : i32
    %dma_start3A_48 = arith.constant 1 : i32
    %dma_start3A_49 = arith.constant 1 : i32
    %dma_start3A_50 = arith.constant 0 : i32
    %dma_start3A_51 = tpu.memref_slice %arg2[%dma_start3A_48, %add3A_47, %dma_start3A_50] : memref<4x8192x768xf32, #tpu.memory_space<hbm>> -> memref<1x32x768xf32, #tpu.memory_space<hbm>>
    %dma_start3A_52 = tpu.memref_squeeze %dma_start3A_51 : memref<1x32x768xf32, #tpu.memory_space<hbm>> -> memref<32x768xf32, #tpu.memory_space<hbm>>
    %dma_start3A_53 = tpu.memref_slice %arg10[%dma_start3A_49] : memref<3x!tpu.dma_semaphore, #tpu.memory_space<semaphore_mem>> -> memref<1x!tpu.dma_semaphore, #tpu.memory_space<semaphore_mem>>
    %dma_start3A_54 = tpu.memref_squeeze %dma_start3A_53 : memref<1x!tpu.dma_semaphore, #tpu.memory_space<semaphore_mem>> -> memref<!tpu.dma_semaphore, #tpu.memory_space<semaphore_mem>>
    %dma_start3A_55 = arith.constant 0 : i32
    %dma_start3A_56 = tpu.memref_slice %arg2[%dma_start3A_48, %add3A_47, %dma_start3A_55] : memref<4x8192x768xf32, #tpu.memory_space<hbm>> -> memref<1x32x768xf32, #tpu.memory_space<hbm>>
    %dma_start3A_57 = tpu.memref_squeeze %dma_start3A_56 : memref<1x32x768xf32, #tpu.memory_space<hbm>> -> memref<32x768xf32, #tpu.memory_space<hbm>>
    tpu.enqueue_dma source(%dma_start3A_57 : memref<32x768xf32, #tpu.memory_space<hbm>>) target(%arg6 : memref<32x768xf32, #tpu.memory_space<vmem>>) target_semaphore(%dma_start3A_54 : memref<!tpu.dma_semaphore, #tpu.memory_space<semaphore_mem>>)
    %add3A_58 = arith.constant 0 : i32
    %add3A_59 = arith.addi %mul3A_2, %add3A_58 : i32
    %dma_start3A_60 = arith.constant 0 : i32
    %dma_start3A_61 = arith.constant 0 : i32
    %dma_start3A_62 = arith.constant 0 : i32
    %dma_start3A_63 = tpu.memref_slice %arg4[%dma_start3A_60, %add3A_59, %dma_start3A_62] : memref<4x8192x768xf32, #tpu.memory_space<hbm>> -> memref<1x32x768xf32, #tpu.memory_space<hbm>>
    %dma_start3A_64 = tpu.memref_squeeze %dma_start3A_63 : memref<1x32x768xf32, #tpu.memory_space<hbm>> -> memref<32x768xf32, #tpu.memory_space<hbm>>
    %dma_start3A_65 = tpu.memref_slice %arg11[%dma_start3A_61] : memref<3x!tpu.dma_semaphore, #tpu.memory_space<semaphore_mem>> -> memref<1x!tpu.dma_semaphore, #tpu.memory_space<semaphore_mem>>
    %dma_start3A_66 = tpu.memref_squeeze %dma_start3A_65 : memref<1x!tpu.dma_semaphore, #tpu.memory_space<semaphore_mem>> -> memref<!tpu.dma_semaphore, #tpu.memory_space<semaphore_mem>>
    %dma_start3A_67 = arith.constant 0 : i32
    %dma_start3A_68 = tpu.memref_slice %arg4[%dma_start3A_60, %add3A_59, %dma_start3A_67] : memref<4x8192x768xf32, #tpu.memory_space<hbm>> -> memref<1x32x768xf32, #tpu.memory_space<hbm>>
    %dma_start3A_69 = tpu.memref_squeeze %dma_start3A_68 : memref<1x32x768xf32, #tpu.memory_space<hbm>> -> memref<32x768xf32, #tpu.memory_space<hbm>>
    tpu.enqueue_dma source(%arg5 : memref<32x768xf32, #tpu.memory_space<vmem>>) target(%dma_start3A_69 : memref<32x768xf32, #tpu.memory_space<hbm>>) target_semaphore(%dma_start3A_66 : memref<!tpu.dma_semaphore, #tpu.memory_space<semaphore_mem>>)
    %dma_wait3A_70 = arith.constant 1 : i32
    %dma_wait3A_71 = arith.constant 1 : i32
    %dma_wait3A_72 = arith.constant 0 : i32
    %dma_wait3A_73 = tpu.memref_slice %arg2[%dma_wait3A_70, %add3A_47, %dma_wait3A_72] : memref<4x8192x768xf32, #tpu.memory_space<hbm>> -> memref<1x32x768xf32, #tpu.memory_space<hbm>>
    %dma_wait3A_74 = tpu.memref_squeeze %dma_wait3A_73 : memref<1x32x768xf32, #tpu.memory_space<hbm>> -> memref<32x768xf32, #tpu.memory_space<hbm>>
    %dma_wait3A_75 = tpu.memref_slice %arg10[%dma_wait3A_71] : memref<3x!tpu.dma_semaphore, #tpu.memory_space<semaphore_mem>> -> memref<1x!tpu.dma_semaphore, #tpu.memory_space<semaphore_mem>>
    %dma_wait3A_76 = tpu.memref_squeeze %dma_wait3A_75 : memref<1x!tpu.dma_semaphore, #tpu.memory_space<semaphore_mem>> -> memref<!tpu.dma_semaphore, #tpu.memory_space<semaphore_mem>>
    %dma_wait3A_77 = arith.constant 0 : i32
    %dma_wait3A_78 = tpu.memref_slice %arg2[%dma_wait3A_70, %add3A_47, %dma_wait3A_77] : memref<4x8192x768xf32, #tpu.memory_space<hbm>> -> memref<1x32x768xf32, #tpu.memory_space<hbm>>
    %dma_wait3A_79 = tpu.memref_squeeze %dma_wait3A_78 : memref<1x32x768xf32, #tpu.memory_space<hbm>> -> memref<32x768xf32, #tpu.memory_space<hbm>>
    tpu.wait_dma2 semaphore(%dma_wait3A_76 : memref<!tpu.dma_semaphore, #tpu.memory_space<semaphore_mem>>) src(%dma_wait3A_79 : memref<32x768xf32, #tpu.memory_space<hbm>>) dst(%arg6 : memref<32x768xf32, #tpu.memory_space<vmem>>)
    %add3A_80 = arith.constant 0 : i32
    %add3A_81 = arith.addi %mul3A_2, %add3A_80 : i32
    %dma_start3A_82 = arith.constant 2 : i32
    %dma_start3A_83 = arith.constant 2 : i32
    %dma_start3A_84 = arith.constant 0 : i32
    %dma_start3A_85 = tpu.memref_slice %arg2[%dma_start3A_82, %add3A_81, %dma_start3A_84] : memref<4x8192x768xf32, #tpu.memory_space<hbm>> -> memref<1x32x768xf32, #tpu.memory_space<hbm>>
    %dma_start3A_86 = tpu.memref_squeeze %dma_start3A_85 : memref<1x32x768xf32, #tpu.memory_space<hbm>> -> memref<32x768xf32, #tpu.memory_space<hbm>>
    %dma_start3A_87 = tpu.memref_slice %arg10[%dma_start3A_83] : memref<3x!tpu.dma_semaphore, #tpu.memory_space<semaphore_mem>> -> memref<1x!tpu.dma_semaphore, #tpu.memory_space<semaphore_mem>>
    %dma_start3A_88 = tpu.memref_squeeze %dma_start3A_87 : memref<1x!tpu.dma_semaphore, #tpu.memory_space<semaphore_mem>> -> memref<!tpu.dma_semaphore, #tpu.memory_space<semaphore_mem>>
    %dma_start3A_89 = arith.constant 0 : i32
    %dma_start3A_90 = tpu.memref_slice %arg2[%dma_start3A_82, %add3A_81, %dma_start3A_89] : memref<4x8192x768xf32, #tpu.memory_space<hbm>> -> memref<1x32x768xf32, #tpu.memory_space<hbm>>
    %dma_start3A_91 = tpu.memref_squeeze %dma_start3A_90 : memref<1x32x768xf32, #tpu.memory_space<hbm>> -> memref<32x768xf32, #tpu.memory_space<hbm>>
    tpu.enqueue_dma source(%dma_start3A_91 : memref<32x768xf32, #tpu.memory_space<hbm>>) target(%arg7 : memref<32x768xf32, #tpu.memory_space<vmem>>) target_semaphore(%dma_start3A_88 : memref<!tpu.dma_semaphore, #tpu.memory_space<semaphore_mem>>)
    %add3A_92 = arith.constant 0 : i32
    %add3A_93 = arith.addi %mul3A_2, %add3A_92 : i32
    %dma_start3A_94 = arith.constant 1 : i32
    %dma_start3A_95 = arith.constant 1 : i32
    %dma_start3A_96 = arith.constant 0 : i32
    %dma_start3A_97 = tpu.memref_slice %arg4[%dma_start3A_94, %add3A_93, %dma_start3A_96] : memref<4x8192x768xf32, #tpu.memory_space<hbm>> -> memref<1x32x768xf32, #tpu.memory_space<hbm>>
    %dma_start3A_98 = tpu.memref_squeeze %dma_start3A_97 : memref<1x32x768xf32, #tpu.memory_space<hbm>> -> memref<32x768xf32, #tpu.memory_space<hbm>>
    %dma_start3A_99 = tpu.memref_slice %arg11[%dma_start3A_95] : memref<3x!tpu.dma_semaphore, #tpu.memory_space<semaphore_mem>> -> memref<1x!tpu.dma_semaphore, #tpu.memory_space<semaphore_mem>>
    %dma_start3A_100 = tpu.memref_squeeze %dma_start3A_99 : memref<1x!tpu.dma_semaphore, #tpu.memory_space<semaphore_mem>> -> memref<!tpu.dma_semaphore, #tpu.memory_space<semaphore_mem>>
    %dma_start3A_101 = arith.constant 0 : i32
    %dma_start3A_102 = tpu.memref_slice %arg4[%dma_start3A_94, %add3A_93, %dma_start3A_101] : memref<4x8192x768xf32, #tpu.memory_space<hbm>> -> memref<1x32x768xf32, #tpu.memory_space<hbm>>
    %dma_start3A_103 = tpu.memref_squeeze %dma_start3A_102 : memref<1x32x768xf32, #tpu.memory_space<hbm>> -> memref<32x768xf32, #tpu.memory_space<hbm>>
    tpu.enqueue_dma source(%arg6 : memref<32x768xf32, #tpu.memory_space<vmem>>) target(%dma_start3A_103 : memref<32x768xf32, #tpu.memory_space<hbm>>) target_semaphore(%dma_start3A_100 : memref<!tpu.dma_semaphore, #tpu.memory_space<semaphore_mem>>)
    %dma_wait3A_104 = arith.constant 2 : i32
    %dma_wait3A_105 = arith.constant 2 : i32
    %dma_wait3A_106 = arith.constant 0 : i32
    %dma_wait3A_107 = tpu.memref_slice %arg2[%dma_wait3A_104, %add3A_81, %dma_wait3A_106] : memref<4x8192x768xf32, #tpu.memory_space<hbm>> -> memref<1x32x768xf32, #tpu.memory_space<hbm>>
    %dma_wait3A_108 = tpu.memref_squeeze %dma_wait3A_107 : memref<1x32x768xf32, #tpu.memory_space<hbm>> -> memref<32x768xf32, #tpu.memory_space<hbm>>
    %dma_wait3A_109 = tpu.memref_slice %arg10[%dma_wait3A_105] : memref<3x!tpu.dma_semaphore, #tpu.memory_space<semaphore_mem>> -> memref<1x!tpu.dma_semaphore, #tpu.memory_space<semaphore_mem>>
    %dma_wait3A_110 = tpu.memref_squeeze %dma_wait3A_109 : memref<1x!tpu.dma_semaphore, #tpu.memory_space<semaphore_mem>> -> memref<!tpu.dma_semaphore, #tpu.memory_space<semaphore_mem>>
    %dma_wait3A_111 = arith.constant 0 : i32
    %dma_wait3A_112 = tpu.memref_slice %arg2[%dma_wait3A_104, %add3A_81, %dma_wait3A_111] : memref<4x8192x768xf32, #tpu.memory_space<hbm>> -> memref<1x32x768xf32, #tpu.memory_space<hbm>>
    %dma_wait3A_113 = tpu.memref_squeeze %dma_wait3A_112 : memref<1x32x768xf32, #tpu.memory_space<hbm>> -> memref<32x768xf32, #tpu.memory_space<hbm>>
    tpu.wait_dma2 semaphore(%dma_wait3A_110 : memref<!tpu.dma_semaphore, #tpu.memory_space<semaphore_mem>>) src(%dma_wait3A_113 : memref<32x768xf32, #tpu.memory_space<hbm>>) dst(%arg7 : memref<32x768xf32, #tpu.memory_space<vmem>>)
    %dma_wait3A_114 = arith.constant 0 : i32
    %dma_wait3A_115 = arith.constant 0 : i32
    %dma_wait3A_116 = arith.constant 0 : i32
    %dma_wait3A_117 = tpu.memref_slice %arg4[%dma_wait3A_114, %add3A_59, %dma_wait3A_116] : memref<4x8192x768xf32, #tpu.memory_space<hbm>> -> memref<1x32x768xf32, #tpu.memory_space<hbm>>
    %dma_wait3A_118 = tpu.memref_squeeze %dma_wait3A_117 : memref<1x32x768xf32, #tpu.memory_space<hbm>> -> memref<32x768xf32, #tpu.memory_space<hbm>>
    %dma_wait3A_119 = tpu.memref_slice %arg11[%dma_wait3A_115] : memref<3x!tpu.dma_semaphore, #tpu.memory_space<semaphore_mem>> -> memref<1x!tpu.dma_semaphore, #tpu.memory_space<semaphore_mem>>
    %dma_wait3A_120 = tpu.memref_squeeze %dma_wait3A_119 : memref<1x!tpu.dma_semaphore, #tpu.memory_space<semaphore_mem>> -> memref<!tpu.dma_semaphore, #tpu.memory_space<semaphore_mem>>
    %dma_wait3A_121 = arith.constant 0 : i32
    %dma_wait3A_122 = tpu.memref_slice %arg4[%dma_wait3A_114, %add3A_59, %dma_wait3A_121] : memref<4x8192x768xf32, #tpu.memory_space<hbm>> -> memref<1x32x768xf32, #tpu.memory_space<hbm>>
    %dma_wait3A_123 = tpu.memref_squeeze %dma_wait3A_122 : memref<1x32x768xf32, #tpu.memory_space<hbm>> -> memref<32x768xf32, #tpu.memory_space<hbm>>
    tpu.wait_dma2 semaphore(%dma_wait3A_120 : memref<!tpu.dma_semaphore, #tpu.memory_space<semaphore_mem>>) src(%arg5 : memref<32x768xf32, #tpu.memory_space<vmem>>) dst(%dma_wait3A_123 : memref<32x768xf32, #tpu.memory_space<hbm>>)
    %add3A_124 = arith.constant 0 : i32
    %add3A_125 = arith.addi %mul3A_2, %add3A_124 : i32
    %dma_start3A_126 = arith.constant 3 : i32
    %dma_start3A_127 = arith.constant 0 : i32
    %dma_start3A_128 = arith.constant 0 : i32
    %dma_start3A_129 = tpu.memref_slice %arg2[%dma_start3A_126, %add3A_125, %dma_start3A_128] : memref<4x8192x768xf32, #tpu.memory_space<hbm>> -> memref<1x32x768xf32, #tpu.memory_space<hbm>>
    %dma_start3A_130 = tpu.memref_squeeze %dma_start3A_129 : memref<1x32x768xf32, #tpu.memory_space<hbm>> -> memref<32x768xf32, #tpu.memory_space<hbm>>
    %dma_start3A_131 = tpu.memref_slice %arg10[%dma_start3A_127] : memref<3x!tpu.dma_semaphore, #tpu.memory_space<semaphore_mem>> -> memref<1x!tpu.dma_semaphore, #tpu.memory_space<semaphore_mem>>
    %dma_start3A_132 = tpu.memref_squeeze %dma_start3A_131 : memref<1x!tpu.dma_semaphore, #tpu.memory_space<semaphore_mem>> -> memref<!tpu.dma_semaphore, #tpu.memory_space<semaphore_mem>>
    %dma_start3A_133 = arith.constant 0 : i32
    %dma_start3A_134 = tpu.memref_slice %arg2[%dma_start3A_126, %add3A_125, %dma_start3A_133] : memref<4x8192x768xf32, #tpu.memory_space<hbm>> -> memref<1x32x768xf32, #tpu.memory_space<hbm>>
    %dma_start3A_135 = tpu.memref_squeeze %dma_start3A_134 : memref<1x32x768xf32, #tpu.memory_space<hbm>> -> memref<32x768xf32, #tpu.memory_space<hbm>>
    tpu.enqueue_dma source(%dma_start3A_135 : memref<32x768xf32, #tpu.memory_space<hbm>>) target(%arg5 : memref<32x768xf32, #tpu.memory_space<vmem>>) target_semaphore(%dma_start3A_132 : memref<!tpu.dma_semaphore, #tpu.memory_space<semaphore_mem>>)
    %add3A_136 = arith.constant 0 : i32
    %add3A_137 = arith.addi %mul3A_2, %add3A_136 : i32
    %dma_start3A_138 = arith.constant 2 : i32
    %dma_start3A_139 = arith.constant 2 : i32
    %dma_start3A_140 = arith.constant 0 : i32
    %dma_start3A_141 = tpu.memref_slice %arg4[%dma_start3A_138, %add3A_137, %dma_start3A_140] : memref<4x8192x768xf32, #tpu.memory_space<hbm>> -> memref<1x32x768xf32, #tpu.memory_space<hbm>>
    %dma_start3A_142 = tpu.memref_squeeze %dma_start3A_141 : memref<1x32x768xf32, #tpu.memory_space<hbm>> -> memref<32x768xf32, #tpu.memory_space<hbm>>
    %dma_start3A_143 = tpu.memref_slice %arg11[%dma_start3A_139] : memref<3x!tpu.dma_semaphore, #tpu.memory_space<semaphore_mem>> -> memref<1x!tpu.dma_semaphore, #tpu.memory_space<semaphore_mem>>
    %dma_start3A_144 = tpu.memref_squeeze %dma_start3A_143 : memref<1x!tpu.dma_semaphore, #tpu.memory_space<semaphore_mem>> -> memref<!tpu.dma_semaphore, #tpu.memory_space<semaphore_mem>>
    %dma_start3A_145 = arith.constant 0 : i32
    %dma_start3A_146 = tpu.memref_slice %arg4[%dma_start3A_138, %add3A_137, %dma_start3A_145] : memref<4x8192x768xf32, #tpu.memory_space<hbm>> -> memref<1x32x768xf32, #tpu.memory_space<hbm>>
    %dma_start3A_147 = tpu.memref_squeeze %dma_start3A_146 : memref<1x32x768xf32, #tpu.memory_space<hbm>> -> memref<32x768xf32, #tpu.memory_space<hbm>>
    tpu.enqueue_dma source(%arg7 : memref<32x768xf32, #tpu.memory_space<vmem>>) target(%dma_start3A_147 : memref<32x768xf32, #tpu.memory_space<hbm>>) target_semaphore(%dma_start3A_144 : memref<!tpu.dma_semaphore, #tpu.memory_space<semaphore_mem>>)
    %dma_wait3A_148 = arith.constant 3 : i32
    %dma_wait3A_149 = arith.constant 0 : i32
    %dma_wait3A_150 = arith.constant 0 : i32
    %dma_wait3A_151 = tpu.memref_slice %arg2[%dma_wait3A_148, %add3A_125, %dma_wait3A_150] : memref<4x8192x768xf32, #tpu.memory_space<hbm>> -> memref<1x32x768xf32, #tpu.memory_space<hbm>>
    %dma_wait3A_152 = tpu.memref_squeeze %dma_wait3A_151 : memref<1x32x768xf32, #tpu.memory_space<hbm>> -> memref<32x768xf32, #tpu.memory_space<hbm>>
    %dma_wait3A_153 = tpu.memref_slice %arg10[%dma_wait3A_149] : memref<3x!tpu.dma_semaphore, #tpu.memory_space<semaphore_mem>> -> memref<1x!tpu.dma_semaphore, #tpu.memory_space<semaphore_mem>>
    %dma_wait3A_154 = tpu.memref_squeeze %dma_wait3A_153 : memref<1x!tpu.dma_semaphore, #tpu.memory_space<semaphore_mem>> -> memref<!tpu.dma_semaphore, #tpu.memory_space<semaphore_mem>>
    %dma_wait3A_155 = arith.constant 0 : i32
    %dma_wait3A_156 = tpu.memref_slice %arg2[%dma_wait3A_148, %add3A_125, %dma_wait3A_155] : memref<4x8192x768xf32, #tpu.memory_space<hbm>> -> memref<1x32x768xf32, #tpu.memory_space<hbm>>
    %dma_wait3A_157 = tpu.memref_squeeze %dma_wait3A_156 : memref<1x32x768xf32, #tpu.memory_space<hbm>> -> memref<32x768xf32, #tpu.memory_space<hbm>>
    tpu.wait_dma2 semaphore(%dma_wait3A_154 : memref<!tpu.dma_semaphore, #tpu.memory_space<semaphore_mem>>) src(%dma_wait3A_157 : memref<32x768xf32, #tpu.memory_space<hbm>>) dst(%arg5 : memref<32x768xf32, #tpu.memory_space<vmem>>)
    %dma_wait3A_158 = arith.constant 1 : i32
    %dma_wait3A_159 = arith.constant 1 : i32
    %dma_wait3A_160 = arith.constant 0 : i32
    %dma_wait3A_161 = tpu.memref_slice %arg4[%dma_wait3A_158, %add3A_93, %dma_wait3A_160] : memref<4x8192x768xf32, #tpu.memory_space<hbm>> -> memref<1x32x768xf32, #tpu.memory_space<hbm>>
    %dma_wait3A_162 = tpu.memref_squeeze %dma_wait3A_161 : memref<1x32x768xf32, #tpu.memory_space<hbm>> -> memref<32x768xf32, #tpu.memory_space<hbm>>
    %dma_wait3A_163 = tpu.memref_slice %arg11[%dma_wait3A_159] : memref<3x!tpu.dma_semaphore, #tpu.memory_space<semaphore_mem>> -> memref<1x!tpu.dma_semaphore, #tpu.memory_space<semaphore_mem>>
    %dma_wait3A_164 = tpu.memref_squeeze %dma_wait3A_163 : memref<1x!tpu.dma_semaphore, #tpu.memory_space<semaphore_mem>> -> memref<!tpu.dma_semaphore, #tpu.memory_space<semaphore_mem>>
    %dma_wait3A_165 = arith.constant 0 : i32
    %dma_wait3A_166 = tpu.memref_slice %arg4[%dma_wait3A_158, %add3A_93, %dma_wait3A_165] : memref<4x8192x768xf32, #tpu.memory_space<hbm>> -> memref<1x32x768xf32, #tpu.memory_space<hbm>>
    %dma_wait3A_167 = tpu.memref_squeeze %dma_wait3A_166 : memref<1x32x768xf32, #tpu.memory_space<hbm>> -> memref<32x768xf32, #tpu.memory_space<hbm>>
    tpu.wait_dma2 semaphore(%dma_wait3A_164 : memref<!tpu.dma_semaphore, #tpu.memory_space<semaphore_mem>>) src(%arg6 : memref<32x768xf32, #tpu.memory_space<vmem>>) dst(%dma_wait3A_167 : memref<32x768xf32, #tpu.memory_space<hbm>>)
    %add3A_168 = arith.constant 32 : i32
    %add3A_169 = arith.addi %mul3A_2, %add3A_168 : i32
    %dma_start3A_170 = arith.constant 0 : i32
    %dma_start3A_171 = arith.constant 1 : i32
    %dma_start3A_172 = arith.constant 0 : i32
    %dma_start3A_173 = tpu.memref_slice %arg2[%dma_start3A_170, %add3A_169, %dma_start3A_172] : memref<4x8192x768xf32, #tpu.memory_space<hbm>> -> memref<1x32x768xf32, #tpu.memory_space<hbm>>
    %dma_start3A_174 = tpu.memref_squeeze %dma_start3A_173 : memref<1x32x768xf32, #tpu.memory_space<hbm>> -> memref<32x768xf32, #tpu.memory_space<hbm>>
    %dma_start3A_175 = tpu.memref_slice %arg10[%dma_start3A_171] : memref<3x!tpu.dma_semaphore, #tpu.memory_space<semaphore_mem>> -> memref<1x!tpu.dma_semaphore, #tpu.memory_space<semaphore_mem>>
    %dma_start3A_176 = tpu.memref_squeeze %dma_start3A_175 : memref<1x!tpu.dma_semaphore, #tpu.memory_space<semaphore_mem>> -> memref<!tpu.dma_semaphore, #tpu.memory_space<semaphore_mem>>
    %dma_start3A_177 = arith.constant 0 : i32
    %dma_start3A_178 = tpu.memref_slice %arg2[%dma_start3A_170, %add3A_169, %dma_start3A_177] : memref<4x8192x768xf32, #tpu.memory_space<hbm>> -> memref<1x32x768xf32, #tpu.memory_space<hbm>>
    %dma_start3A_179 = tpu.memref_squeeze %dma_start3A_178 : memref<1x32x768xf32, #tpu.memory_space<hbm>> -> memref<32x768xf32, #tpu.memory_space<hbm>>
    tpu.enqueue_dma source(%dma_start3A_179 : memref<32x768xf32, #tpu.memory_space<hbm>>) target(%arg6 : memref<32x768xf32, #tpu.memory_space<vmem>>) target_semaphore(%dma_start3A_176 : memref<!tpu.dma_semaphore, #tpu.memory_space<semaphore_mem>>)
    %add3A_180 = arith.constant 0 : i32
    %add3A_181 = arith.addi %mul3A_2, %add3A_180 : i32
    %dma_start3A_182 = arith.constant 3 : i32
    %dma_start3A_183 = arith.constant 0 : i32
    %dma_start3A_184 = arith.constant 0 : i32
    %dma_start3A_185 = tpu.memref_slice %arg4[%dma_start3A_182, %add3A_181, %dma_start3A_184] : memref<4x8192x768xf32, #tpu.memory_space<hbm>> -> memref<1x32x768xf32, #tpu.memory_space<hbm>>
    %dma_start3A_186 = tpu.memref_squeeze %dma_start3A_185 : memref<1x32x768xf32, #tpu.memory_space<hbm>> -> memref<32x768xf32, #tpu.memory_space<hbm>>
    %dma_start3A_187 = tpu.memref_slice %arg11[%dma_start3A_183] : memref<3x!tpu.dma_semaphore, #tpu.memory_space<semaphore_mem>> -> memref<1x!tpu.dma_semaphore, #tpu.memory_space<semaphore_mem>>
    %dma_start3A_188 = tpu.memref_squeeze %dma_start3A_187 : memref<1x!tpu.dma_semaphore, #tpu.memory_space<semaphore_mem>> -> memref<!tpu.dma_semaphore, #tpu.memory_space<semaphore_mem>>
    %dma_start3A_189 = arith.constant 0 : i32
    %dma_start3A_190 = tpu.memref_slice %arg4[%dma_start3A_182, %add3A_181, %dma_start3A_189] : memref<4x8192x768xf32, #tpu.memory_space<hbm>> -> memref<1x32x768xf32, #tpu.memory_space<hbm>>
    %dma_start3A_191 = tpu.memref_squeeze %dma_start3A_190 : memref<1x32x768xf32, #tpu.memory_space<hbm>> -> memref<32x768xf32, #tpu.memory_space<hbm>>
    tpu.enqueue_dma source(%arg5 : memref<32x768xf32, #tpu.memory_space<vmem>>) target(%dma_start3A_191 : memref<32x768xf32, #tpu.memory_space<hbm>>) target_semaphore(%dma_start3A_188 : memref<!tpu.dma_semaphore, #tpu.memory_space<semaphore_mem>>)
    %dma_wait3A_192 = arith.constant 1 : i32
    %dma_wait3A_193 = arith.constant 0 : i32
    %dma_wait3A_194 = tpu.memref_slice %arg3[%add3A_28, %dma_wait3A_193] : memref<8192x768xf32, #tpu.memory_space<hbm>> -> memref<32x768xf32, #tpu.memory_space<hbm>>
    %dma_wait3A_195 = tpu.memref_slice %arg12[%dma_wait3A_192] : memref<2x!tpu.dma_semaphore, #tpu.memory_space<semaphore_mem>> -> memref<1x!tpu.dma_semaphore, #tpu.memory_space<semaphore_mem>>
    %dma_wait3A_196 = tpu.memref_squeeze %dma_wait3A_195 : memref<1x!tpu.dma_semaphore, #tpu.memory_space<semaphore_mem>> -> memref<!tpu.dma_semaphore, #tpu.memory_space<semaphore_mem>>
    %dma_wait3A_197 = arith.constant 0 : i32
    %dma_wait3A_198 = tpu.memref_slice %arg3[%add3A_28, %dma_wait3A_197] : memref<8192x768xf32, #tpu.memory_space<hbm>> -> memref<32x768xf32, #tpu.memory_space<hbm>>
    tpu.wait_dma2 semaphore(%dma_wait3A_196 : memref<!tpu.dma_semaphore, #tpu.memory_space<semaphore_mem>>) src(%dma_wait3A_198 : memref<32x768xf32, #tpu.memory_space<hbm>>) dst(%arg9 : memref<32x768xf32, #tpu.memory_space<vmem>>)
    %add3A_199 = arith.constant 64 : i32
    %add3A_200 = arith.addi %mul3A_2, %add3A_199 : i32
    %dma_start3A_201 = arith.constant 0 : i32
    %dma_start3A_202 = arith.constant 0 : i32
    %dma_start3A_203 = tpu.memref_slice %arg3[%add3A_200, %dma_start3A_202] : memref<8192x768xf32, #tpu.memory_space<hbm>> -> memref<32x768xf32, #tpu.memory_space<hbm>>
    %dma_start3A_204 = tpu.memref_slice %arg12[%dma_start3A_201] : memref<2x!tpu.dma_semaphore, #tpu.memory_space<semaphore_mem>> -> memref<1x!tpu.dma_semaphore, #tpu.memory_space<semaphore_mem>>
    %dma_start3A_205 = tpu.memref_squeeze %dma_start3A_204 : memref<1x!tpu.dma_semaphore, #tpu.memory_space<semaphore_mem>> -> memref<!tpu.dma_semaphore, #tpu.memory_space<semaphore_mem>>
    %dma_start3A_206 = arith.constant 0 : i32
    %dma_start3A_207 = tpu.memref_slice %arg3[%add3A_200, %dma_start3A_206] : memref<8192x768xf32, #tpu.memory_space<hbm>> -> memref<32x768xf32, #tpu.memory_space<hbm>>
    tpu.enqueue_dma source(%dma_start3A_207 : memref<32x768xf32, #tpu.memory_space<hbm>>) target(%arg8 : memref<32x768xf32, #tpu.memory_space<vmem>>) target_semaphore(%dma_start3A_205 : memref<!tpu.dma_semaphore, #tpu.memory_space<semaphore_mem>>)
    %dma_wait3A_208 = arith.constant 0 : i32
    %dma_wait3A_209 = arith.constant 1 : i32
    %dma_wait3A_210 = arith.constant 0 : i32
    %dma_wait3A_211 = tpu.memref_slice %arg2[%dma_wait3A_208, %add3A_169, %dma_wait3A_210] : memref<4x8192x768xf32, #tpu.memory_space<hbm>> -> memref<1x32x768xf32, #tpu.memory_space<hbm>>
    %dma_wait3A_212 = tpu.memref_squeeze %dma_wait3A_211 : memref<1x32x768xf32, #tpu.memory_space<hbm>> -> memref<32x768xf32, #tpu.memory_space<hbm>>
    %dma_wait3A_213 = tpu.memref_slice %arg10[%dma_wait3A_209] : memref<3x!tpu.dma_semaphore, #tpu.memory_space<semaphore_mem>> -> memref<1x!tpu.dma_semaphore, #tpu.memory_space<semaphore_mem>>
    %dma_wait3A_214 = tpu.memref_squeeze %dma_wait3A_213 : memref<1x!tpu.dma_semaphore, #tpu.memory_space<semaphore_mem>> -> memref<!tpu.dma_semaphore, #tpu.memory_space<semaphore_mem>>
    %dma_wait3A_215 = arith.constant 0 : i32
    %dma_wait3A_216 = tpu.memref_slice %arg2[%dma_wait3A_208, %add3A_169, %dma_wait3A_215] : memref<4x8192x768xf32, #tpu.memory_space<hbm>> -> memref<1x32x768xf32, #tpu.memory_space<hbm>>
    %dma_wait3A_217 = tpu.memref_squeeze %dma_wait3A_216 : memref<1x32x768xf32, #tpu.memory_space<hbm>> -> memref<32x768xf32, #tpu.memory_space<hbm>>
    tpu.wait_dma2 semaphore(%dma_wait3A_214 : memref<!tpu.dma_semaphore, #tpu.memory_space<semaphore_mem>>) src(%dma_wait3A_217 : memref<32x768xf32, #tpu.memory_space<hbm>>) dst(%arg6 : memref<32x768xf32, #tpu.memory_space<vmem>>)
    %dma_wait3A_218 = arith.constant 2 : i32
    %dma_wait3A_219 = arith.constant 2 : i32
    %dma_wait3A_220 = arith.constant 0 : i32
    %dma_wait3A_221 = tpu.memref_slice %arg4[%dma_wait3A_218, %add3A_137, %dma_wait3A_220] : memref<4x8192x768xf32, #tpu.memory_space<hbm>> -> memref<1x32x768xf32, #tpu.memory_space<hbm>>
    %dma_wait3A_222 = tpu.memref_squeeze %dma_wait3A_221 : memref<1x32x768xf32, #tpu.memory_space<hbm>> -> memref<32x768xf32, #tpu.memory_space<hbm>>
    %dma_wait3A_223 = tpu.memref_slice %arg11[%dma_wait3A_219] : memref<3x!tpu.dma_semaphore, #tpu.memory_space<semaphore_mem>> -> memref<1x!tpu.dma_semaphore, #tpu.memory_space<semaphore_mem>>
    %dma_wait3A_224 = tpu.memref_squeeze %dma_wait3A_223 : memref<1x!tpu.dma_semaphore, #tpu.memory_space<semaphore_mem>> -> memref<!tpu.dma_semaphore, #tpu.memory_space<semaphore_mem>>
    %dma_wait3A_225 = arith.constant 0 : i32
    %dma_wait3A_226 = tpu.memref_slice %arg4[%dma_wait3A_218, %add3A_137, %dma_wait3A_225] : memref<4x8192x768xf32, #tpu.memory_space<hbm>> -> memref<1x32x768xf32, #tpu.memory_space<hbm>>
    %dma_wait3A_227 = tpu.memref_squeeze %dma_wait3A_226 : memref<1x32x768xf32, #tpu.memory_space<hbm>> -> memref<32x768xf32, #tpu.memory_space<hbm>>
    tpu.wait_dma2 semaphore(%dma_wait3A_224 : memref<!tpu.dma_semaphore, #tpu.memory_space<semaphore_mem>>) src(%arg7 : memref<32x768xf32, #tpu.memory_space<vmem>>) dst(%dma_wait3A_227 : memref<32x768xf32, #tpu.memory_space<hbm>>)
    %add3A_228 = arith.constant 32 : i32
    %add3A_229 = arith.addi %mul3A_2, %add3A_228 : i32
    %dma_start3A_230 = arith.constant 1 : i32
    %dma_start3A_231 = arith.constant 2 : i32
    %dma_start3A_232 = arith.constant 0 : i32
    %dma_start3A_233 = tpu.memref_slice %arg2[%dma_start3A_230, %add3A_229, %dma_start3A_232] : memref<4x8192x768xf32, #tpu.memory_space<hbm>> -> memref<1x32x768xf32, #tpu.memory_space<hbm>>
    %dma_start3A_234 = tpu.memref_squeeze %dma_start3A_233 : memref<1x32x768xf32, #tpu.memory_space<hbm>> -> memref<32x768xf32, #tpu.memory_space<hbm>>
    %dma_start3A_235 = tpu.memref_slice %arg10[%dma_start3A_231] : memref<3x!tpu.dma_semaphore, #tpu.memory_space<semaphore_mem>> -> memref<1x!tpu.dma_semaphore, #tpu.memory_space<semaphore_mem>>
    %dma_start3A_236 = tpu.memref_squeeze %dma_start3A_235 : memref<1x!tpu.dma_semaphore, #tpu.memory_space<semaphore_mem>> -> memref<!tpu.dma_semaphore, #tpu.memory_space<semaphore_mem>>
    %dma_start3A_237 = arith.constant 0 : i32
    %dma_start3A_238 = tpu.memref_slice %arg2[%dma_start3A_230, %add3A_229, %dma_start3A_237] : memref<4x8192x768xf32, #tpu.memory_space<hbm>> -> memref<1x32x768xf32, #tpu.memory_space<hbm>>
    %dma_start3A_239 = tpu.memref_squeeze %dma_start3A_238 : memref<1x32x768xf32, #tpu.memory_space<hbm>> -> memref<32x768xf32, #tpu.memory_space<hbm>>
    tpu.enqueue_dma source(%dma_start3A_239 : memref<32x768xf32, #tpu.memory_space<hbm>>) target(%arg7 : memref<32x768xf32, #tpu.memory_space<vmem>>) target_semaphore(%dma_start3A_236 : memref<!tpu.dma_semaphore, #tpu.memory_space<semaphore_mem>>)
    %add3A_240 = arith.constant 32 : i32
    %add3A_241 = arith.addi %mul3A_2, %add3A_240 : i32
    %dma_start3A_242 = arith.constant 0 : i32
    %dma_start3A_243 = arith.constant 1 : i32
    %dma_start3A_244 = arith.constant 0 : i32
    %dma_start3A_245 = tpu.memref_slice %arg4[%dma_start3A_242, %add3A_241, %dma_start3A_244] : memref<4x8192x768xf32, #tpu.memory_space<hbm>> -> memref<1x32x768xf32, #tpu.memory_space<hbm>>
    %dma_start3A_246 = tpu.memref_squeeze %dma_start3A_245 : memref<1x32x768xf32, #tpu.memory_space<hbm>> -> memref<32x768xf32, #tpu.memory_space<hbm>>
    %dma_start3A_247 = tpu.memref_slice %arg11[%dma_start3A_243] : memref<3x!tpu.dma_semaphore, #tpu.memory_space<semaphore_mem>> -> memref<1x!tpu.dma_semaphore, #tpu.memory_space<semaphore_mem>>
    %dma_start3A_248 = tpu.memref_squeeze %dma_start3A_247 : memref<1x!tpu.dma_semaphore, #tpu.memory_space<semaphore_mem>> -> memref<!tpu.dma_semaphore, #tpu.memory_space<semaphore_mem>>
    %dma_start3A_249 = arith.constant 0 : i32
    %dma_start3A_250 = tpu.memref_slice %arg4[%dma_start3A_242, %add3A_241, %dma_start3A_249] : memref<4x8192x768xf32, #tpu.memory_space<hbm>> -> memref<1x32x768xf32, #tpu.memory_space<hbm>>
    %dma_start3A_251 = tpu.memref_squeeze %dma_start3A_250 : memref<1x32x768xf32, #tpu.memory_space<hbm>> -> memref<32x768xf32, #tpu.memory_space<hbm>>
    tpu.enqueue_dma source(%arg6 : memref<32x768xf32, #tpu.memory_space<vmem>>) target(%dma_start3A_251 : memref<32x768xf32, #tpu.memory_space<hbm>>) target_semaphore(%dma_start3A_248 : memref<!tpu.dma_semaphore, #tpu.memory_space<semaphore_mem>>)
    %dma_wait3A_252 = arith.constant 1 : i32
    %dma_wait3A_253 = arith.constant 2 : i32
    %dma_wait3A_254 = arith.constant 0 : i32
    %dma_wait3A_255 = tpu.memref_slice %arg2[%dma_wait3A_252, %add3A_229, %dma_wait3A_254] : memref<4x8192x768xf32, #tpu.memory_space<hbm>> -> memref<1x32x768xf32, #tpu.memory_space<hbm>>
    %dma_wait3A_256 = tpu.memref_squeeze %dma_wait3A_255 : memref<1x32x768xf32, #tpu.memory_space<hbm>> -> memref<32x768xf32, #tpu.memory_space<hbm>>
    %dma_wait3A_257 = tpu.memref_slice %arg10[%dma_wait3A_253] : memref<3x!tpu.dma_semaphore, #tpu.memory_space<semaphore_mem>> -> memref<1x!tpu.dma_semaphore, #tpu.memory_space<semaphore_mem>>
    %dma_wait3A_258 = tpu.memref_squeeze %dma_wait3A_257 : memref<1x!tpu.dma_semaphore, #tpu.memory_space<semaphore_mem>> -> memref<!tpu.dma_semaphore, #tpu.memory_space<semaphore_mem>>
    %dma_wait3A_259 = arith.constant 0 : i32
    %dma_wait3A_260 = tpu.memref_slice %arg2[%dma_wait3A_252, %add3A_229, %dma_wait3A_259] : memref<4x8192x768xf32, #tpu.memory_space<hbm>> -> memref<1x32x768xf32, #tpu.memory_space<hbm>>
    %dma_wait3A_261 = tpu.memref_squeeze %dma_wait3A_260 : memref<1x32x768xf32, #tpu.memory_space<hbm>> -> memref<32x768xf32, #tpu.memory_space<hbm>>
    tpu.wait_dma2 semaphore(%dma_wait3A_258 : memref<!tpu.dma_semaphore, #tpu.memory_space<semaphore_mem>>) src(%dma_wait3A_261 : memref<32x768xf32, #tpu.memory_space<hbm>>) dst(%arg7 : memref<32x768xf32, #tpu.memory_space<vmem>>)
    %dma_wait3A_262 = arith.constant 3 : i32
    %dma_wait3A_263 = arith.constant 0 : i32
    %dma_wait3A_264 = arith.constant 0 : i32
    %dma_wait3A_265 = tpu.memref_slice %arg4[%dma_wait3A_262, %add3A_181, %dma_wait3A_264] : memref<4x8192x768xf32, #tpu.memory_space<hbm>> -> memref<1x32x768xf32, #tpu.memory_space<hbm>>
    %dma_wait3A_266 = tpu.memref_squeeze %dma_wait3A_265 : memref<1x32x768xf32, #tpu.memory_space<hbm>> -> memref<32x768xf32, #tpu.memory_space<hbm>>
    %dma_wait3A_267 = tpu.memref_slice %arg11[%dma_wait3A_263] : memref<3x!tpu.dma_semaphore, #tpu.memory_space<semaphore_mem>> -> memref<1x!tpu.dma_semaphore, #tpu.memory_space<semaphore_mem>>
    %dma_wait3A_268 = tpu.memref_squeeze %dma_wait3A_267 : memref<1x!tpu.dma_semaphore, #tpu.memory_space<semaphore_mem>> -> memref<!tpu.dma_semaphore, #tpu.memory_space<semaphore_mem>>
    %dma_wait3A_269 = arith.constant 0 : i32
    %dma_wait3A_270 = tpu.memref_slice %arg4[%dma_wait3A_262, %add3A_181, %dma_wait3A_269] : memref<4x8192x768xf32, #tpu.memory_space<hbm>> -> memref<1x32x768xf32, #tpu.memory_space<hbm>>
    %dma_wait3A_271 = tpu.memref_squeeze %dma_wait3A_270 : memref<1x32x768xf32, #tpu.memory_space<hbm>> -> memref<32x768xf32, #tpu.memory_space<hbm>>
    tpu.wait_dma2 semaphore(%dma_wait3A_268 : memref<!tpu.dma_semaphore, #tpu.memory_space<semaphore_mem>>) src(%arg5 : memref<32x768xf32, #tpu.memory_space<vmem>>) dst(%dma_wait3A_271 : memref<32x768xf32, #tpu.memory_space<hbm>>)
    %add3A_272 = arith.constant 32 : i32
    %add3A_273 = arith.addi %mul3A_2, %add3A_272 : i32
    %dma_start3A_274 = arith.constant 2 : i32
    %dma_start3A_275 = arith.constant 0 : i32
    %dma_start3A_276 = arith.constant 0 : i32
    %dma_start3A_277 = tpu.memref_slice %arg2[%dma_start3A_274, %add3A_273, %dma_start3A_276] : memref<4x8192x768xf32, #tpu.memory_space<hbm>> -> memref<1x32x768xf32, #tpu.memory_space<hbm>>
    %dma_start3A_278 = tpu.memref_squeeze %dma_start3A_277 : memref<1x32x768xf32, #tpu.memory_space<hbm>> -> memref<32x768xf32, #tpu.memory_space<hbm>>
    %dma_start3A_279 = tpu.memref_slice %arg10[%dma_start3A_275] : memref<3x!tpu.dma_semaphore, #tpu.memory_space<semaphore_mem>> -> memref<1x!tpu.dma_semaphore, #tpu.memory_space<semaphore_mem>>
    %dma_start3A_280 = tpu.memref_squeeze %dma_start3A_279 : memref<1x!tpu.dma_semaphore, #tpu.memory_space<semaphore_mem>> -> memref<!tpu.dma_semaphore, #tpu.memory_space<semaphore_mem>>
    %dma_start3A_281 = arith.constant 0 : i32
    %dma_start3A_282 = tpu.memref_slice %arg2[%dma_start3A_274, %add3A_273, %dma_start3A_281] : memref<4x8192x768xf32, #tpu.memory_space<hbm>> -> memref<1x32x768xf32, #tpu.memory_space<hbm>>
    %dma_start3A_283 = tpu.memref_squeeze %dma_start3A_282 : memref<1x32x768xf32, #tpu.memory_space<hbm>> -> memref<32x768xf32, #tpu.memory_space<hbm>>
    tpu.enqueue_dma source(%dma_start3A_283 : memref<32x768xf32, #tpu.memory_space<hbm>>) target(%arg5 : memref<32x768xf32, #tpu.memory_space<vmem>>) target_semaphore(%dma_start3A_280 : memref<!tpu.dma_semaphore, #tpu.memory_space<semaphore_mem>>)
    %add3A_284 = arith.constant 32 : i32
    %add3A_285 = arith.addi %mul3A_2, %add3A_284 : i32
    %dma_start3A_286 = arith.constant 1 : i32
    %dma_start3A_287 = arith.constant 2 : i32
    %dma_start3A_288 = arith.constant 0 : i32
    %dma_start3A_289 = tpu.memref_slice %arg4[%dma_start3A_286, %add3A_285, %dma_start3A_288] : memref<4x8192x768xf32, #tpu.memory_space<hbm>> -> memref<1x32x768xf32, #tpu.memory_space<hbm>>
    %dma_start3A_290 = tpu.memref_squeeze %dma_start3A_289 : memref<1x32x768xf32, #tpu.memory_space<hbm>> -> memref<32x768xf32, #tpu.memory_space<hbm>>
    %dma_start3A_291 = tpu.memref_slice %arg11[%dma_start3A_287] : memref<3x!tpu.dma_semaphore, #tpu.memory_space<semaphore_mem>> -> memref<1x!tpu.dma_semaphore, #tpu.memory_space<semaphore_mem>>
    %dma_start3A_292 = tpu.memref_squeeze %dma_start3A_291 : memref<1x!tpu.dma_semaphore, #tpu.memory_space<semaphore_mem>> -> memref<!tpu.dma_semaphore, #tpu.memory_space<semaphore_mem>>
    %dma_start3A_293 = arith.constant 0 : i32
    %dma_start3A_294 = tpu.memref_slice %arg4[%dma_start3A_286, %add3A_285, %dma_start3A_293] : memref<4x8192x768xf32, #tpu.memory_space<hbm>> -> memref<1x32x768xf32, #tpu.memory_space<hbm>>
    %dma_start3A_295 = tpu.memref_squeeze %dma_start3A_294 : memref<1x32x768xf32, #tpu.memory_space<hbm>> -> memref<32x768xf32, #tpu.memory_space<hbm>>
    tpu.enqueue_dma source(%arg7 : memref<32x768xf32, #tpu.memory_space<vmem>>) target(%dma_start3A_295 : memref<32x768xf32, #tpu.memory_space<hbm>>) target_semaphore(%dma_start3A_292 : memref<!tpu.dma_semaphore, #tpu.memory_space<semaphore_mem>>)
    %dma_wait3A_296 = arith.constant 2 : i32
    %dma_wait3A_297 = arith.constant 0 : i32
    %dma_wait3A_298 = arith.constant 0 : i32
    %dma_wait3A_299 = tpu.memref_slice %arg2[%dma_wait3A_296, %add3A_273, %dma_wait3A_298] : memref<4x8192x768xf32, #tpu.memory_space<hbm>> -> memref<1x32x768xf32, #tpu.memory_space<hbm>>
    %dma_wait3A_300 = tpu.memref_squeeze %dma_wait3A_299 : memref<1x32x768xf32, #tpu.memory_space<hbm>> -> memref<32x768xf32, #tpu.memory_space<hbm>>
    %dma_wait3A_301 = tpu.memref_slice %arg10[%dma_wait3A_297] : memref<3x!tpu.dma_semaphore, #tpu.memory_space<semaphore_mem>> -> memref<1x!tpu.dma_semaphore, #tpu.memory_space<semaphore_mem>>
    %dma_wait3A_302 = tpu.memref_squeeze %dma_wait3A_301 : memref<1x!tpu.dma_semaphore, #tpu.memory_space<semaphore_mem>> -> memref<!tpu.dma_semaphore, #tpu.memory_space<semaphore_mem>>
    %dma_wait3A_303 = arith.constant 0 : i32
    %dma_wait3A_304 = tpu.memref_slice %arg2[%dma_wait3A_296, %add3A_273, %dma_wait3A_303] : memref<4x8192x768xf32, #tpu.memory_space<hbm>> -> memref<1x32x768xf32, #tpu.memory_space<hbm>>
    %dma_wait3A_305 = tpu.memref_squeeze %dma_wait3A_304 : memref<1x32x768xf32, #tpu.memory_space<hbm>> -> memref<32x768xf32, #tpu.memory_space<hbm>>
    tpu.wait_dma2 semaphore(%dma_wait3A_302 : memref<!tpu.dma_semaphore, #tpu.memory_space<semaphore_mem>>) src(%dma_wait3A_305 : memref<32x768xf32, #tpu.memory_space<hbm>>) dst(%arg5 : memref<32x768xf32, #tpu.memory_space<vmem>>)
    %dma_wait3A_306 = arith.constant 0 : i32
    %dma_wait3A_307 = arith.constant 1 : i32
    %dma_wait3A_308 = arith.constant 0 : i32
    %dma_wait3A_309 = tpu.memref_slice %arg4[%dma_wait3A_306, %add3A_241, %dma_wait3A_308] : memref<4x8192x768xf32, #tpu.memory_space<hbm>> -> memref<1x32x768xf32, #tpu.memory_space<hbm>>
    %dma_wait3A_310 = tpu.memref_squeeze %dma_wait3A_309 : memref<1x32x768xf32, #tpu.memory_space<hbm>> -> memref<32x768xf32, #tpu.memory_space<hbm>>
    %dma_wait3A_311 = tpu.memref_slice %arg11[%dma_wait3A_307] : memref<3x!tpu.dma_semaphore, #tpu.memory_space<semaphore_mem>> -> memref<1x!tpu.dma_semaphore, #tpu.memory_space<semaphore_mem>>
    %dma_wait3A_312 = tpu.memref_squeeze %dma_wait3A_311 : memref<1x!tpu.dma_semaphore, #tpu.memory_space<semaphore_mem>> -> memref<!tpu.dma_semaphore, #tpu.memory_space<semaphore_mem>>
    %dma_wait3A_313 = arith.constant 0 : i32
    %dma_wait3A_314 = tpu.memref_slice %arg4[%dma_wait3A_306, %add3A_241, %dma_wait3A_313] : memref<4x8192x768xf32, #tpu.memory_space<hbm>> -> memref<1x32x768xf32, #tpu.memory_space<hbm>>
    %dma_wait3A_315 = tpu.memref_squeeze %dma_wait3A_314 : memref<1x32x768xf32, #tpu.memory_space<hbm>> -> memref<32x768xf32, #tpu.memory_space<hbm>>
    tpu.wait_dma2 semaphore(%dma_wait3A_312 : memref<!tpu.dma_semaphore, #tpu.memory_space<semaphore_mem>>) src(%arg6 : memref<32x768xf32, #tpu.memory_space<vmem>>) dst(%dma_wait3A_315 : memref<32x768xf32, #tpu.memory_space<hbm>>)
    %add3A_316 = arith.constant 32 : i32
    %add3A_317 = arith.addi %mul3A_2, %add3A_316 : i32
    %dma_start3A_318 = arith.constant 3 : i32
    %dma_start3A_319 = arith.constant 1 : i32
    %dma_start3A_320 = arith.constant 0 : i32
    %dma_start3A_321 = tpu.memref_slice %arg2[%dma_start3A_318, %add3A_317, %dma_start3A_320] : memref<4x8192x768xf32, #tpu.memory_space<hbm>> -> memref<1x32x768xf32, #tpu.memory_space<hbm>>
    %dma_start3A_322 = tpu.memref_squeeze %dma_start3A_321 : memref<1x32x768xf32, #tpu.memory_space<hbm>> -> memref<32x768xf32, #tpu.memory_space<hbm>>
    %dma_start3A_323 = tpu.memref_slice %arg10[%dma_start3A_319] : memref<3x!tpu.dma_semaphore, #tpu.memory_space<semaphore_mem>> -> memref<1x!tpu.dma_semaphore, #tpu.memory_space<semaphore_mem>>
    %dma_start3A_324 = tpu.memref_squeeze %dma_start3A_323 : memref<1x!tpu.dma_semaphore, #tpu.memory_space<semaphore_mem>> -> memref<!tpu.dma_semaphore, #tpu.memory_space<semaphore_mem>>
    %dma_start3A_325 = arith.constant 0 : i32
    %dma_start3A_326 = tpu.memref_slice %arg2[%dma_start3A_318, %add3A_317, %dma_start3A_325] : memref<4x8192x768xf32, #tpu.memory_space<hbm>> -> memref<1x32x768xf32, #tpu.memory_space<hbm>>
    %dma_start3A_327 = tpu.memref_squeeze %dma_start3A_326 : memref<1x32x768xf32, #tpu.memory_space<hbm>> -> memref<32x768xf32, #tpu.memory_space<hbm>>
    tpu.enqueue_dma source(%dma_start3A_327 : memref<32x768xf32, #tpu.memory_space<hbm>>) target(%arg6 : memref<32x768xf32, #tpu.memory_space<vmem>>) target_semaphore(%dma_start3A_324 : memref<!tpu.dma_semaphore, #tpu.memory_space<semaphore_mem>>)
    %add3A_328 = arith.constant 32 : i32
    %add3A_329 = arith.addi %mul3A_2, %add3A_328 : i32
    %dma_start3A_330 = arith.constant 2 : i32
    %dma_start3A_331 = arith.constant 0 : i32
    %dma_start3A_332 = arith.constant 0 : i32
    %dma_start3A_333 = tpu.memref_slice %arg4[%dma_start3A_330, %add3A_329, %dma_start3A_332] : memref<4x8192x768xf32, #tpu.memory_space<hbm>> -> memref<1x32x768xf32, #tpu.memory_space<hbm>>
    %dma_start3A_334 = tpu.memref_squeeze %dma_start3A_333 : memref<1x32x768xf32, #tpu.memory_space<hbm>> -> memref<32x768xf32, #tpu.memory_space<hbm>>
    %dma_start3A_335 = tpu.memref_slice %arg11[%dma_start3A_331] : memref<3x!tpu.dma_semaphore, #tpu.memory_space<semaphore_mem>> -> memref<1x!tpu.dma_semaphore, #tpu.memory_space<semaphore_mem>>
    %dma_start3A_336 = tpu.memref_squeeze %dma_start3A_335 : memref<1x!tpu.dma_semaphore, #tpu.memory_space<semaphore_mem>> -> memref<!tpu.dma_semaphore, #tpu.memory_space<semaphore_mem>>
    %dma_start3A_337 = arith.constant 0 : i32
    %dma_start3A_338 = tpu.memref_slice %arg4[%dma_start3A_330, %add3A_329, %dma_start3A_337] : memref<4x8192x768xf32, #tpu.memory_space<hbm>> -> memref<1x32x768xf32, #tpu.memory_space<hbm>>
    %dma_start3A_339 = tpu.memref_squeeze %dma_start3A_338 : memref<1x32x768xf32, #tpu.memory_space<hbm>> -> memref<32x768xf32, #tpu.memory_space<hbm>>
    tpu.enqueue_dma source(%arg5 : memref<32x768xf32, #tpu.memory_space<vmem>>) target(%dma_start3A_339 : memref<32x768xf32, #tpu.memory_space<hbm>>) target_semaphore(%dma_start3A_336 : memref<!tpu.dma_semaphore, #tpu.memory_space<semaphore_mem>>)
    %dma_wait3A_340 = arith.constant 3 : i32
    %dma_wait3A_341 = arith.constant 1 : i32
    %dma_wait3A_342 = arith.constant 0 : i32
    %dma_wait3A_343 = tpu.memref_slice %arg2[%dma_wait3A_340, %add3A_317, %dma_wait3A_342] : memref<4x8192x768xf32, #tpu.memory_space<hbm>> -> memref<1x32x768xf32, #tpu.memory_space<hbm>>
    %dma_wait3A_344 = tpu.memref_squeeze %dma_wait3A_343 : memref<1x32x768xf32, #tpu.memory_space<hbm>> -> memref<32x768xf32, #tpu.memory_space<hbm>>
    %dma_wait3A_345 = tpu.memref_slice %arg10[%dma_wait3A_341] : memref<3x!tpu.dma_semaphore, #tpu.memory_space<semaphore_mem>> -> memref<1x!tpu.dma_semaphore, #tpu.memory_space<semaphore_mem>>
    %dma_wait3A_346 = tpu.memref_squeeze %dma_wait3A_345 : memref<1x!tpu.dma_semaphore, #tpu.memory_space<semaphore_mem>> -> memref<!tpu.dma_semaphore, #tpu.memory_space<semaphore_mem>>
    %dma_wait3A_347 = arith.constant 0 : i32
    %dma_wait3A_348 = tpu.memref_slice %arg2[%dma_wait3A_340, %add3A_317, %dma_wait3A_347] : memref<4x8192x768xf32, #tpu.memory_space<hbm>> -> memref<1x32x768xf32, #tpu.memory_space<hbm>>
    %dma_wait3A_349 = tpu.memref_squeeze %dma_wait3A_348 : memref<1x32x768xf32, #tpu.memory_space<hbm>> -> memref<32x768xf32, #tpu.memory_space<hbm>>
    tpu.wait_dma2 semaphore(%dma_wait3A_346 : memref<!tpu.dma_semaphore, #tpu.memory_space<semaphore_mem>>) src(%dma_wait3A_349 : memref<32x768xf32, #tpu.memory_space<hbm>>) dst(%arg6 : memref<32x768xf32, #tpu.memory_space<vmem>>)
    %dma_wait3A_350 = arith.constant 1 : i32
    %dma_wait3A_351 = arith.constant 2 : i32
    %dma_wait3A_352 = arith.constant 0 : i32
    %dma_wait3A_353 = tpu.memref_slice %arg4[%dma_wait3A_350, %add3A_285, %dma_wait3A_352] : memref<4x8192x768xf32, #tpu.memory_space<hbm>> -> memref<1x32x768xf32, #tpu.memory_space<hbm>>
    %dma_wait3A_354 = tpu.memref_squeeze %dma_wait3A_353 : memref<1x32x768xf32, #tpu.memory_space<hbm>> -> memref<32x768xf32, #tpu.memory_space<hbm>>
    %dma_wait3A_355 = tpu.memref_slice %arg11[%dma_wait3A_351] : memref<3x!tpu.dma_semaphore, #tpu.memory_space<semaphore_mem>> -> memref<1x!tpu.dma_semaphore, #tpu.memory_space<semaphore_mem>>
    %dma_wait3A_356 = tpu.memref_squeeze %dma_wait3A_355 : memref<1x!tpu.dma_semaphore, #tpu.memory_space<semaphore_mem>> -> memref<!tpu.dma_semaphore, #tpu.memory_space<semaphore_mem>>
    %dma_wait3A_357 = arith.constant 0 : i32
    %dma_wait3A_358 = tpu.memref_slice %arg4[%dma_wait3A_350, %add3A_285, %dma_wait3A_357] : memref<4x8192x768xf32, #tpu.memory_space<hbm>> -> memref<1x32x768xf32, #tpu.memory_space<hbm>>
    %dma_wait3A_359 = tpu.memref_squeeze %dma_wait3A_358 : memref<1x32x768xf32, #tpu.memory_space<hbm>> -> memref<32x768xf32, #tpu.memory_space<hbm>>
    tpu.wait_dma2 semaphore(%dma_wait3A_356 : memref<!tpu.dma_semaphore, #tpu.memory_space<semaphore_mem>>) src(%arg7 : memref<32x768xf32, #tpu.memory_space<vmem>>) dst(%dma_wait3A_359 : memref<32x768xf32, #tpu.memory_space<hbm>>)
    %add3A_360 = arith.constant 64 : i32
    %add3A_361 = arith.addi %mul3A_2, %add3A_360 : i32
    %dma_start3A_362 = arith.constant 0 : i32
    %dma_start3A_363 = arith.constant 2 : i32
    %dma_start3A_364 = arith.constant 0 : i32
    %dma_start3A_365 = tpu.memref_slice %arg2[%dma_start3A_362, %add3A_361, %dma_start3A_364] : memref<4x8192x768xf32, #tpu.memory_space<hbm>> -> memref<1x32x768xf32, #tpu.memory_space<hbm>>
    %dma_start3A_366 = tpu.memref_squeeze %dma_start3A_365 : memref<1x32x768xf32, #tpu.memory_space<hbm>> -> memref<32x768xf32, #tpu.memory_space<hbm>>
    %dma_start3A_367 = tpu.memref_slice %arg10[%dma_start3A_363] : memref<3x!tpu.dma_semaphore, #tpu.memory_space<semaphore_mem>> -> memref<1x!tpu.dma_semaphore, #tpu.memory_space<semaphore_mem>>
    %dma_start3A_368 = tpu.memref_squeeze %dma_start3A_367 : memref<1x!tpu.dma_semaphore, #tpu.memory_space<semaphore_mem>> -> memref<!tpu.dma_semaphore, #tpu.memory_space<semaphore_mem>>
    %dma_start3A_369 = arith.constant 0 : i32
    %dma_start3A_370 = tpu.memref_slice %arg2[%dma_start3A_362, %add3A_361, %dma_start3A_369] : memref<4x8192x768xf32, #tpu.memory_space<hbm>> -> memref<1x32x768xf32, #tpu.memory_space<hbm>>
    %dma_start3A_371 = tpu.memref_squeeze %dma_start3A_370 : memref<1x32x768xf32, #tpu.memory_space<hbm>> -> memref<32x768xf32, #tpu.memory_space<hbm>>
    tpu.enqueue_dma source(%dma_start3A_371 : memref<32x768xf32, #tpu.memory_space<hbm>>) target(%arg7 : memref<32x768xf32, #tpu.memory_space<vmem>>) target_semaphore(%dma_start3A_368 : memref<!tpu.dma_semaphore, #tpu.memory_space<semaphore_mem>>)
    %add3A_372 = arith.constant 32 : i32
    %add3A_373 = arith.addi %mul3A_2, %add3A_372 : i32
    %dma_start3A_374 = arith.constant 3 : i32
    %dma_start3A_375 = arith.constant 1 : i32
    %dma_start3A_376 = arith.constant 0 : i32
    %dma_start3A_377 = tpu.memref_slice %arg4[%dma_start3A_374, %add3A_373, %dma_start3A_376] : memref<4x8192x768xf32, #tpu.memory_space<hbm>> -> memref<1x32x768xf32, #tpu.memory_space<hbm>>
    %dma_start3A_378 = tpu.memref_squeeze %dma_start3A_377 : memref<1x32x768xf32, #tpu.memory_space<hbm>> -> memref<32x768xf32, #tpu.memory_space<hbm>>
    %dma_start3A_379 = tpu.memref_slice %arg11[%dma_start3A_375] : memref<3x!tpu.dma_semaphore, #tpu.memory_space<semaphore_mem>> -> memref<1x!tpu.dma_semaphore, #tpu.memory_space<semaphore_mem>>
    %dma_start3A_380 = tpu.memref_squeeze %dma_start3A_379 : memref<1x!tpu.dma_semaphore, #tpu.memory_space<semaphore_mem>> -> memref<!tpu.dma_semaphore, #tpu.memory_space<semaphore_mem>>
    %dma_start3A_381 = arith.constant 0 : i32
    %dma_start3A_382 = tpu.memref_slice %arg4[%dma_start3A_374, %add3A_373, %dma_start3A_381] : memref<4x8192x768xf32, #tpu.memory_space<hbm>> -> memref<1x32x768xf32, #tpu.memory_space<hbm>>
    %dma_start3A_383 = tpu.memref_squeeze %dma_start3A_382 : memref<1x32x768xf32, #tpu.memory_space<hbm>> -> memref<32x768xf32, #tpu.memory_space<hbm>>
    tpu.enqueue_dma source(%arg6 : memref<32x768xf32, #tpu.memory_space<vmem>>) target(%dma_start3A_383 : memref<32x768xf32, #tpu.memory_space<hbm>>) target_semaphore(%dma_start3A_380 : memref<!tpu.dma_semaphore, #tpu.memory_space<semaphore_mem>>)
    %dma_wait3A_384 = arith.constant 0 : i32
    %dma_wait3A_385 = arith.constant 0 : i32
    %dma_wait3A_386 = tpu.memref_slice %arg3[%add3A_200, %dma_wait3A_385] : memref<8192x768xf32, #tpu.memory_space<hbm>> -> memref<32x768xf32, #tpu.memory_space<hbm>>
    %dma_wait3A_387 = tpu.memref_slice %arg12[%dma_wait3A_384] : memref<2x!tpu.dma_semaphore, #tpu.memory_space<semaphore_mem>> -> memref<1x!tpu.dma_semaphore, #tpu.memory_space<semaphore_mem>>
    %dma_wait3A_388 = tpu.memref_squeeze %dma_wait3A_387 : memref<1x!tpu.dma_semaphore, #tpu.memory_space<semaphore_mem>> -> memref<!tpu.dma_semaphore, #tpu.memory_space<semaphore_mem>>
    %dma_wait3A_389 = arith.constant 0 : i32
    %dma_wait3A_390 = tpu.memref_slice %arg3[%add3A_200, %dma_wait3A_389] : memref<8192x768xf32, #tpu.memory_space<hbm>> -> memref<32x768xf32, #tpu.memory_space<hbm>>
    tpu.wait_dma2 semaphore(%dma_wait3A_388 : memref<!tpu.dma_semaphore, #tpu.memory_space<semaphore_mem>>) src(%dma_wait3A_390 : memref<32x768xf32, #tpu.memory_space<hbm>>) dst(%arg8 : memref<32x768xf32, #tpu.memory_space<vmem>>)
    %add3A_391 = arith.constant 96 : i32
    %add3A_392 = arith.addi %mul3A_2, %add3A_391 : i32
    %dma_start3A_393 = arith.constant 1 : i32
    %dma_start3A_394 = arith.constant 0 : i32
    %dma_start3A_395 = tpu.memref_slice %arg3[%add3A_392, %dma_start3A_394] : memref<8192x768xf32, #tpu.memory_space<hbm>> -> memref<32x768xf32, #tpu.memory_space<hbm>>
    %dma_start3A_396 = tpu.memref_slice %arg12[%dma_start3A_393] : memref<2x!tpu.dma_semaphore, #tpu.memory_space<semaphore_mem>> -> memref<1x!tpu.dma_semaphore, #tpu.memory_space<semaphore_mem>>
    %dma_start3A_397 = tpu.memref_squeeze %dma_start3A_396 : memref<1x!tpu.dma_semaphore, #tpu.memory_space<semaphore_mem>> -> memref<!tpu.dma_semaphore, #tpu.memory_space<semaphore_mem>>
    %dma_start3A_398 = arith.constant 0 : i32
    %dma_start3A_399 = tpu.memref_slice %arg3[%add3A_392, %dma_start3A_398] : memref<8192x768xf32, #tpu.memory_space<hbm>> -> memref<32x768xf32, #tpu.memory_space<hbm>>
    tpu.enqueue_dma source(%dma_start3A_399 : memref<32x768xf32, #tpu.memory_space<hbm>>) target(%arg9 : memref<32x768xf32, #tpu.memory_space<vmem>>) target_semaphore(%dma_start3A_397 : memref<!tpu.dma_semaphore, #tpu.memory_space<semaphore_mem>>)
    %dma_wait3A_400 = arith.constant 0 : i32
    %dma_wait3A_401 = arith.constant 2 : i32
    %dma_wait3A_402 = arith.constant 0 : i32
    %dma_wait3A_403 = tpu.memref_slice %arg2[%dma_wait3A_400, %add3A_361, %dma_wait3A_402] : memref<4x8192x768xf32, #tpu.memory_space<hbm>> -> memref<1x32x768xf32, #tpu.memory_space<hbm>>
    %dma_wait3A_404 = tpu.memref_squeeze %dma_wait3A_403 : memref<1x32x768xf32, #tpu.memory_space<hbm>> -> memref<32x768xf32, #tpu.memory_space<hbm>>
    %dma_wait3A_405 = tpu.memref_slice %arg10[%dma_wait3A_401] : memref<3x!tpu.dma_semaphore, #tpu.memory_space<semaphore_mem>> -> memref<1x!tpu.dma_semaphore, #tpu.memory_space<semaphore_mem>>
    %dma_wait3A_406 = tpu.memref_squeeze %dma_wait3A_405 : memref<1x!tpu.dma_semaphore, #tpu.memory_space<semaphore_mem>> -> memref<!tpu.dma_semaphore, #tpu.memory_space<semaphore_mem>>
    %dma_wait3A_407 = arith.constant 0 : i32
    %dma_wait3A_408 = tpu.memref_slice %arg2[%dma_wait3A_400, %add3A_361, %dma_wait3A_407] : memref<4x8192x768xf32, #tpu.memory_space<hbm>> -> memref<1x32x768xf32, #tpu.memory_space<hbm>>
    %dma_wait3A_409 = tpu.memref_squeeze %dma_wait3A_408 : memref<1x32x768xf32, #tpu.memory_space<hbm>> -> memref<32x768xf32, #tpu.memory_space<hbm>>
    tpu.wait_dma2 semaphore(%dma_wait3A_406 : memref<!tpu.dma_semaphore, #tpu.memory_space<semaphore_mem>>) src(%dma_wait3A_409 : memref<32x768xf32, #tpu.memory_space<hbm>>) dst(%arg7 : memref<32x768xf32, #tpu.memory_space<vmem>>)
    %dma_wait3A_410 = arith.constant 2 : i32
    %dma_wait3A_411 = arith.constant 0 : i32
    %dma_wait3A_412 = arith.constant 0 : i32
    %dma_wait3A_413 = tpu.memref_slice %arg4[%dma_wait3A_410, %add3A_329, %dma_wait3A_412] : memref<4x8192x768xf32, #tpu.memory_space<hbm>> -> memref<1x32x768xf32, #tpu.memory_space<hbm>>
    %dma_wait3A_414 = tpu.memref_squeeze %dma_wait3A_413 : memref<1x32x768xf32, #tpu.memory_space<hbm>> -> memref<32x768xf32, #tpu.memory_space<hbm>>
    %dma_wait3A_415 = tpu.memref_slice %arg11[%dma_wait3A_411] : memref<3x!tpu.dma_semaphore, #tpu.memory_space<semaphore_mem>> -> memref<1x!tpu.dma_semaphore, #tpu.memory_space<semaphore_mem>>
    %dma_wait3A_416 = tpu.memref_squeeze %dma_wait3A_415 : memref<1x!tpu.dma_semaphore, #tpu.memory_space<semaphore_mem>> -> memref<!tpu.dma_semaphore, #tpu.memory_space<semaphore_mem>>
    %dma_wait3A_417 = arith.constant 0 : i32
    %dma_wait3A_418 = tpu.memref_slice %arg4[%dma_wait3A_410, %add3A_329, %dma_wait3A_417] : memref<4x8192x768xf32, #tpu.memory_space<hbm>> -> memref<1x32x768xf32, #tpu.memory_space<hbm>>
    %dma_wait3A_419 = tpu.memref_squeeze %dma_wait3A_418 : memref<1x32x768xf32, #tpu.memory_space<hbm>> -> memref<32x768xf32, #tpu.memory_space<hbm>>
    tpu.wait_dma2 semaphore(%dma_wait3A_416 : memref<!tpu.dma_semaphore, #tpu.memory_space<semaphore_mem>>) src(%arg5 : memref<32x768xf32, #tpu.memory_space<vmem>>) dst(%dma_wait3A_419 : memref<32x768xf32, #tpu.memory_space<hbm>>)
    %add3A_420 = arith.constant 64 : i32
    %add3A_421 = arith.addi %mul3A_2, %add3A_420 : i32
    %dma_start3A_422 = arith.constant 1 : i32
    %dma_start3A_423 = arith.constant 0 : i32
    %dma_start3A_424 = arith.constant 0 : i32
    %dma_start3A_425 = tpu.memref_slice %arg2[%dma_start3A_422, %add3A_421, %dma_start3A_424] : memref<4x8192x768xf32, #tpu.memory_space<hbm>> -> memref<1x32x768xf32, #tpu.memory_space<hbm>>
    %dma_start3A_426 = tpu.memref_squeeze %dma_start3A_425 : memref<1x32x768xf32, #tpu.memory_space<hbm>> -> memref<32x768xf32, #tpu.memory_space<hbm>>
    %dma_start3A_427 = tpu.memref_slice %arg10[%dma_start3A_423] : memref<3x!tpu.dma_semaphore, #tpu.memory_space<semaphore_mem>> -> memref<1x!tpu.dma_semaphore, #tpu.memory_space<semaphore_mem>>
    %dma_start3A_428 = tpu.memref_squeeze %dma_start3A_427 : memref<1x!tpu.dma_semaphore, #tpu.memory_space<semaphore_mem>> -> memref<!tpu.dma_semaphore, #tpu.memory_space<semaphore_mem>>
    %dma_start3A_429 = arith.constant 0 : i32
    %dma_start3A_430 = tpu.memref_slice %arg2[%dma_start3A_422, %add3A_421, %dma_start3A_429] : memref<4x8192x768xf32, #tpu.memory_space<hbm>> -> memref<1x32x768xf32, #tpu.memory_space<hbm>>
    %dma_start3A_431 = tpu.memref_squeeze %dma_start3A_430 : memref<1x32x768xf32, #tpu.memory_space<hbm>> -> memref<32x768xf32, #tpu.memory_space<hbm>>
    tpu.enqueue_dma source(%dma_start3A_431 : memref<32x768xf32, #tpu.memory_space<hbm>>) target(%arg5 : memref<32x768xf32, #tpu.memory_space<vmem>>) target_semaphore(%dma_start3A_428 : memref<!tpu.dma_semaphore, #tpu.memory_space<semaphore_mem>>)
    %add3A_432 = arith.constant 64 : i32
    %add3A_433 = arith.addi %mul3A_2, %add3A_432 : i32
    %dma_start3A_434 = arith.constant 0 : i32
    %dma_start3A_435 = arith.constant 2 : i32
    %dma_start3A_436 = arith.constant 0 : i32
    %dma_start3A_437 = tpu.memref_slice %arg4[%dma_start3A_434, %add3A_433, %dma_start3A_436] : memref<4x8192x768xf32, #tpu.memory_space<hbm>> -> memref<1x32x768xf32, #tpu.memory_space<hbm>>
    %dma_start3A_438 = tpu.memref_squeeze %dma_start3A_437 : memref<1x32x768xf32, #tpu.memory_space<hbm>> -> memref<32x768xf32, #tpu.memory_space<hbm>>
    %dma_start3A_439 = tpu.memref_slice %arg11[%dma_start3A_435] : memref<3x!tpu.dma_semaphore, #tpu.memory_space<semaphore_mem>> -> memref<1x!tpu.dma_semaphore, #tpu.memory_space<semaphore_mem>>
    %dma_start3A_440 = tpu.memref_squeeze %dma_start3A_439 : memref<1x!tpu.dma_semaphore, #tpu.memory_space<semaphore_mem>> -> memref<!tpu.dma_semaphore, #tpu.memory_space<semaphore_mem>>
    %dma_start3A_441 = arith.constant 0 : i32
    %dma_start3A_442 = tpu.memref_slice %arg4[%dma_start3A_434, %add3A_433, %dma_start3A_441] : memref<4x8192x768xf32, #tpu.memory_space<hbm>> -> memref<1x32x768xf32, #tpu.memory_space<hbm>>
    %dma_start3A_443 = tpu.memref_squeeze %dma_start3A_442 : memref<1x32x768xf32, #tpu.memory_space<hbm>> -> memref<32x768xf32, #tpu.memory_space<hbm>>
    tpu.enqueue_dma source(%arg7 : memref<32x768xf32, #tpu.memory_space<vmem>>) target(%dma_start3A_443 : memref<32x768xf32, #tpu.memory_space<hbm>>) target_semaphore(%dma_start3A_440 : memref<!tpu.dma_semaphore, #tpu.memory_space<semaphore_mem>>)
    %dma_wait3A_444 = arith.constant 1 : i32
    %dma_wait3A_445 = arith.constant 0 : i32
    %dma_wait3A_446 = arith.constant 0 : i32
    %dma_wait3A_447 = tpu.memref_slice %arg2[%dma_wait3A_444, %add3A_421, %dma_wait3A_446] : memref<4x8192x768xf32, #tpu.memory_space<hbm>> -> memref<1x32x768xf32, #tpu.memory_space<hbm>>
    %dma_wait3A_448 = tpu.memref_squeeze %dma_wait3A_447 : memref<1x32x768xf32, #tpu.memory_space<hbm>> -> memref<32x768xf32, #tpu.memory_space<hbm>>
    %dma_wait3A_449 = tpu.memref_slice %arg10[%dma_wait3A_445] : memref<3x!tpu.dma_semaphore, #tpu.memory_space<semaphore_mem>> -> memref<1x!tpu.dma_semaphore, #tpu.memory_space<semaphore_mem>>
    %dma_wait3A_450 = tpu.memref_squeeze %dma_wait3A_449 : memref<1x!tpu.dma_semaphore, #tpu.memory_space<semaphore_mem>> -> memref<!tpu.dma_semaphore, #tpu.memory_space<semaphore_mem>>
    %dma_wait3A_451 = arith.constant 0 : i32
    %dma_wait3A_452 = tpu.memref_slice %arg2[%dma_wait3A_444, %add3A_421, %dma_wait3A_451] : memref<4x8192x768xf32, #tpu.memory_space<hbm>> -> memref<1x32x768xf32, #tpu.memory_space<hbm>>
    %dma_wait3A_453 = tpu.memref_squeeze %dma_wait3A_452 : memref<1x32x768xf32, #tpu.memory_space<hbm>> -> memref<32x768xf32, #tpu.memory_space<hbm>>
    tpu.wait_dma2 semaphore(%dma_wait3A_450 : memref<!tpu.dma_semaphore, #tpu.memory_space<semaphore_mem>>) src(%dma_wait3A_453 : memref<32x768xf32, #tpu.memory_space<hbm>>) dst(%arg5 : memref<32x768xf32, #tpu.memory_space<vmem>>)
    %dma_wait3A_454 = arith.constant 3 : i32
    %dma_wait3A_455 = arith.constant 1 : i32
    %dma_wait3A_456 = arith.constant 0 : i32
    %dma_wait3A_457 = tpu.memref_slice %arg4[%dma_wait3A_454, %add3A_373, %dma_wait3A_456] : memref<4x8192x768xf32, #tpu.memory_space<hbm>> -> memref<1x32x768xf32, #tpu.memory_space<hbm>>
    %dma_wait3A_458 = tpu.memref_squeeze %dma_wait3A_457 : memref<1x32x768xf32, #tpu.memory_space<hbm>> -> memref<32x768xf32, #tpu.memory_space<hbm>>
    %dma_wait3A_459 = tpu.memref_slice %arg11[%dma_wait3A_455] : memref<3x!tpu.dma_semaphore, #tpu.memory_space<semaphore_mem>> -> memref<1x!tpu.dma_semaphore, #tpu.memory_space<semaphore_mem>>
    %dma_wait3A_460 = tpu.memref_squeeze %dma_wait3A_459 : memref<1x!tpu.dma_semaphore, #tpu.memory_space<semaphore_mem>> -> memref<!tpu.dma_semaphore, #tpu.memory_space<semaphore_mem>>
    %dma_wait3A_461 = arith.constant 0 : i32
    %dma_wait3A_462 = tpu.memref_slice %arg4[%dma_wait3A_454, %add3A_373, %dma_wait3A_461] : memref<4x8192x768xf32, #tpu.memory_space<hbm>> -> memref<1x32x768xf32, #tpu.memory_space<hbm>>
    %dma_wait3A_463 = tpu.memref_squeeze %dma_wait3A_462 : memref<1x32x768xf32, #tpu.memory_space<hbm>> -> memref<32x768xf32, #tpu.memory_space<hbm>>
    tpu.wait_dma2 semaphore(%dma_wait3A_460 : memref<!tpu.dma_semaphore, #tpu.memory_space<semaphore_mem>>) src(%arg6 : memref<32x768xf32, #tpu.memory_space<vmem>>) dst(%dma_wait3A_463 : memref<32x768xf32, #tpu.memory_space<hbm>>)
    %add3A_464 = arith.constant 64 : i32
    %add3A_465 = arith.addi %mul3A_2, %add3A_464 : i32
    %dma_start3A_466 = arith.constant 2 : i32
    %dma_start3A_467 = arith.constant 1 : i32
    %dma_start3A_468 = arith.constant 0 : i32
    %dma_start3A_469 = tpu.memref_slice %arg2[%dma_start3A_466, %add3A_465, %dma_start3A_468] : memref<4x8192x768xf32, #tpu.memory_space<hbm>> -> memref<1x32x768xf32, #tpu.memory_space<hbm>>
    %dma_start3A_470 = tpu.memref_squeeze %dma_start3A_469 : memref<1x32x768xf32, #tpu.memory_space<hbm>> -> memref<32x768xf32, #tpu.memory_space<hbm>>
    %dma_start3A_471 = tpu.memref_slice %arg10[%dma_start3A_467] : memref<3x!tpu.dma_semaphore, #tpu.memory_space<semaphore_mem>> -> memref<1x!tpu.dma_semaphore, #tpu.memory_space<semaphore_mem>>
    %dma_start3A_472 = tpu.memref_squeeze %dma_start3A_471 : memref<1x!tpu.dma_semaphore, #tpu.memory_space<semaphore_mem>> -> memref<!tpu.dma_semaphore, #tpu.memory_space<semaphore_mem>>
    %dma_start3A_473 = arith.constant 0 : i32
    %dma_start3A_474 = tpu.memref_slice %arg2[%dma_start3A_466, %add3A_465, %dma_start3A_473] : memref<4x8192x768xf32, #tpu.memory_space<hbm>> -> memref<1x32x768xf32, #tpu.memory_space<hbm>>
    %dma_start3A_475 = tpu.memref_squeeze %dma_start3A_474 : memref<1x32x768xf32, #tpu.memory_space<hbm>> -> memref<32x768xf32, #tpu.memory_space<hbm>>
    tpu.enqueue_dma source(%dma_start3A_475 : memref<32x768xf32, #tpu.memory_space<hbm>>) target(%arg6 : memref<32x768xf32, #tpu.memory_space<vmem>>) target_semaphore(%dma_start3A_472 : memref<!tpu.dma_semaphore, #tpu.memory_space<semaphore_mem>>)
    %add3A_476 = arith.constant 64 : i32
    %add3A_477 = arith.addi %mul3A_2, %add3A_476 : i32
    %dma_start3A_478 = arith.constant 1 : i32
    %dma_start3A_479 = arith.constant 0 : i32
    %dma_start3A_480 = arith.constant 0 : i32
    %dma_start3A_481 = tpu.memref_slice %arg4[%dma_start3A_478, %add3A_477, %dma_start3A_480] : memref<4x8192x768xf32, #tpu.memory_space<hbm>> -> memref<1x32x768xf32, #tpu.memory_space<hbm>>
    %dma_start3A_482 = tpu.memref_squeeze %dma_start3A_481 : memref<1x32x768xf32, #tpu.memory_space<hbm>> -> memref<32x768xf32, #tpu.memory_space<hbm>>
    %dma_start3A_483 = tpu.memref_slice %arg11[%dma_start3A_479] : memref<3x!tpu.dma_semaphore, #tpu.memory_space<semaphore_mem>> -> memref<1x!tpu.dma_semaphore, #tpu.memory_space<semaphore_mem>>
    %dma_start3A_484 = tpu.memref_squeeze %dma_start3A_483 : memref<1x!tpu.dma_semaphore, #tpu.memory_space<semaphore_mem>> -> memref<!tpu.dma_semaphore, #tpu.memory_space<semaphore_mem>>
    %dma_start3A_485 = arith.constant 0 : i32
    %dma_start3A_486 = tpu.memref_slice %arg4[%dma_start3A_478, %add3A_477, %dma_start3A_485] : memref<4x8192x768xf32, #tpu.memory_space<hbm>> -> memref<1x32x768xf32, #tpu.memory_space<hbm>>
    %dma_start3A_487 = tpu.memref_squeeze %dma_start3A_486 : memref<1x32x768xf32, #tpu.memory_space<hbm>> -> memref<32x768xf32, #tpu.memory_space<hbm>>
    tpu.enqueue_dma source(%arg5 : memref<32x768xf32, #tpu.memory_space<vmem>>) target(%dma_start3A_487 : memref<32x768xf32, #tpu.memory_space<hbm>>) target_semaphore(%dma_start3A_484 : memref<!tpu.dma_semaphore, #tpu.memory_space<semaphore_mem>>)
    %dma_wait3A_488 = arith.constant 2 : i32
    %dma_wait3A_489 = arith.constant 1 : i32
    %dma_wait3A_490 = arith.constant 0 : i32
    %dma_wait3A_491 = tpu.memref_slice %arg2[%dma_wait3A_488, %add3A_465, %dma_wait3A_490] : memref<4x8192x768xf32, #tpu.memory_space<hbm>> -> memref<1x32x768xf32, #tpu.memory_space<hbm>>
    %dma_wait3A_492 = tpu.memref_squeeze %dma_wait3A_491 : memref<1x32x768xf32, #tpu.memory_space<hbm>> -> memref<32x768xf32, #tpu.memory_space<hbm>>
    %dma_wait3A_493 = tpu.memref_slice %arg10[%dma_wait3A_489] : memref<3x!tpu.dma_semaphore, #tpu.memory_space<semaphore_mem>> -> memref<1x!tpu.dma_semaphore, #tpu.memory_space<semaphore_mem>>
    %dma_wait3A_494 = tpu.memref_squeeze %dma_wait3A_493 : memref<1x!tpu.dma_semaphore, #tpu.memory_space<semaphore_mem>> -> memref<!tpu.dma_semaphore, #tpu.memory_space<semaphore_mem>>
    %dma_wait3A_495 = arith.constant 0 : i32
    %dma_wait3A_496 = tpu.memref_slice %arg2[%dma_wait3A_488, %add3A_465, %dma_wait3A_495] : memref<4x8192x768xf32, #tpu.memory_space<hbm>> -> memref<1x32x768xf32, #tpu.memory_space<hbm>>
    %dma_wait3A_497 = tpu.memref_squeeze %dma_wait3A_496 : memref<1x32x768xf32, #tpu.memory_space<hbm>> -> memref<32x768xf32, #tpu.memory_space<hbm>>
    tpu.wait_dma2 semaphore(%dma_wait3A_494 : memref<!tpu.dma_semaphore, #tpu.memory_space<semaphore_mem>>) src(%dma_wait3A_497 : memref<32x768xf32, #tpu.memory_space<hbm>>) dst(%arg6 : memref<32x768xf32, #tpu.memory_space<vmem>>)
    %dma_wait3A_498 = arith.constant 0 : i32
    %dma_wait3A_499 = arith.constant 2 : i32
    %dma_wait3A_500 = arith.constant 0 : i32
    %dma_wait3A_501 = tpu.memref_slice %arg4[%dma_wait3A_498, %add3A_433, %dma_wait3A_500] : memref<4x8192x768xf32, #tpu.memory_space<hbm>> -> memref<1x32x768xf32, #tpu.memory_space<hbm>>
    %dma_wait3A_502 = tpu.memref_squeeze %dma_wait3A_501 : memref<1x32x768xf32, #tpu.memory_space<hbm>> -> memref<32x768xf32, #tpu.memory_space<hbm>>
    %dma_wait3A_503 = tpu.memref_slice %arg11[%dma_wait3A_499] : memref<3x!tpu.dma_semaphore, #tpu.memory_space<semaphore_mem>> -> memref<1x!tpu.dma_semaphore, #tpu.memory_space<semaphore_mem>>
    %dma_wait3A_504 = tpu.memref_squeeze %dma_wait3A_503 : memref<1x!tpu.dma_semaphore, #tpu.memory_space<semaphore_mem>> -> memref<!tpu.dma_semaphore, #tpu.memory_space<semaphore_mem>>
    %dma_wait3A_505 = arith.constant 0 : i32
    %dma_wait3A_506 = tpu.memref_slice %arg4[%dma_wait3A_498, %add3A_433, %dma_wait3A_505] : memref<4x8192x768xf32, #tpu.memory_space<hbm>> -> memref<1x32x768xf32, #tpu.memory_space<hbm>>
    %dma_wait3A_507 = tpu.memref_squeeze %dma_wait3A_506 : memref<1x32x768xf32, #tpu.memory_space<hbm>> -> memref<32x768xf32, #tpu.memory_space<hbm>>
    tpu.wait_dma2 semaphore(%dma_wait3A_504 : memref<!tpu.dma_semaphore, #tpu.memory_space<semaphore_mem>>) src(%arg7 : memref<32x768xf32, #tpu.memory_space<vmem>>) dst(%dma_wait3A_507 : memref<32x768xf32, #tpu.memory_space<hbm>>)
    %add3A_508 = arith.constant 64 : i32
    %add3A_509 = arith.addi %mul3A_2, %add3A_508 : i32
    %dma_start3A_510 = arith.constant 3 : i32
    %dma_start3A_511 = arith.constant 2 : i32
    %dma_start3A_512 = arith.constant 0 : i32
    %dma_start3A_513 = tpu.memref_slice %arg2[%dma_start3A_510, %add3A_509, %dma_start3A_512] : memref<4x8192x768xf32, #tpu.memory_space<hbm>> -> memref<1x32x768xf32, #tpu.memory_space<hbm>>
    %dma_start3A_514 = tpu.memref_squeeze %dma_start3A_513 : memref<1x32x768xf32, #tpu.memory_space<hbm>> -> memref<32x768xf32, #tpu.memory_space<hbm>>
    %dma_start3A_515 = tpu.memref_slice %arg10[%dma_start3A_511] : memref<3x!tpu.dma_semaphore, #tpu.memory_space<semaphore_mem>> -> memref<1x!tpu.dma_semaphore, #tpu.memory_space<semaphore_mem>>
    %dma_start3A_516 = tpu.memref_squeeze %dma_start3A_515 : memref<1x!tpu.dma_semaphore, #tpu.memory_space<semaphore_mem>> -> memref<!tpu.dma_semaphore, #tpu.memory_space<semaphore_mem>>
    %dma_start3A_517 = arith.constant 0 : i32
    %dma_start3A_518 = tpu.memref_slice %arg2[%dma_start3A_510, %add3A_509, %dma_start3A_517] : memref<4x8192x768xf32, #tpu.memory_space<hbm>> -> memref<1x32x768xf32, #tpu.memory_space<hbm>>
    %dma_start3A_519 = tpu.memref_squeeze %dma_start3A_518 : memref<1x32x768xf32, #tpu.memory_space<hbm>> -> memref<32x768xf32, #tpu.memory_space<hbm>>
    tpu.enqueue_dma source(%dma_start3A_519 : memref<32x768xf32, #tpu.memory_space<hbm>>) target(%arg7 : memref<32x768xf32, #tpu.memory_space<vmem>>) target_semaphore(%dma_start3A_516 : memref<!tpu.dma_semaphore, #tpu.memory_space<semaphore_mem>>)
    %add3A_520 = arith.constant 64 : i32
    %add3A_521 = arith.addi %mul3A_2, %add3A_520 : i32
    %dma_start3A_522 = arith.constant 2 : i32
    %dma_start3A_523 = arith.constant 1 : i32
    %dma_start3A_524 = arith.constant 0 : i32
    %dma_start3A_525 = tpu.memref_slice %arg4[%dma_start3A_522, %add3A_521, %dma_start3A_524] : memref<4x8192x768xf32, #tpu.memory_space<hbm>> -> memref<1x32x768xf32, #tpu.memory_space<hbm>>
    %dma_start3A_526 = tpu.memref_squeeze %dma_start3A_525 : memref<1x32x768xf32, #tpu.memory_space<hbm>> -> memref<32x768xf32, #tpu.memory_space<hbm>>
    %dma_start3A_527 = tpu.memref_slice %arg11[%dma_start3A_523] : memref<3x!tpu.dma_semaphore, #tpu.memory_space<semaphore_mem>> -> memref<1x!tpu.dma_semaphore, #tpu.memory_space<semaphore_mem>>
    %dma_start3A_528 = tpu.memref_squeeze %dma_start3A_527 : memref<1x!tpu.dma_semaphore, #tpu.memory_space<semaphore_mem>> -> memref<!tpu.dma_semaphore, #tpu.memory_space<semaphore_mem>>
    %dma_start3A_529 = arith.constant 0 : i32
    %dma_start3A_530 = tpu.memref_slice %arg4[%dma_start3A_522, %add3A_521, %dma_start3A_529] : memref<4x8192x768xf32, #tpu.memory_space<hbm>> -> memref<1x32x768xf32, #tpu.memory_space<hbm>>
    %dma_start3A_531 = tpu.memref_squeeze %dma_start3A_530 : memref<1x32x768xf32, #tpu.memory_space<hbm>> -> memref<32x768xf32, #tpu.memory_space<hbm>>
    tpu.enqueue_dma source(%arg6 : memref<32x768xf32, #tpu.memory_space<vmem>>) target(%dma_start3A_531 : memref<32x768xf32, #tpu.memory_space<hbm>>) target_semaphore(%dma_start3A_528 : memref<!tpu.dma_semaphore, #tpu.memory_space<semaphore_mem>>)
    %dma_wait3A_532 = arith.constant 3 : i32
    %dma_wait3A_533 = arith.constant 2 : i32
    %dma_wait3A_534 = arith.constant 0 : i32
    %dma_wait3A_535 = tpu.memref_slice %arg2[%dma_wait3A_532, %add3A_509, %dma_wait3A_534] : memref<4x8192x768xf32, #tpu.memory_space<hbm>> -> memref<1x32x768xf32, #tpu.memory_space<hbm>>
    %dma_wait3A_536 = tpu.memref_squeeze %dma_wait3A_535 : memref<1x32x768xf32, #tpu.memory_space<hbm>> -> memref<32x768xf32, #tpu.memory_space<hbm>>
    %dma_wait3A_537 = tpu.memref_slice %arg10[%dma_wait3A_533] : memref<3x!tpu.dma_semaphore, #tpu.memory_space<semaphore_mem>> -> memref<1x!tpu.dma_semaphore, #tpu.memory_space<semaphore_mem>>
    %dma_wait3A_538 = tpu.memref_squeeze %dma_wait3A_537 : memref<1x!tpu.dma_semaphore, #tpu.memory_space<semaphore_mem>> -> memref<!tpu.dma_semaphore, #tpu.memory_space<semaphore_mem>>
    %dma_wait3A_539 = arith.constant 0 : i32
    %dma_wait3A_540 = tpu.memref_slice %arg2[%dma_wait3A_532, %add3A_509, %dma_wait3A_539] : memref<4x8192x768xf32, #tpu.memory_space<hbm>> -> memref<1x32x768xf32, #tpu.memory_space<hbm>>
    %dma_wait3A_541 = tpu.memref_squeeze %dma_wait3A_540 : memref<1x32x768xf32, #tpu.memory_space<hbm>> -> memref<32x768xf32, #tpu.memory_space<hbm>>
    tpu.wait_dma2 semaphore(%dma_wait3A_538 : memref<!tpu.dma_semaphore, #tpu.memory_space<semaphore_mem>>) src(%dma_wait3A_541 : memref<32x768xf32, #tpu.memory_space<hbm>>) dst(%arg7 : memref<32x768xf32, #tpu.memory_space<vmem>>)
    %dma_wait3A_542 = arith.constant 1 : i32
    %dma_wait3A_543 = arith.constant 0 : i32
    %dma_wait3A_544 = arith.constant 0 : i32
    %dma_wait3A_545 = tpu.memref_slice %arg4[%dma_wait3A_542, %add3A_477, %dma_wait3A_544] : memref<4x8192x768xf32, #tpu.memory_space<hbm>> -> memref<1x32x768xf32, #tpu.memory_space<hbm>>
    %dma_wait3A_546 = tpu.memref_squeeze %dma_wait3A_545 : memref<1x32x768xf32, #tpu.memory_space<hbm>> -> memref<32x768xf32, #tpu.memory_space<hbm>>
    %dma_wait3A_547 = tpu.memref_slice %arg11[%dma_wait3A_543] : memref<3x!tpu.dma_semaphore, #tpu.memory_space<semaphore_mem>> -> memref<1x!tpu.dma_semaphore, #tpu.memory_space<semaphore_mem>>
    %dma_wait3A_548 = tpu.memref_squeeze %dma_wait3A_547 : memref<1x!tpu.dma_semaphore, #tpu.memory_space<semaphore_mem>> -> memref<!tpu.dma_semaphore, #tpu.memory_space<semaphore_mem>>
    %dma_wait3A_549 = arith.constant 0 : i32
    %dma_wait3A_550 = tpu.memref_slice %arg4[%dma_wait3A_542, %add3A_477, %dma_wait3A_549] : memref<4x8192x768xf32, #tpu.memory_space<hbm>> -> memref<1x32x768xf32, #tpu.memory_space<hbm>>
    %dma_wait3A_551 = tpu.memref_squeeze %dma_wait3A_550 : memref<1x32x768xf32, #tpu.memory_space<hbm>> -> memref<32x768xf32, #tpu.memory_space<hbm>>
    tpu.wait_dma2 semaphore(%dma_wait3A_548 : memref<!tpu.dma_semaphore, #tpu.memory_space<semaphore_mem>>) src(%arg5 : memref<32x768xf32, #tpu.memory_space<vmem>>) dst(%dma_wait3A_551 : memref<32x768xf32, #tpu.memory_space<hbm>>)
    %add3A_552 = arith.constant 96 : i32
    %add3A_553 = arith.addi %mul3A_2, %add3A_552 : i32
    %dma_start3A_554 = arith.constant 0 : i32
    %dma_start3A_555 = arith.constant 0 : i32
    %dma_start3A_556 = arith.constant 0 : i32
    %dma_start3A_557 = tpu.memref_slice %arg2[%dma_start3A_554, %add3A_553, %dma_start3A_556] : memref<4x8192x768xf32, #tpu.memory_space<hbm>> -> memref<1x32x768xf32, #tpu.memory_space<hbm>>
    %dma_start3A_558 = tpu.memref_squeeze %dma_start3A_557 : memref<1x32x768xf32, #tpu.memory_space<hbm>> -> memref<32x768xf32, #tpu.memory_space<hbm>>
    %dma_start3A_559 = tpu.memref_slice %arg10[%dma_start3A_555] : memref<3x!tpu.dma_semaphore, #tpu.memory_space<semaphore_mem>> -> memref<1x!tpu.dma_semaphore, #tpu.memory_space<semaphore_mem>>
    %dma_start3A_560 = tpu.memref_squeeze %dma_start3A_559 : memref<1x!tpu.dma_semaphore, #tpu.memory_space<semaphore_mem>> -> memref<!tpu.dma_semaphore, #tpu.memory_space<semaphore_mem>>
    %dma_start3A_561 = arith.constant 0 : i32
    %dma_start3A_562 = tpu.memref_slice %arg2[%dma_start3A_554, %add3A_553, %dma_start3A_561] : memref<4x8192x768xf32, #tpu.memory_space<hbm>> -> memref<1x32x768xf32, #tpu.memory_space<hbm>>
    %dma_start3A_563 = tpu.memref_squeeze %dma_start3A_562 : memref<1x32x768xf32, #tpu.memory_space<hbm>> -> memref<32x768xf32, #tpu.memory_space<hbm>>
    tpu.enqueue_dma source(%dma_start3A_563 : memref<32x768xf32, #tpu.memory_space<hbm>>) target(%arg5 : memref<32x768xf32, #tpu.memory_space<vmem>>) target_semaphore(%dma_start3A_560 : memref<!tpu.dma_semaphore, #tpu.memory_space<semaphore_mem>>)
    %add3A_564 = arith.constant 64 : i32
    %add3A_565 = arith.addi %mul3A_2, %add3A_564 : i32
    %dma_start3A_566 = arith.constant 3 : i32
    %dma_start3A_567 = arith.constant 2 : i32
    %dma_start3A_568 = arith.constant 0 : i32
    %dma_start3A_569 = tpu.memref_slice %arg4[%dma_start3A_566, %add3A_565, %dma_start3A_568] : memref<4x8192x768xf32, #tpu.memory_space<hbm>> -> memref<1x32x768xf32, #tpu.memory_space<hbm>>
    %dma_start3A_570 = tpu.memref_squeeze %dma_start3A_569 : memref<1x32x768xf32, #tpu.memory_space<hbm>> -> memref<32x768xf32, #tpu.memory_space<hbm>>
    %dma_start3A_571 = tpu.memref_slice %arg11[%dma_start3A_567] : memref<3x!tpu.dma_semaphore, #tpu.memory_space<semaphore_mem>> -> memref<1x!tpu.dma_semaphore, #tpu.memory_space<semaphore_mem>>
    %dma_start3A_572 = tpu.memref_squeeze %dma_start3A_571 : memref<1x!tpu.dma_semaphore, #tpu.memory_space<semaphore_mem>> -> memref<!tpu.dma_semaphore, #tpu.memory_space<semaphore_mem>>
    %dma_start3A_573 = arith.constant 0 : i32
    %dma_start3A_574 = tpu.memref_slice %arg4[%dma_start3A_566, %add3A_565, %dma_start3A_573] : memref<4x8192x768xf32, #tpu.memory_space<hbm>> -> memref<1x32x768xf32, #tpu.memory_space<hbm>>
    %dma_start3A_575 = tpu.memref_squeeze %dma_start3A_574 : memref<1x32x768xf32, #tpu.memory_space<hbm>> -> memref<32x768xf32, #tpu.memory_space<hbm>>
    tpu.enqueue_dma source(%arg7 : memref<32x768xf32, #tpu.memory_space<vmem>>) target(%dma_start3A_575 : memref<32x768xf32, #tpu.memory_space<hbm>>) target_semaphore(%dma_start3A_572 : memref<!tpu.dma_semaphore, #tpu.memory_space<semaphore_mem>>)
    %dma_wait3A_576 = arith.constant 1 : i32
    %dma_wait3A_577 = arith.constant 0 : i32
    %dma_wait3A_578 = tpu.memref_slice %arg3[%add3A_392, %dma_wait3A_577] : memref<8192x768xf32, #tpu.memory_space<hbm>> -> memref<32x768xf32, #tpu.memory_space<hbm>>
    %dma_wait3A_579 = tpu.memref_slice %arg12[%dma_wait3A_576] : memref<2x!tpu.dma_semaphore, #tpu.memory_space<semaphore_mem>> -> memref<1x!tpu.dma_semaphore, #tpu.memory_space<semaphore_mem>>
    %dma_wait3A_580 = tpu.memref_squeeze %dma_wait3A_579 : memref<1x!tpu.dma_semaphore, #tpu.memory_space<semaphore_mem>> -> memref<!tpu.dma_semaphore, #tpu.memory_space<semaphore_mem>>
    %dma_wait3A_581 = arith.constant 0 : i32
    %dma_wait3A_582 = tpu.memref_slice %arg3[%add3A_392, %dma_wait3A_581] : memref<8192x768xf32, #tpu.memory_space<hbm>> -> memref<32x768xf32, #tpu.memory_space<hbm>>
    tpu.wait_dma2 semaphore(%dma_wait3A_580 : memref<!tpu.dma_semaphore, #tpu.memory_space<semaphore_mem>>) src(%dma_wait3A_582 : memref<32x768xf32, #tpu.memory_space<hbm>>) dst(%arg9 : memref<32x768xf32, #tpu.memory_space<vmem>>)
    %add3A_583 = arith.constant 128 : i32
    %add3A_584 = arith.addi %mul3A_2, %add3A_583 : i32
    %dma_start3A_585 = arith.constant 0 : i32
    %dma_start3A_586 = arith.constant 0 : i32
    %dma_start3A_587 = tpu.memref_slice %arg3[%add3A_584, %dma_start3A_586] : memref<8192x768xf32, #tpu.memory_space<hbm>> -> memref<32x768xf32, #tpu.memory_space<hbm>>
    %dma_start3A_588 = tpu.memref_slice %arg12[%dma_start3A_585] : memref<2x!tpu.dma_semaphore, #tpu.memory_space<semaphore_mem>> -> memref<1x!tpu.dma_semaphore, #tpu.memory_space<semaphore_mem>>
    %dma_start3A_589 = tpu.memref_squeeze %dma_start3A_588 : memref<1x!tpu.dma_semaphore, #tpu.memory_space<semaphore_mem>> -> memref<!tpu.dma_semaphore, #tpu.memory_space<semaphore_mem>>
    %dma_start3A_590 = arith.constant 0 : i32
    %dma_start3A_591 = tpu.memref_slice %arg3[%add3A_584, %dma_start3A_590] : memref<8192x768xf32, #tpu.memory_space<hbm>> -> memref<32x768xf32, #tpu.memory_space<hbm>>
    tpu.enqueue_dma source(%dma_start3A_591 : memref<32x768xf32, #tpu.memory_space<hbm>>) target(%arg8 : memref<32x768xf32, #tpu.memory_space<vmem>>) target_semaphore(%dma_start3A_589 : memref<!tpu.dma_semaphore, #tpu.memory_space<semaphore_mem>>)
    %dma_wait3A_592 = arith.constant 0 : i32
    %dma_wait3A_593 = arith.constant 0 : i32
    %dma_wait3A_594 = arith.constant 0 : i32
    %dma_wait3A_595 = tpu.memref_slice %arg2[%dma_wait3A_592, %add3A_553, %dma_wait3A_594] : memref<4x8192x768xf32, #tpu.memory_space<hbm>> -> memref<1x32x768xf32, #tpu.memory_space<hbm>>
    %dma_wait3A_596 = tpu.memref_squeeze %dma_wait3A_595 : memref<1x32x768xf32, #tpu.memory_space<hbm>> -> memref<32x768xf32, #tpu.memory_space<hbm>>
    %dma_wait3A_597 = tpu.memref_slice %arg10[%dma_wait3A_593] : memref<3x!tpu.dma_semaphore, #tpu.memory_space<semaphore_mem>> -> memref<1x!tpu.dma_semaphore, #tpu.memory_space<semaphore_mem>>
    %dma_wait3A_598 = tpu.memref_squeeze %dma_wait3A_597 : memref<1x!tpu.dma_semaphore, #tpu.memory_space<semaphore_mem>> -> memref<!tpu.dma_semaphore, #tpu.memory_space<semaphore_mem>>
    %dma_wait3A_599 = arith.constant 0 : i32
    %dma_wait3A_600 = tpu.memref_slice %arg2[%dma_wait3A_592, %add3A_553, %dma_wait3A_599] : memref<4x8192x768xf32, #tpu.memory_space<hbm>> -> memref<1x32x768xf32, #tpu.memory_space<hbm>>
    %dma_wait3A_601 = tpu.memref_squeeze %dma_wait3A_600 : memref<1x32x768xf32, #tpu.memory_space<hbm>> -> memref<32x768xf32, #tpu.memory_space<hbm>>
    tpu.wait_dma2 semaphore(%dma_wait3A_598 : memref<!tpu.dma_semaphore, #tpu.memory_space<semaphore_mem>>) src(%dma_wait3A_601 : memref<32x768xf32, #tpu.memory_space<hbm>>) dst(%arg5 : memref<32x768xf32, #tpu.memory_space<vmem>>)
    %dma_wait3A_602 = arith.constant 2 : i32
    %dma_wait3A_603 = arith.constant 1 : i32
    %dma_wait3A_604 = arith.constant 0 : i32
    %dma_wait3A_605 = tpu.memref_slice %arg4[%dma_wait3A_602, %add3A_521, %dma_wait3A_604] : memref<4x8192x768xf32, #tpu.memory_space<hbm>> -> memref<1x32x768xf32, #tpu.memory_space<hbm>>
    %dma_wait3A_606 = tpu.memref_squeeze %dma_wait3A_605 : memref<1x32x768xf32, #tpu.memory_space<hbm>> -> memref<32x768xf32, #tpu.memory_space<hbm>>
    %dma_wait3A_607 = tpu.memref_slice %arg11[%dma_wait3A_603] : memref<3x!tpu.dma_semaphore, #tpu.memory_space<semaphore_mem>> -> memref<1x!tpu.dma_semaphore, #tpu.memory_space<semaphore_mem>>
    %dma_wait3A_608 = tpu.memref_squeeze %dma_wait3A_607 : memref<1x!tpu.dma_semaphore, #tpu.memory_space<semaphore_mem>> -> memref<!tpu.dma_semaphore, #tpu.memory_space<semaphore_mem>>
    %dma_wait3A_609 = arith.constant 0 : i32
    %dma_wait3A_610 = tpu.memref_slice %arg4[%dma_wait3A_602, %add3A_521, %dma_wait3A_609] : memref<4x8192x768xf32, #tpu.memory_space<hbm>> -> memref<1x32x768xf32, #tpu.memory_space<hbm>>
    %dma_wait3A_611 = tpu.memref_squeeze %dma_wait3A_610 : memref<1x32x768xf32, #tpu.memory_space<hbm>> -> memref<32x768xf32, #tpu.memory_space<hbm>>
    tpu.wait_dma2 semaphore(%dma_wait3A_608 : memref<!tpu.dma_semaphore, #tpu.memory_space<semaphore_mem>>) src(%arg6 : memref<32x768xf32, #tpu.memory_space<vmem>>) dst(%dma_wait3A_611 : memref<32x768xf32, #tpu.memory_space<hbm>>)
    %add3A_612 = arith.constant 96 : i32
    %add3A_613 = arith.addi %mul3A_2, %add3A_612 : i32
    %dma_start3A_614 = arith.constant 1 : i32
    %dma_start3A_615 = arith.constant 1 : i32
    %dma_start3A_616 = arith.constant 0 : i32
    %dma_start3A_617 = tpu.memref_slice %arg2[%dma_start3A_614, %add3A_613, %dma_start3A_616] : memref<4x8192x768xf32, #tpu.memory_space<hbm>> -> memref<1x32x768xf32, #tpu.memory_space<hbm>>
    %dma_start3A_618 = tpu.memref_squeeze %dma_start3A_617 : memref<1x32x768xf32, #tpu.memory_space<hbm>> -> memref<32x768xf32, #tpu.memory_space<hbm>>
    %dma_start3A_619 = tpu.memref_slice %arg10[%dma_start3A_615] : memref<3x!tpu.dma_semaphore, #tpu.memory_space<semaphore_mem>> -> memref<1x!tpu.dma_semaphore, #tpu.memory_space<semaphore_mem>>
    %dma_start3A_620 = tpu.memref_squeeze %dma_start3A_619 : memref<1x!tpu.dma_semaphore, #tpu.memory_space<semaphore_mem>> -> memref<!tpu.dma_semaphore, #tpu.memory_space<semaphore_mem>>
    %dma_start3A_621 = arith.constant 0 : i32
    %dma_start3A_622 = tpu.memref_slice %arg2[%dma_start3A_614, %add3A_613, %dma_start3A_621] : memref<4x8192x768xf32, #tpu.memory_space<hbm>> -> memref<1x32x768xf32, #tpu.memory_space<hbm>>
    %dma_start3A_623 = tpu.memref_squeeze %dma_start3A_622 : memref<1x32x768xf32, #tpu.memory_space<hbm>> -> memref<32x768xf32, #tpu.memory_space<hbm>>
    tpu.enqueue_dma source(%dma_start3A_623 : memref<32x768xf32, #tpu.memory_space<hbm>>) target(%arg6 : memref<32x768xf32, #tpu.memory_space<vmem>>) target_semaphore(%dma_start3A_620 : memref<!tpu.dma_semaphore, #tpu.memory_space<semaphore_mem>>)
    %add3A_624 = arith.constant 96 : i32
    %add3A_625 = arith.addi %mul3A_2, %add3A_624 : i32
    %dma_start3A_626 = arith.constant 0 : i32
    %dma_start3A_627 = arith.constant 0 : i32
    %dma_start3A_628 = arith.constant 0 : i32
    %dma_start3A_629 = tpu.memref_slice %arg4[%dma_start3A_626, %add3A_625, %dma_start3A_628] : memref<4x8192x768xf32, #tpu.memory_space<hbm>> -> memref<1x32x768xf32, #tpu.memory_space<hbm>>
    %dma_start3A_630 = tpu.memref_squeeze %dma_start3A_629 : memref<1x32x768xf32, #tpu.memory_space<hbm>> -> memref<32x768xf32, #tpu.memory_space<hbm>>
    %dma_start3A_631 = tpu.memref_slice %arg11[%dma_start3A_627] : memref<3x!tpu.dma_semaphore, #tpu.memory_space<semaphore_mem>> -> memref<1x!tpu.dma_semaphore, #tpu.memory_space<semaphore_mem>>
    %dma_start3A_632 = tpu.memref_squeeze %dma_start3A_631 : memref<1x!tpu.dma_semaphore, #tpu.memory_space<semaphore_mem>> -> memref<!tpu.dma_semaphore, #tpu.memory_space<semaphore_mem>>
    %dma_start3A_633 = arith.constant 0 : i32
    %dma_start3A_634 = tpu.memref_slice %arg4[%dma_start3A_626, %add3A_625, %dma_start3A_633] : memref<4x8192x768xf32, #tpu.memory_space<hbm>> -> memref<1x32x768xf32, #tpu.memory_space<hbm>>
    %dma_start3A_635 = tpu.memref_squeeze %dma_start3A_634 : memref<1x32x768xf32, #tpu.memory_space<hbm>> -> memref<32x768xf32, #tpu.memory_space<hbm>>
    tpu.enqueue_dma source(%arg5 : memref<32x768xf32, #tpu.memory_space<vmem>>) target(%dma_start3A_635 : memref<32x768xf32, #tpu.memory_space<hbm>>) target_semaphore(%dma_start3A_632 : memref<!tpu.dma_semaphore, #tpu.memory_space<semaphore_mem>>)
    %dma_wait3A_636 = arith.constant 1 : i32
    %dma_wait3A_637 = arith.constant 1 : i32
    %dma_wait3A_638 = arith.constant 0 : i32
    %dma_wait3A_639 = tpu.memref_slice %arg2[%dma_wait3A_636, %add3A_613, %dma_wait3A_638] : memref<4x8192x768xf32, #tpu.memory_space<hbm>> -> memref<1x32x768xf32, #tpu.memory_space<hbm>>
    %dma_wait3A_640 = tpu.memref_squeeze %dma_wait3A_639 : memref<1x32x768xf32, #tpu.memory_space<hbm>> -> memref<32x768xf32, #tpu.memory_space<hbm>>
    %dma_wait3A_641 = tpu.memref_slice %arg10[%dma_wait3A_637] : memref<3x!tpu.dma_semaphore, #tpu.memory_space<semaphore_mem>> -> memref<1x!tpu.dma_semaphore, #tpu.memory_space<semaphore_mem>>
    %dma_wait3A_642 = tpu.memref_squeeze %dma_wait3A_641 : memref<1x!tpu.dma_semaphore, #tpu.memory_space<semaphore_mem>> -> memref<!tpu.dma_semaphore, #tpu.memory_space<semaphore_mem>>
    %dma_wait3A_643 = arith.constant 0 : i32
    %dma_wait3A_644 = tpu.memref_slice %arg2[%dma_wait3A_636, %add3A_613, %dma_wait3A_643] : memref<4x8192x768xf32, #tpu.memory_space<hbm>> -> memref<1x32x768xf32, #tpu.memory_space<hbm>>
    %dma_wait3A_645 = tpu.memref_squeeze %dma_wait3A_644 : memref<1x32x768xf32, #tpu.memory_space<hbm>> -> memref<32x768xf32, #tpu.memory_space<hbm>>
    tpu.wait_dma2 semaphore(%dma_wait3A_642 : memref<!tpu.dma_semaphore, #tpu.memory_space<semaphore_mem>>) src(%dma_wait3A_645 : memref<32x768xf32, #tpu.memory_space<hbm>>) dst(%arg6 : memref<32x768xf32, #tpu.memory_space<vmem>>)
    %dma_wait3A_646 = arith.constant 3 : i32
    %dma_wait3A_647 = arith.constant 2 : i32
    %dma_wait3A_648 = arith.constant 0 : i32
    %dma_wait3A_649 = tpu.memref_slice %arg4[%dma_wait3A_646, %add3A_565, %dma_wait3A_648] : memref<4x8192x768xf32, #tpu.memory_space<hbm>> -> memref<1x32x768xf32, #tpu.memory_space<hbm>>
    %dma_wait3A_650 = tpu.memref_squeeze %dma_wait3A_649 : memref<1x32x768xf32, #tpu.memory_space<hbm>> -> memref<32x768xf32, #tpu.memory_space<hbm>>
    %dma_wait3A_651 = tpu.memref_slice %arg11[%dma_wait3A_647] : memref<3x!tpu.dma_semaphore, #tpu.memory_space<semaphore_mem>> -> memref<1x!tpu.dma_semaphore, #tpu.memory_space<semaphore_mem>>
    %dma_wait3A_652 = tpu.memref_squeeze %dma_wait3A_651 : memref<1x!tpu.dma_semaphore, #tpu.memory_space<semaphore_mem>> -> memref<!tpu.dma_semaphore, #tpu.memory_space<semaphore_mem>>
    %dma_wait3A_653 = arith.constant 0 : i32
    %dma_wait3A_654 = tpu.memref_slice %arg4[%dma_wait3A_646, %add3A_565, %dma_wait3A_653] : memref<4x8192x768xf32, #tpu.memory_space<hbm>> -> memref<1x32x768xf32, #tpu.memory_space<hbm>>
    %dma_wait3A_655 = tpu.memref_squeeze %dma_wait3A_654 : memref<1x32x768xf32, #tpu.memory_space<hbm>> -> memref<32x768xf32, #tpu.memory_space<hbm>>
    tpu.wait_dma2 semaphore(%dma_wait3A_652 : memref<!tpu.dma_semaphore, #tpu.memory_space<semaphore_mem>>) src(%arg7 : memref<32x768xf32, #tpu.memory_space<vmem>>) dst(%dma_wait3A_655 : memref<32x768xf32, #tpu.memory_space<hbm>>)
    %add3A_656 = arith.constant 96 : i32
    %add3A_657 = arith.addi %mul3A_2, %add3A_656 : i32
    %dma_start3A_658 = arith.constant 2 : i32
    %dma_start3A_659 = arith.constant 2 : i32
    %dma_start3A_660 = arith.constant 0 : i32
    %dma_start3A_661 = tpu.memref_slice %arg2[%dma_start3A_658, %add3A_657, %dma_start3A_660] : memref<4x8192x768xf32, #tpu.memory_space<hbm>> -> memref<1x32x768xf32, #tpu.memory_space<hbm>>
    %dma_start3A_662 = tpu.memref_squeeze %dma_start3A_661 : memref<1x32x768xf32, #tpu.memory_space<hbm>> -> memref<32x768xf32, #tpu.memory_space<hbm>>
    %dma_start3A_663 = tpu.memref_slice %arg10[%dma_start3A_659] : memref<3x!tpu.dma_semaphore, #tpu.memory_space<semaphore_mem>> -> memref<1x!tpu.dma_semaphore, #tpu.memory_space<semaphore_mem>>
    %dma_start3A_664 = tpu.memref_squeeze %dma_start3A_663 : memref<1x!tpu.dma_semaphore, #tpu.memory_space<semaphore_mem>> -> memref<!tpu.dma_semaphore, #tpu.memory_space<semaphore_mem>>
    %dma_start3A_665 = arith.constant 0 : i32
    %dma_start3A_666 = tpu.memref_slice %arg2[%dma_start3A_658, %add3A_657, %dma_start3A_665] : memref<4x8192x768xf32, #tpu.memory_space<hbm>> -> memref<1x32x768xf32, #tpu.memory_space<hbm>>
    %dma_start3A_667 = tpu.memref_squeeze %dma_start3A_666 : memref<1x32x768xf32, #tpu.memory_space<hbm>> -> memref<32x768xf32, #tpu.memory_space<hbm>>
    tpu.enqueue_dma source(%dma_start3A_667 : memref<32x768xf32, #tpu.memory_space<hbm>>) target(%arg7 : memref<32x768xf32, #tpu.memory_space<vmem>>) target_semaphore(%dma_start3A_664 : memref<!tpu.dma_semaphore, #tpu.memory_space<semaphore_mem>>)
    %add3A_668 = arith.constant 96 : i32
    %add3A_669 = arith.addi %mul3A_2, %add3A_668 : i32
    %dma_start3A_670 = arith.constant 1 : i32
    %dma_start3A_671 = arith.constant 1 : i32
    %dma_start3A_672 = arith.constant 0 : i32
    %dma_start3A_673 = tpu.memref_slice %arg4[%dma_start3A_670, %add3A_669, %dma_start3A_672] : memref<4x8192x768xf32, #tpu.memory_space<hbm>> -> memref<1x32x768xf32, #tpu.memory_space<hbm>>
    %dma_start3A_674 = tpu.memref_squeeze %dma_start3A_673 : memref<1x32x768xf32, #tpu.memory_space<hbm>> -> memref<32x768xf32, #tpu.memory_space<hbm>>
    %dma_start3A_675 = tpu.memref_slice %arg11[%dma_start3A_671] : memref<3x!tpu.dma_semaphore, #tpu.memory_space<semaphore_mem>> -> memref<1x!tpu.dma_semaphore, #tpu.memory_space<semaphore_mem>>
    %dma_start3A_676 = tpu.memref_squeeze %dma_start3A_675 : memref<1x!tpu.dma_semaphore, #tpu.memory_space<semaphore_mem>> -> memref<!tpu.dma_semaphore, #tpu.memory_space<semaphore_mem>>
    %dma_start3A_677 = arith.constant 0 : i32
    %dma_start3A_678 = tpu.memref_slice %arg4[%dma_start3A_670, %add3A_669, %dma_start3A_677] : memref<4x8192x768xf32, #tpu.memory_space<hbm>> -> memref<1x32x768xf32, #tpu.memory_space<hbm>>
    %dma_start3A_679 = tpu.memref_squeeze %dma_start3A_678 : memref<1x32x768xf32, #tpu.memory_space<hbm>> -> memref<32x768xf32, #tpu.memory_space<hbm>>
    tpu.enqueue_dma source(%arg6 : memref<32x768xf32, #tpu.memory_space<vmem>>) target(%dma_start3A_679 : memref<32x768xf32, #tpu.memory_space<hbm>>) target_semaphore(%dma_start3A_676 : memref<!tpu.dma_semaphore, #tpu.memory_space<semaphore_mem>>)
    %dma_wait3A_680 = arith.constant 2 : i32
    %dma_wait3A_681 = arith.constant 2 : i32
    %dma_wait3A_682 = arith.constant 0 : i32
    %dma_wait3A_683 = tpu.memref_slice %arg2[%dma_wait3A_680, %add3A_657, %dma_wait3A_682] : memref<4x8192x768xf32, #tpu.memory_space<hbm>> -> memref<1x32x768xf32, #tpu.memory_space<hbm>>
    %dma_wait3A_684 = tpu.memref_squeeze %dma_wait3A_683 : memref<1x32x768xf32, #tpu.memory_space<hbm>> -> memref<32x768xf32, #tpu.memory_space<hbm>>
    %dma_wait3A_685 = tpu.memref_slice %arg10[%dma_wait3A_681] : memref<3x!tpu.dma_semaphore, #tpu.memory_space<semaphore_mem>> -> memref<1x!tpu.dma_semaphore, #tpu.memory_space<semaphore_mem>>
    %dma_wait3A_686 = tpu.memref_squeeze %dma_wait3A_685 : memref<1x!tpu.dma_semaphore, #tpu.memory_space<semaphore_mem>> -> memref<!tpu.dma_semaphore, #tpu.memory_space<semaphore_mem>>
    %dma_wait3A_687 = arith.constant 0 : i32
    %dma_wait3A_688 = tpu.memref_slice %arg2[%dma_wait3A_680, %add3A_657, %dma_wait3A_687] : memref<4x8192x768xf32, #tpu.memory_space<hbm>> -> memref<1x32x768xf32, #tpu.memory_space<hbm>>
    %dma_wait3A_689 = tpu.memref_squeeze %dma_wait3A_688 : memref<1x32x768xf32, #tpu.memory_space<hbm>> -> memref<32x768xf32, #tpu.memory_space<hbm>>
    tpu.wait_dma2 semaphore(%dma_wait3A_686 : memref<!tpu.dma_semaphore, #tpu.memory_space<semaphore_mem>>) src(%dma_wait3A_689 : memref<32x768xf32, #tpu.memory_space<hbm>>) dst(%arg7 : memref<32x768xf32, #tpu.memory_space<vmem>>)
    %dma_wait3A_690 = arith.constant 0 : i32
    %dma_wait3A_691 = arith.constant 0 : i32
    %dma_wait3A_692 = arith.constant 0 : i32
    %dma_wait3A_693 = tpu.memref_slice %arg4[%dma_wait3A_690, %add3A_625, %dma_wait3A_692] : memref<4x8192x768xf32, #tpu.memory_space<hbm>> -> memref<1x32x768xf32, #tpu.memory_space<hbm>>
    %dma_wait3A_694 = tpu.memref_squeeze %dma_wait3A_693 : memref<1x32x768xf32, #tpu.memory_space<hbm>> -> memref<32x768xf32, #tpu.memory_space<hbm>>
    %dma_wait3A_695 = tpu.memref_slice %arg11[%dma_wait3A_691] : memref<3x!tpu.dma_semaphore, #tpu.memory_space<semaphore_mem>> -> memref<1x!tpu.dma_semaphore, #tpu.memory_space<semaphore_mem>>
    %dma_wait3A_696 = tpu.memref_squeeze %dma_wait3A_695 : memref<1x!tpu.dma_semaphore, #tpu.memory_space<semaphore_mem>> -> memref<!tpu.dma_semaphore, #tpu.memory_space<semaphore_mem>>
    %dma_wait3A_697 = arith.constant 0 : i32
    %dma_wait3A_698 = tpu.memref_slice %arg4[%dma_wait3A_690, %add3A_625, %dma_wait3A_697] : memref<4x8192x768xf32, #tpu.memory_space<hbm>> -> memref<1x32x768xf32, #tpu.memory_space<hbm>>
    %dma_wait3A_699 = tpu.memref_squeeze %dma_wait3A_698 : memref<1x32x768xf32, #tpu.memory_space<hbm>> -> memref<32x768xf32, #tpu.memory_space<hbm>>
    tpu.wait_dma2 semaphore(%dma_wait3A_696 : memref<!tpu.dma_semaphore, #tpu.memory_space<semaphore_mem>>) src(%arg5 : memref<32x768xf32, #tpu.memory_space<vmem>>) dst(%dma_wait3A_699 : memref<32x768xf32, #tpu.memory_space<hbm>>)
    %add3A_700 = arith.constant 96 : i32
    %add3A_701 = arith.addi %mul3A_2, %add3A_700 : i32
    %dma_start3A_702 = arith.constant 3 : i32
    %dma_start3A_703 = arith.constant 0 : i32
    %dma_start3A_704 = arith.constant 0 : i32
    %dma_start3A_705 = tpu.memref_slice %arg2[%dma_start3A_702, %add3A_701, %dma_start3A_704] : memref<4x8192x768xf32, #tpu.memory_space<hbm>> -> memref<1x32x768xf32, #tpu.memory_space<hbm>>
    %dma_start3A_706 = tpu.memref_squeeze %dma_start3A_705 : memref<1x32x768xf32, #tpu.memory_space<hbm>> -> memref<32x768xf32, #tpu.memory_space<hbm>>
    %dma_start3A_707 = tpu.memref_slice %arg10[%dma_start3A_703] : memref<3x!tpu.dma_semaphore, #tpu.memory_space<semaphore_mem>> -> memref<1x!tpu.dma_semaphore, #tpu.memory_space<semaphore_mem>>
    %dma_start3A_708 = tpu.memref_squeeze %dma_start3A_707 : memref<1x!tpu.dma_semaphore, #tpu.memory_space<semaphore_mem>> -> memref<!tpu.dma_semaphore, #tpu.memory_space<semaphore_mem>>
    %dma_start3A_709 = arith.constant 0 : i32
    %dma_start3A_710 = tpu.memref_slice %arg2[%dma_start3A_702, %add3A_701, %dma_start3A_709] : memref<4x8192x768xf32, #tpu.memory_space<hbm>> -> memref<1x32x768xf32, #tpu.memory_space<hbm>>
    %dma_start3A_711 = tpu.memref_squeeze %dma_start3A_710 : memref<1x32x768xf32, #tpu.memory_space<hbm>> -> memref<32x768xf32, #tpu.memory_space<hbm>>
    tpu.enqueue_dma source(%dma_start3A_711 : memref<32x768xf32, #tpu.memory_space<hbm>>) target(%arg5 : memref<32x768xf32, #tpu.memory_space<vmem>>) target_semaphore(%dma_start3A_708 : memref<!tpu.dma_semaphore, #tpu.memory_space<semaphore_mem>>)
    %add3A_712 = arith.constant 96 : i32
    %add3A_713 = arith.addi %mul3A_2, %add3A_712 : i32
    %dma_start3A_714 = arith.constant 2 : i32
    %dma_start3A_715 = arith.constant 2 : i32
    %dma_start3A_716 = arith.constant 0 : i32
    %dma_start3A_717 = tpu.memref_slice %arg4[%dma_start3A_714, %add3A_713, %dma_start3A_716] : memref<4x8192x768xf32, #tpu.memory_space<hbm>> -> memref<1x32x768xf32, #tpu.memory_space<hbm>>
    %dma_start3A_718 = tpu.memref_squeeze %dma_start3A_717 : memref<1x32x768xf32, #tpu.memory_space<hbm>> -> memref<32x768xf32, #tpu.memory_space<hbm>>
    %dma_start3A_719 = tpu.memref_slice %arg11[%dma_start3A_715] : memref<3x!tpu.dma_semaphore, #tpu.memory_space<semaphore_mem>> -> memref<1x!tpu.dma_semaphore, #tpu.memory_space<semaphore_mem>>
    %dma_start3A_720 = tpu.memref_squeeze %dma_start3A_719 : memref<1x!tpu.dma_semaphore, #tpu.memory_space<semaphore_mem>> -> memref<!tpu.dma_semaphore, #tpu.memory_space<semaphore_mem>>
    %dma_start3A_721 = arith.constant 0 : i32
    %dma_start3A_722 = tpu.memref_slice %arg4[%dma_start3A_714, %add3A_713, %dma_start3A_721] : memref<4x8192x768xf32, #tpu.memory_space<hbm>> -> memref<1x32x768xf32, #tpu.memory_space<hbm>>
    %dma_start3A_723 = tpu.memref_squeeze %dma_start3A_722 : memref<1x32x768xf32, #tpu.memory_space<hbm>> -> memref<32x768xf32, #tpu.memory_space<hbm>>
    tpu.enqueue_dma source(%arg7 : memref<32x768xf32, #tpu.memory_space<vmem>>) target(%dma_start3A_723 : memref<32x768xf32, #tpu.memory_space<hbm>>) target_semaphore(%dma_start3A_720 : memref<!tpu.dma_semaphore, #tpu.memory_space<semaphore_mem>>)
    %dma_wait3A_724 = arith.constant 3 : i32
    %dma_wait3A_725 = arith.constant 0 : i32
    %dma_wait3A_726 = arith.constant 0 : i32
    %dma_wait3A_727 = tpu.memref_slice %arg2[%dma_wait3A_724, %add3A_701, %dma_wait3A_726] : memref<4x8192x768xf32, #tpu.memory_space<hbm>> -> memref<1x32x768xf32, #tpu.memory_space<hbm>>
    %dma_wait3A_728 = tpu.memref_squeeze %dma_wait3A_727 : memref<1x32x768xf32, #tpu.memory_space<hbm>> -> memref<32x768xf32, #tpu.memory_space<hbm>>
    %dma_wait3A_729 = tpu.memref_slice %arg10[%dma_wait3A_725] : memref<3x!tpu.dma_semaphore, #tpu.memory_space<semaphore_mem>> -> memref<1x!tpu.dma_semaphore, #tpu.memory_space<semaphore_mem>>
    %dma_wait3A_730 = tpu.memref_squeeze %dma_wait3A_729 : memref<1x!tpu.dma_semaphore, #tpu.memory_space<semaphore_mem>> -> memref<!tpu.dma_semaphore, #tpu.memory_space<semaphore_mem>>
    %dma_wait3A_731 = arith.constant 0 : i32
    %dma_wait3A_732 = tpu.memref_slice %arg2[%dma_wait3A_724, %add3A_701, %dma_wait3A_731] : memref<4x8192x768xf32, #tpu.memory_space<hbm>> -> memref<1x32x768xf32, #tpu.memory_space<hbm>>
    %dma_wait3A_733 = tpu.memref_squeeze %dma_wait3A_732 : memref<1x32x768xf32, #tpu.memory_space<hbm>> -> memref<32x768xf32, #tpu.memory_space<hbm>>
    tpu.wait_dma2 semaphore(%dma_wait3A_730 : memref<!tpu.dma_semaphore, #tpu.memory_space<semaphore_mem>>) src(%dma_wait3A_733 : memref<32x768xf32, #tpu.memory_space<hbm>>) dst(%arg5 : memref<32x768xf32, #tpu.memory_space<vmem>>)
    %dma_wait3A_734 = arith.constant 1 : i32
    %dma_wait3A_735 = arith.constant 1 : i32
    %dma_wait3A_736 = arith.constant 0 : i32
    %dma_wait3A_737 = tpu.memref_slice %arg4[%dma_wait3A_734, %add3A_669, %dma_wait3A_736] : memref<4x8192x768xf32, #tpu.memory_space<hbm>> -> memref<1x32x768xf32, #tpu.memory_space<hbm>>
    %dma_wait3A_738 = tpu.memref_squeeze %dma_wait3A_737 : memref<1x32x768xf32, #tpu.memory_space<hbm>> -> memref<32x768xf32, #tpu.memory_space<hbm>>
    %dma_wait3A_739 = tpu.memref_slice %arg11[%dma_wait3A_735] : memref<3x!tpu.dma_semaphore, #tpu.memory_space<semaphore_mem>> -> memref<1x!tpu.dma_semaphore, #tpu.memory_space<semaphore_mem>>
    %dma_wait3A_740 = tpu.memref_squeeze %dma_wait3A_739 : memref<1x!tpu.dma_semaphore, #tpu.memory_space<semaphore_mem>> -> memref<!tpu.dma_semaphore, #tpu.memory_space<semaphore_mem>>
    %dma_wait3A_741 = arith.constant 0 : i32
    %dma_wait3A_742 = tpu.memref_slice %arg4[%dma_wait3A_734, %add3A_669, %dma_wait3A_741] : memref<4x8192x768xf32, #tpu.memory_space<hbm>> -> memref<1x32x768xf32, #tpu.memory_space<hbm>>
    %dma_wait3A_743 = tpu.memref_squeeze %dma_wait3A_742 : memref<1x32x768xf32, #tpu.memory_space<hbm>> -> memref<32x768xf32, #tpu.memory_space<hbm>>
    tpu.wait_dma2 semaphore(%dma_wait3A_740 : memref<!tpu.dma_semaphore, #tpu.memory_space<semaphore_mem>>) src(%arg6 : memref<32x768xf32, #tpu.memory_space<vmem>>) dst(%dma_wait3A_743 : memref<32x768xf32, #tpu.memory_space<hbm>>)
    %add3A_744 = arith.constant 128 : i32
    %add3A_745 = arith.addi %mul3A_2, %add3A_744 : i32
    %dma_start3A_746 = arith.constant 0 : i32
    %dma_start3A_747 = arith.constant 1 : i32
    %dma_start3A_748 = arith.constant 0 : i32
    %dma_start3A_749 = tpu.memref_slice %arg2[%dma_start3A_746, %add3A_745, %dma_start3A_748] : memref<4x8192x768xf32, #tpu.memory_space<hbm>> -> memref<1x32x768xf32, #tpu.memory_space<hbm>>
    %dma_start3A_750 = tpu.memref_squeeze %dma_start3A_749 : memref<1x32x768xf32, #tpu.memory_space<hbm>> -> memref<32x768xf32, #tpu.memory_space<hbm>>
    %dma_start3A_751 = tpu.memref_slice %arg10[%dma_start3A_747] : memref<3x!tpu.dma_semaphore, #tpu.memory_space<semaphore_mem>> -> memref<1x!tpu.dma_semaphore, #tpu.memory_space<semaphore_mem>>
    %dma_start3A_752 = tpu.memref_squeeze %dma_start3A_751 : memref<1x!tpu.dma_semaphore, #tpu.memory_space<semaphore_mem>> -> memref<!tpu.dma_semaphore, #tpu.memory_space<semaphore_mem>>
    %dma_start3A_753 = arith.constant 0 : i32
    %dma_start3A_754 = tpu.memref_slice %arg2[%dma_start3A_746, %add3A_745, %dma_start3A_753] : memref<4x8192x768xf32, #tpu.memory_space<hbm>> -> memref<1x32x768xf32, #tpu.memory_space<hbm>>
    %dma_start3A_755 = tpu.memref_squeeze %dma_start3A_754 : memref<1x32x768xf32, #tpu.memory_space<hbm>> -> memref<32x768xf32, #tpu.memory_space<hbm>>
    tpu.enqueue_dma source(%dma_start3A_755 : memref<32x768xf32, #tpu.memory_space<hbm>>) target(%arg6 : memref<32x768xf32, #tpu.memory_space<vmem>>) target_semaphore(%dma_start3A_752 : memref<!tpu.dma_semaphore, #tpu.memory_space<semaphore_mem>>)
    %add3A_756 = arith.constant 96 : i32
    %add3A_757 = arith.addi %mul3A_2, %add3A_756 : i32
    %dma_start3A_758 = arith.constant 3 : i32
    %dma_start3A_759 = arith.constant 0 : i32
    %dma_start3A_760 = arith.constant 0 : i32
    %dma_start3A_761 = tpu.memref_slice %arg4[%dma_start3A_758, %add3A_757, %dma_start3A_760] : memref<4x8192x768xf32, #tpu.memory_space<hbm>> -> memref<1x32x768xf32, #tpu.memory_space<hbm>>
    %dma_start3A_762 = tpu.memref_squeeze %dma_start3A_761 : memref<1x32x768xf32, #tpu.memory_space<hbm>> -> memref<32x768xf32, #tpu.memory_space<hbm>>
    %dma_start3A_763 = tpu.memref_slice %arg11[%dma_start3A_759] : memref<3x!tpu.dma_semaphore, #tpu.memory_space<semaphore_mem>> -> memref<1x!tpu.dma_semaphore, #tpu.memory_space<semaphore_mem>>
    %dma_start3A_764 = tpu.memref_squeeze %dma_start3A_763 : memref<1x!tpu.dma_semaphore, #tpu.memory_space<semaphore_mem>> -> memref<!tpu.dma_semaphore, #tpu.memory_space<semaphore_mem>>
    %dma_start3A_765 = arith.constant 0 : i32
    %dma_start3A_766 = tpu.memref_slice %arg4[%dma_start3A_758, %add3A_757, %dma_start3A_765] : memref<4x8192x768xf32, #tpu.memory_space<hbm>> -> memref<1x32x768xf32, #tpu.memory_space<hbm>>
    %dma_start3A_767 = tpu.memref_squeeze %dma_start3A_766 : memref<1x32x768xf32, #tpu.memory_space<hbm>> -> memref<32x768xf32, #tpu.memory_space<hbm>>
    tpu.enqueue_dma source(%arg5 : memref<32x768xf32, #tpu.memory_space<vmem>>) target(%dma_start3A_767 : memref<32x768xf32, #tpu.memory_space<hbm>>) target_semaphore(%dma_start3A_764 : memref<!tpu.dma_semaphore, #tpu.memory_space<semaphore_mem>>)
    %dma_wait3A_768 = arith.constant 0 : i32
    %dma_wait3A_769 = arith.constant 0 : i32
    %dma_wait3A_770 = tpu.memref_slice %arg3[%add3A_584, %dma_wait3A_769] : memref<8192x768xf32, #tpu.memory_space<hbm>> -> memref<32x768xf32, #tpu.memory_space<hbm>>
    %dma_wait3A_771 = tpu.memref_slice %arg12[%dma_wait3A_768] : memref<2x!tpu.dma_semaphore, #tpu.memory_space<semaphore_mem>> -> memref<1x!tpu.dma_semaphore, #tpu.memory_space<semaphore_mem>>
    %dma_wait3A_772 = tpu.memref_squeeze %dma_wait3A_771 : memref<1x!tpu.dma_semaphore, #tpu.memory_space<semaphore_mem>> -> memref<!tpu.dma_semaphore, #tpu.memory_space<semaphore_mem>>
    %dma_wait3A_773 = arith.constant 0 : i32
    %dma_wait3A_774 = tpu.memref_slice %arg3[%add3A_584, %dma_wait3A_773] : memref<8192x768xf32, #tpu.memory_space<hbm>> -> memref<32x768xf32, #tpu.memory_space<hbm>>
    tpu.wait_dma2 semaphore(%dma_wait3A_772 : memref<!tpu.dma_semaphore, #tpu.memory_space<semaphore_mem>>) src(%dma_wait3A_774 : memref<32x768xf32, #tpu.memory_space<hbm>>) dst(%arg8 : memref<32x768xf32, #tpu.memory_space<vmem>>)
    %add3A_775 = arith.constant 160 : i32
    %add3A_776 = arith.addi %mul3A_2, %add3A_775 : i32
    %dma_start3A_777 = arith.constant 1 : i32
    %dma_start3A_778 = arith.constant 0 : i32
    %dma_start3A_779 = tpu.memref_slice %arg3[%add3A_776, %dma_start3A_778] : memref<8192x768xf32, #tpu.memory_space<hbm>> -> memref<32x768xf32, #tpu.memory_space<hbm>>
    %dma_start3A_780 = tpu.memref_slice %arg12[%dma_start3A_777] : memref<2x!tpu.dma_semaphore, #tpu.memory_space<semaphore_mem>> -> memref<1x!tpu.dma_semaphore, #tpu.memory_space<semaphore_mem>>
    %dma_start3A_781 = tpu.memref_squeeze %dma_start3A_780 : memref<1x!tpu.dma_semaphore, #tpu.memory_space<semaphore_mem>> -> memref<!tpu.dma_semaphore, #tpu.memory_space<semaphore_mem>>
    %dma_start3A_782 = arith.constant 0 : i32
    %dma_start3A_783 = tpu.memref_slice %arg3[%add3A_776, %dma_start3A_782] : memref<8192x768xf32, #tpu.memory_space<hbm>> -> memref<32x768xf32, #tpu.memory_space<hbm>>
    tpu.enqueue_dma source(%dma_start3A_783 : memref<32x768xf32, #tpu.memory_space<hbm>>) target(%arg9 : memref<32x768xf32, #tpu.memory_space<vmem>>) target_semaphore(%dma_start3A_781 : memref<!tpu.dma_semaphore, #tpu.memory_space<semaphore_mem>>)
    %dma_wait3A_784 = arith.constant 0 : i32
    %dma_wait3A_785 = arith.constant 1 : i32
    %dma_wait3A_786 = arith.constant 0 : i32
    %dma_wait3A_787 = tpu.memref_slice %arg2[%dma_wait3A_784, %add3A_745, %dma_wait3A_786] : memref<4x8192x768xf32, #tpu.memory_space<hbm>> -> memref<1x32x768xf32, #tpu.memory_space<hbm>>
    %dma_wait3A_788 = tpu.memref_squeeze %dma_wait3A_787 : memref<1x32x768xf32, #tpu.memory_space<hbm>> -> memref<32x768xf32, #tpu.memory_space<hbm>>
    %dma_wait3A_789 = tpu.memref_slice %arg10[%dma_wait3A_785] : memref<3x!tpu.dma_semaphore, #tpu.memory_space<semaphore_mem>> -> memref<1x!tpu.dma_semaphore, #tpu.memory_space<semaphore_mem>>
    %dma_wait3A_790 = tpu.memref_squeeze %dma_wait3A_789 : memref<1x!tpu.dma_semaphore, #tpu.memory_space<semaphore_mem>> -> memref<!tpu.dma_semaphore, #tpu.memory_space<semaphore_mem>>
    %dma_wait3A_791 = arith.constant 0 : i32
    %dma_wait3A_792 = tpu.memref_slice %arg2[%dma_wait3A_784, %add3A_745, %dma_wait3A_791] : memref<4x8192x768xf32, #tpu.memory_space<hbm>> -> memref<1x32x768xf32, #tpu.memory_space<hbm>>
    %dma_wait3A_793 = tpu.memref_squeeze %dma_wait3A_792 : memref<1x32x768xf32, #tpu.memory_space<hbm>> -> memref<32x768xf32, #tpu.memory_space<hbm>>
    tpu.wait_dma2 semaphore(%dma_wait3A_790 : memref<!tpu.dma_semaphore, #tpu.memory_space<semaphore_mem>>) src(%dma_wait3A_793 : memref<32x768xf32, #tpu.memory_space<hbm>>) dst(%arg6 : memref<32x768xf32, #tpu.memory_space<vmem>>)
    %dma_wait3A_794 = arith.constant 2 : i32
    %dma_wait3A_795 = arith.constant 2 : i32
    %dma_wait3A_796 = arith.constant 0 : i32
    %dma_wait3A_797 = tpu.memref_slice %arg4[%dma_wait3A_794, %add3A_713, %dma_wait3A_796] : memref<4x8192x768xf32, #tpu.memory_space<hbm>> -> memref<1x32x768xf32, #tpu.memory_space<hbm>>
    %dma_wait3A_798 = tpu.memref_squeeze %dma_wait3A_797 : memref<1x32x768xf32, #tpu.memory_space<hbm>> -> memref<32x768xf32, #tpu.memory_space<hbm>>
    %dma_wait3A_799 = tpu.memref_slice %arg11[%dma_wait3A_795] : memref<3x!tpu.dma_semaphore, #tpu.memory_space<semaphore_mem>> -> memref<1x!tpu.dma_semaphore, #tpu.memory_space<semaphore_mem>>
    %dma_wait3A_800 = tpu.memref_squeeze %dma_wait3A_799 : memref<1x!tpu.dma_semaphore, #tpu.memory_space<semaphore_mem>> -> memref<!tpu.dma_semaphore, #tpu.memory_space<semaphore_mem>>
    %dma_wait3A_801 = arith.constant 0 : i32
    %dma_wait3A_802 = tpu.memref_slice %arg4[%dma_wait3A_794, %add3A_713, %dma_wait3A_801] : memref<4x8192x768xf32, #tpu.memory_space<hbm>> -> memref<1x32x768xf32, #tpu.memory_space<hbm>>
    %dma_wait3A_803 = tpu.memref_squeeze %dma_wait3A_802 : memref<1x32x768xf32, #tpu.memory_space<hbm>> -> memref<32x768xf32, #tpu.memory_space<hbm>>
    tpu.wait_dma2 semaphore(%dma_wait3A_800 : memref<!tpu.dma_semaphore, #tpu.memory_space<semaphore_mem>>) src(%arg7 : memref<32x768xf32, #tpu.memory_space<vmem>>) dst(%dma_wait3A_803 : memref<32x768xf32, #tpu.memory_space<hbm>>)
    %add3A_804 = arith.constant 128 : i32
    %add3A_805 = arith.addi %mul3A_2, %add3A_804 : i32
    %dma_start3A_806 = arith.constant 1 : i32
    %dma_start3A_807 = arith.constant 2 : i32
    %dma_start3A_808 = arith.constant 0 : i32
    %dma_start3A_809 = tpu.memref_slice %arg2[%dma_start3A_806, %add3A_805, %dma_start3A_808] : memref<4x8192x768xf32, #tpu.memory_space<hbm>> -> memref<1x32x768xf32, #tpu.memory_space<hbm>>
    %dma_start3A_810 = tpu.memref_squeeze %dma_start3A_809 : memref<1x32x768xf32, #tpu.memory_space<hbm>> -> memref<32x768xf32, #tpu.memory_space<hbm>>
    %dma_start3A_811 = tpu.memref_slice %arg10[%dma_start3A_807] : memref<3x!tpu.dma_semaphore, #tpu.memory_space<semaphore_mem>> -> memref<1x!tpu.dma_semaphore, #tpu.memory_space<semaphore_mem>>
    %dma_start3A_812 = tpu.memref_squeeze %dma_start3A_811 : memref<1x!tpu.dma_semaphore, #tpu.memory_space<semaphore_mem>> -> memref<!tpu.dma_semaphore, #tpu.memory_space<semaphore_mem>>
    %dma_start3A_813 = arith.constant 0 : i32
    %dma_start3A_814 = tpu.memref_slice %arg2[%dma_start3A_806, %add3A_805, %dma_start3A_813] : memref<4x8192x768xf32, #tpu.memory_space<hbm>> -> memref<1x32x768xf32, #tpu.memory_space<hbm>>
    %dma_start3A_815 = tpu.memref_squeeze %dma_start3A_814 : memref<1x32x768xf32, #tpu.memory_space<hbm>> -> memref<32x768xf32, #tpu.memory_space<hbm>>
    tpu.enqueue_dma source(%dma_start3A_815 : memref<32x768xf32, #tpu.memory_space<hbm>>) target(%arg7 : memref<32x768xf32, #tpu.memory_space<vmem>>) target_semaphore(%dma_start3A_812 : memref<!tpu.dma_semaphore, #tpu.memory_space<semaphore_mem>>)
    %add3A_816 = arith.constant 128 : i32
    %add3A_817 = arith.addi %mul3A_2, %add3A_816 : i32
    %dma_start3A_818 = arith.constant 0 : i32
    %dma_start3A_819 = arith.constant 1 : i32
    %dma_start3A_820 = arith.constant 0 : i32
    %dma_start3A_821 = tpu.memref_slice %arg4[%dma_start3A_818, %add3A_817, %dma_start3A_820] : memref<4x8192x768xf32, #tpu.memory_space<hbm>> -> memref<1x32x768xf32, #tpu.memory_space<hbm>>
    %dma_start3A_822 = tpu.memref_squeeze %dma_start3A_821 : memref<1x32x768xf32, #tpu.memory_space<hbm>> -> memref<32x768xf32, #tpu.memory_space<hbm>>
    %dma_start3A_823 = tpu.memref_slice %arg11[%dma_start3A_819] : memref<3x!tpu.dma_semaphore, #tpu.memory_space<semaphore_mem>> -> memref<1x!tpu.dma_semaphore, #tpu.memory_space<semaphore_mem>>
    %dma_start3A_824 = tpu.memref_squeeze %dma_start3A_823 : memref<1x!tpu.dma_semaphore, #tpu.memory_space<semaphore_mem>> -> memref<!tpu.dma_semaphore, #tpu.memory_space<semaphore_mem>>
    %dma_start3A_825 = arith.constant 0 : i32
    %dma_start3A_826 = tpu.memref_slice %arg4[%dma_start3A_818, %add3A_817, %dma_start3A_825] : memref<4x8192x768xf32, #tpu.memory_space<hbm>> -> memref<1x32x768xf32, #tpu.memory_space<hbm>>
    %dma_start3A_827 = tpu.memref_squeeze %dma_start3A_826 : memref<1x32x768xf32, #tpu.memory_space<hbm>> -> memref<32x768xf32, #tpu.memory_space<hbm>>
    tpu.enqueue_dma source(%arg6 : memref<32x768xf32, #tpu.memory_space<vmem>>) target(%dma_start3A_827 : memref<32x768xf32, #tpu.memory_space<hbm>>) target_semaphore(%dma_start3A_824 : memref<!tpu.dma_semaphore, #tpu.memory_space<semaphore_mem>>)
    %dma_wait3A_828 = arith.constant 1 : i32
    %dma_wait3A_829 = arith.constant 2 : i32
    %dma_wait3A_830 = arith.constant 0 : i32
    %dma_wait3A_831 = tpu.memref_slice %arg2[%dma_wait3A_828, %add3A_805, %dma_wait3A_830] : memref<4x8192x768xf32, #tpu.memory_space<hbm>> -> memref<1x32x768xf32, #tpu.memory_space<hbm>>
    %dma_wait3A_832 = tpu.memref_squeeze %dma_wait3A_831 : memref<1x32x768xf32, #tpu.memory_space<hbm>> -> memref<32x768xf32, #tpu.memory_space<hbm>>
    %dma_wait3A_833 = tpu.memref_slice %arg10[%dma_wait3A_829] : memref<3x!tpu.dma_semaphore, #tpu.memory_space<semaphore_mem>> -> memref<1x!tpu.dma_semaphore, #tpu.memory_space<semaphore_mem>>
    %dma_wait3A_834 = tpu.memref_squeeze %dma_wait3A_833 : memref<1x!tpu.dma_semaphore, #tpu.memory_space<semaphore_mem>> -> memref<!tpu.dma_semaphore, #tpu.memory_space<semaphore_mem>>
    %dma_wait3A_835 = arith.constant 0 : i32
    %dma_wait3A_836 = tpu.memref_slice %arg2[%dma_wait3A_828, %add3A_805, %dma_wait3A_835] : memref<4x8192x768xf32, #tpu.memory_space<hbm>> -> memref<1x32x768xf32, #tpu.memory_space<hbm>>
    %dma_wait3A_837 = tpu.memref_squeeze %dma_wait3A_836 : memref<1x32x768xf32, #tpu.memory_space<hbm>> -> memref<32x768xf32, #tpu.memory_space<hbm>>
    tpu.wait_dma2 semaphore(%dma_wait3A_834 : memref<!tpu.dma_semaphore, #tpu.memory_space<semaphore_mem>>) src(%dma_wait3A_837 : memref<32x768xf32, #tpu.memory_space<hbm>>) dst(%arg7 : memref<32x768xf32, #tpu.memory_space<vmem>>)
    %dma_wait3A_838 = arith.constant 3 : i32
    %dma_wait3A_839 = arith.constant 0 : i32
    %dma_wait3A_840 = arith.constant 0 : i32
    %dma_wait3A_841 = tpu.memref_slice %arg4[%dma_wait3A_838, %add3A_757, %dma_wait3A_840] : memref<4x8192x768xf32, #tpu.memory_space<hbm>> -> memref<1x32x768xf32, #tpu.memory_space<hbm>>
    %dma_wait3A_842 = tpu.memref_squeeze %dma_wait3A_841 : memref<1x32x768xf32, #tpu.memory_space<hbm>> -> memref<32x768xf32, #tpu.memory_space<hbm>>
    %dma_wait3A_843 = tpu.memref_slice %arg11[%dma_wait3A_839] : memref<3x!tpu.dma_semaphore, #tpu.memory_space<semaphore_mem>> -> memref<1x!tpu.dma_semaphore, #tpu.memory_space<semaphore_mem>>
    %dma_wait3A_844 = tpu.memref_squeeze %dma_wait3A_843 : memref<1x!tpu.dma_semaphore, #tpu.memory_space<semaphore_mem>> -> memref<!tpu.dma_semaphore, #tpu.memory_space<semaphore_mem>>
    %dma_wait3A_845 = arith.constant 0 : i32
    %dma_wait3A_846 = tpu.memref_slice %arg4[%dma_wait3A_838, %add3A_757, %dma_wait3A_845] : memref<4x8192x768xf32, #tpu.memory_space<hbm>> -> memref<1x32x768xf32, #tpu.memory_space<hbm>>
    %dma_wait3A_847 = tpu.memref_squeeze %dma_wait3A_846 : memref<1x32x768xf32, #tpu.memory_space<hbm>> -> memref<32x768xf32, #tpu.memory_space<hbm>>
    tpu.wait_dma2 semaphore(%dma_wait3A_844 : memref<!tpu.dma_semaphore, #tpu.memory_space<semaphore_mem>>) src(%arg5 : memref<32x768xf32, #tpu.memory_space<vmem>>) dst(%dma_wait3A_847 : memref<32x768xf32, #tpu.memory_space<hbm>>)
    %add3A_848 = arith.constant 128 : i32
    %add3A_849 = arith.addi %mul3A_2, %add3A_848 : i32
    %dma_start3A_850 = arith.constant 2 : i32
    %dma_start3A_851 = arith.constant 0 : i32
    %dma_start3A_852 = arith.constant 0 : i32
    %dma_start3A_853 = tpu.memref_slice %arg2[%dma_start3A_850, %add3A_849, %dma_start3A_852] : memref<4x8192x768xf32, #tpu.memory_space<hbm>> -> memref<1x32x768xf32, #tpu.memory_space<hbm>>
    %dma_start3A_854 = tpu.memref_squeeze %dma_start3A_853 : memref<1x32x768xf32, #tpu.memory_space<hbm>> -> memref<32x768xf32, #tpu.memory_space<hbm>>
    %dma_start3A_855 = tpu.memref_slice %arg10[%dma_start3A_851] : memref<3x!tpu.dma_semaphore, #tpu.memory_space<semaphore_mem>> -> memref<1x!tpu.dma_semaphore, #tpu.memory_space<semaphore_mem>>
    %dma_start3A_856 = tpu.memref_squeeze %dma_start3A_855 : memref<1x!tpu.dma_semaphore, #tpu.memory_space<semaphore_mem>> -> memref<!tpu.dma_semaphore, #tpu.memory_space<semaphore_mem>>
    %dma_start3A_857 = arith.constant 0 : i32
    %dma_start3A_858 = tpu.memref_slice %arg2[%dma_start3A_850, %add3A_849, %dma_start3A_857] : memref<4x8192x768xf32, #tpu.memory_space<hbm>> -> memref<1x32x768xf32, #tpu.memory_space<hbm>>
    %dma_start3A_859 = tpu.memref_squeeze %dma_start3A_858 : memref<1x32x768xf32, #tpu.memory_space<hbm>> -> memref<32x768xf32, #tpu.memory_space<hbm>>
    tpu.enqueue_dma source(%dma_start3A_859 : memref<32x768xf32, #tpu.memory_space<hbm>>) target(%arg5 : memref<32x768xf32, #tpu.memory_space<vmem>>) target_semaphore(%dma_start3A_856 : memref<!tpu.dma_semaphore, #tpu.memory_space<semaphore_mem>>)
    %add3A_860 = arith.constant 128 : i32
    %add3A_861 = arith.addi %mul3A_2, %add3A_860 : i32
    %dma_start3A_862 = arith.constant 1 : i32
    %dma_start3A_863 = arith.constant 2 : i32
    %dma_start3A_864 = arith.constant 0 : i32
    %dma_start3A_865 = tpu.memref_slice %arg4[%dma_start3A_862, %add3A_861, %dma_start3A_864] : memref<4x8192x768xf32, #tpu.memory_space<hbm>> -> memref<1x32x768xf32, #tpu.memory_space<hbm>>
    %dma_start3A_866 = tpu.memref_squeeze %dma_start3A_865 : memref<1x32x768xf32, #tpu.memory_space<hbm>> -> memref<32x768xf32, #tpu.memory_space<hbm>>
    %dma_start3A_867 = tpu.memref_slice %arg11[%dma_start3A_863] : memref<3x!tpu.dma_semaphore, #tpu.memory_space<semaphore_mem>> -> memref<1x!tpu.dma_semaphore, #tpu.memory_space<semaphore_mem>>
    %dma_start3A_868 = tpu.memref_squeeze %dma_start3A_867 : memref<1x!tpu.dma_semaphore, #tpu.memory_space<semaphore_mem>> -> memref<!tpu.dma_semaphore, #tpu.memory_space<semaphore_mem>>
    %dma_start3A_869 = arith.constant 0 : i32
    %dma_start3A_870 = tpu.memref_slice %arg4[%dma_start3A_862, %add3A_861, %dma_start3A_869] : memref<4x8192x768xf32, #tpu.memory_space<hbm>> -> memref<1x32x768xf32, #tpu.memory_space<hbm>>
    %dma_start3A_871 = tpu.memref_squeeze %dma_start3A_870 : memref<1x32x768xf32, #tpu.memory_space<hbm>> -> memref<32x768xf32, #tpu.memory_space<hbm>>
    tpu.enqueue_dma source(%arg7 : memref<32x768xf32, #tpu.memory_space<vmem>>) target(%dma_start3A_871 : memref<32x768xf32, #tpu.memory_space<hbm>>) target_semaphore(%dma_start3A_868 : memref<!tpu.dma_semaphore, #tpu.memory_space<semaphore_mem>>)
    %dma_wait3A_872 = arith.constant 2 : i32
    %dma_wait3A_873 = arith.constant 0 : i32
    %dma_wait3A_874 = arith.constant 0 : i32
    %dma_wait3A_875 = tpu.memref_slice %arg2[%dma_wait3A_872, %add3A_849, %dma_wait3A_874] : memref<4x8192x768xf32, #tpu.memory_space<hbm>> -> memref<1x32x768xf32, #tpu.memory_space<hbm>>
    %dma_wait3A_876 = tpu.memref_squeeze %dma_wait3A_875 : memref<1x32x768xf32, #tpu.memory_space<hbm>> -> memref<32x768xf32, #tpu.memory_space<hbm>>
    %dma_wait3A_877 = tpu.memref_slice %arg10[%dma_wait3A_873] : memref<3x!tpu.dma_semaphore, #tpu.memory_space<semaphore_mem>> -> memref<1x!tpu.dma_semaphore, #tpu.memory_space<semaphore_mem>>
    %dma_wait3A_878 = tpu.memref_squeeze %dma_wait3A_877 : memref<1x!tpu.dma_semaphore, #tpu.memory_space<semaphore_mem>> -> memref<!tpu.dma_semaphore, #tpu.memory_space<semaphore_mem>>
    %dma_wait3A_879 = arith.constant 0 : i32
    %dma_wait3A_880 = tpu.memref_slice %arg2[%dma_wait3A_872, %add3A_849, %dma_wait3A_879] : memref<4x8192x768xf32, #tpu.memory_space<hbm>> -> memref<1x32x768xf32, #tpu.memory_space<hbm>>
    %dma_wait3A_881 = tpu.memref_squeeze %dma_wait3A_880 : memref<1x32x768xf32, #tpu.memory_space<hbm>> -> memref<32x768xf32, #tpu.memory_space<hbm>>
    tpu.wait_dma2 semaphore(%dma_wait3A_878 : memref<!tpu.dma_semaphore, #tpu.memory_space<semaphore_mem>>) src(%dma_wait3A_881 : memref<32x768xf32, #tpu.memory_space<hbm>>) dst(%arg5 : memref<32x768xf32, #tpu.memory_space<vmem>>)
    %dma_wait3A_882 = arith.constant 0 : i32
    %dma_wait3A_883 = arith.constant 1 : i32
    %dma_wait3A_884 = arith.constant 0 : i32
    %dma_wait3A_885 = tpu.memref_slice %arg4[%dma_wait3A_882, %add3A_817, %dma_wait3A_884] : memref<4x8192x768xf32, #tpu.memory_space<hbm>> -> memref<1x32x768xf32, #tpu.memory_space<hbm>>
    %dma_wait3A_886 = tpu.memref_squeeze %dma_wait3A_885 : memref<1x32x768xf32, #tpu.memory_space<hbm>> -> memref<32x768xf32, #tpu.memory_space<hbm>>
    %dma_wait3A_887 = tpu.memref_slice %arg11[%dma_wait3A_883] : memref<3x!tpu.dma_semaphore, #tpu.memory_space<semaphore_mem>> -> memref<1x!tpu.dma_semaphore, #tpu.memory_space<semaphore_mem>>
    %dma_wait3A_888 = tpu.memref_squeeze %dma_wait3A_887 : memref<1x!tpu.dma_semaphore, #tpu.memory_space<semaphore_mem>> -> memref<!tpu.dma_semaphore, #tpu.memory_space<semaphore_mem>>
    %dma_wait3A_889 = arith.constant 0 : i32
    %dma_wait3A_890 = tpu.memref_slice %arg4[%dma_wait3A_882, %add3A_817, %dma_wait3A_889] : memref<4x8192x768xf32, #tpu.memory_space<hbm>> -> memref<1x32x768xf32, #tpu.memory_space<hbm>>
    %dma_wait3A_891 = tpu.memref_squeeze %dma_wait3A_890 : memref<1x32x768xf32, #tpu.memory_space<hbm>> -> memref<32x768xf32, #tpu.memory_space<hbm>>
    tpu.wait_dma2 semaphore(%dma_wait3A_888 : memref<!tpu.dma_semaphore, #tpu.memory_space<semaphore_mem>>) src(%arg6 : memref<32x768xf32, #tpu.memory_space<vmem>>) dst(%dma_wait3A_891 : memref<32x768xf32, #tpu.memory_space<hbm>>)
    %add3A_892 = arith.constant 128 : i32
    %add3A_893 = arith.addi %mul3A_2, %add3A_892 : i32
    %dma_start3A_894 = arith.constant 3 : i32
    %dma_start3A_895 = arith.constant 1 : i32
    %dma_start3A_896 = arith.constant 0 : i32
    %dma_start3A_897 = tpu.memref_slice %arg2[%dma_start3A_894, %add3A_893, %dma_start3A_896] : memref<4x8192x768xf32, #tpu.memory_space<hbm>> -> memref<1x32x768xf32, #tpu.memory_space<hbm>>
    %dma_start3A_898 = tpu.memref_squeeze %dma_start3A_897 : memref<1x32x768xf32, #tpu.memory_space<hbm>> -> memref<32x768xf32, #tpu.memory_space<hbm>>
    %dma_start3A_899 = tpu.memref_slice %arg10[%dma_start3A_895] : memref<3x!tpu.dma_semaphore, #tpu.memory_space<semaphore_mem>> -> memref<1x!tpu.dma_semaphore, #tpu.memory_space<semaphore_mem>>
    %dma_start3A_900 = tpu.memref_squeeze %dma_start3A_899 : memref<1x!tpu.dma_semaphore, #tpu.memory_space<semaphore_mem>> -> memref<!tpu.dma_semaphore, #tpu.memory_space<semaphore_mem>>
    %dma_start3A_901 = arith.constant 0 : i32
    %dma_start3A_902 = tpu.memref_slice %arg2[%dma_start3A_894, %add3A_893, %dma_start3A_901] : memref<4x8192x768xf32, #tpu.memory_space<hbm>> -> memref<1x32x768xf32, #tpu.memory_space<hbm>>
    %dma_start3A_903 = tpu.memref_squeeze %dma_start3A_902 : memref<1x32x768xf32, #tpu.memory_space<hbm>> -> memref<32x768xf32, #tpu.memory_space<hbm>>
    tpu.enqueue_dma source(%dma_start3A_903 : memref<32x768xf32, #tpu.memory_space<hbm>>) target(%arg6 : memref<32x768xf32, #tpu.memory_space<vmem>>) target_semaphore(%dma_start3A_900 : memref<!tpu.dma_semaphore, #tpu.memory_space<semaphore_mem>>)
    %add3A_904 = arith.constant 128 : i32
    %add3A_905 = arith.addi %mul3A_2, %add3A_904 : i32
    %dma_start3A_906 = arith.constant 2 : i32
    %dma_start3A_907 = arith.constant 0 : i32
    %dma_start3A_908 = arith.constant 0 : i32
    %dma_start3A_909 = tpu.memref_slice %arg4[%dma_start3A_906, %add3A_905, %dma_start3A_908] : memref<4x8192x768xf32, #tpu.memory_space<hbm>> -> memref<1x32x768xf32, #tpu.memory_space<hbm>>
    %dma_start3A_910 = tpu.memref_squeeze %dma_start3A_909 : memref<1x32x768xf32, #tpu.memory_space<hbm>> -> memref<32x768xf32, #tpu.memory_space<hbm>>
    %dma_start3A_911 = tpu.memref_slice %arg11[%dma_start3A_907] : memref<3x!tpu.dma_semaphore, #tpu.memory_space<semaphore_mem>> -> memref<1x!tpu.dma_semaphore, #tpu.memory_space<semaphore_mem>>
    %dma_start3A_912 = tpu.memref_squeeze %dma_start3A_911 : memref<1x!tpu.dma_semaphore, #tpu.memory_space<semaphore_mem>> -> memref<!tpu.dma_semaphore, #tpu.memory_space<semaphore_mem>>
    %dma_start3A_913 = arith.constant 0 : i32
    %dma_start3A_914 = tpu.memref_slice %arg4[%dma_start3A_906, %add3A_905, %dma_start3A_913] : memref<4x8192x768xf32, #tpu.memory_space<hbm>> -> memref<1x32x768xf32, #tpu.memory_space<hbm>>
    %dma_start3A_915 = tpu.memref_squeeze %dma_start3A_914 : memref<1x32x768xf32, #tpu.memory_space<hbm>> -> memref<32x768xf32, #tpu.memory_space<hbm>>
    tpu.enqueue_dma source(%arg5 : memref<32x768xf32, #tpu.memory_space<vmem>>) target(%dma_start3A_915 : memref<32x768xf32, #tpu.memory_space<hbm>>) target_semaphore(%dma_start3A_912 : memref<!tpu.dma_semaphore, #tpu.memory_space<semaphore_mem>>)
    %dma_wait3A_916 = arith.constant 3 : i32
    %dma_wait3A_917 = arith.constant 1 : i32
    %dma_wait3A_918 = arith.constant 0 : i32
    %dma_wait3A_919 = tpu.memref_slice %arg2[%dma_wait3A_916, %add3A_893, %dma_wait3A_918] : memref<4x8192x768xf32, #tpu.memory_space<hbm>> -> memref<1x32x768xf32, #tpu.memory_space<hbm>>
    %dma_wait3A_920 = tpu.memref_squeeze %dma_wait3A_919 : memref<1x32x768xf32, #tpu.memory_space<hbm>> -> memref<32x768xf32, #tpu.memory_space<hbm>>
    %dma_wait3A_921 = tpu.memref_slice %arg10[%dma_wait3A_917] : memref<3x!tpu.dma_semaphore, #tpu.memory_space<semaphore_mem>> -> memref<1x!tpu.dma_semaphore, #tpu.memory_space<semaphore_mem>>
    %dma_wait3A_922 = tpu.memref_squeeze %dma_wait3A_921 : memref<1x!tpu.dma_semaphore, #tpu.memory_space<semaphore_mem>> -> memref<!tpu.dma_semaphore, #tpu.memory_space<semaphore_mem>>
    %dma_wait3A_923 = arith.constant 0 : i32
    %dma_wait3A_924 = tpu.memref_slice %arg2[%dma_wait3A_916, %add3A_893, %dma_wait3A_923] : memref<4x8192x768xf32, #tpu.memory_space<hbm>> -> memref<1x32x768xf32, #tpu.memory_space<hbm>>
    %dma_wait3A_925 = tpu.memref_squeeze %dma_wait3A_924 : memref<1x32x768xf32, #tpu.memory_space<hbm>> -> memref<32x768xf32, #tpu.memory_space<hbm>>
    tpu.wait_dma2 semaphore(%dma_wait3A_922 : memref<!tpu.dma_semaphore, #tpu.memory_space<semaphore_mem>>) src(%dma_wait3A_925 : memref<32x768xf32, #tpu.memory_space<hbm>>) dst(%arg6 : memref<32x768xf32, #tpu.memory_space<vmem>>)
    %dma_wait3A_926 = arith.constant 1 : i32
    %dma_wait3A_927 = arith.constant 2 : i32
    %dma_wait3A_928 = arith.constant 0 : i32
    %dma_wait3A_929 = tpu.memref_slice %arg4[%dma_wait3A_926, %add3A_861, %dma_wait3A_928] : memref<4x8192x768xf32, #tpu.memory_space<hbm>> -> memref<1x32x768xf32, #tpu.memory_space<hbm>>
    %dma_wait3A_930 = tpu.memref_squeeze %dma_wait3A_929 : memref<1x32x768xf32, #tpu.memory_space<hbm>> -> memref<32x768xf32, #tpu.memory_space<hbm>>
    %dma_wait3A_931 = tpu.memref_slice %arg11[%dma_wait3A_927] : memref<3x!tpu.dma_semaphore, #tpu.memory_space<semaphore_mem>> -> memref<1x!tpu.dma_semaphore, #tpu.memory_space<semaphore_mem>>
    %dma_wait3A_932 = tpu.memref_squeeze %dma_wait3A_931 : memref<1x!tpu.dma_semaphore, #tpu.memory_space<semaphore_mem>> -> memref<!tpu.dma_semaphore, #tpu.memory_space<semaphore_mem>>
    %dma_wait3A_933 = arith.constant 0 : i32
    %dma_wait3A_934 = tpu.memref_slice %arg4[%dma_wait3A_926, %add3A_861, %dma_wait3A_933] : memref<4x8192x768xf32, #tpu.memory_space<hbm>> -> memref<1x32x768xf32, #tpu.memory_space<hbm>>
    %dma_wait3A_935 = tpu.memref_squeeze %dma_wait3A_934 : memref<1x32x768xf32, #tpu.memory_space<hbm>> -> memref<32x768xf32, #tpu.memory_space<hbm>>
    tpu.wait_dma2 semaphore(%dma_wait3A_932 : memref<!tpu.dma_semaphore, #tpu.memory_space<semaphore_mem>>) src(%arg7 : memref<32x768xf32, #tpu.memory_space<vmem>>) dst(%dma_wait3A_935 : memref<32x768xf32, #tpu.memory_space<hbm>>)
    %add3A_936 = arith.constant 160 : i32
    %add3A_937 = arith.addi %mul3A_2, %add3A_936 : i32
    %dma_start3A_938 = arith.constant 0 : i32
    %dma_start3A_939 = arith.constant 2 : i32
    %dma_start3A_940 = arith.constant 0 : i32
    %dma_start3A_941 = tpu.memref_slice %arg2[%dma_start3A_938, %add3A_937, %dma_start3A_940] : memref<4x8192x768xf32, #tpu.memory_space<hbm>> -> memref<1x32x768xf32, #tpu.memory_space<hbm>>
    %dma_start3A_942 = tpu.memref_squeeze %dma_start3A_941 : memref<1x32x768xf32, #tpu.memory_space<hbm>> -> memref<32x768xf32, #tpu.memory_space<hbm>>
    %dma_start3A_943 = tpu.memref_slice %arg10[%dma_start3A_939] : memref<3x!tpu.dma_semaphore, #tpu.memory_space<semaphore_mem>> -> memref<1x!tpu.dma_semaphore, #tpu.memory_space<semaphore_mem>>
    %dma_start3A_944 = tpu.memref_squeeze %dma_start3A_943 : memref<1x!tpu.dma_semaphore, #tpu.memory_space<semaphore_mem>> -> memref<!tpu.dma_semaphore, #tpu.memory_space<semaphore_mem>>
    %dma_start3A_945 = arith.constant 0 : i32
    %dma_start3A_946 = tpu.memref_slice %arg2[%dma_start3A_938, %add3A_937, %dma_start3A_945] : memref<4x8192x768xf32, #tpu.memory_space<hbm>> -> memref<1x32x768xf32, #tpu.memory_space<hbm>>
    %dma_start3A_947 = tpu.memref_squeeze %dma_start3A_946 : memref<1x32x768xf32, #tpu.memory_space<hbm>> -> memref<32x768xf32, #tpu.memory_space<hbm>>
    tpu.enqueue_dma source(%dma_start3A_947 : memref<32x768xf32, #tpu.memory_space<hbm>>) target(%arg7 : memref<32x768xf32, #tpu.memory_space<vmem>>) target_semaphore(%dma_start3A_944 : memref<!tpu.dma_semaphore, #tpu.memory_space<semaphore_mem>>)
    %add3A_948 = arith.constant 128 : i32
    %add3A_949 = arith.addi %mul3A_2, %add3A_948 : i32
    %dma_start3A_950 = arith.constant 3 : i32
    %dma_start3A_951 = arith.constant 1 : i32
    %dma_start3A_952 = arith.constant 0 : i32
    %dma_start3A_953 = tpu.memref_slice %arg4[%dma_start3A_950, %add3A_949, %dma_start3A_952] : memref<4x8192x768xf32, #tpu.memory_space<hbm>> -> memref<1x32x768xf32, #tpu.memory_space<hbm>>
    %dma_start3A_954 = tpu.memref_squeeze %dma_start3A_953 : memref<1x32x768xf32, #tpu.memory_space<hbm>> -> memref<32x768xf32, #tpu.memory_space<hbm>>
    %dma_start3A_955 = tpu.memref_slice %arg11[%dma_start3A_951] : memref<3x!tpu.dma_semaphore, #tpu.memory_space<semaphore_mem>> -> memref<1x!tpu.dma_semaphore, #tpu.memory_space<semaphore_mem>>
    %dma_start3A_956 = tpu.memref_squeeze %dma_start3A_955 : memref<1x!tpu.dma_semaphore, #tpu.memory_space<semaphore_mem>> -> memref<!tpu.dma_semaphore, #tpu.memory_space<semaphore_mem>>
    %dma_start3A_957 = arith.constant 0 : i32
    %dma_start3A_958 = tpu.memref_slice %arg4[%dma_start3A_950, %add3A_949, %dma_start3A_957] : memref<4x8192x768xf32, #tpu.memory_space<hbm>> -> memref<1x32x768xf32, #tpu.memory_space<hbm>>
    %dma_start3A_959 = tpu.memref_squeeze %dma_start3A_958 : memref<1x32x768xf32, #tpu.memory_space<hbm>> -> memref<32x768xf32, #tpu.memory_space<hbm>>
    tpu.enqueue_dma source(%arg6 : memref<32x768xf32, #tpu.memory_space<vmem>>) target(%dma_start3A_959 : memref<32x768xf32, #tpu.memory_space<hbm>>) target_semaphore(%dma_start3A_956 : memref<!tpu.dma_semaphore, #tpu.memory_space<semaphore_mem>>)
    %dma_wait3A_960 = arith.constant 1 : i32
    %dma_wait3A_961 = arith.constant 0 : i32
    %dma_wait3A_962 = tpu.memref_slice %arg3[%add3A_776, %dma_wait3A_961] : memref<8192x768xf32, #tpu.memory_space<hbm>> -> memref<32x768xf32, #tpu.memory_space<hbm>>
    %dma_wait3A_963 = tpu.memref_slice %arg12[%dma_wait3A_960] : memref<2x!tpu.dma_semaphore, #tpu.memory_space<semaphore_mem>> -> memref<1x!tpu.dma_semaphore, #tpu.memory_space<semaphore_mem>>
    %dma_wait3A_964 = tpu.memref_squeeze %dma_wait3A_963 : memref<1x!tpu.dma_semaphore, #tpu.memory_space<semaphore_mem>> -> memref<!tpu.dma_semaphore, #tpu.memory_space<semaphore_mem>>
    %dma_wait3A_965 = arith.constant 0 : i32
    %dma_wait3A_966 = tpu.memref_slice %arg3[%add3A_776, %dma_wait3A_965] : memref<8192x768xf32, #tpu.memory_space<hbm>> -> memref<32x768xf32, #tpu.memory_space<hbm>>
    tpu.wait_dma2 semaphore(%dma_wait3A_964 : memref<!tpu.dma_semaphore, #tpu.memory_space<semaphore_mem>>) src(%dma_wait3A_966 : memref<32x768xf32, #tpu.memory_space<hbm>>) dst(%arg9 : memref<32x768xf32, #tpu.memory_space<vmem>>)
    %add3A_967 = arith.constant 192 : i32
    %add3A_968 = arith.addi %mul3A_2, %add3A_967 : i32
    %dma_start3A_969 = arith.constant 0 : i32
    %dma_start3A_970 = arith.constant 0 : i32
    %dma_start3A_971 = tpu.memref_slice %arg3[%add3A_968, %dma_start3A_970] : memref<8192x768xf32, #tpu.memory_space<hbm>> -> memref<32x768xf32, #tpu.memory_space<hbm>>
    %dma_start3A_972 = tpu.memref_slice %arg12[%dma_start3A_969] : memref<2x!tpu.dma_semaphore, #tpu.memory_space<semaphore_mem>> -> memref<1x!tpu.dma_semaphore, #tpu.memory_space<semaphore_mem>>
    %dma_start3A_973 = tpu.memref_squeeze %dma_start3A_972 : memref<1x!tpu.dma_semaphore, #tpu.memory_space<semaphore_mem>> -> memref<!tpu.dma_semaphore, #tpu.memory_space<semaphore_mem>>
    %dma_start3A_974 = arith.constant 0 : i32
    %dma_start3A_975 = tpu.memref_slice %arg3[%add3A_968, %dma_start3A_974] : memref<8192x768xf32, #tpu.memory_space<hbm>> -> memref<32x768xf32, #tpu.memory_space<hbm>>
    tpu.enqueue_dma source(%dma_start3A_975 : memref<32x768xf32, #tpu.memory_space<hbm>>) target(%arg8 : memref<32x768xf32, #tpu.memory_space<vmem>>) target_semaphore(%dma_start3A_973 : memref<!tpu.dma_semaphore, #tpu.memory_space<semaphore_mem>>)
    %dma_wait3A_976 = arith.constant 0 : i32
    %dma_wait3A_977 = arith.constant 2 : i32
    %dma_wait3A_978 = arith.constant 0 : i32
    %dma_wait3A_979 = tpu.memref_slice %arg2[%dma_wait3A_976, %add3A_937, %dma_wait3A_978] : memref<4x8192x768xf32, #tpu.memory_space<hbm>> -> memref<1x32x768xf32, #tpu.memory_space<hbm>>
    %dma_wait3A_980 = tpu.memref_squeeze %dma_wait3A_979 : memref<1x32x768xf32, #tpu.memory_space<hbm>> -> memref<32x768xf32, #tpu.memory_space<hbm>>
    %dma_wait3A_981 = tpu.memref_slice %arg10[%dma_wait3A_977] : memref<3x!tpu.dma_semaphore, #tpu.memory_space<semaphore_mem>> -> memref<1x!tpu.dma_semaphore, #tpu.memory_space<semaphore_mem>>
    %dma_wait3A_982 = tpu.memref_squeeze %dma_wait3A_981 : memref<1x!tpu.dma_semaphore, #tpu.memory_space<semaphore_mem>> -> memref<!tpu.dma_semaphore, #tpu.memory_space<semaphore_mem>>
    %dma_wait3A_983 = arith.constant 0 : i32
    %dma_wait3A_984 = tpu.memref_slice %arg2[%dma_wait3A_976, %add3A_937, %dma_wait3A_983] : memref<4x8192x768xf32, #tpu.memory_space<hbm>> -> memref<1x32x768xf32, #tpu.memory_space<hbm>>
    %dma_wait3A_985 = tpu.memref_squeeze %dma_wait3A_984 : memref<1x32x768xf32, #tpu.memory_space<hbm>> -> memref<32x768xf32, #tpu.memory_space<hbm>>
    tpu.wait_dma2 semaphore(%dma_wait3A_982 : memref<!tpu.dma_semaphore, #tpu.memory_space<semaphore_mem>>) src(%dma_wait3A_985 : memref<32x768xf32, #tpu.memory_space<hbm>>) dst(%arg7 : memref<32x768xf32, #tpu.memory_space<vmem>>)
    %dma_wait3A_986 = arith.constant 2 : i32
    %dma_wait3A_987 = arith.constant 0 : i32
    %dma_wait3A_988 = arith.constant 0 : i32
    %dma_wait3A_989 = tpu.memref_slice %arg4[%dma_wait3A_986, %add3A_905, %dma_wait3A_988] : memref<4x8192x768xf32, #tpu.memory_space<hbm>> -> memref<1x32x768xf32, #tpu.memory_space<hbm>>
    %dma_wait3A_990 = tpu.memref_squeeze %dma_wait3A_989 : memref<1x32x768xf32, #tpu.memory_space<hbm>> -> memref<32x768xf32, #tpu.memory_space<hbm>>
    %dma_wait3A_991 = tpu.memref_slice %arg11[%dma_wait3A_987] : memref<3x!tpu.dma_semaphore, #tpu.memory_space<semaphore_mem>> -> memref<1x!tpu.dma_semaphore, #tpu.memory_space<semaphore_mem>>
    %dma_wait3A_992 = tpu.memref_squeeze %dma_wait3A_991 : memref<1x!tpu.dma_semaphore, #tpu.memory_space<semaphore_mem>> -> memref<!tpu.dma_semaphore, #tpu.memory_space<semaphore_mem>>
    %dma_wait3A_993 = arith.constant 0 : i32
    %dma_wait3A_994 = tpu.memref_slice %arg4[%dma_wait3A_986, %add3A_905, %dma_wait3A_993] : memref<4x8192x768xf32, #tpu.memory_space<hbm>> -> memref<1x32x768xf32, #tpu.memory_space<hbm>>
    %dma_wait3A_995 = tpu.memref_squeeze %dma_wait3A_994 : memref<1x32x768xf32, #tpu.memory_space<hbm>> -> memref<32x768xf32, #tpu.memory_space<hbm>>
    tpu.wait_dma2 semaphore(%dma_wait3A_992 : memref<!tpu.dma_semaphore, #tpu.memory_space<semaphore_mem>>) src(%arg5 : memref<32x768xf32, #tpu.memory_space<vmem>>) dst(%dma_wait3A_995 : memref<32x768xf32, #tpu.memory_space<hbm>>)
    %add3A_996 = arith.constant 160 : i32
    %add3A_997 = arith.addi %mul3A_2, %add3A_996 : i32
    %dma_start3A_998 = arith.constant 1 : i32
    %dma_start3A_999 = arith.constant 0 : i32
    %dma_start3A_1000 = arith.constant 0 : i32
    %dma_start3A_1001 = tpu.memref_slice %arg2[%dma_start3A_998, %add3A_997, %dma_start3A_1000] : memref<4x8192x768xf32, #tpu.memory_space<hbm>> -> memref<1x32x768xf32, #tpu.memory_space<hbm>>
    %dma_start3A_1002 = tpu.memref_squeeze %dma_start3A_1001 : memref<1x32x768xf32, #tpu.memory_space<hbm>> -> memref<32x768xf32, #tpu.memory_space<hbm>>
    %dma_start3A_1003 = tpu.memref_slice %arg10[%dma_start3A_999] : memref<3x!tpu.dma_semaphore, #tpu.memory_space<semaphore_mem>> -> memref<1x!tpu.dma_semaphore, #tpu.memory_space<semaphore_mem>>
    %dma_start3A_1004 = tpu.memref_squeeze %dma_start3A_1003 : memref<1x!tpu.dma_semaphore, #tpu.memory_space<semaphore_mem>> -> memref<!tpu.dma_semaphore, #tpu.memory_space<semaphore_mem>>
    %dma_start3A_1005 = arith.constant 0 : i32
    %dma_start3A_1006 = tpu.memref_slice %arg2[%dma_start3A_998, %add3A_997, %dma_start3A_1005] : memref<4x8192x768xf32, #tpu.memory_space<hbm>> -> memref<1x32x768xf32, #tpu.memory_space<hbm>>
    %dma_start3A_1007 = tpu.memref_squeeze %dma_start3A_1006 : memref<1x32x768xf32, #tpu.memory_space<hbm>> -> memref<32x768xf32, #tpu.memory_space<hbm>>
    tpu.enqueue_dma source(%dma_start3A_1007 : memref<32x768xf32, #tpu.memory_space<hbm>>) target(%arg5 : memref<32x768xf32, #tpu.memory_space<vmem>>) target_semaphore(%dma_start3A_1004 : memref<!tpu.dma_semaphore, #tpu.memory_space<semaphore_mem>>)
    %add3A_1008 = arith.constant 160 : i32
    %add3A_1009 = arith.addi %mul3A_2, %add3A_1008 : i32
    %dma_start3A_1010 = arith.constant 0 : i32
    %dma_start3A_1011 = arith.constant 2 : i32
    %dma_start3A_1012 = arith.constant 0 : i32
    %dma_start3A_1013 = tpu.memref_slice %arg4[%dma_start3A_1010, %add3A_1009, %dma_start3A_1012] : memref<4x8192x768xf32, #tpu.memory_space<hbm>> -> memref<1x32x768xf32, #tpu.memory_space<hbm>>
    %dma_start3A_1014 = tpu.memref_squeeze %dma_start3A_1013 : memref<1x32x768xf32, #tpu.memory_space<hbm>> -> memref<32x768xf32, #tpu.memory_space<hbm>>
    %dma_start3A_1015 = tpu.memref_slice %arg11[%dma_start3A_1011] : memref<3x!tpu.dma_semaphore, #tpu.memory_space<semaphore_mem>> -> memref<1x!tpu.dma_semaphore, #tpu.memory_space<semaphore_mem>>
    %dma_start3A_1016 = tpu.memref_squeeze %dma_start3A_1015 : memref<1x!tpu.dma_semaphore, #tpu.memory_space<semaphore_mem>> -> memref<!tpu.dma_semaphore, #tpu.memory_space<semaphore_mem>>
    %dma_start3A_1017 = arith.constant 0 : i32
    %dma_start3A_1018 = tpu.memref_slice %arg4[%dma_start3A_1010, %add3A_1009, %dma_start3A_1017] : memref<4x8192x768xf32, #tpu.memory_space<hbm>> -> memref<1x32x768xf32, #tpu.memory_space<hbm>>
    %dma_start3A_1019 = tpu.memref_squeeze %dma_start3A_1018 : memref<1x32x768xf32, #tpu.memory_space<hbm>> -> memref<32x768xf32, #tpu.memory_space<hbm>>
    tpu.enqueue_dma source(%arg7 : memref<32x768xf32, #tpu.memory_space<vmem>>) target(%dma_start3A_1019 : memref<32x768xf32, #tpu.memory_space<hbm>>) target_semaphore(%dma_start3A_1016 : memref<!tpu.dma_semaphore, #tpu.memory_space<semaphore_mem>>)
    %dma_wait3A_1020 = arith.constant 1 : i32
    %dma_wait3A_1021 = arith.constant 0 : i32
    %dma_wait3A_1022 = arith.constant 0 : i32
    %dma_wait3A_1023 = tpu.memref_slice %arg2[%dma_wait3A_1020, %add3A_997, %dma_wait3A_1022] : memref<4x8192x768xf32, #tpu.memory_space<hbm>> -> memref<1x32x768xf32, #tpu.memory_space<hbm>>
    %dma_wait3A_1024 = tpu.memref_squeeze %dma_wait3A_1023 : memref<1x32x768xf32, #tpu.memory_space<hbm>> -> memref<32x768xf32, #tpu.memory_space<hbm>>
    %dma_wait3A_1025 = tpu.memref_slice %arg10[%dma_wait3A_1021] : memref<3x!tpu.dma_semaphore, #tpu.memory_space<semaphore_mem>> -> memref<1x!tpu.dma_semaphore, #tpu.memory_space<semaphore_mem>>
    %dma_wait3A_1026 = tpu.memref_squeeze %dma_wait3A_1025 : memref<1x!tpu.dma_semaphore, #tpu.memory_space<semaphore_mem>> -> memref<!tpu.dma_semaphore, #tpu.memory_space<semaphore_mem>>
    %dma_wait3A_1027 = arith.constant 0 : i32
    %dma_wait3A_1028 = tpu.memref_slice %arg2[%dma_wait3A_1020, %add3A_997, %dma_wait3A_1027] : memref<4x8192x768xf32, #tpu.memory_space<hbm>> -> memref<1x32x768xf32, #tpu.memory_space<hbm>>
    %dma_wait3A_1029 = tpu.memref_squeeze %dma_wait3A_1028 : memref<1x32x768xf32, #tpu.memory_space<hbm>> -> memref<32x768xf32, #tpu.memory_space<hbm>>
    tpu.wait_dma2 semaphore(%dma_wait3A_1026 : memref<!tpu.dma_semaphore, #tpu.memory_space<semaphore_mem>>) src(%dma_wait3A_1029 : memref<32x768xf32, #tpu.memory_space<hbm>>) dst(%arg5 : memref<32x768xf32, #tpu.memory_space<vmem>>)
    %dma_wait3A_1030 = arith.constant 3 : i32
    %dma_wait3A_1031 = arith.constant 1 : i32
    %dma_wait3A_1032 = arith.constant 0 : i32
    %dma_wait3A_1033 = tpu.memref_slice %arg4[%dma_wait3A_1030, %add3A_949, %dma_wait3A_1032] : memref<4x8192x768xf32, #tpu.memory_space<hbm>> -> memref<1x32x768xf32, #tpu.memory_space<hbm>>
    %dma_wait3A_1034 = tpu.memref_squeeze %dma_wait3A_1033 : memref<1x32x768xf32, #tpu.memory_space<hbm>> -> memref<32x768xf32, #tpu.memory_space<hbm>>
    %dma_wait3A_1035 = tpu.memref_slice %arg11[%dma_wait3A_1031] : memref<3x!tpu.dma_semaphore, #tpu.memory_space<semaphore_mem>> -> memref<1x!tpu.dma_semaphore, #tpu.memory_space<semaphore_mem>>
    %dma_wait3A_1036 = tpu.memref_squeeze %dma_wait3A_1035 : memref<1x!tpu.dma_semaphore, #tpu.memory_space<semaphore_mem>> -> memref<!tpu.dma_semaphore, #tpu.memory_space<semaphore_mem>>
    %dma_wait3A_1037 = arith.constant 0 : i32
    %dma_wait3A_1038 = tpu.memref_slice %arg4[%dma_wait3A_1030, %add3A_949, %dma_wait3A_1037] : memref<4x8192x768xf32, #tpu.memory_space<hbm>> -> memref<1x32x768xf32, #tpu.memory_space<hbm>>
    %dma_wait3A_1039 = tpu.memref_squeeze %dma_wait3A_1038 : memref<1x32x768xf32, #tpu.memory_space<hbm>> -> memref<32x768xf32, #tpu.memory_space<hbm>>
    tpu.wait_dma2 semaphore(%dma_wait3A_1036 : memref<!tpu.dma_semaphore, #tpu.memory_space<semaphore_mem>>) src(%arg6 : memref<32x768xf32, #tpu.memory_space<vmem>>) dst(%dma_wait3A_1039 : memref<32x768xf32, #tpu.memory_space<hbm>>)
    %add3A_1040 = arith.constant 160 : i32
    %add3A_1041 = arith.addi %mul3A_2, %add3A_1040 : i32
    %dma_start3A_1042 = arith.constant 2 : i32
    %dma_start3A_1043 = arith.constant 1 : i32
    %dma_start3A_1044 = arith.constant 0 : i32
    %dma_start3A_1045 = tpu.memref_slice %arg2[%dma_start3A_1042, %add3A_1041, %dma_start3A_1044] : memref<4x8192x768xf32, #tpu.memory_space<hbm>> -> memref<1x32x768xf32, #tpu.memory_space<hbm>>
    %dma_start3A_1046 = tpu.memref_squeeze %dma_start3A_1045 : memref<1x32x768xf32, #tpu.memory_space<hbm>> -> memref<32x768xf32, #tpu.memory_space<hbm>>
    %dma_start3A_1047 = tpu.memref_slice %arg10[%dma_start3A_1043] : memref<3x!tpu.dma_semaphore, #tpu.memory_space<semaphore_mem>> -> memref<1x!tpu.dma_semaphore, #tpu.memory_space<semaphore_mem>>
    %dma_start3A_1048 = tpu.memref_squeeze %dma_start3A_1047 : memref<1x!tpu.dma_semaphore, #tpu.memory_space<semaphore_mem>> -> memref<!tpu.dma_semaphore, #tpu.memory_space<semaphore_mem>>
    %dma_start3A_1049 = arith.constant 0 : i32
    %dma_start3A_1050 = tpu.memref_slice %arg2[%dma_start3A_1042, %add3A_1041, %dma_start3A_1049] : memref<4x8192x768xf32, #tpu.memory_space<hbm>> -> memref<1x32x768xf32, #tpu.memory_space<hbm>>
    %dma_start3A_1051 = tpu.memref_squeeze %dma_start3A_1050 : memref<1x32x768xf32, #tpu.memory_space<hbm>> -> memref<32x768xf32, #tpu.memory_space<hbm>>
    tpu.enqueue_dma source(%dma_start3A_1051 : memref<32x768xf32, #tpu.memory_space<hbm>>) target(%arg6 : memref<32x768xf32, #tpu.memory_space<vmem>>) target_semaphore(%dma_start3A_1048 : memref<!tpu.dma_semaphore, #tpu.memory_space<semaphore_mem>>)
    %add3A_1052 = arith.constant 160 : i32
    %add3A_1053 = arith.addi %mul3A_2, %add3A_1052 : i32
    %dma_start3A_1054 = arith.constant 1 : i32
    %dma_start3A_1055 = arith.constant 0 : i32
    %dma_start3A_1056 = arith.constant 0 : i32
    %dma_start3A_1057 = tpu.memref_slice %arg4[%dma_start3A_1054, %add3A_1053, %dma_start3A_1056] : memref<4x8192x768xf32, #tpu.memory_space<hbm>> -> memref<1x32x768xf32, #tpu.memory_space<hbm>>
    %dma_start3A_1058 = tpu.memref_squeeze %dma_start3A_1057 : memref<1x32x768xf32, #tpu.memory_space<hbm>> -> memref<32x768xf32, #tpu.memory_space<hbm>>
    %dma_start3A_1059 = tpu.memref_slice %arg11[%dma_start3A_1055] : memref<3x!tpu.dma_semaphore, #tpu.memory_space<semaphore_mem>> -> memref<1x!tpu.dma_semaphore, #tpu.memory_space<semaphore_mem>>
    %dma_start3A_1060 = tpu.memref_squeeze %dma_start3A_1059 : memref<1x!tpu.dma_semaphore, #tpu.memory_space<semaphore_mem>> -> memref<!tpu.dma_semaphore, #tpu.memory_space<semaphore_mem>>
    %dma_start3A_1061 = arith.constant 0 : i32
    %dma_start3A_1062 = tpu.memref_slice %arg4[%dma_start3A_1054, %add3A_1053, %dma_start3A_1061] : memref<4x8192x768xf32, #tpu.memory_space<hbm>> -> memref<1x32x768xf32, #tpu.memory_space<hbm>>
    %dma_start3A_1063 = tpu.memref_squeeze %dma_start3A_1062 : memref<1x32x768xf32, #tpu.memory_space<hbm>> -> memref<32x768xf32, #tpu.memory_space<hbm>>
    tpu.enqueue_dma source(%arg5 : memref<32x768xf32, #tpu.memory_space<vmem>>) target(%dma_start3A_1063 : memref<32x768xf32, #tpu.memory_space<hbm>>) target_semaphore(%dma_start3A_1060 : memref<!tpu.dma_semaphore, #tpu.memory_space<semaphore_mem>>)
    %dma_wait3A_1064 = arith.constant 2 : i32
    %dma_wait3A_1065 = arith.constant 1 : i32
    %dma_wait3A_1066 = arith.constant 0 : i32
    %dma_wait3A_1067 = tpu.memref_slice %arg2[%dma_wait3A_1064, %add3A_1041, %dma_wait3A_1066] : memref<4x8192x768xf32, #tpu.memory_space<hbm>> -> memref<1x32x768xf32, #tpu.memory_space<hbm>>
    %dma_wait3A_1068 = tpu.memref_squeeze %dma_wait3A_1067 : memref<1x32x768xf32, #tpu.memory_space<hbm>> -> memref<32x768xf32, #tpu.memory_space<hbm>>
    %dma_wait3A_1069 = tpu.memref_slice %arg10[%dma_wait3A_1065] : memref<3x!tpu.dma_semaphore, #tpu.memory_space<semaphore_mem>> -> memref<1x!tpu.dma_semaphore, #tpu.memory_space<semaphore_mem>>
    %dma_wait3A_1070 = tpu.memref_squeeze %dma_wait3A_1069 : memref<1x!tpu.dma_semaphore, #tpu.memory_space<semaphore_mem>> -> memref<!tpu.dma_semaphore, #tpu.memory_space<semaphore_mem>>
    %dma_wait3A_1071 = arith.constant 0 : i32
    %dma_wait3A_1072 = tpu.memref_slice %arg2[%dma_wait3A_1064, %add3A_1041, %dma_wait3A_1071] : memref<4x8192x768xf32, #tpu.memory_space<hbm>> -> memref<1x32x768xf32, #tpu.memory_space<hbm>>
    %dma_wait3A_1073 = tpu.memref_squeeze %dma_wait3A_1072 : memref<1x32x768xf32, #tpu.memory_space<hbm>> -> memref<32x768xf32, #tpu.memory_space<hbm>>
    tpu.wait_dma2 semaphore(%dma_wait3A_1070 : memref<!tpu.dma_semaphore, #tpu.memory_space<semaphore_mem>>) src(%dma_wait3A_1073 : memref<32x768xf32, #tpu.memory_space<hbm>>) dst(%arg6 : memref<32x768xf32, #tpu.memory_space<vmem>>)
    %dma_wait3A_1074 = arith.constant 0 : i32
    %dma_wait3A_1075 = arith.constant 2 : i32
    %dma_wait3A_1076 = arith.constant 0 : i32
    %dma_wait3A_1077 = tpu.memref_slice %arg4[%dma_wait3A_1074, %add3A_1009, %dma_wait3A_1076] : memref<4x8192x768xf32, #tpu.memory_space<hbm>> -> memref<1x32x768xf32, #tpu.memory_space<hbm>>
    %dma_wait3A_1078 = tpu.memref_squeeze %dma_wait3A_1077 : memref<1x32x768xf32, #tpu.memory_space<hbm>> -> memref<32x768xf32, #tpu.memory_space<hbm>>
    %dma_wait3A_1079 = tpu.memref_slice %arg11[%dma_wait3A_1075] : memref<3x!tpu.dma_semaphore, #tpu.memory_space<semaphore_mem>> -> memref<1x!tpu.dma_semaphore, #tpu.memory_space<semaphore_mem>>
    %dma_wait3A_1080 = tpu.memref_squeeze %dma_wait3A_1079 : memref<1x!tpu.dma_semaphore, #tpu.memory_space<semaphore_mem>> -> memref<!tpu.dma_semaphore, #tpu.memory_space<semaphore_mem>>
    %dma_wait3A_1081 = arith.constant 0 : i32
    %dma_wait3A_1082 = tpu.memref_slice %arg4[%dma_wait3A_1074, %add3A_1009, %dma_wait3A_1081] : memref<4x8192x768xf32, #tpu.memory_space<hbm>> -> memref<1x32x768xf32, #tpu.memory_space<hbm>>
    %dma_wait3A_1083 = tpu.memref_squeeze %dma_wait3A_1082 : memref<1x32x768xf32, #tpu.memory_space<hbm>> -> memref<32x768xf32, #tpu.memory_space<hbm>>
    tpu.wait_dma2 semaphore(%dma_wait3A_1080 : memref<!tpu.dma_semaphore, #tpu.memory_space<semaphore_mem>>) src(%arg7 : memref<32x768xf32, #tpu.memory_space<vmem>>) dst(%dma_wait3A_1083 : memref<32x768xf32, #tpu.memory_space<hbm>>)
    %add3A_1084 = arith.constant 160 : i32
    %add3A_1085 = arith.addi %mul3A_2, %add3A_1084 : i32
    %dma_start3A_1086 = arith.constant 3 : i32
    %dma_start3A_1087 = arith.constant 2 : i32
    %dma_start3A_1088 = arith.constant 0 : i32
    %dma_start3A_1089 = tpu.memref_slice %arg2[%dma_start3A_1086, %add3A_1085, %dma_start3A_1088] : memref<4x8192x768xf32, #tpu.memory_space<hbm>> -> memref<1x32x768xf32, #tpu.memory_space<hbm>>
    %dma_start3A_1090 = tpu.memref_squeeze %dma_start3A_1089 : memref<1x32x768xf32, #tpu.memory_space<hbm>> -> memref<32x768xf32, #tpu.memory_space<hbm>>
    %dma_start3A_1091 = tpu.memref_slice %arg10[%dma_start3A_1087] : memref<3x!tpu.dma_semaphore, #tpu.memory_space<semaphore_mem>> -> memref<1x!tpu.dma_semaphore, #tpu.memory_space<semaphore_mem>>
    %dma_start3A_1092 = tpu.memref_squeeze %dma_start3A_1091 : memref<1x!tpu.dma_semaphore, #tpu.memory_space<semaphore_mem>> -> memref<!tpu.dma_semaphore, #tpu.memory_space<semaphore_mem>>
    %dma_start3A_1093 = arith.constant 0 : i32
    %dma_start3A_1094 = tpu.memref_slice %arg2[%dma_start3A_1086, %add3A_1085, %dma_start3A_1093] : memref<4x8192x768xf32, #tpu.memory_space<hbm>> -> memref<1x32x768xf32, #tpu.memory_space<hbm>>
    %dma_start3A_1095 = tpu.memref_squeeze %dma_start3A_1094 : memref<1x32x768xf32, #tpu.memory_space<hbm>> -> memref<32x768xf32, #tpu.memory_space<hbm>>
    tpu.enqueue_dma source(%dma_start3A_1095 : memref<32x768xf32, #tpu.memory_space<hbm>>) target(%arg7 : memref<32x768xf32, #tpu.memory_space<vmem>>) target_semaphore(%dma_start3A_1092 : memref<!tpu.dma_semaphore, #tpu.memory_space<semaphore_mem>>)
    %add3A_1096 = arith.constant 160 : i32
    %add3A_1097 = arith.addi %mul3A_2, %add3A_1096 : i32
    %dma_start3A_1098 = arith.constant 2 : i32
    %dma_start3A_1099 = arith.constant 1 : i32
    %dma_start3A_1100 = arith.constant 0 : i32
    %dma_start3A_1101 = tpu.memref_slice %arg4[%dma_start3A_1098, %add3A_1097, %dma_start3A_1100] : memref<4x8192x768xf32, #tpu.memory_space<hbm>> -> memref<1x32x768xf32, #tpu.memory_space<hbm>>
    %dma_start3A_1102 = tpu.memref_squeeze %dma_start3A_1101 : memref<1x32x768xf32, #tpu.memory_space<hbm>> -> memref<32x768xf32, #tpu.memory_space<hbm>>
    %dma_start3A_1103 = tpu.memref_slice %arg11[%dma_start3A_1099] : memref<3x!tpu.dma_semaphore, #tpu.memory_space<semaphore_mem>> -> memref<1x!tpu.dma_semaphore, #tpu.memory_space<semaphore_mem>>
    %dma_start3A_1104 = tpu.memref_squeeze %dma_start3A_1103 : memref<1x!tpu.dma_semaphore, #tpu.memory_space<semaphore_mem>> -> memref<!tpu.dma_semaphore, #tpu.memory_space<semaphore_mem>>
    %dma_start3A_1105 = arith.constant 0 : i32
    %dma_start3A_1106 = tpu.memref_slice %arg4[%dma_start3A_1098, %add3A_1097, %dma_start3A_1105] : memref<4x8192x768xf32, #tpu.memory_space<hbm>> -> memref<1x32x768xf32, #tpu.memory_space<hbm>>
    %dma_start3A_1107 = tpu.memref_squeeze %dma_start3A_1106 : memref<1x32x768xf32, #tpu.memory_space<hbm>> -> memref<32x768xf32, #tpu.memory_space<hbm>>
    tpu.enqueue_dma source(%arg6 : memref<32x768xf32, #tpu.memory_space<vmem>>) target(%dma_start3A_1107 : memref<32x768xf32, #tpu.memory_space<hbm>>) target_semaphore(%dma_start3A_1104 : memref<!tpu.dma_semaphore, #tpu.memory_space<semaphore_mem>>)
    %dma_wait3A_1108 = arith.constant 3 : i32
    %dma_wait3A_1109 = arith.constant 2 : i32
    %dma_wait3A_1110 = arith.constant 0 : i32
    %dma_wait3A_1111 = tpu.memref_slice %arg2[%dma_wait3A_1108, %add3A_1085, %dma_wait3A_1110] : memref<4x8192x768xf32, #tpu.memory_space<hbm>> -> memref<1x32x768xf32, #tpu.memory_space<hbm>>
    %dma_wait3A_1112 = tpu.memref_squeeze %dma_wait3A_1111 : memref<1x32x768xf32, #tpu.memory_space<hbm>> -> memref<32x768xf32, #tpu.memory_space<hbm>>
    %dma_wait3A_1113 = tpu.memref_slice %arg10[%dma_wait3A_1109] : memref<3x!tpu.dma_semaphore, #tpu.memory_space<semaphore_mem>> -> memref<1x!tpu.dma_semaphore, #tpu.memory_space<semaphore_mem>>
    %dma_wait3A_1114 = tpu.memref_squeeze %dma_wait3A_1113 : memref<1x!tpu.dma_semaphore, #tpu.memory_space<semaphore_mem>> -> memref<!tpu.dma_semaphore, #tpu.memory_space<semaphore_mem>>
    %dma_wait3A_1115 = arith.constant 0 : i32
    %dma_wait3A_1116 = tpu.memref_slice %arg2[%dma_wait3A_1108, %add3A_1085, %dma_wait3A_1115] : memref<4x8192x768xf32, #tpu.memory_space<hbm>> -> memref<1x32x768xf32, #tpu.memory_space<hbm>>
    %dma_wait3A_1117 = tpu.memref_squeeze %dma_wait3A_1116 : memref<1x32x768xf32, #tpu.memory_space<hbm>> -> memref<32x768xf32, #tpu.memory_space<hbm>>
    tpu.wait_dma2 semaphore(%dma_wait3A_1114 : memref<!tpu.dma_semaphore, #tpu.memory_space<semaphore_mem>>) src(%dma_wait3A_1117 : memref<32x768xf32, #tpu.memory_space<hbm>>) dst(%arg7 : memref<32x768xf32, #tpu.memory_space<vmem>>)
    %dma_wait3A_1118 = arith.constant 1 : i32
    %dma_wait3A_1119 = arith.constant 0 : i32
    %dma_wait3A_1120 = arith.constant 0 : i32
    %dma_wait3A_1121 = tpu.memref_slice %arg4[%dma_wait3A_1118, %add3A_1053, %dma_wait3A_1120] : memref<4x8192x768xf32, #tpu.memory_space<hbm>> -> memref<1x32x768xf32, #tpu.memory_space<hbm>>
    %dma_wait3A_1122 = tpu.memref_squeeze %dma_wait3A_1121 : memref<1x32x768xf32, #tpu.memory_space<hbm>> -> memref<32x768xf32, #tpu.memory_space<hbm>>
    %dma_wait3A_1123 = tpu.memref_slice %arg11[%dma_wait3A_1119] : memref<3x!tpu.dma_semaphore, #tpu.memory_space<semaphore_mem>> -> memref<1x!tpu.dma_semaphore, #tpu.memory_space<semaphore_mem>>
    %dma_wait3A_1124 = tpu.memref_squeeze %dma_wait3A_1123 : memref<1x!tpu.dma_semaphore, #tpu.memory_space<semaphore_mem>> -> memref<!tpu.dma_semaphore, #tpu.memory_space<semaphore_mem>>
    %dma_wait3A_1125 = arith.constant 0 : i32
    %dma_wait3A_1126 = tpu.memref_slice %arg4[%dma_wait3A_1118, %add3A_1053, %dma_wait3A_1125] : memref<4x8192x768xf32, #tpu.memory_space<hbm>> -> memref<1x32x768xf32, #tpu.memory_space<hbm>>
    %dma_wait3A_1127 = tpu.memref_squeeze %dma_wait3A_1126 : memref<1x32x768xf32, #tpu.memory_space<hbm>> -> memref<32x768xf32, #tpu.memory_space<hbm>>
    tpu.wait_dma2 semaphore(%dma_wait3A_1124 : memref<!tpu.dma_semaphore, #tpu.memory_space<semaphore_mem>>) src(%arg5 : memref<32x768xf32, #tpu.memory_space<vmem>>) dst(%dma_wait3A_1127 : memref<32x768xf32, #tpu.memory_space<hbm>>)
    %add3A_1128 = arith.constant 192 : i32
    %add3A_1129 = arith.addi %mul3A_2, %add3A_1128 : i32
    %dma_start3A_1130 = arith.constant 0 : i32
    %dma_start3A_1131 = arith.constant 0 : i32
    %dma_start3A_1132 = arith.constant 0 : i32
    %dma_start3A_1133 = tpu.memref_slice %arg2[%dma_start3A_1130, %add3A_1129, %dma_start3A_1132] : memref<4x8192x768xf32, #tpu.memory_space<hbm>> -> memref<1x32x768xf32, #tpu.memory_space<hbm>>
    %dma_start3A_1134 = tpu.memref_squeeze %dma_start3A_1133 : memref<1x32x768xf32, #tpu.memory_space<hbm>> -> memref<32x768xf32, #tpu.memory_space<hbm>>
    %dma_start3A_1135 = tpu.memref_slice %arg10[%dma_start3A_1131] : memref<3x!tpu.dma_semaphore, #tpu.memory_space<semaphore_mem>> -> memref<1x!tpu.dma_semaphore, #tpu.memory_space<semaphore_mem>>
    %dma_start3A_1136 = tpu.memref_squeeze %dma_start3A_1135 : memref<1x!tpu.dma_semaphore, #tpu.memory_space<semaphore_mem>> -> memref<!tpu.dma_semaphore, #tpu.memory_space<semaphore_mem>>
    %dma_start3A_1137 = arith.constant 0 : i32
    %dma_start3A_1138 = tpu.memref_slice %arg2[%dma_start3A_1130, %add3A_1129, %dma_start3A_1137] : memref<4x8192x768xf32, #tpu.memory_space<hbm>> -> memref<1x32x768xf32, #tpu.memory_space<hbm>>
    %dma_start3A_1139 = tpu.memref_squeeze %dma_start3A_1138 : memref<1x32x768xf32, #tpu.memory_space<hbm>> -> memref<32x768xf32, #tpu.memory_space<hbm>>
    tpu.enqueue_dma source(%dma_start3A_1139 : memref<32x768xf32, #tpu.memory_space<hbm>>) target(%arg5 : memref<32x768xf32, #tpu.memory_space<vmem>>) target_semaphore(%dma_start3A_1136 : memref<!tpu.dma_semaphore, #tpu.memory_space<semaphore_mem>>)
    %add3A_1140 = arith.constant 160 : i32
    %add3A_1141 = arith.addi %mul3A_2, %add3A_1140 : i32
    %dma_start3A_1142 = arith.constant 3 : i32
    %dma_start3A_1143 = arith.constant 2 : i32
    %dma_start3A_1144 = arith.constant 0 : i32
    %dma_start3A_1145 = tpu.memref_slice %arg4[%dma_start3A_1142, %add3A_1141, %dma_start3A_1144] : memref<4x8192x768xf32, #tpu.memory_space<hbm>> -> memref<1x32x768xf32, #tpu.memory_space<hbm>>
    %dma_start3A_1146 = tpu.memref_squeeze %dma_start3A_1145 : memref<1x32x768xf32, #tpu.memory_space<hbm>> -> memref<32x768xf32, #tpu.memory_space<hbm>>
    %dma_start3A_1147 = tpu.memref_slice %arg11[%dma_start3A_1143] : memref<3x!tpu.dma_semaphore, #tpu.memory_space<semaphore_mem>> -> memref<1x!tpu.dma_semaphore, #tpu.memory_space<semaphore_mem>>
    %dma_start3A_1148 = tpu.memref_squeeze %dma_start3A_1147 : memref<1x!tpu.dma_semaphore, #tpu.memory_space<semaphore_mem>> -> memref<!tpu.dma_semaphore, #tpu.memory_space<semaphore_mem>>
    %dma_start3A_1149 = arith.constant 0 : i32
    %dma_start3A_1150 = tpu.memref_slice %arg4[%dma_start3A_1142, %add3A_1141, %dma_start3A_1149] : memref<4x8192x768xf32, #tpu.memory_space<hbm>> -> memref<1x32x768xf32, #tpu.memory_space<hbm>>
    %dma_start3A_1151 = tpu.memref_squeeze %dma_start3A_1150 : memref<1x32x768xf32, #tpu.memory_space<hbm>> -> memref<32x768xf32, #tpu.memory_space<hbm>>
    tpu.enqueue_dma source(%arg7 : memref<32x768xf32, #tpu.memory_space<vmem>>) target(%dma_start3A_1151 : memref<32x768xf32, #tpu.memory_space<hbm>>) target_semaphore(%dma_start3A_1148 : memref<!tpu.dma_semaphore, #tpu.memory_space<semaphore_mem>>)
    %dma_wait3A_1152 = arith.constant 0 : i32
    %dma_wait3A_1153 = arith.constant 0 : i32
    %dma_wait3A_1154 = tpu.memref_slice %arg3[%add3A_968, %dma_wait3A_1153] : memref<8192x768xf32, #tpu.memory_space<hbm>> -> memref<32x768xf32, #tpu.memory_space<hbm>>
    %dma_wait3A_1155 = tpu.memref_slice %arg12[%dma_wait3A_1152] : memref<2x!tpu.dma_semaphore, #tpu.memory_space<semaphore_mem>> -> memref<1x!tpu.dma_semaphore, #tpu.memory_space<semaphore_mem>>
    %dma_wait3A_1156 = tpu.memref_squeeze %dma_wait3A_1155 : memref<1x!tpu.dma_semaphore, #tpu.memory_space<semaphore_mem>> -> memref<!tpu.dma_semaphore, #tpu.memory_space<semaphore_mem>>
    %dma_wait3A_1157 = arith.constant 0 : i32
    %dma_wait3A_1158 = tpu.memref_slice %arg3[%add3A_968, %dma_wait3A_1157] : memref<8192x768xf32, #tpu.memory_space<hbm>> -> memref<32x768xf32, #tpu.memory_space<hbm>>
    tpu.wait_dma2 semaphore(%dma_wait3A_1156 : memref<!tpu.dma_semaphore, #tpu.memory_space<semaphore_mem>>) src(%dma_wait3A_1158 : memref<32x768xf32, #tpu.memory_space<hbm>>) dst(%arg8 : memref<32x768xf32, #tpu.memory_space<vmem>>)
    %add3A_1159 = arith.constant 224 : i32
    %add3A_1160 = arith.addi %mul3A_2, %add3A_1159 : i32
    %dma_start3A_1161 = arith.constant 1 : i32
    %dma_start3A_1162 = arith.constant 0 : i32
    %dma_start3A_1163 = tpu.memref_slice %arg3[%add3A_1160, %dma_start3A_1162] : memref<8192x768xf32, #tpu.memory_space<hbm>> -> memref<32x768xf32, #tpu.memory_space<hbm>>
    %dma_start3A_1164 = tpu.memref_slice %arg12[%dma_start3A_1161] : memref<2x!tpu.dma_semaphore, #tpu.memory_space<semaphore_mem>> -> memref<1x!tpu.dma_semaphore, #tpu.memory_space<semaphore_mem>>
    %dma_start3A_1165 = tpu.memref_squeeze %dma_start3A_1164 : memref<1x!tpu.dma_semaphore, #tpu.memory_space<semaphore_mem>> -> memref<!tpu.dma_semaphore, #tpu.memory_space<semaphore_mem>>
    %dma_start3A_1166 = arith.constant 0 : i32
    %dma_start3A_1167 = tpu.memref_slice %arg3[%add3A_1160, %dma_start3A_1166] : memref<8192x768xf32, #tpu.memory_space<hbm>> -> memref<32x768xf32, #tpu.memory_space<hbm>>
    tpu.enqueue_dma source(%dma_start3A_1167 : memref<32x768xf32, #tpu.memory_space<hbm>>) target(%arg9 : memref<32x768xf32, #tpu.memory_space<vmem>>) target_semaphore(%dma_start3A_1165 : memref<!tpu.dma_semaphore, #tpu.memory_space<semaphore_mem>>)
    %dma_wait3A_1168 = arith.constant 0 : i32
    %dma_wait3A_1169 = arith.constant 0 : i32
    %dma_wait3A_1170 = arith.constant 0 : i32
    %dma_wait3A_1171 = tpu.memref_slice %arg2[%dma_wait3A_1168, %add3A_1129, %dma_wait3A_1170] : memref<4x8192x768xf32, #tpu.memory_space<hbm>> -> memref<1x32x768xf32, #tpu.memory_space<hbm>>
    %dma_wait3A_1172 = tpu.memref_squeeze %dma_wait3A_1171 : memref<1x32x768xf32, #tpu.memory_space<hbm>> -> memref<32x768xf32, #tpu.memory_space<hbm>>
    %dma_wait3A_1173 = tpu.memref_slice %arg10[%dma_wait3A_1169] : memref<3x!tpu.dma_semaphore, #tpu.memory_space<semaphore_mem>> -> memref<1x!tpu.dma_semaphore, #tpu.memory_space<semaphore_mem>>
    %dma_wait3A_1174 = tpu.memref_squeeze %dma_wait3A_1173 : memref<1x!tpu.dma_semaphore, #tpu.memory_space<semaphore_mem>> -> memref<!tpu.dma_semaphore, #tpu.memory_space<semaphore_mem>>
    %dma_wait3A_1175 = arith.constant 0 : i32
    %dma_wait3A_1176 = tpu.memref_slice %arg2[%dma_wait3A_1168, %add3A_1129, %dma_wait3A_1175] : memref<4x8192x768xf32, #tpu.memory_space<hbm>> -> memref<1x32x768xf32, #tpu.memory_space<hbm>>
    %dma_wait3A_1177 = tpu.memref_squeeze %dma_wait3A_1176 : memref<1x32x768xf32, #tpu.memory_space<hbm>> -> memref<32x768xf32, #tpu.memory_space<hbm>>
    tpu.wait_dma2 semaphore(%dma_wait3A_1174 : memref<!tpu.dma_semaphore, #tpu.memory_space<semaphore_mem>>) src(%dma_wait3A_1177 : memref<32x768xf32, #tpu.memory_space<hbm>>) dst(%arg5 : memref<32x768xf32, #tpu.memory_space<vmem>>)
    %dma_wait3A_1178 = arith.constant 2 : i32
    %dma_wait3A_1179 = arith.constant 1 : i32
    %dma_wait3A_1180 = arith.constant 0 : i32
    %dma_wait3A_1181 = tpu.memref_slice %arg4[%dma_wait3A_1178, %add3A_1097, %dma_wait3A_1180] : memref<4x8192x768xf32, #tpu.memory_space<hbm>> -> memref<1x32x768xf32, #tpu.memory_space<hbm>>
    %dma_wait3A_1182 = tpu.memref_squeeze %dma_wait3A_1181 : memref<1x32x768xf32, #tpu.memory_space<hbm>> -> memref<32x768xf32, #tpu.memory_space<hbm>>
    %dma_wait3A_1183 = tpu.memref_slice %arg11[%dma_wait3A_1179] : memref<3x!tpu.dma_semaphore, #tpu.memory_space<semaphore_mem>> -> memref<1x!tpu.dma_semaphore, #tpu.memory_space<semaphore_mem>>
    %dma_wait3A_1184 = tpu.memref_squeeze %dma_wait3A_1183 : memref<1x!tpu.dma_semaphore, #tpu.memory_space<semaphore_mem>> -> memref<!tpu.dma_semaphore, #tpu.memory_space<semaphore_mem>>
    %dma_wait3A_1185 = arith.constant 0 : i32
    %dma_wait3A_1186 = tpu.memref_slice %arg4[%dma_wait3A_1178, %add3A_1097, %dma_wait3A_1185] : memref<4x8192x768xf32, #tpu.memory_space<hbm>> -> memref<1x32x768xf32, #tpu.memory_space<hbm>>
    %dma_wait3A_1187 = tpu.memref_squeeze %dma_wait3A_1186 : memref<1x32x768xf32, #tpu.memory_space<hbm>> -> memref<32x768xf32, #tpu.memory_space<hbm>>
    tpu.wait_dma2 semaphore(%dma_wait3A_1184 : memref<!tpu.dma_semaphore, #tpu.memory_space<semaphore_mem>>) src(%arg6 : memref<32x768xf32, #tpu.memory_space<vmem>>) dst(%dma_wait3A_1187 : memref<32x768xf32, #tpu.memory_space<hbm>>)
    %add3A_1188 = arith.constant 192 : i32
    %add3A_1189 = arith.addi %mul3A_2, %add3A_1188 : i32
    %dma_start3A_1190 = arith.constant 1 : i32
    %dma_start3A_1191 = arith.constant 1 : i32
    %dma_start3A_1192 = arith.constant 0 : i32
    %dma_start3A_1193 = tpu.memref_slice %arg2[%dma_start3A_1190, %add3A_1189, %dma_start3A_1192] : memref<4x8192x768xf32, #tpu.memory_space<hbm>> -> memref<1x32x768xf32, #tpu.memory_space<hbm>>
    %dma_start3A_1194 = tpu.memref_squeeze %dma_start3A_1193 : memref<1x32x768xf32, #tpu.memory_space<hbm>> -> memref<32x768xf32, #tpu.memory_space<hbm>>
    %dma_start3A_1195 = tpu.memref_slice %arg10[%dma_start3A_1191] : memref<3x!tpu.dma_semaphore, #tpu.memory_space<semaphore_mem>> -> memref<1x!tpu.dma_semaphore, #tpu.memory_space<semaphore_mem>>
    %dma_start3A_1196 = tpu.memref_squeeze %dma_start3A_1195 : memref<1x!tpu.dma_semaphore, #tpu.memory_space<semaphore_mem>> -> memref<!tpu.dma_semaphore, #tpu.memory_space<semaphore_mem>>
    %dma_start3A_1197 = arith.constant 0 : i32
    %dma_start3A_1198 = tpu.memref_slice %arg2[%dma_start3A_1190, %add3A_1189, %dma_start3A_1197] : memref<4x8192x768xf32, #tpu.memory_space<hbm>> -> memref<1x32x768xf32, #tpu.memory_space<hbm>>
    %dma_start3A_1199 = tpu.memref_squeeze %dma_start3A_1198 : memref<1x32x768xf32, #tpu.memory_space<hbm>> -> memref<32x768xf32, #tpu.memory_space<hbm>>
    tpu.enqueue_dma source(%dma_start3A_1199 : memref<32x768xf32, #tpu.memory_space<hbm>>) target(%arg6 : memref<32x768xf32, #tpu.memory_space<vmem>>) target_semaphore(%dma_start3A_1196 : memref<!tpu.dma_semaphore, #tpu.memory_space<semaphore_mem>>)
    %add3A_1200 = arith.constant 192 : i32
    %add3A_1201 = arith.addi %mul3A_2, %add3A_1200 : i32
    %dma_start3A_1202 = arith.constant 0 : i32
    %dma_start3A_1203 = arith.constant 0 : i32
    %dma_start3A_1204 = arith.constant 0 : i32
    %dma_start3A_1205 = tpu.memref_slice %arg4[%dma_start3A_1202, %add3A_1201, %dma_start3A_1204] : memref<4x8192x768xf32, #tpu.memory_space<hbm>> -> memref<1x32x768xf32, #tpu.memory_space<hbm>>
    %dma_start3A_1206 = tpu.memref_squeeze %dma_start3A_1205 : memref<1x32x768xf32, #tpu.memory_space<hbm>> -> memref<32x768xf32, #tpu.memory_space<hbm>>
    %dma_start3A_1207 = tpu.memref_slice %arg11[%dma_start3A_1203] : memref<3x!tpu.dma_semaphore, #tpu.memory_space<semaphore_mem>> -> memref<1x!tpu.dma_semaphore, #tpu.memory_space<semaphore_mem>>
    %dma_start3A_1208 = tpu.memref_squeeze %dma_start3A_1207 : memref<1x!tpu.dma_semaphore, #tpu.memory_space<semaphore_mem>> -> memref<!tpu.dma_semaphore, #tpu.memory_space<semaphore_mem>>
    %dma_start3A_1209 = arith.constant 0 : i32
    %dma_start3A_1210 = tpu.memref_slice %arg4[%dma_start3A_1202, %add3A_1201, %dma_start3A_1209] : memref<4x8192x768xf32, #tpu.memory_space<hbm>> -> memref<1x32x768xf32, #tpu.memory_space<hbm>>
    %dma_start3A_1211 = tpu.memref_squeeze %dma_start3A_1210 : memref<1x32x768xf32, #tpu.memory_space<hbm>> -> memref<32x768xf32, #tpu.memory_space<hbm>>
    tpu.enqueue_dma source(%arg5 : memref<32x768xf32, #tpu.memory_space<vmem>>) target(%dma_start3A_1211 : memref<32x768xf32, #tpu.memory_space<hbm>>) target_semaphore(%dma_start3A_1208 : memref<!tpu.dma_semaphore, #tpu.memory_space<semaphore_mem>>)
    %dma_wait3A_1212 = arith.constant 1 : i32
    %dma_wait3A_1213 = arith.constant 1 : i32
    %dma_wait3A_1214 = arith.constant 0 : i32
    %dma_wait3A_1215 = tpu.memref_slice %arg2[%dma_wait3A_1212, %add3A_1189, %dma_wait3A_1214] : memref<4x8192x768xf32, #tpu.memory_space<hbm>> -> memref<1x32x768xf32, #tpu.memory_space<hbm>>
    %dma_wait3A_1216 = tpu.memref_squeeze %dma_wait3A_1215 : memref<1x32x768xf32, #tpu.memory_space<hbm>> -> memref<32x768xf32, #tpu.memory_space<hbm>>
    %dma_wait3A_1217 = tpu.memref_slice %arg10[%dma_wait3A_1213] : memref<3x!tpu.dma_semaphore, #tpu.memory_space<semaphore_mem>> -> memref<1x!tpu.dma_semaphore, #tpu.memory_space<semaphore_mem>>
    %dma_wait3A_1218 = tpu.memref_squeeze %dma_wait3A_1217 : memref<1x!tpu.dma_semaphore, #tpu.memory_space<semaphore_mem>> -> memref<!tpu.dma_semaphore, #tpu.memory_space<semaphore_mem>>
    %dma_wait3A_1219 = arith.constant 0 : i32
    %dma_wait3A_1220 = tpu.memref_slice %arg2[%dma_wait3A_1212, %add3A_1189, %dma_wait3A_1219] : memref<4x8192x768xf32, #tpu.memory_space<hbm>> -> memref<1x32x768xf32, #tpu.memory_space<hbm>>
    %dma_wait3A_1221 = tpu.memref_squeeze %dma_wait3A_1220 : memref<1x32x768xf32, #tpu.memory_space<hbm>> -> memref<32x768xf32, #tpu.memory_space<hbm>>
    tpu.wait_dma2 semaphore(%dma_wait3A_1218 : memref<!tpu.dma_semaphore, #tpu.memory_space<semaphore_mem>>) src(%dma_wait3A_1221 : memref<32x768xf32, #tpu.memory_space<hbm>>) dst(%arg6 : memref<32x768xf32, #tpu.memory_space<vmem>>)
    %dma_wait3A_1222 = arith.constant 3 : i32
    %dma_wait3A_1223 = arith.constant 2 : i32
    %dma_wait3A_1224 = arith.constant 0 : i32
    %dma_wait3A_1225 = tpu.memref_slice %arg4[%dma_wait3A_1222, %add3A_1141, %dma_wait3A_1224] : memref<4x8192x768xf32, #tpu.memory_space<hbm>> -> memref<1x32x768xf32, #tpu.memory_space<hbm>>
    %dma_wait3A_1226 = tpu.memref_squeeze %dma_wait3A_1225 : memref<1x32x768xf32, #tpu.memory_space<hbm>> -> memref<32x768xf32, #tpu.memory_space<hbm>>
    %dma_wait3A_1227 = tpu.memref_slice %arg11[%dma_wait3A_1223] : memref<3x!tpu.dma_semaphore, #tpu.memory_space<semaphore_mem>> -> memref<1x!tpu.dma_semaphore, #tpu.memory_space<semaphore_mem>>
    %dma_wait3A_1228 = tpu.memref_squeeze %dma_wait3A_1227 : memref<1x!tpu.dma_semaphore, #tpu.memory_space<semaphore_mem>> -> memref<!tpu.dma_semaphore, #tpu.memory_space<semaphore_mem>>
    %dma_wait3A_1229 = arith.constant 0 : i32
    %dma_wait3A_1230 = tpu.memref_slice %arg4[%dma_wait3A_1222, %add3A_1141, %dma_wait3A_1229] : memref<4x8192x768xf32, #tpu.memory_space<hbm>> -> memref<1x32x768xf32, #tpu.memory_space<hbm>>
    %dma_wait3A_1231 = tpu.memref_squeeze %dma_wait3A_1230 : memref<1x32x768xf32, #tpu.memory_space<hbm>> -> memref<32x768xf32, #tpu.memory_space<hbm>>
    tpu.wait_dma2 semaphore(%dma_wait3A_1228 : memref<!tpu.dma_semaphore, #tpu.memory_space<semaphore_mem>>) src(%arg7 : memref<32x768xf32, #tpu.memory_space<vmem>>) dst(%dma_wait3A_1231 : memref<32x768xf32, #tpu.memory_space<hbm>>)
    %add3A_1232 = arith.constant 192 : i32
    %add3A_1233 = arith.addi %mul3A_2, %add3A_1232 : i32
    %dma_start3A_1234 = arith.constant 2 : i32
    %dma_start3A_1235 = arith.constant 2 : i32
    %dma_start3A_1236 = arith.constant 0 : i32
    %dma_start3A_1237 = tpu.memref_slice %arg2[%dma_start3A_1234, %add3A_1233, %dma_start3A_1236] : memref<4x8192x768xf32, #tpu.memory_space<hbm>> -> memref<1x32x768xf32, #tpu.memory_space<hbm>>
    %dma_start3A_1238 = tpu.memref_squeeze %dma_start3A_1237 : memref<1x32x768xf32, #tpu.memory_space<hbm>> -> memref<32x768xf32, #tpu.memory_space<hbm>>
    %dma_start3A_1239 = tpu.memref_slice %arg10[%dma_start3A_1235] : memref<3x!tpu.dma_semaphore, #tpu.memory_space<semaphore_mem>> -> memref<1x!tpu.dma_semaphore, #tpu.memory_space<semaphore_mem>>
    %dma_start3A_1240 = tpu.memref_squeeze %dma_start3A_1239 : memref<1x!tpu.dma_semaphore, #tpu.memory_space<semaphore_mem>> -> memref<!tpu.dma_semaphore, #tpu.memory_space<semaphore_mem>>
    %dma_start3A_1241 = arith.constant 0 : i32
    %dma_start3A_1242 = tpu.memref_slice %arg2[%dma_start3A_1234, %add3A_1233, %dma_start3A_1241] : memref<4x8192x768xf32, #tpu.memory_space<hbm>> -> memref<1x32x768xf32, #tpu.memory_space<hbm>>
    %dma_start3A_1243 = tpu.memref_squeeze %dma_start3A_1242 : memref<1x32x768xf32, #tpu.memory_space<hbm>> -> memref<32x768xf32, #tpu.memory_space<hbm>>
    tpu.enqueue_dma source(%dma_start3A_1243 : memref<32x768xf32, #tpu.memory_space<hbm>>) target(%arg7 : memref<32x768xf32, #tpu.memory_space<vmem>>) target_semaphore(%dma_start3A_1240 : memref<!tpu.dma_semaphore, #tpu.memory_space<semaphore_mem>>)
    %add3A_1244 = arith.constant 192 : i32
    %add3A_1245 = arith.addi %mul3A_2, %add3A_1244 : i32
    %dma_start3A_1246 = arith.constant 1 : i32
    %dma_start3A_1247 = arith.constant 1 : i32
    %dma_start3A_1248 = arith.constant 0 : i32
    %dma_start3A_1249 = tpu.memref_slice %arg4[%dma_start3A_1246, %add3A_1245, %dma_start3A_1248] : memref<4x8192x768xf32, #tpu.memory_space<hbm>> -> memref<1x32x768xf32, #tpu.memory_space<hbm>>
    %dma_start3A_1250 = tpu.memref_squeeze %dma_start3A_1249 : memref<1x32x768xf32, #tpu.memory_space<hbm>> -> memref<32x768xf32, #tpu.memory_space<hbm>>
    %dma_start3A_1251 = tpu.memref_slice %arg11[%dma_start3A_1247] : memref<3x!tpu.dma_semaphore, #tpu.memory_space<semaphore_mem>> -> memref<1x!tpu.dma_semaphore, #tpu.memory_space<semaphore_mem>>
    %dma_start3A_1252 = tpu.memref_squeeze %dma_start3A_1251 : memref<1x!tpu.dma_semaphore, #tpu.memory_space<semaphore_mem>> -> memref<!tpu.dma_semaphore, #tpu.memory_space<semaphore_mem>>
    %dma_start3A_1253 = arith.constant 0 : i32
    %dma_start3A_1254 = tpu.memref_slice %arg4[%dma_start3A_1246, %add3A_1245, %dma_start3A_1253] : memref<4x8192x768xf32, #tpu.memory_space<hbm>> -> memref<1x32x768xf32, #tpu.memory_space<hbm>>
    %dma_start3A_1255 = tpu.memref_squeeze %dma_start3A_1254 : memref<1x32x768xf32, #tpu.memory_space<hbm>> -> memref<32x768xf32, #tpu.memory_space<hbm>>
    tpu.enqueue_dma source(%arg6 : memref<32x768xf32, #tpu.memory_space<vmem>>) target(%dma_start3A_1255 : memref<32x768xf32, #tpu.memory_space<hbm>>) target_semaphore(%dma_start3A_1252 : memref<!tpu.dma_semaphore, #tpu.memory_space<semaphore_mem>>)
    %dma_wait3A_1256 = arith.constant 2 : i32
    %dma_wait3A_1257 = arith.constant 2 : i32
    %dma_wait3A_1258 = arith.constant 0 : i32
    %dma_wait3A_1259 = tpu.memref_slice %arg2[%dma_wait3A_1256, %add3A_1233, %dma_wait3A_1258] : memref<4x8192x768xf32, #tpu.memory_space<hbm>> -> memref<1x32x768xf32, #tpu.memory_space<hbm>>
    %dma_wait3A_1260 = tpu.memref_squeeze %dma_wait3A_1259 : memref<1x32x768xf32, #tpu.memory_space<hbm>> -> memref<32x768xf32, #tpu.memory_space<hbm>>
    %dma_wait3A_1261 = tpu.memref_slice %arg10[%dma_wait3A_1257] : memref<3x!tpu.dma_semaphore, #tpu.memory_space<semaphore_mem>> -> memref<1x!tpu.dma_semaphore, #tpu.memory_space<semaphore_mem>>
    %dma_wait3A_1262 = tpu.memref_squeeze %dma_wait3A_1261 : memref<1x!tpu.dma_semaphore, #tpu.memory_space<semaphore_mem>> -> memref<!tpu.dma_semaphore, #tpu.memory_space<semaphore_mem>>
    %dma_wait3A_1263 = arith.constant 0 : i32
    %dma_wait3A_1264 = tpu.memref_slice %arg2[%dma_wait3A_1256, %add3A_1233, %dma_wait3A_1263] : memref<4x8192x768xf32, #tpu.memory_space<hbm>> -> memref<1x32x768xf32, #tpu.memory_space<hbm>>
    %dma_wait3A_1265 = tpu.memref_squeeze %dma_wait3A_1264 : memref<1x32x768xf32, #tpu.memory_space<hbm>> -> memref<32x768xf32, #tpu.memory_space<hbm>>
    tpu.wait_dma2 semaphore(%dma_wait3A_1262 : memref<!tpu.dma_semaphore, #tpu.memory_space<semaphore_mem>>) src(%dma_wait3A_1265 : memref<32x768xf32, #tpu.memory_space<hbm>>) dst(%arg7 : memref<32x768xf32, #tpu.memory_space<vmem>>)
    %dma_wait3A_1266 = arith.constant 0 : i32
    %dma_wait3A_1267 = arith.constant 0 : i32
    %dma_wait3A_1268 = arith.constant 0 : i32
    %dma_wait3A_1269 = tpu.memref_slice %arg4[%dma_wait3A_1266, %add3A_1201, %dma_wait3A_1268] : memref<4x8192x768xf32, #tpu.memory_space<hbm>> -> memref<1x32x768xf32, #tpu.memory_space<hbm>>
    %dma_wait3A_1270 = tpu.memref_squeeze %dma_wait3A_1269 : memref<1x32x768xf32, #tpu.memory_space<hbm>> -> memref<32x768xf32, #tpu.memory_space<hbm>>
    %dma_wait3A_1271 = tpu.memref_slice %arg11[%dma_wait3A_1267] : memref<3x!tpu.dma_semaphore, #tpu.memory_space<semaphore_mem>> -> memref<1x!tpu.dma_semaphore, #tpu.memory_space<semaphore_mem>>
    %dma_wait3A_1272 = tpu.memref_squeeze %dma_wait3A_1271 : memref<1x!tpu.dma_semaphore, #tpu.memory_space<semaphore_mem>> -> memref<!tpu.dma_semaphore, #tpu.memory_space<semaphore_mem>>
    %dma_wait3A_1273 = arith.constant 0 : i32
    %dma_wait3A_1274 = tpu.memref_slice %arg4[%dma_wait3A_1266, %add3A_1201, %dma_wait3A_1273] : memref<4x8192x768xf32, #tpu.memory_space<hbm>> -> memref<1x32x768xf32, #tpu.memory_space<hbm>>
    %dma_wait3A_1275 = tpu.memref_squeeze %dma_wait3A_1274 : memref<1x32x768xf32, #tpu.memory_space<hbm>> -> memref<32x768xf32, #tpu.memory_space<hbm>>
    tpu.wait_dma2 semaphore(%dma_wait3A_1272 : memref<!tpu.dma_semaphore, #tpu.memory_space<semaphore_mem>>) src(%arg5 : memref<32x768xf32, #tpu.memory_space<vmem>>) dst(%dma_wait3A_1275 : memref<32x768xf32, #tpu.memory_space<hbm>>)
    %add3A_1276 = arith.constant 192 : i32
    %add3A_1277 = arith.addi %mul3A_2, %add3A_1276 : i32
    %dma_start3A_1278 = arith.constant 3 : i32
    %dma_start3A_1279 = arith.constant 0 : i32
    %dma_start3A_1280 = arith.constant 0 : i32
    %dma_start3A_1281 = tpu.memref_slice %arg2[%dma_start3A_1278, %add3A_1277, %dma_start3A_1280] : memref<4x8192x768xf32, #tpu.memory_space<hbm>> -> memref<1x32x768xf32, #tpu.memory_space<hbm>>
    %dma_start3A_1282 = tpu.memref_squeeze %dma_start3A_1281 : memref<1x32x768xf32, #tpu.memory_space<hbm>> -> memref<32x768xf32, #tpu.memory_space<hbm>>
    %dma_start3A_1283 = tpu.memref_slice %arg10[%dma_start3A_1279] : memref<3x!tpu.dma_semaphore, #tpu.memory_space<semaphore_mem>> -> memref<1x!tpu.dma_semaphore, #tpu.memory_space<semaphore_mem>>
    %dma_start3A_1284 = tpu.memref_squeeze %dma_start3A_1283 : memref<1x!tpu.dma_semaphore, #tpu.memory_space<semaphore_mem>> -> memref<!tpu.dma_semaphore, #tpu.memory_space<semaphore_mem>>
    %dma_start3A_1285 = arith.constant 0 : i32
    %dma_start3A_1286 = tpu.memref_slice %arg2[%dma_start3A_1278, %add3A_1277, %dma_start3A_1285] : memref<4x8192x768xf32, #tpu.memory_space<hbm>> -> memref<1x32x768xf32, #tpu.memory_space<hbm>>
    %dma_start3A_1287 = tpu.memref_squeeze %dma_start3A_1286 : memref<1x32x768xf32, #tpu.memory_space<hbm>> -> memref<32x768xf32, #tpu.memory_space<hbm>>
    tpu.enqueue_dma source(%dma_start3A_1287 : memref<32x768xf32, #tpu.memory_space<hbm>>) target(%arg5 : memref<32x768xf32, #tpu.memory_space<vmem>>) target_semaphore(%dma_start3A_1284 : memref<!tpu.dma_semaphore, #tpu.memory_space<semaphore_mem>>)
    %add3A_1288 = arith.constant 192 : i32
    %add3A_1289 = arith.addi %mul3A_2, %add3A_1288 : i32
    %dma_start3A_1290 = arith.constant 2 : i32
    %dma_start3A_1291 = arith.constant 2 : i32
    %dma_start3A_1292 = arith.constant 0 : i32
    %dma_start3A_1293 = tpu.memref_slice %arg4[%dma_start3A_1290, %add3A_1289, %dma_start3A_1292] : memref<4x8192x768xf32, #tpu.memory_space<hbm>> -> memref<1x32x768xf32, #tpu.memory_space<hbm>>
    %dma_start3A_1294 = tpu.memref_squeeze %dma_start3A_1293 : memref<1x32x768xf32, #tpu.memory_space<hbm>> -> memref<32x768xf32, #tpu.memory_space<hbm>>
    %dma_start3A_1295 = tpu.memref_slice %arg11[%dma_start3A_1291] : memref<3x!tpu.dma_semaphore, #tpu.memory_space<semaphore_mem>> -> memref<1x!tpu.dma_semaphore, #tpu.memory_space<semaphore_mem>>
    %dma_start3A_1296 = tpu.memref_squeeze %dma_start3A_1295 : memref<1x!tpu.dma_semaphore, #tpu.memory_space<semaphore_mem>> -> memref<!tpu.dma_semaphore, #tpu.memory_space<semaphore_mem>>
    %dma_start3A_1297 = arith.constant 0 : i32
    %dma_start3A_1298 = tpu.memref_slice %arg4[%dma_start3A_1290, %add3A_1289, %dma_start3A_1297] : memref<4x8192x768xf32, #tpu.memory_space<hbm>> -> memref<1x32x768xf32, #tpu.memory_space<hbm>>
    %dma_start3A_1299 = tpu.memref_squeeze %dma_start3A_1298 : memref<1x32x768xf32, #tpu.memory_space<hbm>> -> memref<32x768xf32, #tpu.memory_space<hbm>>
    tpu.enqueue_dma source(%arg7 : memref<32x768xf32, #tpu.memory_space<vmem>>) target(%dma_start3A_1299 : memref<32x768xf32, #tpu.memory_space<hbm>>) target_semaphore(%dma_start3A_1296 : memref<!tpu.dma_semaphore, #tpu.memory_space<semaphore_mem>>)
    %dma_wait3A_1300 = arith.constant 3 : i32
    %dma_wait3A_1301 = arith.constant 0 : i32
    %dma_wait3A_1302 = arith.constant 0 : i32
    %dma_wait3A_1303 = tpu.memref_slice %arg2[%dma_wait3A_1300, %add3A_1277, %dma_wait3A_1302] : memref<4x8192x768xf32, #tpu.memory_space<hbm>> -> memref<1x32x768xf32, #tpu.memory_space<hbm>>
    %dma_wait3A_1304 = tpu.memref_squeeze %dma_wait3A_1303 : memref<1x32x768xf32, #tpu.memory_space<hbm>> -> memref<32x768xf32, #tpu.memory_space<hbm>>
    %dma_wait3A_1305 = tpu.memref_slice %arg10[%dma_wait3A_1301] : memref<3x!tpu.dma_semaphore, #tpu.memory_space<semaphore_mem>> -> memref<1x!tpu.dma_semaphore, #tpu.memory_space<semaphore_mem>>
    %dma_wait3A_1306 = tpu.memref_squeeze %dma_wait3A_1305 : memref<1x!tpu.dma_semaphore, #tpu.memory_space<semaphore_mem>> -> memref<!tpu.dma_semaphore, #tpu.memory_space<semaphore_mem>>
    %dma_wait3A_1307 = arith.constant 0 : i32
    %dma_wait3A_1308 = tpu.memref_slice %arg2[%dma_wait3A_1300, %add3A_1277, %dma_wait3A_1307] : memref<4x8192x768xf32, #tpu.memory_space<hbm>> -> memref<1x32x768xf32, #tpu.memory_space<hbm>>
    %dma_wait3A_1309 = tpu.memref_squeeze %dma_wait3A_1308 : memref<1x32x768xf32, #tpu.memory_space<hbm>> -> memref<32x768xf32, #tpu.memory_space<hbm>>
    tpu.wait_dma2 semaphore(%dma_wait3A_1306 : memref<!tpu.dma_semaphore, #tpu.memory_space<semaphore_mem>>) src(%dma_wait3A_1309 : memref<32x768xf32, #tpu.memory_space<hbm>>) dst(%arg5 : memref<32x768xf32, #tpu.memory_space<vmem>>)
    %dma_wait3A_1310 = arith.constant 1 : i32
    %dma_wait3A_1311 = arith.constant 1 : i32
    %dma_wait3A_1312 = arith.constant 0 : i32
    %dma_wait3A_1313 = tpu.memref_slice %arg4[%dma_wait3A_1310, %add3A_1245, %dma_wait3A_1312] : memref<4x8192x768xf32, #tpu.memory_space<hbm>> -> memref<1x32x768xf32, #tpu.memory_space<hbm>>
    %dma_wait3A_1314 = tpu.memref_squeeze %dma_wait3A_1313 : memref<1x32x768xf32, #tpu.memory_space<hbm>> -> memref<32x768xf32, #tpu.memory_space<hbm>>
    %dma_wait3A_1315 = tpu.memref_slice %arg11[%dma_wait3A_1311] : memref<3x!tpu.dma_semaphore, #tpu.memory_space<semaphore_mem>> -> memref<1x!tpu.dma_semaphore, #tpu.memory_space<semaphore_mem>>
    %dma_wait3A_1316 = tpu.memref_squeeze %dma_wait3A_1315 : memref<1x!tpu.dma_semaphore, #tpu.memory_space<semaphore_mem>> -> memref<!tpu.dma_semaphore, #tpu.memory_space<semaphore_mem>>
    %dma_wait3A_1317 = arith.constant 0 : i32
    %dma_wait3A_1318 = tpu.memref_slice %arg4[%dma_wait3A_1310, %add3A_1245, %dma_wait3A_1317] : memref<4x8192x768xf32, #tpu.memory_space<hbm>> -> memref<1x32x768xf32, #tpu.memory_space<hbm>>
    %dma_wait3A_1319 = tpu.memref_squeeze %dma_wait3A_1318 : memref<1x32x768xf32, #tpu.memory_space<hbm>> -> memref<32x768xf32, #tpu.memory_space<hbm>>
    tpu.wait_dma2 semaphore(%dma_wait3A_1316 : memref<!tpu.dma_semaphore, #tpu.memory_space<semaphore_mem>>) src(%arg6 : memref<32x768xf32, #tpu.memory_space<vmem>>) dst(%dma_wait3A_1319 : memref<32x768xf32, #tpu.memory_space<hbm>>)
    %add3A_1320 = arith.constant 224 : i32
    %add3A_1321 = arith.addi %mul3A_2, %add3A_1320 : i32
    %dma_start3A_1322 = arith.constant 0 : i32
    %dma_start3A_1323 = arith.constant 1 : i32
    %dma_start3A_1324 = arith.constant 0 : i32
    %dma_start3A_1325 = tpu.memref_slice %arg2[%dma_start3A_1322, %add3A_1321, %dma_start3A_1324] : memref<4x8192x768xf32, #tpu.memory_space<hbm>> -> memref<1x32x768xf32, #tpu.memory_space<hbm>>
    %dma_start3A_1326 = tpu.memref_squeeze %dma_start3A_1325 : memref<1x32x768xf32, #tpu.memory_space<hbm>> -> memref<32x768xf32, #tpu.memory_space<hbm>>
    %dma_start3A_1327 = tpu.memref_slice %arg10[%dma_start3A_1323] : memref<3x!tpu.dma_semaphore, #tpu.memory_space<semaphore_mem>> -> memref<1x!tpu.dma_semaphore, #tpu.memory_space<semaphore_mem>>
    %dma_start3A_1328 = tpu.memref_squeeze %dma_start3A_1327 : memref<1x!tpu.dma_semaphore, #tpu.memory_space<semaphore_mem>> -> memref<!tpu.dma_semaphore, #tpu.memory_space<semaphore_mem>>
    %dma_start3A_1329 = arith.constant 0 : i32
    %dma_start3A_1330 = tpu.memref_slice %arg2[%dma_start3A_1322, %add3A_1321, %dma_start3A_1329] : memref<4x8192x768xf32, #tpu.memory_space<hbm>> -> memref<1x32x768xf32, #tpu.memory_space<hbm>>
    %dma_start3A_1331 = tpu.memref_squeeze %dma_start3A_1330 : memref<1x32x768xf32, #tpu.memory_space<hbm>> -> memref<32x768xf32, #tpu.memory_space<hbm>>
    tpu.enqueue_dma source(%dma_start3A_1331 : memref<32x768xf32, #tpu.memory_space<hbm>>) target(%arg6 : memref<32x768xf32, #tpu.memory_space<vmem>>) target_semaphore(%dma_start3A_1328 : memref<!tpu.dma_semaphore, #tpu.memory_space<semaphore_mem>>)
    %add3A_1332 = arith.constant 192 : i32
    %add3A_1333 = arith.addi %mul3A_2, %add3A_1332 : i32
    %dma_start3A_1334 = arith.constant 3 : i32
    %dma_start3A_1335 = arith.constant 0 : i32
    %dma_start3A_1336 = arith.constant 0 : i32
    %dma_start3A_1337 = tpu.memref_slice %arg4[%dma_start3A_1334, %add3A_1333, %dma_start3A_1336] : memref<4x8192x768xf32, #tpu.memory_space<hbm>> -> memref<1x32x768xf32, #tpu.memory_space<hbm>>
    %dma_start3A_1338 = tpu.memref_squeeze %dma_start3A_1337 : memref<1x32x768xf32, #tpu.memory_space<hbm>> -> memref<32x768xf32, #tpu.memory_space<hbm>>
    %dma_start3A_1339 = tpu.memref_slice %arg11[%dma_start3A_1335] : memref<3x!tpu.dma_semaphore, #tpu.memory_space<semaphore_mem>> -> memref<1x!tpu.dma_semaphore, #tpu.memory_space<semaphore_mem>>
    %dma_start3A_1340 = tpu.memref_squeeze %dma_start3A_1339 : memref<1x!tpu.dma_semaphore, #tpu.memory_space<semaphore_mem>> -> memref<!tpu.dma_semaphore, #tpu.memory_space<semaphore_mem>>
    %dma_start3A_1341 = arith.constant 0 : i32
    %dma_start3A_1342 = tpu.memref_slice %arg4[%dma_start3A_1334, %add3A_1333, %dma_start3A_1341] : memref<4x8192x768xf32, #tpu.memory_space<hbm>> -> memref<1x32x768xf32, #tpu.memory_space<hbm>>
    %dma_start3A_1343 = tpu.memref_squeeze %dma_start3A_1342 : memref<1x32x768xf32, #tpu.memory_space<hbm>> -> memref<32x768xf32, #tpu.memory_space<hbm>>
    tpu.enqueue_dma source(%arg5 : memref<32x768xf32, #tpu.memory_space<vmem>>) target(%dma_start3A_1343 : memref<32x768xf32, #tpu.memory_space<hbm>>) target_semaphore(%dma_start3A_1340 : memref<!tpu.dma_semaphore, #tpu.memory_space<semaphore_mem>>)
    %dma_wait3A_1344 = arith.constant 1 : i32
    %dma_wait3A_1345 = arith.constant 0 : i32
    %dma_wait3A_1346 = tpu.memref_slice %arg3[%add3A_1160, %dma_wait3A_1345] : memref<8192x768xf32, #tpu.memory_space<hbm>> -> memref<32x768xf32, #tpu.memory_space<hbm>>
    %dma_wait3A_1347 = tpu.memref_slice %arg12[%dma_wait3A_1344] : memref<2x!tpu.dma_semaphore, #tpu.memory_space<semaphore_mem>> -> memref<1x!tpu.dma_semaphore, #tpu.memory_space<semaphore_mem>>
    %dma_wait3A_1348 = tpu.memref_squeeze %dma_wait3A_1347 : memref<1x!tpu.dma_semaphore, #tpu.memory_space<semaphore_mem>> -> memref<!tpu.dma_semaphore, #tpu.memory_space<semaphore_mem>>
    %dma_wait3A_1349 = arith.constant 0 : i32
    %dma_wait3A_1350 = tpu.memref_slice %arg3[%add3A_1160, %dma_wait3A_1349] : memref<8192x768xf32, #tpu.memory_space<hbm>> -> memref<32x768xf32, #tpu.memory_space<hbm>>
    tpu.wait_dma2 semaphore(%dma_wait3A_1348 : memref<!tpu.dma_semaphore, #tpu.memory_space<semaphore_mem>>) src(%dma_wait3A_1350 : memref<32x768xf32, #tpu.memory_space<hbm>>) dst(%arg9 : memref<32x768xf32, #tpu.memory_space<vmem>>)
    %dma_wait3A_1351 = arith.constant 0 : i32
    %dma_wait3A_1352 = arith.constant 1 : i32
    %dma_wait3A_1353 = arith.constant 0 : i32
    %dma_wait3A_1354 = tpu.memref_slice %arg2[%dma_wait3A_1351, %add3A_1321, %dma_wait3A_1353] : memref<4x8192x768xf32, #tpu.memory_space<hbm>> -> memref<1x32x768xf32, #tpu.memory_space<hbm>>
    %dma_wait3A_1355 = tpu.memref_squeeze %dma_wait3A_1354 : memref<1x32x768xf32, #tpu.memory_space<hbm>> -> memref<32x768xf32, #tpu.memory_space<hbm>>
    %dma_wait3A_1356 = tpu.memref_slice %arg10[%dma_wait3A_1352] : memref<3x!tpu.dma_semaphore, #tpu.memory_space<semaphore_mem>> -> memref<1x!tpu.dma_semaphore, #tpu.memory_space<semaphore_mem>>
    %dma_wait3A_1357 = tpu.memref_squeeze %dma_wait3A_1356 : memref<1x!tpu.dma_semaphore, #tpu.memory_space<semaphore_mem>> -> memref<!tpu.dma_semaphore, #tpu.memory_space<semaphore_mem>>
    %dma_wait3A_1358 = arith.constant 0 : i32
    %dma_wait3A_1359 = tpu.memref_slice %arg2[%dma_wait3A_1351, %add3A_1321, %dma_wait3A_1358] : memref<4x8192x768xf32, #tpu.memory_space<hbm>> -> memref<1x32x768xf32, #tpu.memory_space<hbm>>
    %dma_wait3A_1360 = tpu.memref_squeeze %dma_wait3A_1359 : memref<1x32x768xf32, #tpu.memory_space<hbm>> -> memref<32x768xf32, #tpu.memory_space<hbm>>
    tpu.wait_dma2 semaphore(%dma_wait3A_1357 : memref<!tpu.dma_semaphore, #tpu.memory_space<semaphore_mem>>) src(%dma_wait3A_1360 : memref<32x768xf32, #tpu.memory_space<hbm>>) dst(%arg6 : memref<32x768xf32, #tpu.memory_space<vmem>>)
    %dma_wait3A_1361 = arith.constant 2 : i32
    %dma_wait3A_1362 = arith.constant 2 : i32
    %dma_wait3A_1363 = arith.constant 0 : i32
    %dma_wait3A_1364 = tpu.memref_slice %arg4[%dma_wait3A_1361, %add3A_1289, %dma_wait3A_1363] : memref<4x8192x768xf32, #tpu.memory_space<hbm>> -> memref<1x32x768xf32, #tpu.memory_space<hbm>>
    %dma_wait3A_1365 = tpu.memref_squeeze %dma_wait3A_1364 : memref<1x32x768xf32, #tpu.memory_space<hbm>> -> memref<32x768xf32, #tpu.memory_space<hbm>>
    %dma_wait3A_1366 = tpu.memref_slice %arg11[%dma_wait3A_1362] : memref<3x!tpu.dma_semaphore, #tpu.memory_space<semaphore_mem>> -> memref<1x!tpu.dma_semaphore, #tpu.memory_space<semaphore_mem>>
    %dma_wait3A_1367 = tpu.memref_squeeze %dma_wait3A_1366 : memref<1x!tpu.dma_semaphore, #tpu.memory_space<semaphore_mem>> -> memref<!tpu.dma_semaphore, #tpu.memory_space<semaphore_mem>>
    %dma_wait3A_1368 = arith.constant 0 : i32
    %dma_wait3A_1369 = tpu.memref_slice %arg4[%dma_wait3A_1361, %add3A_1289, %dma_wait3A_1368] : memref<4x8192x768xf32, #tpu.memory_space<hbm>> -> memref<1x32x768xf32, #tpu.memory_space<hbm>>
    %dma_wait3A_1370 = tpu.memref_squeeze %dma_wait3A_1369 : memref<1x32x768xf32, #tpu.memory_space<hbm>> -> memref<32x768xf32, #tpu.memory_space<hbm>>
    tpu.wait_dma2 semaphore(%dma_wait3A_1367 : memref<!tpu.dma_semaphore, #tpu.memory_space<semaphore_mem>>) src(%arg7 : memref<32x768xf32, #tpu.memory_space<vmem>>) dst(%dma_wait3A_1370 : memref<32x768xf32, #tpu.memory_space<hbm>>)
    %add3A_1371 = arith.constant 224 : i32
    %add3A_1372 = arith.addi %mul3A_2, %add3A_1371 : i32
    %dma_start3A_1373 = arith.constant 1 : i32
    %dma_start3A_1374 = arith.constant 2 : i32
    %dma_start3A_1375 = arith.constant 0 : i32
    %dma_start3A_1376 = tpu.memref_slice %arg2[%dma_start3A_1373, %add3A_1372, %dma_start3A_1375] : memref<4x8192x768xf32, #tpu.memory_space<hbm>> -> memref<1x32x768xf32, #tpu.memory_space<hbm>>
    %dma_start3A_1377 = tpu.memref_squeeze %dma_start3A_1376 : memref<1x32x768xf32, #tpu.memory_space<hbm>> -> memref<32x768xf32, #tpu.memory_space<hbm>>
    %dma_start3A_1378 = tpu.memref_slice %arg10[%dma_start3A_1374] : memref<3x!tpu.dma_semaphore, #tpu.memory_space<semaphore_mem>> -> memref<1x!tpu.dma_semaphore, #tpu.memory_space<semaphore_mem>>
    %dma_start3A_1379 = tpu.memref_squeeze %dma_start3A_1378 : memref<1x!tpu.dma_semaphore, #tpu.memory_space<semaphore_mem>> -> memref<!tpu.dma_semaphore, #tpu.memory_space<semaphore_mem>>
    %dma_start3A_1380 = arith.constant 0 : i32
    %dma_start3A_1381 = tpu.memref_slice %arg2[%dma_start3A_1373, %add3A_1372, %dma_start3A_1380] : memref<4x8192x768xf32, #tpu.memory_space<hbm>> -> memref<1x32x768xf32, #tpu.memory_space<hbm>>
    %dma_start3A_1382 = tpu.memref_squeeze %dma_start3A_1381 : memref<1x32x768xf32, #tpu.memory_space<hbm>> -> memref<32x768xf32, #tpu.memory_space<hbm>>
    tpu.enqueue_dma source(%dma_start3A_1382 : memref<32x768xf32, #tpu.memory_space<hbm>>) target(%arg7 : memref<32x768xf32, #tpu.memory_space<vmem>>) target_semaphore(%dma_start3A_1379 : memref<!tpu.dma_semaphore, #tpu.memory_space<semaphore_mem>>)
    %add3A_1383 = arith.constant 224 : i32
    %add3A_1384 = arith.addi %mul3A_2, %add3A_1383 : i32
    %dma_start3A_1385 = arith.constant 0 : i32
    %dma_start3A_1386 = arith.constant 1 : i32
    %dma_start3A_1387 = arith.constant 0 : i32
    %dma_start3A_1388 = tpu.memref_slice %arg4[%dma_start3A_1385, %add3A_1384, %dma_start3A_1387] : memref<4x8192x768xf32, #tpu.memory_space<hbm>> -> memref<1x32x768xf32, #tpu.memory_space<hbm>>
    %dma_start3A_1389 = tpu.memref_squeeze %dma_start3A_1388 : memref<1x32x768xf32, #tpu.memory_space<hbm>> -> memref<32x768xf32, #tpu.memory_space<hbm>>
    %dma_start3A_1390 = tpu.memref_slice %arg11[%dma_start3A_1386] : memref<3x!tpu.dma_semaphore, #tpu.memory_space<semaphore_mem>> -> memref<1x!tpu.dma_semaphore, #tpu.memory_space<semaphore_mem>>
    %dma_start3A_1391 = tpu.memref_squeeze %dma_start3A_1390 : memref<1x!tpu.dma_semaphore, #tpu.memory_space<semaphore_mem>> -> memref<!tpu.dma_semaphore, #tpu.memory_space<semaphore_mem>>
    %dma_start3A_1392 = arith.constant 0 : i32
    %dma_start3A_1393 = tpu.memref_slice %arg4[%dma_start3A_1385, %add3A_1384, %dma_start3A_1392] : memref<4x8192x768xf32, #tpu.memory_space<hbm>> -> memref<1x32x768xf32, #tpu.memory_space<hbm>>
    %dma_start3A_1394 = tpu.memref_squeeze %dma_start3A_1393 : memref<1x32x768xf32, #tpu.memory_space<hbm>> -> memref<32x768xf32, #tpu.memory_space<hbm>>
    tpu.enqueue_dma source(%arg6 : memref<32x768xf32, #tpu.memory_space<vmem>>) target(%dma_start3A_1394 : memref<32x768xf32, #tpu.memory_space<hbm>>) target_semaphore(%dma_start3A_1391 : memref<!tpu.dma_semaphore, #tpu.memory_space<semaphore_mem>>)
    %dma_wait3A_1395 = arith.constant 1 : i32
    %dma_wait3A_1396 = arith.constant 2 : i32
    %dma_wait3A_1397 = arith.constant 0 : i32
    %dma_wait3A_1398 = tpu.memref_slice %arg2[%dma_wait3A_1395, %add3A_1372, %dma_wait3A_1397] : memref<4x8192x768xf32, #tpu.memory_space<hbm>> -> memref<1x32x768xf32, #tpu.memory_space<hbm>>
    %dma_wait3A_1399 = tpu.memref_squeeze %dma_wait3A_1398 : memref<1x32x768xf32, #tpu.memory_space<hbm>> -> memref<32x768xf32, #tpu.memory_space<hbm>>
    %dma_wait3A_1400 = tpu.memref_slice %arg10[%dma_wait3A_1396] : memref<3x!tpu.dma_semaphore, #tpu.memory_space<semaphore_mem>> -> memref<1x!tpu.dma_semaphore, #tpu.memory_space<semaphore_mem>>
    %dma_wait3A_1401 = tpu.memref_squeeze %dma_wait3A_1400 : memref<1x!tpu.dma_semaphore, #tpu.memory_space<semaphore_mem>> -> memref<!tpu.dma_semaphore, #tpu.memory_space<semaphore_mem>>
    %dma_wait3A_1402 = arith.constant 0 : i32
    %dma_wait3A_1403 = tpu.memref_slice %arg2[%dma_wait3A_1395, %add3A_1372, %dma_wait3A_1402] : memref<4x8192x768xf32, #tpu.memory_space<hbm>> -> memref<1x32x768xf32, #tpu.memory_space<hbm>>
    %dma_wait3A_1404 = tpu.memref_squeeze %dma_wait3A_1403 : memref<1x32x768xf32, #tpu.memory_space<hbm>> -> memref<32x768xf32, #tpu.memory_space<hbm>>
    tpu.wait_dma2 semaphore(%dma_wait3A_1401 : memref<!tpu.dma_semaphore, #tpu.memory_space<semaphore_mem>>) src(%dma_wait3A_1404 : memref<32x768xf32, #tpu.memory_space<hbm>>) dst(%arg7 : memref<32x768xf32, #tpu.memory_space<vmem>>)
    %dma_wait3A_1405 = arith.constant 3 : i32
    %dma_wait3A_1406 = arith.constant 0 : i32
    %dma_wait3A_1407 = arith.constant 0 : i32
    %dma_wait3A_1408 = tpu.memref_slice %arg4[%dma_wait3A_1405, %add3A_1333, %dma_wait3A_1407] : memref<4x8192x768xf32, #tpu.memory_space<hbm>> -> memref<1x32x768xf32, #tpu.memory_space<hbm>>
    %dma_wait3A_1409 = tpu.memref_squeeze %dma_wait3A_1408 : memref<1x32x768xf32, #tpu.memory_space<hbm>> -> memref<32x768xf32, #tpu.memory_space<hbm>>
    %dma_wait3A_1410 = tpu.memref_slice %arg11[%dma_wait3A_1406] : memref<3x!tpu.dma_semaphore, #tpu.memory_space<semaphore_mem>> -> memref<1x!tpu.dma_semaphore, #tpu.memory_space<semaphore_mem>>
    %dma_wait3A_1411 = tpu.memref_squeeze %dma_wait3A_1410 : memref<1x!tpu.dma_semaphore, #tpu.memory_space<semaphore_mem>> -> memref<!tpu.dma_semaphore, #tpu.memory_space<semaphore_mem>>
    %dma_wait3A_1412 = arith.constant 0 : i32
    %dma_wait3A_1413 = tpu.memref_slice %arg4[%dma_wait3A_1405, %add3A_1333, %dma_wait3A_1412] : memref<4x8192x768xf32, #tpu.memory_space<hbm>> -> memref<1x32x768xf32, #tpu.memory_space<hbm>>
    %dma_wait3A_1414 = tpu.memref_squeeze %dma_wait3A_1413 : memref<1x32x768xf32, #tpu.memory_space<hbm>> -> memref<32x768xf32, #tpu.memory_space<hbm>>
    tpu.wait_dma2 semaphore(%dma_wait3A_1411 : memref<!tpu.dma_semaphore, #tpu.memory_space<semaphore_mem>>) src(%arg5 : memref<32x768xf32, #tpu.memory_space<vmem>>) dst(%dma_wait3A_1414 : memref<32x768xf32, #tpu.memory_space<hbm>>)
    %add3A_1415 = arith.constant 224 : i32
    %add3A_1416 = arith.addi %mul3A_2, %add3A_1415 : i32
    %dma_start3A_1417 = arith.constant 2 : i32
    %dma_start3A_1418 = arith.constant 0 : i32
    %dma_start3A_1419 = arith.constant 0 : i32
    %dma_start3A_1420 = tpu.memref_slice %arg2[%dma_start3A_1417, %add3A_1416, %dma_start3A_1419] : memref<4x8192x768xf32, #tpu.memory_space<hbm>> -> memref<1x32x768xf32, #tpu.memory_space<hbm>>
    %dma_start3A_1421 = tpu.memref_squeeze %dma_start3A_1420 : memref<1x32x768xf32, #tpu.memory_space<hbm>> -> memref<32x768xf32, #tpu.memory_space<hbm>>
    %dma_start3A_1422 = tpu.memref_slice %arg10[%dma_start3A_1418] : memref<3x!tpu.dma_semaphore, #tpu.memory_space<semaphore_mem>> -> memref<1x!tpu.dma_semaphore, #tpu.memory_space<semaphore_mem>>
    %dma_start3A_1423 = tpu.memref_squeeze %dma_start3A_1422 : memref<1x!tpu.dma_semaphore, #tpu.memory_space<semaphore_mem>> -> memref<!tpu.dma_semaphore, #tpu.memory_space<semaphore_mem>>
    %dma_start3A_1424 = arith.constant 0 : i32
    %dma_start3A_1425 = tpu.memref_slice %arg2[%dma_start3A_1417, %add3A_1416, %dma_start3A_1424] : memref<4x8192x768xf32, #tpu.memory_space<hbm>> -> memref<1x32x768xf32, #tpu.memory_space<hbm>>
    %dma_start3A_1426 = tpu.memref_squeeze %dma_start3A_1425 : memref<1x32x768xf32, #tpu.memory_space<hbm>> -> memref<32x768xf32, #tpu.memory_space<hbm>>
    tpu.enqueue_dma source(%dma_start3A_1426 : memref<32x768xf32, #tpu.memory_space<hbm>>) target(%arg5 : memref<32x768xf32, #tpu.memory_space<vmem>>) target_semaphore(%dma_start3A_1423 : memref<!tpu.dma_semaphore, #tpu.memory_space<semaphore_mem>>)
    %add3A_1427 = arith.constant 224 : i32
    %add3A_1428 = arith.addi %mul3A_2, %add3A_1427 : i32
    %dma_start3A_1429 = arith.constant 1 : i32
    %dma_start3A_1430 = arith.constant 2 : i32
    %dma_start3A_1431 = arith.constant 0 : i32
    %dma_start3A_1432 = tpu.memref_slice %arg4[%dma_start3A_1429, %add3A_1428, %dma_start3A_1431] : memref<4x8192x768xf32, #tpu.memory_space<hbm>> -> memref<1x32x768xf32, #tpu.memory_space<hbm>>
    %dma_start3A_1433 = tpu.memref_squeeze %dma_start3A_1432 : memref<1x32x768xf32, #tpu.memory_space<hbm>> -> memref<32x768xf32, #tpu.memory_space<hbm>>
    %dma_start3A_1434 = tpu.memref_slice %arg11[%dma_start3A_1430] : memref<3x!tpu.dma_semaphore, #tpu.memory_space<semaphore_mem>> -> memref<1x!tpu.dma_semaphore, #tpu.memory_space<semaphore_mem>>
    %dma_start3A_1435 = tpu.memref_squeeze %dma_start3A_1434 : memref<1x!tpu.dma_semaphore, #tpu.memory_space<semaphore_mem>> -> memref<!tpu.dma_semaphore, #tpu.memory_space<semaphore_mem>>
    %dma_start3A_1436 = arith.constant 0 : i32
    %dma_start3A_1437 = tpu.memref_slice %arg4[%dma_start3A_1429, %add3A_1428, %dma_start3A_1436] : memref<4x8192x768xf32, #tpu.memory_space<hbm>> -> memref<1x32x768xf32, #tpu.memory_space<hbm>>
    %dma_start3A_1438 = tpu.memref_squeeze %dma_start3A_1437 : memref<1x32x768xf32, #tpu.memory_space<hbm>> -> memref<32x768xf32, #tpu.memory_space<hbm>>
    tpu.enqueue_dma source(%arg7 : memref<32x768xf32, #tpu.memory_space<vmem>>) target(%dma_start3A_1438 : memref<32x768xf32, #tpu.memory_space<hbm>>) target_semaphore(%dma_start3A_1435 : memref<!tpu.dma_semaphore, #tpu.memory_space<semaphore_mem>>)
    %dma_wait3A_1439 = arith.constant 2 : i32
    %dma_wait3A_1440 = arith.constant 0 : i32
    %dma_wait3A_1441 = arith.constant 0 : i32
    %dma_wait3A_1442 = tpu.memref_slice %arg2[%dma_wait3A_1439, %add3A_1416, %dma_wait3A_1441] : memref<4x8192x768xf32, #tpu.memory_space<hbm>> -> memref<1x32x768xf32, #tpu.memory_space<hbm>>
    %dma_wait3A_1443 = tpu.memref_squeeze %dma_wait3A_1442 : memref<1x32x768xf32, #tpu.memory_space<hbm>> -> memref<32x768xf32, #tpu.memory_space<hbm>>
    %dma_wait3A_1444 = tpu.memref_slice %arg10[%dma_wait3A_1440] : memref<3x!tpu.dma_semaphore, #tpu.memory_space<semaphore_mem>> -> memref<1x!tpu.dma_semaphore, #tpu.memory_space<semaphore_mem>>
    %dma_wait3A_1445 = tpu.memref_squeeze %dma_wait3A_1444 : memref<1x!tpu.dma_semaphore, #tpu.memory_space<semaphore_mem>> -> memref<!tpu.dma_semaphore, #tpu.memory_space<semaphore_mem>>
    %dma_wait3A_1446 = arith.constant 0 : i32
    %dma_wait3A_1447 = tpu.memref_slice %arg2[%dma_wait3A_1439, %add3A_1416, %dma_wait3A_1446] : memref<4x8192x768xf32, #tpu.memory_space<hbm>> -> memref<1x32x768xf32, #tpu.memory_space<hbm>>
    %dma_wait3A_1448 = tpu.memref_squeeze %dma_wait3A_1447 : memref<1x32x768xf32, #tpu.memory_space<hbm>> -> memref<32x768xf32, #tpu.memory_space<hbm>>
    tpu.wait_dma2 semaphore(%dma_wait3A_1445 : memref<!tpu.dma_semaphore, #tpu.memory_space<semaphore_mem>>) src(%dma_wait3A_1448 : memref<32x768xf32, #tpu.memory_space<hbm>>) dst(%arg5 : memref<32x768xf32, #tpu.memory_space<vmem>>)
    %dma_wait3A_1449 = arith.constant 0 : i32
    %dma_wait3A_1450 = arith.constant 1 : i32
    %dma_wait3A_1451 = arith.constant 0 : i32
    %dma_wait3A_1452 = tpu.memref_slice %arg4[%dma_wait3A_1449, %add3A_1384, %dma_wait3A_1451] : memref<4x8192x768xf32, #tpu.memory_space<hbm>> -> memref<1x32x768xf32, #tpu.memory_space<hbm>>
    %dma_wait3A_1453 = tpu.memref_squeeze %dma_wait3A_1452 : memref<1x32x768xf32, #tpu.memory_space<hbm>> -> memref<32x768xf32, #tpu.memory_space<hbm>>
    %dma_wait3A_1454 = tpu.memref_slice %arg11[%dma_wait3A_1450] : memref<3x!tpu.dma_semaphore, #tpu.memory_space<semaphore_mem>> -> memref<1x!tpu.dma_semaphore, #tpu.memory_space<semaphore_mem>>
    %dma_wait3A_1455 = tpu.memref_squeeze %dma_wait3A_1454 : memref<1x!tpu.dma_semaphore, #tpu.memory_space<semaphore_mem>> -> memref<!tpu.dma_semaphore, #tpu.memory_space<semaphore_mem>>
    %dma_wait3A_1456 = arith.constant 0 : i32
    %dma_wait3A_1457 = tpu.memref_slice %arg4[%dma_wait3A_1449, %add3A_1384, %dma_wait3A_1456] : memref<4x8192x768xf32, #tpu.memory_space<hbm>> -> memref<1x32x768xf32, #tpu.memory_space<hbm>>
    %dma_wait3A_1458 = tpu.memref_squeeze %dma_wait3A_1457 : memref<1x32x768xf32, #tpu.memory_space<hbm>> -> memref<32x768xf32, #tpu.memory_space<hbm>>
    tpu.wait_dma2 semaphore(%dma_wait3A_1455 : memref<!tpu.dma_semaphore, #tpu.memory_space<semaphore_mem>>) src(%arg6 : memref<32x768xf32, #tpu.memory_space<vmem>>) dst(%dma_wait3A_1458 : memref<32x768xf32, #tpu.memory_space<hbm>>)
    %add3A_1459 = arith.constant 224 : i32
    %add3A_1460 = arith.addi %mul3A_2, %add3A_1459 : i32
    %dma_start3A_1461 = arith.constant 3 : i32
    %dma_start3A_1462 = arith.constant 1 : i32
    %dma_start3A_1463 = arith.constant 0 : i32
    %dma_start3A_1464 = tpu.memref_slice %arg2[%dma_start3A_1461, %add3A_1460, %dma_start3A_1463] : memref<4x8192x768xf32, #tpu.memory_space<hbm>> -> memref<1x32x768xf32, #tpu.memory_space<hbm>>
    %dma_start3A_1465 = tpu.memref_squeeze %dma_start3A_1464 : memref<1x32x768xf32, #tpu.memory_space<hbm>> -> memref<32x768xf32, #tpu.memory_space<hbm>>
    %dma_start3A_1466 = tpu.memref_slice %arg10[%dma_start3A_1462] : memref<3x!tpu.dma_semaphore, #tpu.memory_space<semaphore_mem>> -> memref<1x!tpu.dma_semaphore, #tpu.memory_space<semaphore_mem>>
    %dma_start3A_1467 = tpu.memref_squeeze %dma_start3A_1466 : memref<1x!tpu.dma_semaphore, #tpu.memory_space<semaphore_mem>> -> memref<!tpu.dma_semaphore, #tpu.memory_space<semaphore_mem>>
    %dma_start3A_1468 = arith.constant 0 : i32
    %dma_start3A_1469 = tpu.memref_slice %arg2[%dma_start3A_1461, %add3A_1460, %dma_start3A_1468] : memref<4x8192x768xf32, #tpu.memory_space<hbm>> -> memref<1x32x768xf32, #tpu.memory_space<hbm>>
    %dma_start3A_1470 = tpu.memref_squeeze %dma_start3A_1469 : memref<1x32x768xf32, #tpu.memory_space<hbm>> -> memref<32x768xf32, #tpu.memory_space<hbm>>
    tpu.enqueue_dma source(%dma_start3A_1470 : memref<32x768xf32, #tpu.memory_space<hbm>>) target(%arg6 : memref<32x768xf32, #tpu.memory_space<vmem>>) target_semaphore(%dma_start3A_1467 : memref<!tpu.dma_semaphore, #tpu.memory_space<semaphore_mem>>)
    %add3A_1471 = arith.constant 224 : i32
    %add3A_1472 = arith.addi %mul3A_2, %add3A_1471 : i32
    %dma_start3A_1473 = arith.constant 2 : i32
    %dma_start3A_1474 = arith.constant 0 : i32
    %dma_start3A_1475 = arith.constant 0 : i32
    %dma_start3A_1476 = tpu.memref_slice %arg4[%dma_start3A_1473, %add3A_1472, %dma_start3A_1475] : memref<4x8192x768xf32, #tpu.memory_space<hbm>> -> memref<1x32x768xf32, #tpu.memory_space<hbm>>
    %dma_start3A_1477 = tpu.memref_squeeze %dma_start3A_1476 : memref<1x32x768xf32, #tpu.memory_space<hbm>> -> memref<32x768xf32, #tpu.memory_space<hbm>>
    %dma_start3A_1478 = tpu.memref_slice %arg11[%dma_start3A_1474] : memref<3x!tpu.dma_semaphore, #tpu.memory_space<semaphore_mem>> -> memref<1x!tpu.dma_semaphore, #tpu.memory_space<semaphore_mem>>
    %dma_start3A_1479 = tpu.memref_squeeze %dma_start3A_1478 : memref<1x!tpu.dma_semaphore, #tpu.memory_space<semaphore_mem>> -> memref<!tpu.dma_semaphore, #tpu.memory_space<semaphore_mem>>
    %dma_start3A_1480 = arith.constant 0 : i32
    %dma_start3A_1481 = tpu.memref_slice %arg4[%dma_start3A_1473, %add3A_1472, %dma_start3A_1480] : memref<4x8192x768xf32, #tpu.memory_space<hbm>> -> memref<1x32x768xf32, #tpu.memory_space<hbm>>
    %dma_start3A_1482 = tpu.memref_squeeze %dma_start3A_1481 : memref<1x32x768xf32, #tpu.memory_space<hbm>> -> memref<32x768xf32, #tpu.memory_space<hbm>>
    tpu.enqueue_dma source(%arg5 : memref<32x768xf32, #tpu.memory_space<vmem>>) target(%dma_start3A_1482 : memref<32x768xf32, #tpu.memory_space<hbm>>) target_semaphore(%dma_start3A_1479 : memref<!tpu.dma_semaphore, #tpu.memory_space<semaphore_mem>>)
    %dma_wait3A_1483 = arith.constant 3 : i32
    %dma_wait3A_1484 = arith.constant 1 : i32
    %dma_wait3A_1485 = arith.constant 0 : i32
    %dma_wait3A_1486 = tpu.memref_slice %arg2[%dma_wait3A_1483, %add3A_1460, %dma_wait3A_1485] : memref<4x8192x768xf32, #tpu.memory_space<hbm>> -> memref<1x32x768xf32, #tpu.memory_space<hbm>>
    %dma_wait3A_1487 = tpu.memref_squeeze %dma_wait3A_1486 : memref<1x32x768xf32, #tpu.memory_space<hbm>> -> memref<32x768xf32, #tpu.memory_space<hbm>>
    %dma_wait3A_1488 = tpu.memref_slice %arg10[%dma_wait3A_1484] : memref<3x!tpu.dma_semaphore, #tpu.memory_space<semaphore_mem>> -> memref<1x!tpu.dma_semaphore, #tpu.memory_space<semaphore_mem>>
    %dma_wait3A_1489 = tpu.memref_squeeze %dma_wait3A_1488 : memref<1x!tpu.dma_semaphore, #tpu.memory_space<semaphore_mem>> -> memref<!tpu.dma_semaphore, #tpu.memory_space<semaphore_mem>>
    %dma_wait3A_1490 = arith.constant 0 : i32
    %dma_wait3A_1491 = tpu.memref_slice %arg2[%dma_wait3A_1483, %add3A_1460, %dma_wait3A_1490] : memref<4x8192x768xf32, #tpu.memory_space<hbm>> -> memref<1x32x768xf32, #tpu.memory_space<hbm>>
    %dma_wait3A_1492 = tpu.memref_squeeze %dma_wait3A_1491 : memref<1x32x768xf32, #tpu.memory_space<hbm>> -> memref<32x768xf32, #tpu.memory_space<hbm>>
    tpu.wait_dma2 semaphore(%dma_wait3A_1489 : memref<!tpu.dma_semaphore, #tpu.memory_space<semaphore_mem>>) src(%dma_wait3A_1492 : memref<32x768xf32, #tpu.memory_space<hbm>>) dst(%arg6 : memref<32x768xf32, #tpu.memory_space<vmem>>)
    %add3A_1493 = arith.constant 224 : i32
    %add3A_1494 = arith.addi %mul3A_2, %add3A_1493 : i32
    %dma_start3A_1495 = arith.constant 3 : i32
    %dma_start3A_1496 = arith.constant 1 : i32
    %dma_start3A_1497 = arith.constant 0 : i32
    %dma_start3A_1498 = tpu.memref_slice %arg4[%dma_start3A_1495, %add3A_1494, %dma_start3A_1497] : memref<4x8192x768xf32, #tpu.memory_space<hbm>> -> memref<1x32x768xf32, #tpu.memory_space<hbm>>
    %dma_start3A_1499 = tpu.memref_squeeze %dma_start3A_1498 : memref<1x32x768xf32, #tpu.memory_space<hbm>> -> memref<32x768xf32, #tpu.memory_space<hbm>>
    %dma_start3A_1500 = tpu.memref_slice %arg11[%dma_start3A_1496] : memref<3x!tpu.dma_semaphore, #tpu.memory_space<semaphore_mem>> -> memref<1x!tpu.dma_semaphore, #tpu.memory_space<semaphore_mem>>
    %dma_start3A_1501 = tpu.memref_squeeze %dma_start3A_1500 : memref<1x!tpu.dma_semaphore, #tpu.memory_space<semaphore_mem>> -> memref<!tpu.dma_semaphore, #tpu.memory_space<semaphore_mem>>
    %dma_start3A_1502 = arith.constant 0 : i32
    %dma_start3A_1503 = tpu.memref_slice %arg4[%dma_start3A_1495, %add3A_1494, %dma_start3A_1502] : memref<4x8192x768xf32, #tpu.memory_space<hbm>> -> memref<1x32x768xf32, #tpu.memory_space<hbm>>
    %dma_start3A_1504 = tpu.memref_squeeze %dma_start3A_1503 : memref<1x32x768xf32, #tpu.memory_space<hbm>> -> memref<32x768xf32, #tpu.memory_space<hbm>>
    tpu.enqueue_dma source(%arg6 : memref<32x768xf32, #tpu.memory_space<vmem>>) target(%dma_start3A_1504 : memref<32x768xf32, #tpu.memory_space<hbm>>) target_semaphore(%dma_start3A_1501 : memref<!tpu.dma_semaphore, #tpu.memory_space<semaphore_mem>>)
    %dma_wait3A_1505 = arith.constant 2 : i32
    %dma_wait3A_1506 = arith.constant 0 : i32
    %dma_wait3A_1507 = arith.constant 0 : i32
    %dma_wait3A_1508 = tpu.memref_slice %arg4[%dma_wait3A_1505, %add3A_1472, %dma_wait3A_1507] : memref<4x8192x768xf32, #tpu.memory_space<hbm>> -> memref<1x32x768xf32, #tpu.memory_space<hbm>>
    %dma_wait3A_1509 = tpu.memref_squeeze %dma_wait3A_1508 : memref<1x32x768xf32, #tpu.memory_space<hbm>> -> memref<32x768xf32, #tpu.memory_space<hbm>>
    %dma_wait3A_1510 = tpu.memref_slice %arg11[%dma_wait3A_1506] : memref<3x!tpu.dma_semaphore, #tpu.memory_space<semaphore_mem>> -> memref<1x!tpu.dma_semaphore, #tpu.memory_space<semaphore_mem>>
    %dma_wait3A_1511 = tpu.memref_squeeze %dma_wait3A_1510 : memref<1x!tpu.dma_semaphore, #tpu.memory_space<semaphore_mem>> -> memref<!tpu.dma_semaphore, #tpu.memory_space<semaphore_mem>>
    %dma_wait3A_1512 = arith.constant 0 : i32
    %dma_wait3A_1513 = tpu.memref_slice %arg4[%dma_wait3A_1505, %add3A_1472, %dma_wait3A_1512] : memref<4x8192x768xf32, #tpu.memory_space<hbm>> -> memref<1x32x768xf32, #tpu.memory_space<hbm>>
    %dma_wait3A_1514 = tpu.memref_squeeze %dma_wait3A_1513 : memref<1x32x768xf32, #tpu.memory_space<hbm>> -> memref<32x768xf32, #tpu.memory_space<hbm>>
    tpu.wait_dma2 semaphore(%dma_wait3A_1511 : memref<!tpu.dma_semaphore, #tpu.memory_space<semaphore_mem>>) src(%arg5 : memref<32x768xf32, #tpu.memory_space<vmem>>) dst(%dma_wait3A_1514 : memref<32x768xf32, #tpu.memory_space<hbm>>)
    %dma_wait3A_1515 = arith.constant 3 : i32
    %dma_wait3A_1516 = arith.constant 1 : i32
    %dma_wait3A_1517 = arith.constant 0 : i32
    %dma_wait3A_1518 = tpu.memref_slice %arg4[%dma_wait3A_1515, %add3A_1494, %dma_wait3A_1517] : memref<4x8192x768xf32, #tpu.memory_space<hbm>> -> memref<1x32x768xf32, #tpu.memory_space<hbm>>
    %dma_wait3A_1519 = tpu.memref_squeeze %dma_wait3A_1518 : memref<1x32x768xf32, #tpu.memory_space<hbm>> -> memref<32x768xf32, #tpu.memory_space<hbm>>
    %dma_wait3A_1520 = tpu.memref_slice %arg11[%dma_wait3A_1516] : memref<3x!tpu.dma_semaphore, #tpu.memory_space<semaphore_mem>> -> memref<1x!tpu.dma_semaphore, #tpu.memory_space<semaphore_mem>>
    %dma_wait3A_1521 = tpu.memref_squeeze %dma_wait3A_1520 : memref<1x!tpu.dma_semaphore, #tpu.memory_space<semaphore_mem>> -> memref<!tpu.dma_semaphore, #tpu.memory_space<semaphore_mem>>
    %dma_wait3A_1522 = arith.constant 0 : i32
    %dma_wait3A_1523 = tpu.memref_slice %arg4[%dma_wait3A_1515, %add3A_1494, %dma_wait3A_1522] : memref<4x8192x768xf32, #tpu.memory_space<hbm>> -> memref<1x32x768xf32, #tpu.memory_space<hbm>>
    %dma_wait3A_1524 = tpu.memref_squeeze %dma_wait3A_1523 : memref<1x32x768xf32, #tpu.memory_space<hbm>> -> memref<32x768xf32, #tpu.memory_space<hbm>>
    tpu.wait_dma2 semaphore(%dma_wait3A_1521 : memref<!tpu.dma_semaphore, #tpu.memory_space<semaphore_mem>>) src(%arg6 : memref<32x768xf32, #tpu.memory_space<vmem>>) dst(%dma_wait3A_1524 : memref<32x768xf32, #tpu.memory_space<hbm>>)
    return
  }
}

</mosaic_0001>

<sc_bundles>
// kernel: kernel.3.cloned.1.call-start
scs
__scs_entry_jumppad:
0x0: {  	(pc) =	sbr.rel $0x88, $3  }
0x1: {  	(tag) =	ssettag $0x0;
	lr =	simm.s32 $0x1  }
0x2: {  	[smem:$0x3F9F] =	sst lr;
	_ =	strace $0xD0000000  }
0x3: {  	_ = 	snop  }
0x4: {  	_ = 	snop  }
0x5: {  	_ = 	snop  }
0x6: {  	_ = 	snop  }
0x7: {  	_ = 	snop  }
__scs_overlays_trampoline_lowered:
0x8: {  	[smem:$0x3FAE] =	sst s0  }
0x9: {  	[smem:$0x3FAF] =	sst s1  }
0xa: {  	[smem:$0x3FB0] =	sst s2  }
0xb: {  	[smem:$0x3FB1] =	sst s3  }
0xc: {  	[smem:$0x3FB2] =	sst s4  }
0xd: {  	[smem:$0x3FB3] =	sst s5  }
0xe: {  	[smem:$0x3FB4] =	sst s6  }
0xf: {  	[smem:$0x3FB5] =	sst s7  }
0x10: {  	[smem:$0x3FB6] =	sst s8  }
0x11: {  	[smem:$0x3FB7] =	sst s9;
	s0 =	simm.s32 @!p0 $0x0  }
0x12: {  	s1 =	sld [smem:$0x3F9D];
	s0 =	simm.s32 @p0 $0x1  }
0x13: {  	[smem:$0x3FB8] =	sst s0;
	s0 =	simm.s32 @!p1 $0x0  }
0x14: {  	s2 =	sld [smem:$0x3F9C];
	s0 =	simm.s32 @p1 $0x1  }
0x15: {  	[smem:$0x3FB9] =	sst s0;
	s0 =	simm.s32 @!p2 $0x0  }
0x16: {  	s3 =	sld [smem:$0x3FDB];
	s0 =	simm.s32 @p2 $0x1  }
0x17: {  	s4 =	simm.s32 $0x1BF5;
	[smem:$0x3FBB] =	sst s0  }
0x18: {  	s0 =	sld [smem:$0x3F9E];
	_ =	swait.ge [sflag:s4], $0x0  }
0x19: {  	s7 =	sld [smem:$0x3F9F]  }
0x1a: {  	s8 =	sadd.s32 $0xFFFFE003, lr  }
0x1b: {  	s9 =	sadd.s32 $0xFFFFFEF7, lr;
	s5 =	simm.s32 $0xFFFFFFFF;
	p2 =	slt.u32 s8, $0xFFFFF086  }
0x1c: {  	p1 =	slt.u32 s9, $0xF7A;
	s5 =	simm.s32 @!p2 $0x0  }
0x1d: {  	s5 =	simm.s32 @p1 $0x1;
	p0 =	seq.s32 s7, s2  }
0x1e: {  	s7 =	smul.u32 @!p0 $0xF7A, s2;
	p2 =	seq.s32 @!p0 s5, $0x0  }
0x1f: {  	s9 =	smul.u32 $0xF7A, s1;
	s8 =	simm.s32 @!p0 $0x1BF5;
	p2 =	por !p2, p0  }
0x20: {  	[sflag:s8] =	ssyncset.s32 @!p0 $0xFFFFF086;
	s6 =	sadd.s32 @!p0 s3, s7;
	s7 =	simm.s32 @!p0 $0x108  }
0x21: {  	s3 =	sadd.s32 s3, s9;
	s6 =	sadd.s32 @!p0 $0x88, s6;
	s7 =	simm.s32 @p2 $0x1082  }
0x22: {  	[simem:s7], [sflag:s8] =	dma.local @!p0 [hbm:s6], $0xF7A  }
0x23: {  	s9 =	sor.u32 $0xD0000000, s2;
	s6 =	simm.s32 $0x108;
	_ =	swait.ge @!p0 [sflag:s8], $0x0  }
0x24: {  	s3 =	sadd.s32 $0x88, s3;
	s6 =	simm.s32 @!p1 $0x1082;
	[sflag:s4] =	ssyncset.s32 $0xFFFFF086  }
0x25: {  	[simem:s6], [sflag:s4] =	dma.local [hbm:s3], $0xF7A  }
0x26: {  	[smem:$0x3F9F] =	sst s1;
	(tag) =	ssettag s2;
	_ =	strace s9  }
0x27: {  	s1 =	sld [smem:$0x3FAF]  }
0x28: {  	s2 =	sld [smem:$0x3FB0]  }
0x29: {  	s4 =	sld [smem:$0x3FB2]  }
0x2a: {  	p0 =	seq.s32 s5, $0x0;
	s5 =	sld [smem:$0x3FB3]  }
0x2b: {  	s6 =	sld [smem:$0x3FB4]  }
0x2c: {  	s7 =	sld [smem:$0x3FB5]  }
0x2d: {  	s3 =	simm.s32 $0x108;
	s8 =	sld [smem:$0x3FB6]  }
0x2e: {  	s3 =	simm.s32 @!p0 $0x1082;
	s9 =	sld [smem:$0x3FB7]  }
0x2f: {  	lr =	sadd.s32 s0, s3;
	s0 =	sld [smem:$0x3FAE]  }
0x30: {  	s3 =	sld [smem:$0x3FB1]  }
0x31: {  	[smem:$0x3FBA] =	sst s10  }
0x32: {  	s10 =	sld [smem:$0x3FB8];
	_ =	sdelay $0x3  }
0x33: {  	p0 =	seq.s32 s10, $0x1;
	s10 =	sld [smem:$0x3FBA];
	_ =	sdelay $0x3  }
0x34: {  	[smem:$0x3FBA] =	sst s10  }
0x35: {  	s10 =	sld [smem:$0x3FB9];
	_ =	sdelay $0x3  }
0x36: {  	p1 =	seq.s32 s10, $0x1;
	s10 =	sld [smem:$0x3FBA];
	_ =	sdelay $0x3  }
0x37: {  	[smem:$0x3FBA] =	sst s10  }
0x38: {  	s10 =	sld [smem:$0x3FBB]  }
0x39: {  	_ = 	snop;
	(pc) =	sbr.ind lr, $3  }
0x3a: {  	_ = 	snop  }
0x3b: {  	_ = 	snop  }
0x3c: {  	p2 =	seq.s32 s10, $0x1;
	s10 =	sld [smem:$0x3FBA]  }
0x3d: {  	_ =	shalt  }
0x3e: {  	_ =	shalt  }
0x3f: {  	_ =	shalt  }
0x40: {  	_ =	shalt  }
0x41: {  	_ =	shalt  }
0x42: {  	_ =	shalt  }
0x43: {  	_ =	shalt  }
0x44: {  	_ =	shalt  }
0x45: {  	_ =	shalt  }
0x46: {  	_ =	shalt  }
0x47: {  	_ =	shalt  }
0x48: {  	_ =	shalt  }
0x49: {  	_ =	shalt  }
0x4a: {  	_ =	shalt  }
0x4b: {  	_ =	shalt  }
0x4c: {  	_ =	shalt  }
0x4d: {  	_ =	shalt  }
0x4e: {  	_ =	shalt  }
0x4f: {  	_ =	shalt  }
0x50: {  	_ =	shalt  }
0x51: {  	_ =	shalt  }
0x52: {  	_ =	shalt  }
0x53: {  	_ =	shalt  }
0x54: {  	_ =	shalt  }
0x55: {  	_ =	shalt  }
0x56: {  	_ =	shalt  }
0x57: {  	_ =	shalt  }
0x58: {  	_ =	shalt  }
0x59: {  	_ =	shalt  }
0x5a: {  	_ =	shalt  }
0x5b: {  	_ =	shalt  }
0x5c: {  	_ =	shalt  }
0x5d: {  	_ =	shalt  }
0x5e: {  	_ =	shalt  }
0x5f: {  	_ =	shalt  }
0x60: {  	_ =	shalt  }
0x61: {  	_ =	shalt  }
0x62: {  	_ =	shalt  }
0x63: {  	_ =	shalt  }
0x64: {  	_ =	shalt  }
0x65: {  	_ =	shalt  }
0x66: {  	_ =	shalt  }
0x67: {  	_ =	shalt  }
0x68: {  	_ =	shalt  }
0x69: {  	_ =	shalt  }
0x6a: {  	_ =	shalt  }
0x6b: {  	_ =	shalt  }
0x6c: {  	_ =	shalt  }
0x6d: {  	_ =	shalt  }
0x6e: {  	_ =	shalt  }
0x6f: {  	_ =	shalt  }
0x70: {  	_ =	shalt  }
0x71: {  	_ =	shalt  }
0x72: {  	_ =	shalt  }
0x73: {  	_ =	shalt  }
0x74: {  	_ =	shalt  }
0x75: {  	_ =	shalt  }
0x76: {  	_ =	shalt  }
0x77: {  	_ =	shalt  }
0x78: {  	_ =	shalt  }
0x79: {  	_ =	shalt  }
0x7a: {  	_ =	shalt  }
0x7b: {  	_ =	shalt  }
0x7c: {  	_ =	shalt  }
0x7d: {  	_ =	shalt  }
0x7e: {  	_ =	shalt  }
0x7f: {  	_ =	shalt  }
0x80: {  	_ =	shalt  }
0x81: {  	_ =	shalt  }
0x82: {  	_ =	shalt  }
0x83: {  	_ =	shalt  }
0x84: {  	_ =	shalt  }
0x85: {  	_ =	shalt  }
0x86: {  	_ =	shalt  }
0x87: {  	_ =	shalt  }
.Lfunc_end0:
.L_simem_size_0:
called_computation_lowered:
.L_overlay_start_0:
0x88: {  	s2 =	sld [smem:$0x3FD9]  }
0x89: {  	s3 =	sld [smem:$0x3FFE];
	_ =	sdelay $0x1  }
0x8a: {  	s1 =	srdreg.scid  }
0x8b: {  	s0 =	sand.u32 $0x1, s1  }
0x8c: {  	s18 =	sshll.u32 s0, $0xA;
	s2 =	sadd.s32 s3, s2  }
0x8d: {  	s2 =	sadd.s32 s2, s18  }
0x8e: {  	[smem:$0x3FC6] =	sst s2  }
0x8f: {  	_ = 	snop  }
0x90: {  	s2 =	sld [smem:$0x3FC9]  }
0x91: {  	s19 =	sld [smem:$0x3FC8]  }
0x92: {  	s4 =	sld [smem:$0x3FD0];
	(tm) =	ssettm $0x1  }
0x93: {  	s5 =	sld [smem:$0x3FFB];
	_ =	sdelay $0x3  }
0x94: {  	_ =	strace s5  }
0x95: {  	s5 =	sld [smem:$0x3FFC];
	_ =	sdelay $0x3  }
0x96: {  	_ =	strace s5  }
0x97: {  	s5 =	sld [smem:$0x3FFD];
	_ =	sdelay $0x3  }
0x98: {  	_ =	strace s5  }
0x99: {  	_ =	strace $0x8FFFFFFF  }
0x9a: {  	s20 =	sld [smem:$0x3FDB];
	_ =	sdelay $0x1  }
0x9b: {  	s6 =	simm.s32 $_scs_section_size  }
0x9c: {  	s7 =	simm.s32 $_size__tile_overlayer_lowered;
	s8 =	simm.s32 $_tile_overlayer_lowered  }
0x9d: {  	s23 =	simm.s32 $0x1BFF;
	s22 =	sshll.u32 s8, $0x1;
	s5 =	sadd.s32 s6, s20  }
0x9e: {  	s9 =	simm.s32 $0x0;
	s21 =	sshll.u32 s7, $0x1;
	s7 =	sadd.s32 s22, s5  }
0x9f: {  	[timem:s9], [sflag:s23] =	dma.local [hbm:s7], s21  }
0xa0: {  	_ =	swait.ge [sflag:s23], s21  }
0xa1: {  	s6 =	ssub.s32 $0x0, s21;
	[sflag:s23] =	ssyncset.done $0x0  }
0xa2: {  	[sflag:s23] =	ssyncadd.s32 s6;
	_ =	sdelay $0x1  }
0xa3: {  	s24 =	simm.s32 $0x1B8B  }
0xa4: {  	_ =	swait.ge [sflag:s24], $0x1  }
0xa5: {  	[sflag:s24] =	ssyncset.done $0x0  }
0xa6: {  	s25 =	simm.s32 $0x1B8E;
	[sflag:s24] =	ssyncadd.s32 $0xFFFFFFFF  }
0xa7: {  	s26 =	simm.s32 $execute0_lowered;
	[smem:$0x3FD2] =	sst s25  }
0xa8: {  	s6 =	sshll.u32 s26, $0x1;
	_ =	strace $0x80000046;
	[dreg:$0x1] =	wrdreg $0xFFFFFFFF  }
0xa9: {  	s28 =	simm.s32 $_size_execute0_lowered;
	s5 =	sadd.s32 s5, s6;
	[dreg:$0x0] =	wrdreg $0x0  }
0xaa: {  	s6 =	sshll.u32 s28, $0x1;
	[dreg:$0x2] =	wrdreg s5  }
0xab: {  	[dreg:$0x3] =	wrdreg s6  }
0xac: {  	[dreg:$0x4] =	wrdreg $0xC0  }
0xad: {  	_ =	task [dreg:s9], $0x5FFFF  }
0xae: {  	[dreg:$0x1] =	wrdreg $0xFFFFFFFF  }
0xaf: {  	[dreg:$0x0] =	wrdreg $0x60  }
0xb0: {  	[dreg:$0x2] =	wrdreg s2  }
0xb1: {  	[dreg:$0x3] =	wrdreg s19  }
0xb2: {  	[dreg:$0x4] =	wrdreg s4  }
0xb3: {  	[dreg:$0x5] =	wrdreg $0x9  }
0xb4: {  	_ =	task.clear_ibuf [dreg:s9], $0x6FFFF;
	_ =	strace $0x90000046  }
0xb5: {  	s29 =	simm.s32 $0x9;
	_ =	strace $0x80000048  }
0xb6: {  	_ =	swait.ge [sflag:s29], $0x1  }
0xb7: {  	[sflag:s29] =	ssyncadd.s32 $0xFFFFFFFF  }
0xb8: {  	_ =	strace $0x90000048  }
0xb9: {  	_ =	sfence  }
0xba: {  	s30 =	sld [smem:$0x0];
	_ =	sdelay $0x2  }
0xbb: {  	s31 =	sshll.u32 s1, $0xD;
	s1 =	sshrl.u32 s1, $0x2  }
0xbc: {  	s3 =	sand.u32 $0x4000, s31;
	s1 =	sadd.s32 s1, s30  }
0xbd: {  	s0 =	sor.u32 s3, s0;
	s1 =	sshll.u32 s1, $0x11  }
0xbe: {  	s0 =	sor.u32 s1, s0  }
0xbf: {  	s0 =	sadd.s32 $0x8F2B, s0  }
0xc0: {  	[sflag:s0] =	ssyncadd.remote.s32 $0x1  }
0xc1: {  	_ =	sfence.sel $0xFFFF  }
0xc2: {  	[dreg:$0x0] =	wrdreg $0xFFFFFFFF;
	(pc) =	sbr.abs _section_cstart, $3  }
0xc3: {  	[dreg:$0x1] =	wrdreg $0xFFFFFFFF  }
0xc4: {  	_ =	task.clear_ibuf [dreg:s9], $0x2FFFF;
	_ =	strace $0x9FFFFFFF  }
0xc5: {  	(tm) =	ssettm $0x7FFFFFFF  }
tec
execute0_lowered:
.L_overlay_start_1:
0x0: {  	(tag) =	ssettag $0x1  }
0x1: {  	s0 =	srdreg.scid  }
0x2: {  	s2 =	stileid.u32;
	s6 =	sand.u32 $0x1, s0  }
0x3: {  	s16 =	sshll.u32 s2, $0x6;
	s17 =	sshll.u32 s6, $0x5  }
0x4: {  	s0 =	sor.u32 s17, s16  }
0x5: {  	s1 =	rddreg [dreg:$0x0];
	s0 =	smul.u32 $0x1800, s0  }
0x6: {  	s5 =	rddreg [dreg:$0x1]  }
0x7: {  	s3 =	rddreg [dreg:$0x2];
	s2 =	simm.s32 $0x0;
	s4 =	sshrl.u32 s0, $0x3  }
0x8: {  	[smem:$0x7FF] =	sst s2;
	s0 =	sadd.s32 s5, s4  }
0x9: {  	_ =	strace $0x80000047;
	s18 =	sadd.s32 s1, s4;
	[dreg:$0x4] =	wrdreg s0  }
0xa: {  	s7 =	sor.u32 $0xC00, s4;
	s21 =	sadd.s32 s3, s4;
	[dreg:$0x5] =	wrdreg s18  }
0xb: {  	s8 =	sadd.s32 $0xC0000, s4;
	s19 =	sadd.s32 s5, s7;
	[dreg:$0x8] =	wrdreg s21  }
0xc: {  	s9 =	sadd.s32 $0x180000, s4;
	s20 =	sadd.s32 s1, s8;
	[dreg:$0x6] =	wrdreg s19  }
0xd: {  	s22 =	sadd.s32 s1, s9;
	[dreg:$0x7] =	wrdreg s20  }
0xe: {  	s24 =	sadd.s32 $0x240000, s4;
	s23 =	sadd.s32 s3, s8;
	[dreg:$0x9] =	wrdreg s22  }
0xf: {  	s25 =	sadd.s32 s1, s24;
	[dreg:$0xa] =	wrdreg s23  }
0x10: {  	s26 =	sadd.s32 s3, s9;
	[dreg:$0xb] =	wrdreg s25  }
0x11: {  	s9 =	sadd.s32 s1, s7;
	[dreg:$0xc] =	wrdreg s26  }
0x12: {  	s11 =	sor.u32 $0x1800, s4;
	s10 =	sadd.s32 s3, s24;
	[dreg:$0xd] =	wrdreg s9  }
0x13: {  	s13 =	sadd.s32 $0xC0C00, s4;
	s12 =	sadd.s32 s5, s11;
	[dreg:$0xe] =	wrdreg s10  }
0x14: {  	s14 =	sadd.s32 s1, s13;
	[dreg:$0xf] =	wrdreg s12  }
0x15: {  	s16 =	sadd.s32 $0x180C00, s4;
	s15 =	sadd.s32 s3, s7;
	[dreg:$0x10] =	wrdreg s14  }
0x16: {  	s17 =	sadd.s32 s1, s16;
	[dreg:$0x11] =	wrdreg s15  }
0x17: {  	s18 =	sadd.s32 s3, s13;
	[dreg:$0x12] =	wrdreg s17  }
0x18: {  	s21 =	sadd.s32 s3, s16;
	[dreg:$0x13] =	wrdreg s18  }
0x19: {  	[dreg:$0x15] =	wrdreg s21  }
0x1a: {  	s24 =	sadd.s32 $0x2400, s4;
	s22 =	sadd.s32 s1, s11;
	s0 =	rddreg [dreg:$0x4]  }
0x1b: {  	s25 =	sadd.s32 s5, s24;
	[dreg:$0x16] =	wrdreg s22  }
0x1c: {  	s11 =	sadd.s32 s3, s11;
	[dreg:$0x18] =	wrdreg s25  }
0x1d: {  	s18 =	sadd.s32 s1, s24;
	[dreg:$0x1a] =	wrdreg s11  }
0x1e: {  	s19 =	sadd.s32 $0x240C00, s4;
	s24 =	sadd.s32 s3, s24;
	[dreg:$0x1f] =	wrdreg s18  }
0x1f: {  	s20 =	sadd.s32 s1, s19;
	[smem:$0x7E5] =	sst s24  }
0x20: {  	s26 =	sadd.s32 $0xC1800, s4;
	s23 =	sadd.s32 s3, s19;
	[dreg:$0x14] =	wrdreg s20  }
0x21: {  	s12 =	sadd.s32 $0x181800, s4;
	s10 =	sadd.s32 s1, s26;
	[dreg:$0x17] =	wrdreg s23  }
0x22: {  	s13 =	sadd.s32 s1, s12;
	[dreg:$0x19] =	wrdreg s10  }
0x23: {  	s15 =	sadd.s32 $0x241800, s4;
	s14 =	sadd.s32 s3, s26;
	[dreg:$0x1b] =	wrdreg s13  }
0x24: {  	s31 =	simm.s32 $0x12000;
	s16 =	sadd.s32 s1, s15;
	[dreg:$0x1c] =	wrdreg s14  }
0x25: {  	s29 =	simm.s32 $0x7;
	s17 =	sadd.s32 s3, s12;
	[dreg:$0x1d] =	wrdreg s16  }
0x26: {  	s19 =	sadd.s32 s3, s15;
	s22 =	sadd.s32 $0xC2400, s4;
	[dreg:$0x1e] =	wrdreg s17  }
0x27: {  	s25 =	sadd.s32 $0x182400, s4;
	[smem:$0x7E2] =	sst s19;
	s23 =	sadd.s32 s1, s22  }
0x28: {  	p0 =	por $0x0, $0x0;
	s26 =	sadd.s32 s1, s25;
	[smem:$0x7E4] =	sst s23  }
0x29: {  	s11 =	sadd.s32 $0x242400, s4;
	s10 =	sadd.s32 s3, s22;
	[smem:$0x7E6] =	sst s26  }
0x2a: {  	s30 =	simm.s32 $0xC000;
	s12 =	sadd.s32 s1, s11;
	[smem:$0x7E7] =	sst s10  }
0x2b: {  	s28 =	simm.s32 $0x8;
	s13 =	sadd.s32 s3, s25;
	[smem:$0x7E8] =	sst s12  }
0x2c: {  	s18 =	sadd.s32 $0xC3000, s4;
	s15 =	sadd.s32 s3, s11;
	[smem:$0x7E9] =	sst s13  }
0x2d: {  	s24 =	sadd.s32 $0x243000, s4;
	s19 =	sadd.s32 s1, s18;
	[smem:$0x7EB] =	sst s15  }
0x2e: {  	s20 =	sadd.s32 $0x3000, s4;
	s25 =	sadd.s32 s1, s24;
	[smem:$0x7ED] =	sst s19  }
0x2f: {  	s6 =	ssub.s32 $0x2, s6;
	s21 =	sadd.s32 s5, s20;
	[smem:$0x7F1] =	sst s25  }
0x30: {  	s16 =	sadd.s32 $0x3C00, s4;
	s14 =	sadd.s32 s1, s20;
	[smem:$0x7E3] =	sst s21  }
0x31: {  	s9 =	simm.s32 $0x5;
	s17 =	sadd.s32 s5, s16;
	[smem:$0x7EA] =	sst s14  }
0x32: {  	s11 =	sadd.s32 $0x4800, s4;
	s20 =	sadd.s32 s3, s20;
	[smem:$0x7EC] =	sst s17  }
0x33: {  	s23 =	sadd.s32 s3, s18;
	s8 =	sadd.s32 s1, s16;
	[smem:$0x7EE] =	sst s20  }
0x34: {  	s10 =	sadd.s32 s3, s24;
	s12 =	sadd.s32 s5, s11;
	[smem:$0x7F0] =	sst s23  }
0x35: {  	s15 =	sadd.s32 s3, s16;
	s16 =	sadd.s32 $0x183C00, s4;
	[smem:$0x7F3] =	sst s8  }
0x36: {  	s13 =	sadd.s32 $0xC3C00, s4;
	s19 =	sadd.s32 $0x243C00, s4;
	[smem:$0x7F4] =	sst s10  }
0x37: {  	s25 =	sadd.s32 $0x5400, s4;
	s21 =	sadd.s32 $0x183000, s4;
	[smem:$0x7F5] =	sst s12  }
0x38: {  	s14 =	sadd.s32 s1, s13;
	[smem:$0x7F7] =	sst s15;
	s17 =	sadd.s32 s1, s16  }
0x39: {  	s18 =	sadd.s32 s3, s13;
	s20 =	sadd.s32 s1, s19;
	[smem:$0x7F6] =	sst s14  }
0x3a: {  	s23 =	sadd.s32 s1, s11;
	s8 =	sadd.s32 $0x184800, s4;
	[smem:$0x7F8] =	sst s17  }
0x3b: {  	s24 =	sadd.s32 s3, s19;
	s10 =	sadd.s32 $0x244800, s4;
	[smem:$0x7F9] =	sst s18  }
0x3c: {  	s15 =	sadd.s32 s1, s25;
	s13 =	sadd.s32 s3, s25;
	[smem:$0x7FA] =	sst s20  }
0x3d: {  	s22 =	sadd.s32 s1, s21;
	s26 =	sadd.s32 s3, s21;
	[smem:$0x7FC] =	sst s23  }
0x3e: {  	s21 =	sadd.s32 s3, s16;
	[smem:$0x7FD] =	sst s24;
	s17 =	sadd.s32 s5, s25  }
0x3f: {  	s24 =	sadd.s32 s3, s11;
	s18 =	sadd.s32 s1, s10;
	s19 =	sadd.s32 s3, s8  }
0x40: {  	s11 =	sadd.s32 $0xC5400, s4;
	s16 =	sadd.s32 s3, s10;
	[smem:$0x7EF] =	sst s22  }
0x41: {  	s14 =	sadd.s32 $0x185400, s4;
	[smem:$0x7F2] =	sst s26;
	s22 =	sshrl.u32 s6, $0x1  }
0x42: {  	s20 =	sadd.s32 $0x245400, s4;
	[smem:$0x7FB] =	sst s21;
	s6 =	ssub.s32 s6, s22  }
0x43: {  	s26 =	sadd.s32 $0xC4800, s4;
	s21 =	sadd.s32 s1, s8;
	s25 =	smax.u32 s6, $0x1  }
0x44: {  	s12 =	sadd.s32 s1, s11;
	s7 =	sadd.s32 s1, s14;
	p1 =	sne.s32 s25, $0x1  }
.Ltmp0:
0x45: {  	s10 =	sadd.s32 s3, s11;
	s4 =	sadd.s32 s1, s20;
	(pc) =	sbr.rel @!p1 .LBB2_3-.Ltmp0, $4  }
0x46: {  	s5 =	sadd.s32 s3, s14;
	s14 =	simm.s32 $0x1;
	s8 =	simm.s32 $0x2  }
0x47: {  	s11 =	simm.s32 $0x4;
	s23 =	sadd.s32 s1, s26;
	s22 =	sadd.s32 s3, s26  }
0x48: {  	s3 =	sadd.s32 s3, s20;
	s26 =	simm.s32 $0x18000;
	s20 =	simm.s32 $0x3  }
0x49: {  	s6 =	simm.s32 $0x6000;
	s1 =	sadd.s32 $0xFFFFFFFF, s25;
	s25 =	simm.s32 $0x6  }
0x4a: {  	[smem:$0x7E0] =	sst s1  }
0x4b: {  	[tilespmem:s31], [sflag:$0x7] =	stream.linear.gather [hbm4b:s0+s2], $0x6000, $0x38;
	[tilespmem:$0x1E000] =	vst v63  }
0x4c: {  	s1 =	rddreg [dreg:$0x5]  }
0x4d: {  	[tilespmem:s2], [sflag:$0x1] =	stream.linear.gather [hbm4b:s1+s2], $0x6000, $0x38;
	[tilespmem:$0x1E000] =	vst v63  }
0x4e: {  	_ =	swait.ge [sflag:s29], $0x6000  }
0x4f: {  	[sflag:s29] =	ssyncset.done $0x0  }
0x50: {  	s1 =	rddreg [dreg:$0x6];
	[sflag:s29] =	ssyncadd.s32 $0xFFFFA000  }
0x51: {  	[tilespmem:s26], [sflag:$0x8] =	stream.linear.gather [hbm4b:s1+s2], $0x6000, $0x38;
	[tilespmem:$0x1E000] =	vst v63  }
0x52: {  	_ =	swait.ge [sflag:s14], $0x6000  }
0x53: {  	[sflag:s14] =	ssyncset.done $0x0  }
0x54: {  	s0 =	rddreg [dreg:$0x7];
	[sflag:s14] =	ssyncadd.s32 $0xFFFFA000  }
0x55: {  	[tilespmem:s6], [sflag:$0x2] =	stream.linear.gather [hbm4b:s0+s2], $0x6000, $0x38;
	[tilespmem:$0x1E000] =	vst v63  }
0x56: {  	s1 =	rddreg [dreg:$0x8]  }
0x57: {  	[hbm4b:s1+s2] =	stream.linear.scatter [tilespmem:s2], [sflag:$0x4], $0x6000, $0x38;
	[tilespmem:$0x1E000] =	vst v63  }
0x58: {  	_ =	swait.ge [sflag:s8], $0x6000  }
0x59: {  	[sflag:s8] =	ssyncset.done $0x0  }
0x5a: {  	s0 =	rddreg [dreg:$0x9];
	[sflag:s8] =	ssyncadd.s32 $0xFFFFA000  }
0x5b: {  	[tilespmem:s30], [sflag:$0x3] =	stream.linear.gather [hbm4b:s0+s2], $0x6000, $0x38;
	[tilespmem:$0x1E000] =	vst v63  }
0x5c: {  	s1 =	rddreg [dreg:$0xa]  }
0x5d: {  	[hbm4b:s1+s2] =	stream.linear.scatter [tilespmem:s6], [sflag:$0x5], $0x6000, $0x38;
	[tilespmem:$0x1E000] =	vst v63  }
0x5e: {  	_ =	swait.ge [sflag:s20], $0x6000  }
0x5f: {  	[sflag:s20] =	ssyncset.done $0x0  }
0x60: {  	[sflag:s20] =	ssyncadd.s32 $0xFFFFA000  }
0x61: {  	_ =	swait.ge [sflag:s11], $0x6000  }
0x62: {  	[sflag:s11] =	ssyncset.done $0x0  }
0x63: {  	s0 =	rddreg [dreg:$0xb];
	[sflag:s11] =	ssyncadd.s32 $0xFFFFA000  }
0x64: {  	[tilespmem:s2], [sflag:$0x1] =	stream.linear.gather [hbm4b:s0+s2], $0x6000, $0x38;
	[tilespmem:$0x1E000] =	vst v63  }
0x65: {  	s1 =	rddreg [dreg:$0xc]  }
0x66: {  	[hbm4b:s1+s2] =	stream.linear.scatter [tilespmem:s30], [sflag:$0x6], $0x6000, $0x38;
	[tilespmem:$0x1E000] =	vst v63  }
0x67: {  	_ =	swait.ge [sflag:s14], $0x6000  }
0x68: {  	[sflag:s14] =	ssyncset.done $0x0  }
0x69: {  	[sflag:s14] =	ssyncadd.s32 $0xFFFFA000  }
0x6a: {  	_ =	swait.ge [sflag:s9], $0x6000  }
0x6b: {  	[sflag:s9] =	ssyncset.done $0x0  }
0x6c: {  	s0 =	rddreg [dreg:$0xd];
	[sflag:s9] =	ssyncadd.s32 $0xFFFFA000  }
0x6d: {  	[tilespmem:s6], [sflag:$0x2] =	stream.linear.gather [hbm4b:s0+s2], $0x6000, $0x38;
	[tilespmem:$0x1E000] =	vst v63  }
0x6e: {  	s1 =	rddreg [dreg:$0xe]  }
0x6f: {  	[hbm4b:s1+s2] =	stream.linear.scatter [tilespmem:s2], [sflag:$0x4], $0x6000, $0x38;
	[tilespmem:$0x1E000] =	vst v63  }
0x70: {  	_ =	swait.ge [sflag:s28], $0x6000  }
0x71: {  	[sflag:s28] =	ssyncset.done $0x0  }
0x72: {  	s1 =	rddreg [dreg:$0xf];
	[sflag:s28] =	ssyncadd.s32 $0xFFFFA000  }
0x73: {  	[tilespmem:s31], [sflag:$0x7] =	stream.linear.gather [hbm4b:s1+s2], $0x6000, $0x38;
	[tilespmem:$0x1E000] =	vst v63  }
0x74: {  	_ =	swait.ge [sflag:s8], $0x6000  }
0x75: {  	[sflag:s8] =	ssyncset.done $0x0  }
0x76: {  	[sflag:s8] =	ssyncadd.s32 $0xFFFFA000  }
0x77: {  	_ =	swait.ge [sflag:s25], $0x6000  }
0x78: {  	[sflag:s25] =	ssyncset.done $0x0  }
0x79: {  	s0 =	rddreg [dreg:$0x10];
	[sflag:s25] =	ssyncadd.s32 $0xFFFFA000  }
0x7a: {  	[tilespmem:s30], [sflag:$0x3] =	stream.linear.gather [hbm4b:s0+s2], $0x6000, $0x38;
	[tilespmem:$0x1E000] =	vst v63  }
0x7b: {  	s1 =	rddreg [dreg:$0x11]  }
0x7c: {  	[hbm4b:s1+s2] =	stream.linear.scatter [tilespmem:s6], [sflag:$0x5], $0x6000, $0x38;
	[tilespmem:$0x1E000] =	vst v63  }
0x7d: {  	_ =	swait.ge [sflag:s20], $0x6000  }
0x7e: {  	[sflag:s20] =	ssyncset.done $0x0  }
0x7f: {  	[sflag:s20] =	ssyncadd.s32 $0xFFFFA000  }
0x80: {  	_ =	swait.ge [sflag:s11], $0x6000  }
0x81: {  	[sflag:s11] =	ssyncset.done $0x0  }
0x82: {  	s0 =	rddreg [dreg:$0x12];
	[sflag:s11] =	ssyncadd.s32 $0xFFFFA000  }
0x83: {  	[tilespmem:s2], [sflag:$0x1] =	stream.linear.gather [hbm4b:s0+s2], $0x6000, $0x38;
	[tilespmem:$0x1E000] =	vst v63  }
0x84: {  	s1 =	rddreg [dreg:$0x13]  }
0x85: {  	[hbm4b:s1+s2] =	stream.linear.scatter [tilespmem:s30], [sflag:$0x6], $0x6000, $0x38;
	[tilespmem:$0x1E000] =	vst v63  }
0x86: {  	_ =	swait.ge [sflag:s14], $0x6000  }
0x87: {  	[sflag:s14] =	ssyncset.done $0x0  }
0x88: {  	[sflag:s14] =	ssyncadd.s32 $0xFFFFA000  }
0x89: {  	_ =	swait.ge [sflag:s9], $0x6000  }
0x8a: {  	[sflag:s9] =	ssyncset.done $0x0  }
0x8b: {  	s0 =	rddreg [dreg:$0x14];
	[sflag:s9] =	ssyncadd.s32 $0xFFFFA000  }
0x8c: {  	[tilespmem:s6], [sflag:$0x2] =	stream.linear.gather [hbm4b:s0+s2], $0x6000, $0x38;
	[tilespmem:$0x1E000] =	vst v63  }
0x8d: {  	s1 =	rddreg [dreg:$0x15]  }
0x8e: {  	[hbm4b:s1+s2] =	stream.linear.scatter [tilespmem:s2], [sflag:$0x4], $0x6000, $0x38;
	[tilespmem:$0x1E000] =	vst v63  }
0x8f: {  	_ =	swait.ge [sflag:s8], $0x6000  }
0x90: {  	[sflag:s8] =	ssyncset.done $0x0  }
0x91: {  	[sflag:s8] =	ssyncadd.s32 $0xFFFFA000  }
0x92: {  	_ =	swait.ge [sflag:s25], $0x6000  }
0x93: {  	[sflag:s25] =	ssyncset.done $0x0  }
0x94: {  	s0 =	rddreg [dreg:$0x16];
	[sflag:s25] =	ssyncadd.s32 $0xFFFFA000  }
0x95: {  	[tilespmem:s30], [sflag:$0x3] =	stream.linear.gather [hbm4b:s0+s2], $0x6000, $0x38;
	[tilespmem:$0x1E000] =	vst v63  }
0x96: {  	s1 =	rddreg [dreg:$0x17]  }
0x97: {  	[hbm4b:s1+s2] =	stream.linear.scatter [tilespmem:s6], [sflag:$0x5], $0x6000, $0x38;
	[tilespmem:$0x1E000] =	vst v63  }
0x98: {  	_ =	swait.ge [sflag:s29], $0x6000  }
0x99: {  	[sflag:s29] =	ssyncset.done $0x0  }
0x9a: {  	s1 =	rddreg [dreg:$0x18];
	[sflag:s29] =	ssyncadd.s32 $0xFFFFA000  }
0x9b: {  	[tilespmem:s26], [sflag:$0x8] =	stream.linear.gather [hbm4b:s1+s2], $0x6000, $0x38;
	[tilespmem:$0x1E000] =	vst v63  }
0x9c: {  	_ =	swait.ge [sflag:s20], $0x6000  }
0x9d: {  	[sflag:s20] =	ssyncset.done $0x0  }
0x9e: {  	[sflag:s20] =	ssyncadd.s32 $0xFFFFA000  }
0x9f: {  	_ =	swait.ge [sflag:s11], $0x6000  }
0xa0: {  	[sflag:s11] =	ssyncset.done $0x0  }
0xa1: {  	s0 =	rddreg [dreg:$0x19];
	[sflag:s11] =	ssyncadd.s32 $0xFFFFA000  }
0xa2: {  	[tilespmem:s2], [sflag:$0x1] =	stream.linear.gather [hbm4b:s0+s2], $0x6000, $0x38;
	[tilespmem:$0x1E000] =	vst v63  }
0xa3: {  	s1 =	rddreg [dreg:$0x1a]  }
0xa4: {  	[hbm4b:s1+s2] =	stream.linear.scatter [tilespmem:s30], [sflag:$0x6], $0x6000, $0x38;
	[tilespmem:$0x1E000] =	vst v63  }
0xa5: {  	_ =	swait.ge [sflag:s14], $0x6000  }
0xa6: {  	[sflag:s14] =	ssyncset.done $0x0  }
0xa7: {  	[sflag:s14] =	ssyncadd.s32 $0xFFFFA000  }
0xa8: {  	_ =	swait.ge [sflag:s9], $0x6000  }
0xa9: {  	[sflag:s9] =	ssyncset.done $0x0  }
0xaa: {  	s0 =	rddreg [dreg:$0x1b];
	[sflag:s9] =	ssyncadd.s32 $0xFFFFA000  }
0xab: {  	[tilespmem:s6], [sflag:$0x2] =	stream.linear.gather [hbm4b:s0+s2], $0x6000, $0x38;
	[tilespmem:$0x1E000] =	vst v63  }
0xac: {  	s1 =	rddreg [dreg:$0x1c]  }
0xad: {  	[hbm4b:s1+s2] =	stream.linear.scatter [tilespmem:s2], [sflag:$0x4], $0x6000, $0x38;
	[tilespmem:$0x1E000] =	vst v63  }
0xae: {  	_ =	swait.ge [sflag:s8], $0x6000  }
0xaf: {  	[sflag:s8] =	ssyncset.done $0x0  }
0xb0: {  	[sflag:s8] =	ssyncadd.s32 $0xFFFFA000  }
0xb1: {  	_ =	swait.ge [sflag:s25], $0x6000  }
0xb2: {  	[sflag:s25] =	ssyncset.done $0x0  }
0xb3: {  	s0 =	rddreg [dreg:$0x1d];
	[sflag:s25] =	ssyncadd.s32 $0xFFFFA000  }
0xb4: {  	[tilespmem:s30], [sflag:$0x3] =	stream.linear.gather [hbm4b:s0+s2], $0x6000, $0x38;
	[tilespmem:$0x1E000] =	vst v63  }
0xb5: {  	s1 =	rddreg [dreg:$0x1e]  }
0xb6: {  	[hbm4b:s1+s2] =	stream.linear.scatter [tilespmem:s6], [sflag:$0x5], $0x6000, $0x38;
	[tilespmem:$0x1E000] =	vst v63  }
0xb7: {  	_ =	swait.ge [sflag:s20], $0x6000  }
0xb8: {  	[sflag:s20] =	ssyncset.done $0x0  }
0xb9: {  	[sflag:s20] =	ssyncadd.s32 $0xFFFFA000  }
0xba: {  	_ =	swait.ge [sflag:s11], $0x6000  }
0xbb: {  	s0 =	rddreg [dreg:$0x1f];
	[sflag:s11] =	ssyncset.done $0x0  }
0xbc: {  	s1 =	sld [smem:$0x7E2];
	[sflag:s11] =	ssyncadd.s32 $0xFFFFA000  }
0xbd: {  	[tilespmem:s2], [sflag:$0x1] =	stream.linear.gather [hbm4b:s0+s2], $0x6000, $0x38;
	[tilespmem:$0x1E000] =	vst v63  }
0xbe: {  	_ = 	snop  }
0xbf: {  	[hbm4b:s1+s2] =	stream.linear.scatter [tilespmem:s30], [sflag:$0x6], $0x6000, $0x38;
	[tilespmem:$0x1E000] =	vst v63  }
0xc0: {  	_ =	swait.ge [sflag:s28], $0x6000  }
0xc1: {  	s1 =	sld [smem:$0x7E3]  }
0xc2: {  	[sflag:s28] =	ssyncset.done $0x0  }
0xc3: {  	[sflag:s28] =	ssyncadd.s32 $0xFFFFA000  }
0xc4: {  	[tilespmem:s31], [sflag:$0x7] =	stream.linear.gather [hbm4b:s1+s2], $0x6000, $0x38;
	[tilespmem:$0x1E000] =	vst v63  }
0xc5: {  	_ =	swait.ge [sflag:s14], $0x6000  }
0xc6: {  	[sflag:s14] =	ssyncset.done $0x0  }
0xc7: {  	[sflag:s14] =	ssyncadd.s32 $0xFFFFA000  }
0xc8: {  	_ =	swait.ge [sflag:s9], $0x6000  }
0xc9: {  	s0 =	sld [smem:$0x7E4]  }
0xca: {  	[sflag:s9] =	ssyncset.done $0x0  }
0xcb: {  	s1 =	sld [smem:$0x7E5];
	[sflag:s9] =	ssyncadd.s32 $0xFFFFA000  }
0xcc: {  	[tilespmem:s6], [sflag:$0x2] =	stream.linear.gather [hbm4b:s0+s2], $0x6000, $0x38;
	[tilespmem:$0x1E000] =	vst v63  }
0xcd: {  	_ = 	snop  }
0xce: {  	[hbm4b:s1+s2] =	stream.linear.scatter [tilespmem:s2], [sflag:$0x4], $0x6000, $0x38;
	[tilespmem:$0x1E000] =	vst v63  }
0xcf: {  	_ =	swait.ge [sflag:s8], $0x6000  }
0xd0: {  	[sflag:s8] =	ssyncset.done $0x0  }
0xd1: {  	[sflag:s8] =	ssyncadd.s32 $0xFFFFA000  }
0xd2: {  	_ =	swait.ge [sflag:s25], $0x6000  }
0xd3: {  	s0 =	sld [smem:$0x7E6]  }
0xd4: {  	[sflag:s25] =	ssyncset.done $0x0  }
0xd5: {  	s1 =	sld [smem:$0x7E7];
	[sflag:s25] =	ssyncadd.s32 $0xFFFFA000  }
0xd6: {  	[tilespmem:s30], [sflag:$0x3] =	stream.linear.gather [hbm4b:s0+s2], $0x6000, $0x38;
	[tilespmem:$0x1E000] =	vst v63  }
0xd7: {  	_ = 	snop  }
0xd8: {  	[hbm4b:s1+s2] =	stream.linear.scatter [tilespmem:s6], [sflag:$0x5], $0x6000, $0x38;
	[tilespmem:$0x1E000] =	vst v63  }
0xd9: {  	_ =	swait.ge [sflag:s20], $0x6000  }
0xda: {  	[sflag:s20] =	ssyncset.done $0x0  }
0xdb: {  	[sflag:s20] =	ssyncadd.s32 $0xFFFFA000  }
0xdc: {  	_ =	swait.ge [sflag:s11], $0x6000  }
0xdd: {  	s0 =	sld [smem:$0x7E8]  }
0xde: {  	[sflag:s11] =	ssyncset.done $0x0  }
0xdf: {  	s1 =	sld [smem:$0x7E9];
	[sflag:s11] =	ssyncadd.s32 $0xFFFFA000  }
0xe0: {  	[tilespmem:s2], [sflag:$0x1] =	stream.linear.gather [hbm4b:s0+s2], $0x6000, $0x38;
	[tilespmem:$0x1E000] =	vst v63  }
0xe1: {  	_ = 	snop  }
0xe2: {  	[hbm4b:s1+s2] =	stream.linear.scatter [tilespmem:s30], [sflag:$0x6], $0x6000, $0x38;
	[tilespmem:$0x1E000] =	vst v63  }
0xe3: {  	_ =	swait.ge [sflag:s14], $0x6000  }
0xe4: {  	[sflag:s14] =	ssyncset.done $0x0  }
0xe5: {  	[sflag:s14] =	ssyncadd.s32 $0xFFFFA000  }
0xe6: {  	_ =	swait.ge [sflag:s9], $0x6000  }
0xe7: {  	s0 =	sld [smem:$0x7EA]  }
0xe8: {  	[sflag:s9] =	ssyncset.done $0x0  }
0xe9: {  	s1 =	sld [smem:$0x7EB];
	[sflag:s9] =	ssyncadd.s32 $0xFFFFA000  }
0xea: {  	[tilespmem:s6], [sflag:$0x2] =	stream.linear.gather [hbm4b:s0+s2], $0x6000, $0x38;
	[tilespmem:$0x1E000] =	vst v63  }
0xeb: {  	_ = 	snop  }
0xec: {  	[hbm4b:s1+s2] =	stream.linear.scatter [tilespmem:s2], [sflag:$0x4], $0x6000, $0x38;
	[tilespmem:$0x1E000] =	vst v63  }
0xed: {  	_ =	swait.ge [sflag:s29], $0x6000  }
0xee: {  	s1 =	sld [smem:$0x7EC]  }
0xef: {  	[sflag:s29] =	ssyncset.done $0x0  }
0xf0: {  	[sflag:s29] =	ssyncadd.s32 $0xFFFFA000  }
0xf1: {  	[tilespmem:s26], [sflag:$0x8] =	stream.linear.gather [hbm4b:s1+s2], $0x6000, $0x38;
	[tilespmem:$0x1E000] =	vst v63  }
0xf2: {  	_ =	swait.ge [sflag:s8], $0x6000  }
0xf3: {  	[sflag:s8] =	ssyncset.done $0x0  }
0xf4: {  	[sflag:s8] =	ssyncadd.s32 $0xFFFFA000  }
0xf5: {  	_ =	swait.ge [sflag:s25], $0x6000  }
0xf6: {  	s0 =	sld [smem:$0x7ED]  }
0xf7: {  	[sflag:s25] =	ssyncset.done $0x0  }
0xf8: {  	s1 =	sld [smem:$0x7EE];
	[sflag:s25] =	ssyncadd.s32 $0xFFFFA000  }
0xf9: {  	[tilespmem:s30], [sflag:$0x3] =	stream.linear.gather [hbm4b:s0+s2], $0x6000, $0x38;
	[tilespmem:$0x1E000] =	vst v63  }
0xfa: {  	_ = 	snop  }
0xfb: {  	[hbm4b:s1+s2] =	stream.linear.scatter [tilespmem:s6], [sflag:$0x5], $0x6000, $0x38;
	[tilespmem:$0x1E000] =	vst v63  }
0xfc: {  	_ =	swait.ge [sflag:s20], $0x6000  }
0xfd: {  	[sflag:s20] =	ssyncset.done $0x0  }
0xfe: {  	[sflag:s20] =	ssyncadd.s32 $0xFFFFA000  }
0xff: {  	_ =	swait.ge [sflag:s11], $0x6000  }
0x100: {  	s0 =	sld [smem:$0x7EF]  }
0x101: {  	[sflag:s11] =	ssyncset.done $0x0  }
0x102: {  	s1 =	sld [smem:$0x7F0];
	[sflag:s11] =	ssyncadd.s32 $0xFFFFA000  }
0x103: {  	[tilespmem:s2], [sflag:$0x1] =	stream.linear.gather [hbm4b:s0+s2], $0x6000, $0x38;
	[tilespmem:$0x1E000] =	vst v63  }
0x104: {  	_ = 	snop  }
0x105: {  	[hbm4b:s1+s2] =	stream.linear.scatter [tilespmem:s30], [sflag:$0x6], $0x6000, $0x38;
	[tilespmem:$0x1E000] =	vst v63  }
0x106: {  	_ =	swait.ge [sflag:s14], $0x6000  }
0x107: {  	[sflag:s14] =	ssyncset.done $0x0  }
0x108: {  	[sflag:s14] =	ssyncadd.s32 $0xFFFFA000  }
0x109: {  	_ =	swait.ge [sflag:s9], $0x6000  }
0x10a: {  	s0 =	sld [smem:$0x7F1]  }
0x10b: {  	[sflag:s9] =	ssyncset.done $0x0  }
0x10c: {  	s1 =	sld [smem:$0x7F2];
	[sflag:s9] =	ssyncadd.s32 $0xFFFFA000  }
0x10d: {  	[tilespmem:s6], [sflag:$0x2] =	stream.linear.gather [hbm4b:s0+s2], $0x6000, $0x38;
	[tilespmem:$0x1E000] =	vst v63  }
0x10e: {  	_ = 	snop  }
0x10f: {  	[hbm4b:s1+s2] =	stream.linear.scatter [tilespmem:s2], [sflag:$0x4], $0x6000, $0x38;
	[tilespmem:$0x1E000] =	vst v63  }
0x110: {  	_ =	swait.ge [sflag:s8], $0x6000  }
0x111: {  	[sflag:s8] =	ssyncset.done $0x0  }
0x112: {  	[sflag:s8] =	ssyncadd.s32 $0xFFFFA000  }
0x113: {  	_ =	swait.ge [sflag:s25], $0x6000  }
0x114: {  	s0 =	sld [smem:$0x7F3]  }
0x115: {  	[sflag:s25] =	ssyncset.done $0x0  }
0x116: {  	s1 =	sld [smem:$0x7F4];
	[sflag:s25] =	ssyncadd.s32 $0xFFFFA000  }
0x117: {  	[tilespmem:s30], [sflag:$0x3] =	stream.linear.gather [hbm4b:s0+s2], $0x6000, $0x38;
	[tilespmem:$0x1E000] =	vst v63  }
0x118: {  	_ = 	snop  }
0x119: {  	[hbm4b:s1+s2] =	stream.linear.scatter [tilespmem:s6], [sflag:$0x5], $0x6000, $0x38;
	[tilespmem:$0x1E000] =	vst v63  }
0x11a: {  	_ =	swait.ge [sflag:s28], $0x6000  }
0x11b: {  	s1 =	sld [smem:$0x7F5]  }
0x11c: {  	[sflag:s28] =	ssyncset.done $0x0  }
0x11d: {  	[sflag:s28] =	ssyncadd.s32 $0xFFFFA000  }
0x11e: {  	[tilespmem:s31], [sflag:$0x7] =	stream.linear.gather [hbm4b:s1+s2], $0x6000, $0x38;
	[tilespmem:$0x1E000] =	vst v63  }
0x11f: {  	_ =	swait.ge [sflag:s20], $0x6000  }
0x120: {  	[sflag:s20] =	ssyncset.done $0x0  }
0x121: {  	[sflag:s20] =	ssyncadd.s32 $0xFFFFA000  }
0x122: {  	_ =	swait.ge [sflag:s11], $0x6000  }
0x123: {  	s0 =	sld [smem:$0x7F6]  }
0x124: {  	[sflag:s11] =	ssyncset.done $0x0  }
0x125: {  	s1 =	sld [smem:$0x7F7];
	[sflag:s11] =	ssyncadd.s32 $0xFFFFA000  }
0x126: {  	[tilespmem:s2], [sflag:$0x1] =	stream.linear.gather [hbm4b:s0+s2], $0x6000, $0x38;
	[tilespmem:$0x1E000] =	vst v63  }
0x127: {  	_ = 	snop  }
0x128: {  	[hbm4b:s1+s2] =	stream.linear.scatter [tilespmem:s30], [sflag:$0x6], $0x6000, $0x38;
	[tilespmem:$0x1E000] =	vst v63  }
0x129: {  	_ =	swait.ge [sflag:s14], $0x6000  }
0x12a: {  	[sflag:s14] =	ssyncset.done $0x0  }
0x12b: {  	[sflag:s14] =	ssyncadd.s32 $0xFFFFA000  }
0x12c: {  	_ =	swait.ge [sflag:s9], $0x6000  }
0x12d: {  	s0 =	sld [smem:$0x7F8]  }
0x12e: {  	[sflag:s9] =	ssyncset.done $0x0  }
0x12f: {  	s1 =	sld [smem:$0x7F9];
	[sflag:s9] =	ssyncadd.s32 $0xFFFFA000  }
0x130: {  	[tilespmem:s6], [sflag:$0x2] =	stream.linear.gather [hbm4b:s0+s2], $0x6000, $0x38;
	[tilespmem:$0x1E000] =	vst v63  }
0x131: {  	_ = 	snop  }
0x132: {  	[hbm4b:s1+s2] =	stream.linear.scatter [tilespmem:s2], [sflag:$0x4], $0x6000, $0x38;
	[tilespmem:$0x1E000] =	vst v63  }
0x133: {  	_ =	swait.ge [sflag:s8], $0x6000  }
0x134: {  	[sflag:s8] =	ssyncset.done $0x0  }
0x135: {  	[sflag:s8] =	ssyncadd.s32 $0xFFFFA000  }
0x136: {  	_ =	swait.ge [sflag:s25], $0x6000  }
0x137: {  	s0 =	sld [smem:$0x7FA]  }
0x138: {  	[sflag:s25] =	ssyncset.done $0x0  }
0x139: {  	s1 =	sld [smem:$0x7FB];
	[sflag:s25] =	ssyncadd.s32 $0xFFFFA000  }
0x13a: {  	[tilespmem:s30], [sflag:$0x3] =	stream.linear.gather [hbm4b:s0+s2], $0x6000, $0x38;
	[tilespmem:$0x1E000] =	vst v63  }
0x13b: {  	_ = 	snop  }
0x13c: {  	[hbm4b:s1+s2] =	stream.linear.scatter [tilespmem:s6], [sflag:$0x5], $0x6000, $0x38;
	[tilespmem:$0x1E000] =	vst v63  }
0x13d: {  	_ =	swait.ge [sflag:s20], $0x6000  }
0x13e: {  	[sflag:s20] =	ssyncset.done $0x0  }
0x13f: {  	[sflag:s20] =	ssyncadd.s32 $0xFFFFA000  }
0x140: {  	_ =	swait.ge [sflag:s11], $0x6000  }
0x141: {  	s0 =	sld [smem:$0x7FC]  }
0x142: {  	[sflag:s11] =	ssyncset.done $0x0  }
0x143: {  	s1 =	sld [smem:$0x7FD];
	[sflag:s11] =	ssyncadd.s32 $0xFFFFA000  }
0x144: {  	[tilespmem:s2], [sflag:$0x1] =	stream.linear.gather [hbm4b:s0+s2], $0x6000, $0x38;
	[tilespmem:$0x1E000] =	vst v63  }
0x145: {  	_ = 	snop  }
0x146: {  	[hbm4b:s1+s2] =	stream.linear.scatter [tilespmem:s30], [sflag:$0x6], $0x6000, $0x38;
	[tilespmem:$0x1E000] =	vst v63  }
0x147: {  	_ =	swait.ge [sflag:s29], $0x6000  }
0x148: {  	[sflag:s29] =	ssyncset.done $0x0  }
0x149: {  	[sflag:s29] =	ssyncadd.s32 $0xFFFFA000  }
0x14a: {  	[tilespmem:s26], [sflag:$0x8] =	stream.linear.gather [hbm4b:s17+s2], $0x6000, $0x38;
	[tilespmem:$0x1E000] =	vst v63  }
0x14b: {  	_ =	swait.ge [sflag:s14], $0x6000  }
0x14c: {  	[sflag:s14] =	ssyncset.done $0x0  }
0x14d: {  	[sflag:s14] =	ssyncadd.s32 $0xFFFFA000  }
0x14e: {  	_ =	swait.ge [sflag:s9], $0x6000  }
0x14f: {  	[sflag:s9] =	ssyncset.done $0x0  }
0x150: {  	[sflag:s9] =	ssyncadd.s32 $0xFFFFA000  }
0x151: {  	[tilespmem:s6], [sflag:$0x2] =	stream.linear.gather [hbm4b:s23+s2], $0x6000, $0x38;
	[tilespmem:$0x1E000] =	vst v63  }
0x152: {  	_ = 	snop  }
0x153: {  	[hbm4b:s24+s2] =	stream.linear.scatter [tilespmem:s2], [sflag:$0x4], $0x6000, $0x38;
	[tilespmem:$0x1E000] =	vst v63  }
0x154: {  	_ =	swait.ge [sflag:s8], $0x6000  }
0x155: {  	[sflag:s8] =	ssyncset.done $0x0  }
0x156: {  	[sflag:s8] =	ssyncadd.s32 $0xFFFFA000  }
0x157: {  	_ =	swait.ge [sflag:s25], $0x6000  }
0x158: {  	[sflag:s25] =	ssyncset.done $0x0  }
0x159: {  	[sflag:s25] =	ssyncadd.s32 $0xFFFFA000  }
0x15a: {  	[tilespmem:s30], [sflag:$0x3] =	stream.linear.gather [hbm4b:s21+s2], $0x6000, $0x38;
	[tilespmem:$0x1E000] =	vst v63  }
0x15b: {  	_ = 	snop  }
0x15c: {  	[hbm4b:s22+s2] =	stream.linear.scatter [tilespmem:s6], [sflag:$0x5], $0x6000, $0x38;
	[tilespmem:$0x1E000] =	vst v63  }
0x15d: {  	_ =	swait.ge [sflag:s20], $0x6000  }
0x15e: {  	[sflag:s20] =	ssyncset.done $0x0  }
0x15f: {  	[sflag:s20] =	ssyncadd.s32 $0xFFFFA000  }
0x160: {  	_ =	swait.ge [sflag:s11], $0x6000  }
0x161: {  	[sflag:s11] =	ssyncset.done $0x0  }
0x162: {  	[sflag:s11] =	ssyncadd.s32 $0xFFFFA000  }
0x163: {  	[tilespmem:s2], [sflag:$0x1] =	stream.linear.gather [hbm4b:s18+s2], $0x6000, $0x38;
	[tilespmem:$0x1E000] =	vst v63  }
0x164: {  	_ = 	snop  }
0x165: {  	[hbm4b:s19+s2] =	stream.linear.scatter [tilespmem:s30], [sflag:$0x6], $0x6000, $0x38;
	[tilespmem:$0x1E000] =	vst v63  }
0x166: {  	_ =	swait.ge [sflag:s14], $0x6000  }
0x167: {  	[sflag:s14] =	ssyncset.done $0x0  }
0x168: {  	[sflag:s14] =	ssyncadd.s32 $0xFFFFA000  }
0x169: {  	_ =	swait.ge [sflag:s9], $0x6000  }
0x16a: {  	[sflag:s9] =	ssyncset.done $0x0  }
0x16b: {  	[sflag:s9] =	ssyncadd.s32 $0xFFFFA000  }
0x16c: {  	[tilespmem:s6], [sflag:$0x2] =	stream.linear.gather [hbm4b:s15+s2], $0x6000, $0x38;
	[tilespmem:$0x1E000] =	vst v63  }
0x16d: {  	_ = 	snop  }
0x16e: {  	[hbm4b:s16+s2] =	stream.linear.scatter [tilespmem:s2], [sflag:$0x4], $0x6000, $0x38;
	[tilespmem:$0x1E000] =	vst v63  }
0x16f: {  	_ =	swait.ge [sflag:s28], $0x6000  }
0x170: {  	[sflag:s28] =	ssyncset.done $0x0  }
0x171: {  	[sflag:s28] =	ssyncadd.s32 $0xFFFFA000  }
0x172: {  	_ =	swait.ge [sflag:s8], $0x6000  }
0x173: {  	[sflag:s8] =	ssyncset.done $0x0  }
0x174: {  	[sflag:s8] =	ssyncadd.s32 $0xFFFFA000  }
0x175: {  	_ =	swait.ge [sflag:s25], $0x6000  }
0x176: {  	[sflag:s25] =	ssyncset.done $0x0  }
0x177: {  	[sflag:s25] =	ssyncadd.s32 $0xFFFFA000  }
0x178: {  	[tilespmem:s30], [sflag:$0x3] =	stream.linear.gather [hbm4b:s12+s2], $0x6000, $0x38;
	[tilespmem:$0x1E000] =	vst v63  }
0x179: {  	_ = 	snop  }
0x17a: {  	[hbm4b:s13+s2] =	stream.linear.scatter [tilespmem:s6], [sflag:$0x5], $0x6000, $0x38;
	[tilespmem:$0x1E000] =	vst v63  }
0x17b: {  	_ =	swait.ge [sflag:s20], $0x6000  }
0x17c: {  	[sflag:s20] =	ssyncset.done $0x0  }
0x17d: {  	[sflag:s20] =	ssyncadd.s32 $0xFFFFA000  }
0x17e: {  	_ =	swait.ge [sflag:s11], $0x6000  }
0x17f: {  	[sflag:s11] =	ssyncset.done $0x0  }
0x180: {  	[sflag:s11] =	ssyncadd.s32 $0xFFFFA000  }
0x181: {  	[tilespmem:s2], [sflag:$0x1] =	stream.linear.gather [hbm4b:s7+s2], $0x6000, $0x38;
	[tilespmem:$0x1E000] =	vst v63  }
0x182: {  	_ = 	snop  }
0x183: {  	[hbm4b:s10+s2] =	stream.linear.scatter [tilespmem:s30], [sflag:$0x6], $0x6000, $0x38;
	[tilespmem:$0x1E000] =	vst v63  }
0x184: {  	_ =	swait.ge [sflag:s14], $0x6000  }
0x185: {  	[sflag:s14] =	ssyncset.done $0x0  }
0x186: {  	[sflag:s14] =	ssyncadd.s32 $0xFFFFA000  }
0x187: {  	_ =	swait.ge [sflag:s9], $0x6000  }
0x188: {  	[sflag:s9] =	ssyncset.done $0x0  }
0x189: {  	[sflag:s9] =	ssyncadd.s32 $0xFFFFA000  }
0x18a: {  	[tilespmem:s6], [sflag:$0x2] =	stream.linear.gather [hbm4b:s4+s2], $0x6000, $0x38;
	[tilespmem:$0x1E000] =	vst v63  }
0x18b: {  	_ = 	snop  }
0x18c: {  	[hbm4b:s5+s2] =	stream.linear.scatter [tilespmem:s2], [sflag:$0x4], $0x6000, $0x38;
	[tilespmem:$0x1E000] =	vst v63  }
0x18d: {  	_ =	swait.ge [sflag:s8], $0x6000  }
0x18e: {  	[sflag:s8] =	ssyncset.done $0x0  }
0x18f: {  	[sflag:s8] =	ssyncadd.s32 $0xFFFFA000  }
0x190: {  	[hbm4b:s3+s2] =	stream.linear.scatter [tilespmem:s6], [sflag:$0x5], $0x6000, $0x38;
	[tilespmem:$0x1E000] =	vst v63  }
0x191: {  	_ =	swait.ge [sflag:s11], $0x6000  }
0x192: {  	s1 =	sld [smem:$0x7E0];
	_ =	sdelay $0x2  }
0x193: {  	p1 =	sne.s32 s1, $0x1  }
.Ltmp1:
0x194: {  	[sflag:s11] =	ssyncset.done $0x0;
	(pc) =	sbr.rel @!p1 .LBB2_3-.Ltmp1, $4  }
0x195: {  	[sflag:s11] =	ssyncadd.s32 $0xFFFFA000  }
0x196: {  	_ =	swait.ge [sflag:s9], $0x6000  }
0x197: {  	p0 =	por $0x1, $0x1;
	s0 =	rddreg [dreg:$0x4]  }
0x198: {  	s1 =	sadd.s32 $0xFFFFFFFF, s1;
	[sflag:s9] =	ssyncset.done $0x0;
	[smem:$0x7E1] =	sst s17  }
.LBB2_2:
0x199: {  	[sflag:s9] =	ssyncadd.s32 $0xFFFFA000  }
0x19a: {  	s17 =	simm.s32 $0x7;
	s28 =	simm.s32 $0x12000;
	s26 =	smov.u32 s24  }
0x19b: {  	s24 =	smov.u32 s23;
	s23 =	smov.u32 s22;
	s22 =	smov.u32 s21  }
0x19c: {  	s21 =	smov.u32 s19;
	s19 =	smov.u32 s18;
	s18 =	smov.u32 s16  }
0x19d: {  	s16 =	smov.u32 s15;
	s15 =	smov.u32 s13;
	s13 =	smov.u32 s12  }
0x19e: {  	s12 =	smov.u32 s10;
	s10 =	smov.u32 s7;
	s7 =	smov.u32 s5  }
0x19f: {  	[tilespmem:s28], [sflag:$0x7] =	stream.linear.gather [hbm4b:s0+s2], $0x6000, $0x38;
	[tilespmem:$0x1E000] =	vst v63  }
0x1a0: {  	s5 =	smov.u32 s4;
	s4 =	smov.u32 s3;
	s3 =	rddreg [dreg:$0x5]  }
0x1a1: {  	[tilespmem:s2], [sflag:$0x1] =	stream.linear.gather [hbm4b:s3+s2], $0x6000, $0x38;
	[tilespmem:$0x1E000] =	vst v63  }
0x1a2: {  	_ =	swait.ge [sflag:s17], $0x6000  }
0x1a3: {  	[sflag:s17] =	ssyncset.done $0x0  }
0x1a4: {  	s31 =	simm.s32 $0x18000;
	s3 =	rddreg [dreg:$0x6];
	[sflag:s17] =	ssyncadd.s32 $0xFFFFA000  }
0x1a5: {  	[tilespmem:s31], [sflag:$0x8] =	stream.linear.gather [hbm4b:s3+s2], $0x6000, $0x38;
	[tilespmem:$0x1E000] =	vst v63  }
0x1a6: {  	_ =	swait.ge [sflag:s14], $0x6000  }
0x1a7: {  	[sflag:s14] =	ssyncset.done $0x0  }
0x1a8: {  	s0 =	rddreg [dreg:$0x7];
	[sflag:s14] =	ssyncadd.s32 $0xFFFFA000  }
0x1a9: {  	[tilespmem:s6], [sflag:$0x2] =	stream.linear.gather [hbm4b:s0+s2], $0x6000, $0x38;
	[tilespmem:$0x1E000] =	vst v63  }
0x1aa: {  	s3 =	rddreg [dreg:$0x8]  }
0x1ab: {  	[hbm4b:s3+s2] =	stream.linear.scatter [tilespmem:s2], [sflag:$0x4], $0x6000, $0x38;
	[tilespmem:$0x1E000] =	vst v63  }
0x1ac: {  	_ =	swait.ge [sflag:s8], $0x6000  }
0x1ad: {  	[sflag:s8] =	ssyncset.done $0x0  }
0x1ae: {  	s0 =	rddreg [dreg:$0x9];
	[sflag:s8] =	ssyncadd.s32 $0xFFFFA000  }
0x1af: {  	[tilespmem:s30], [sflag:$0x3] =	stream.linear.gather [hbm4b:s0+s2], $0x6000, $0x38;
	[tilespmem:$0x1E000] =	vst v63  }
0x1b0: {  	s3 =	rddreg [dreg:$0xa]  }
0x1b1: {  	[hbm4b:s3+s2] =	stream.linear.scatter [tilespmem:s6], [sflag:$0x5], $0x6000, $0x38;
	[tilespmem:$0x1E000] =	vst v63  }
0x1b2: {  	_ =	swait.ge [sflag:s20], $0x6000  }
0x1b3: {  	[sflag:s20] =	ssyncset.done $0x0  }
0x1b4: {  	[sflag:s20] =	ssyncadd.s32 $0xFFFFA000  }
0x1b5: {  	_ =	swait.ge [sflag:s11], $0x6000  }
0x1b6: {  	[sflag:s11] =	ssyncset.done $0x0  }
0x1b7: {  	s0 =	rddreg [dreg:$0xb];
	[sflag:s11] =	ssyncadd.s32 $0xFFFFA000  }
0x1b8: {  	[tilespmem:s2], [sflag:$0x1] =	stream.linear.gather [hbm4b:s0+s2], $0x6000, $0x38;
	[tilespmem:$0x1E000] =	vst v63  }
0x1b9: {  	s3 =	rddreg [dreg:$0xc]  }
0x1ba: {  	[hbm4b:s3+s2] =	stream.linear.scatter [tilespmem:s30], [sflag:$0x6], $0x6000, $0x38;
	[tilespmem:$0x1E000] =	vst v63  }
0x1bb: {  	_ =	swait.ge [sflag:s14], $0x6000  }
0x1bc: {  	[sflag:s14] =	ssyncset.done $0x0  }
0x1bd: {  	[sflag:s14] =	ssyncadd.s32 $0xFFFFA000  }
0x1be: {  	_ =	swait.ge [sflag:s9], $0x6000  }
0x1bf: {  	[sflag:s9] =	ssyncset.done $0x0  }
0x1c0: {  	s0 =	rddreg [dreg:$0xd];
	[sflag:s9] =	ssyncadd.s32 $0xFFFFA000  }
0x1c1: {  	[tilespmem:s6], [sflag:$0x2] =	stream.linear.gather [hbm4b:s0+s2], $0x6000, $0x38;
	[tilespmem:$0x1E000] =	vst v63  }
0x1c2: {  	s29 =	simm.s32 $0x8;
	s3 =	rddreg [dreg:$0xe]  }
0x1c3: {  	[hbm4b:s3+s2] =	stream.linear.scatter [tilespmem:s2], [sflag:$0x4], $0x6000, $0x38;
	[tilespmem:$0x1E000] =	vst v63  }
0x1c4: {  	_ =	swait.ge [sflag:s29], $0x6000  }
0x1c5: {  	[sflag:s29] =	ssyncset.done $0x0  }
0x1c6: {  	s3 =	rddreg [dreg:$0xf];
	[sflag:s29] =	ssyncadd.s32 $0xFFFFA000  }
0x1c7: {  	[tilespmem:s28], [sflag:$0x7] =	stream.linear.gather [hbm4b:s3+s2], $0x6000, $0x38;
	[tilespmem:$0x1E000] =	vst v63  }
0x1c8: {  	_ =	swait.ge [sflag:s8], $0x6000  }
0x1c9: {  	[sflag:s8] =	ssyncset.done $0x0  }
0x1ca: {  	[sflag:s8] =	ssyncadd.s32 $0xFFFFA000  }
0x1cb: {  	_ =	swait.ge [sflag:s25], $0x6000  }
0x1cc: {  	[sflag:s25] =	ssyncset.done $0x0  }
0x1cd: {  	s0 =	rddreg [dreg:$0x10];
	[sflag:s25] =	ssyncadd.s32 $0xFFFFA000  }
0x1ce: {  	[tilespmem:s30], [sflag:$0x3] =	stream.linear.gather [hbm4b:s0+s2], $0x6000, $0x38;
	[tilespmem:$0x1E000] =	vst v63  }
0x1cf: {  	s3 =	rddreg [dreg:$0x11]  }
0x1d0: {  	[hbm4b:s3+s2] =	stream.linear.scatter [tilespmem:s6], [sflag:$0x5], $0x6000, $0x38;
	[tilespmem:$0x1E000] =	vst v63  }
0x1d1: {  	_ =	swait.ge [sflag:s20], $0x6000  }
0x1d2: {  	[sflag:s20] =	ssyncset.done $0x0  }
0x1d3: {  	[sflag:s20] =	ssyncadd.s32 $0xFFFFA000  }
0x1d4: {  	_ =	swait.ge [sflag:s11], $0x6000  }
0x1d5: {  	[sflag:s11] =	ssyncset.done $0x0  }
0x1d6: {  	s0 =	rddreg [dreg:$0x12];
	[sflag:s11] =	ssyncadd.s32 $0xFFFFA000  }
0x1d7: {  	[tilespmem:s2], [sflag:$0x1] =	stream.linear.gather [hbm4b:s0+s2], $0x6000, $0x38;
	[tilespmem:$0x1E000] =	vst v63  }
0x1d8: {  	s3 =	rddreg [dreg:$0x13]  }
0x1d9: {  	[hbm4b:s3+s2] =	stream.linear.scatter [tilespmem:s30], [sflag:$0x6], $0x6000, $0x38;
	[tilespmem:$0x1E000] =	vst v63  }
0x1da: {  	_ =	swait.ge [sflag:s14], $0x6000  }
0x1db: {  	[sflag:s14] =	ssyncset.done $0x0  }
0x1dc: {  	[sflag:s14] =	ssyncadd.s32 $0xFFFFA000  }
0x1dd: {  	_ =	swait.ge [sflag:s9], $0x6000  }
0x1de: {  	[sflag:s9] =	ssyncset.done $0x0  }
0x1df: {  	s0 =	rddreg [dreg:$0x14];
	[sflag:s9] =	ssyncadd.s32 $0xFFFFA000  }
0x1e0: {  	[tilespmem:s6], [sflag:$0x2] =	stream.linear.gather [hbm4b:s0+s2], $0x6000, $0x38;
	[tilespmem:$0x1E000] =	vst v63  }
0x1e1: {  	s3 =	rddreg [dreg:$0x15]  }
0x1e2: {  	[hbm4b:s3+s2] =	stream.linear.scatter [tilespmem:s2], [sflag:$0x4], $0x6000, $0x38;
	[tilespmem:$0x1E000] =	vst v63  }
0x1e3: {  	_ =	swait.ge [sflag:s8], $0x6000  }
0x1e4: {  	[sflag:s8] =	ssyncset.done $0x0  }
0x1e5: {  	[sflag:s8] =	ssyncadd.s32 $0xFFFFA000  }
0x1e6: {  	_ =	swait.ge [sflag:s25], $0x6000  }
0x1e7: {  	[sflag:s25] =	ssyncset.done $0x0  }
0x1e8: {  	s0 =	rddreg [dreg:$0x16];
	[sflag:s25] =	ssyncadd.s32 $0xFFFFA000  }
0x1e9: {  	[tilespmem:s30], [sflag:$0x3] =	stream.linear.gather [hbm4b:s0+s2], $0x6000, $0x38;
	[tilespmem:$0x1E000] =	vst v63  }
0x1ea: {  	s3 =	rddreg [dreg:$0x17]  }
0x1eb: {  	[hbm4b:s3+s2] =	stream.linear.scatter [tilespmem:s6], [sflag:$0x5], $0x6000, $0x38;
	[tilespmem:$0x1E000] =	vst v63  }
0x1ec: {  	_ =	swait.ge [sflag:s17], $0x6000  }
0x1ed: {  	[sflag:s17] =	ssyncset.done $0x0  }
0x1ee: {  	s3 =	rddreg [dreg:$0x18];
	[sflag:s17] =	ssyncadd.s32 $0xFFFFA000  }
0x1ef: {  	[tilespmem:s31], [sflag:$0x8] =	stream.linear.gather [hbm4b:s3+s2], $0x6000, $0x38;
	[tilespmem:$0x1E000] =	vst v63  }
0x1f0: {  	_ =	swait.ge [sflag:s20], $0x6000  }
0x1f1: {  	[sflag:s20] =	ssyncset.done $0x0  }
0x1f2: {  	[sflag:s20] =	ssyncadd.s32 $0xFFFFA000  }
0x1f3: {  	_ =	swait.ge [sflag:s11], $0x6000  }
0x1f4: {  	[sflag:s11] =	ssyncset.done $0x0  }
0x1f5: {  	s3 =	rddreg [dreg:$0x19];
	[sflag:s11] =	ssyncadd.s32 $0xFFFFA000  }
0x1f6: {  	[tilespmem:s2], [sflag:$0x1] =	stream.linear.gather [hbm4b:s3+s2], $0x6000, $0x38;
	[tilespmem:$0x1E000] =	vst v63  }
0x1f7: {  	s17 =	rddreg [dreg:$0x1a]  }
0x1f8: {  	[hbm4b:s17+s2] =	stream.linear.scatter [tilespmem:s30], [sflag:$0x6], $0x6000, $0x38;
	[tilespmem:$0x1E000] =	vst v63  }
0x1f9: {  	_ =	swait.ge [sflag:s14], $0x6000  }
0x1fa: {  	[sflag:s14] =	ssyncset.done $0x0  }
0x1fb: {  	[sflag:s14] =	ssyncadd.s32 $0xFFFFA000  }
0x1fc: {  	_ =	swait.ge [sflag:s9], $0x6000  }
0x1fd: {  	[sflag:s9] =	ssyncset.done $0x0  }
0x1fe: {  	s3 =	rddreg [dreg:$0x1b];
	[sflag:s9] =	ssyncadd.s32 $0xFFFFA000  }
0x1ff: {  	[tilespmem:s6], [sflag:$0x2] =	stream.linear.gather [hbm4b:s3+s2], $0x6000, $0x38;
	[tilespmem:$0x1E000] =	vst v63  }
0x200: {  	s17 =	rddreg [dreg:$0x1c]  }
0x201: {  	[hbm4b:s17+s2] =	stream.linear.scatter [tilespmem:s2], [sflag:$0x4], $0x6000, $0x38;
	[tilespmem:$0x1E000] =	vst v63  }
0x202: {  	_ =	swait.ge [sflag:s8], $0x6000  }
0x203: {  	[sflag:s8] =	ssyncset.done $0x0  }
0x204: {  	[sflag:s8] =	ssyncadd.s32 $0xFFFFA000  }
0x205: {  	_ =	swait.ge [sflag:s25], $0x6000  }
0x206: {  	[sflag:s25] =	ssyncset.done $0x0  }
0x207: {  	s3 =	rddreg [dreg:$0x1d];
	[sflag:s25] =	ssyncadd.s32 $0xFFFFA000  }
0x208: {  	[tilespmem:s30], [sflag:$0x3] =	stream.linear.gather [hbm4b:s3+s2], $0x6000, $0x38;
	[tilespmem:$0x1E000] =	vst v63  }
0x209: {  	s17 =	rddreg [dreg:$0x1e]  }
0x20a: {  	[hbm4b:s17+s2] =	stream.linear.scatter [tilespmem:s6], [sflag:$0x5], $0x6000, $0x38;
	[tilespmem:$0x1E000] =	vst v63  }
0x20b: {  	_ =	swait.ge [sflag:s20], $0x6000  }
0x20c: {  	[sflag:s20] =	ssyncset.done $0x0  }
0x20d: {  	[sflag:s20] =	ssyncadd.s32 $0xFFFFA000  }
0x20e: {  	_ =	swait.ge [sflag:s11], $0x6000  }
0x20f: {  	s3 =	rddreg [dreg:$0x1f];
	[sflag:s11] =	ssyncset.done $0x0  }
0x210: {  	s17 =	sld [smem:$0x7E2];
	[sflag:s11] =	ssyncadd.s32 $0xFFFFA000  }
0x211: {  	[tilespmem:s2], [sflag:$0x1] =	stream.linear.gather [hbm4b:s3+s2], $0x6000, $0x38;
	[tilespmem:$0x1E000] =	vst v63  }
0x212: {  	_ = 	snop  }
0x213: {  	[hbm4b:s17+s2] =	stream.linear.scatter [tilespmem:s30], [sflag:$0x6], $0x6000, $0x38;
	[tilespmem:$0x1E000] =	vst v63  }
0x214: {  	_ =	swait.ge [sflag:s29], $0x6000  }
0x215: {  	s17 =	sld [smem:$0x7E3]  }
0x216: {  	[sflag:s29] =	ssyncset.done $0x0  }
0x217: {  	[sflag:s29] =	ssyncadd.s32 $0xFFFFA000  }
0x218: {  	[tilespmem:s28], [sflag:$0x7] =	stream.linear.gather [hbm4b:s17+s2], $0x6000, $0x38;
	[tilespmem:$0x1E000] =	vst v63  }
0x219: {  	_ =	swait.ge [sflag:s14], $0x6000  }
0x21a: {  	[sflag:s14] =	ssyncset.done $0x0  }
0x21b: {  	[sflag:s14] =	ssyncadd.s32 $0xFFFFA000  }
0x21c: {  	_ =	swait.ge [sflag:s9], $0x6000  }
0x21d: {  	s3 =	sld [smem:$0x7E4]  }
0x21e: {  	[sflag:s9] =	ssyncset.done $0x0  }
0x21f: {  	s17 =	sld [smem:$0x7E5];
	[sflag:s9] =	ssyncadd.s32 $0xFFFFA000  }
0x220: {  	[tilespmem:s6], [sflag:$0x2] =	stream.linear.gather [hbm4b:s3+s2], $0x6000, $0x38;
	[tilespmem:$0x1E000] =	vst v63  }
0x221: {  	_ = 	snop  }
0x222: {  	[hbm4b:s17+s2] =	stream.linear.scatter [tilespmem:s2], [sflag:$0x4], $0x6000, $0x38;
	[tilespmem:$0x1E000] =	vst v63  }
0x223: {  	_ =	swait.ge [sflag:s8], $0x6000  }
0x224: {  	[sflag:s8] =	ssyncset.done $0x0  }
0x225: {  	[sflag:s8] =	ssyncadd.s32 $0xFFFFA000  }
0x226: {  	_ =	swait.ge [sflag:s25], $0x6000  }
0x227: {  	s3 =	sld [smem:$0x7E6]  }
0x228: {  	[sflag:s25] =	ssyncset.done $0x0  }
0x229: {  	s17 =	sld [smem:$0x7E7];
	[sflag:s25] =	ssyncadd.s32 $0xFFFFA000  }
0x22a: {  	[tilespmem:s30], [sflag:$0x3] =	stream.linear.gather [hbm4b:s3+s2], $0x6000, $0x38;
	[tilespmem:$0x1E000] =	vst v63  }
0x22b: {  	_ = 	snop  }
0x22c: {  	[hbm4b:s17+s2] =	stream.linear.scatter [tilespmem:s6], [sflag:$0x5], $0x6000, $0x38;
	[tilespmem:$0x1E000] =	vst v63  }
0x22d: {  	_ =	swait.ge [sflag:s20], $0x6000  }
0x22e: {  	[sflag:s20] =	ssyncset.done $0x0  }
0x22f: {  	[sflag:s20] =	ssyncadd.s32 $0xFFFFA000  }
0x230: {  	_ =	swait.ge [sflag:s11], $0x6000  }
0x231: {  	s3 =	sld [smem:$0x7E8]  }
0x232: {  	[sflag:s11] =	ssyncset.done $0x0  }
0x233: {  	s17 =	sld [smem:$0x7E9];
	[sflag:s11] =	ssyncadd.s32 $0xFFFFA000  }
0x234: {  	[tilespmem:s2], [sflag:$0x1] =	stream.linear.gather [hbm4b:s3+s2], $0x6000, $0x38;
	[tilespmem:$0x1E000] =	vst v63  }
0x235: {  	_ = 	snop  }
0x236: {  	[hbm4b:s17+s2] =	stream.linear.scatter [tilespmem:s30], [sflag:$0x6], $0x6000, $0x38;
	[tilespmem:$0x1E000] =	vst v63  }
0x237: {  	_ =	swait.ge [sflag:s14], $0x6000  }
0x238: {  	[sflag:s14] =	ssyncset.done $0x0  }
0x239: {  	[sflag:s14] =	ssyncadd.s32 $0xFFFFA000  }
0x23a: {  	_ =	swait.ge [sflag:s9], $0x6000  }
0x23b: {  	s3 =	sld [smem:$0x7EA]  }
0x23c: {  	[sflag:s9] =	ssyncset.done $0x0  }
0x23d: {  	s17 =	sld [smem:$0x7EB];
	[sflag:s9] =	ssyncadd.s32 $0xFFFFA000  }
0x23e: {  	[tilespmem:s6], [sflag:$0x2] =	stream.linear.gather [hbm4b:s3+s2], $0x6000, $0x38;
	[tilespmem:$0x1E000] =	vst v63  }
0x23f: {  	s29 =	simm.s32 $0x7  }
0x240: {  	[hbm4b:s17+s2] =	stream.linear.scatter [tilespmem:s2], [sflag:$0x4], $0x6000, $0x38;
	[tilespmem:$0x1E000] =	vst v63  }
0x241: {  	_ =	swait.ge [sflag:s29], $0x6000  }
0x242: {  	s17 =	sld [smem:$0x7EC]  }
0x243: {  	[sflag:s29] =	ssyncset.done $0x0  }
0x244: {  	[sflag:s29] =	ssyncadd.s32 $0xFFFFA000  }
0x245: {  	[tilespmem:s31], [sflag:$0x8] =	stream.linear.gather [hbm4b:s17+s2], $0x6000, $0x38;
	[tilespmem:$0x1E000] =	vst v63  }
0x246: {  	_ =	swait.ge [sflag:s8], $0x6000  }
0x247: {  	[sflag:s8] =	ssyncset.done $0x0  }
0x248: {  	[sflag:s8] =	ssyncadd.s32 $0xFFFFA000  }
0x249: {  	_ =	swait.ge [sflag:s25], $0x6000  }
0x24a: {  	s3 =	sld [smem:$0x7ED]  }
0x24b: {  	[sflag:s25] =	ssyncset.done $0x0  }
0x24c: {  	s17 =	sld [smem:$0x7EE];
	[sflag:s25] =	ssyncadd.s32 $0xFFFFA000  }
0x24d: {  	[tilespmem:s30], [sflag:$0x3] =	stream.linear.gather [hbm4b:s3+s2], $0x6000, $0x38;
	[tilespmem:$0x1E000] =	vst v63  }
0x24e: {  	_ = 	snop  }
0x24f: {  	[hbm4b:s17+s2] =	stream.linear.scatter [tilespmem:s6], [sflag:$0x5], $0x6000, $0x38;
	[tilespmem:$0x1E000] =	vst v63  }
0x250: {  	_ =	swait.ge [sflag:s20], $0x6000  }
0x251: {  	[sflag:s20] =	ssyncset.done $0x0  }
0x252: {  	[sflag:s20] =	ssyncadd.s32 $0xFFFFA000  }
0x253: {  	_ =	swait.ge [sflag:s11], $0x6000  }
0x254: {  	s3 =	sld [smem:$0x7EF]  }
0x255: {  	[sflag:s11] =	ssyncset.done $0x0  }
0x256: {  	s17 =	sld [smem:$0x7F0];
	[sflag:s11] =	ssyncadd.s32 $0xFFFFA000  }
0x257: {  	[tilespmem:s2], [sflag:$0x1] =	stream.linear.gather [hbm4b:s3+s2], $0x6000, $0x38;
	[tilespmem:$0x1E000] =	vst v63  }
0x258: {  	_ = 	snop  }
0x259: {  	[hbm4b:s17+s2] =	stream.linear.scatter [tilespmem:s30], [sflag:$0x6], $0x6000, $0x38;
	[tilespmem:$0x1E000] =	vst v63  }
0x25a: {  	_ =	swait.ge [sflag:s14], $0x6000  }
0x25b: {  	[sflag:s14] =	ssyncset.done $0x0  }
0x25c: {  	[sflag:s14] =	ssyncadd.s32 $0xFFFFA000  }
0x25d: {  	_ =	swait.ge [sflag:s9], $0x6000  }
0x25e: {  	s3 =	sld [smem:$0x7F1]  }
0x25f: {  	[sflag:s9] =	ssyncset.done $0x0  }
0x260: {  	s17 =	sld [smem:$0x7F2];
	[sflag:s9] =	ssyncadd.s32 $0xFFFFA000  }
0x261: {  	[tilespmem:s6], [sflag:$0x2] =	stream.linear.gather [hbm4b:s3+s2], $0x6000, $0x38;
	[tilespmem:$0x1E000] =	vst v63  }
0x262: {  	_ = 	snop  }
0x263: {  	[hbm4b:s17+s2] =	stream.linear.scatter [tilespmem:s2], [sflag:$0x4], $0x6000, $0x38;
	[tilespmem:$0x1E000] =	vst v63  }
0x264: {  	_ =	swait.ge [sflag:s8], $0x6000  }
0x265: {  	[sflag:s8] =	ssyncset.done $0x0  }
0x266: {  	[sflag:s8] =	ssyncadd.s32 $0xFFFFA000  }
0x267: {  	_ =	swait.ge [sflag:s25], $0x6000  }
0x268: {  	s3 =	sld [smem:$0x7F3]  }
0x269: {  	[sflag:s25] =	ssyncset.done $0x0  }
0x26a: {  	s17 =	sld [smem:$0x7F4];
	[sflag:s25] =	ssyncadd.s32 $0xFFFFA000  }
0x26b: {  	[tilespmem:s30], [sflag:$0x3] =	stream.linear.gather [hbm4b:s3+s2], $0x6000, $0x38;
	[tilespmem:$0x1E000] =	vst v63  }
0x26c: {  	s28 =	simm.s32 $0x8  }
0x26d: {  	[hbm4b:s17+s2] =	stream.linear.scatter [tilespmem:s6], [sflag:$0x5], $0x6000, $0x38;
	[tilespmem:$0x1E000] =	vst v63  }
0x26e: {  	_ =	swait.ge [sflag:s28], $0x6000  }
0x26f: {  	s17 =	sld [smem:$0x7F5]  }
0x270: {  	[sflag:s28] =	ssyncset.done $0x0  }
0x271: {  	s31 =	simm.s32 $0x12000;
	[sflag:s28] =	ssyncadd.s32 $0xFFFFA000  }
0x272: {  	[tilespmem:s31], [sflag:$0x7] =	stream.linear.gather [hbm4b:s17+s2], $0x6000, $0x38;
	[tilespmem:$0x1E000] =	vst v63  }
0x273: {  	_ =	swait.ge [sflag:s20], $0x6000  }
0x274: {  	[sflag:s20] =	ssyncset.done $0x0  }
0x275: {  	[sflag:s20] =	ssyncadd.s32 $0xFFFFA000  }
0x276: {  	_ =	swait.ge [sflag:s11], $0x6000  }
0x277: {  	s3 =	sld [smem:$0x7F6]  }
0x278: {  	[sflag:s11] =	ssyncset.done $0x0  }
0x279: {  	s17 =	sld [smem:$0x7F7];
	[sflag:s11] =	ssyncadd.s32 $0xFFFFA000  }
0x27a: {  	[tilespmem:s2], [sflag:$0x1] =	stream.linear.gather [hbm4b:s3+s2], $0x6000, $0x38;
	[tilespmem:$0x1E000] =	vst v63  }
0x27b: {  	_ = 	snop  }
0x27c: {  	[hbm4b:s17+s2] =	stream.linear.scatter [tilespmem:s30], [sflag:$0x6], $0x6000, $0x38;
	[tilespmem:$0x1E000] =	vst v63  }
0x27d: {  	_ =	swait.ge [sflag:s14], $0x6000  }
0x27e: {  	[sflag:s14] =	ssyncset.done $0x0  }
0x27f: {  	[sflag:s14] =	ssyncadd.s32 $0xFFFFA000  }
0x280: {  	_ =	swait.ge [sflag:s9], $0x6000  }
0x281: {  	s3 =	sld [smem:$0x7F8]  }
0x282: {  	[sflag:s9] =	ssyncset.done $0x0  }
0x283: {  	s17 =	sld [smem:$0x7F9];
	[sflag:s9] =	ssyncadd.s32 $0xFFFFA000  }
0x284: {  	[tilespmem:s6], [sflag:$0x2] =	stream.linear.gather [hbm4b:s3+s2], $0x6000, $0x38;
	[tilespmem:$0x1E000] =	vst v63  }
0x285: {  	_ = 	snop  }
0x286: {  	[hbm4b:s17+s2] =	stream.linear.scatter [tilespmem:s2], [sflag:$0x4], $0x6000, $0x38;
	[tilespmem:$0x1E000] =	vst v63  }
0x287: {  	_ =	swait.ge [sflag:s8], $0x6000  }
0x288: {  	[sflag:s8] =	ssyncset.done $0x0  }
0x289: {  	[sflag:s8] =	ssyncadd.s32 $0xFFFFA000  }
0x28a: {  	_ =	swait.ge [sflag:s25], $0x6000  }
0x28b: {  	s3 =	sld [smem:$0x7FA]  }
0x28c: {  	[sflag:s25] =	ssyncset.done $0x0  }
0x28d: {  	s17 =	sld [smem:$0x7FB];
	[sflag:s25] =	ssyncadd.s32 $0xFFFFA000  }
0x28e: {  	[tilespmem:s30], [sflag:$0x3] =	stream.linear.gather [hbm4b:s3+s2], $0x6000, $0x38;
	[tilespmem:$0x1E000] =	vst v63  }
0x28f: {  	_ = 	snop  }
0x290: {  	[hbm4b:s17+s2] =	stream.linear.scatter [tilespmem:s6], [sflag:$0x5], $0x6000, $0x38;
	[tilespmem:$0x1E000] =	vst v63  }
0x291: {  	_ =	swait.ge [sflag:s20], $0x6000  }
0x292: {  	[sflag:s20] =	ssyncset.done $0x0  }
0x293: {  	[sflag:s20] =	ssyncadd.s32 $0xFFFFA000  }
0x294: {  	_ =	swait.ge [sflag:s11], $0x6000  }
0x295: {  	s3 =	sld [smem:$0x7FC]  }
0x296: {  	[sflag:s11] =	ssyncset.done $0x0  }
0x297: {  	[sflag:s11] =	ssyncadd.s32 $0xFFFFA000  }
0x298: {  	[tilespmem:s2], [sflag:$0x1] =	stream.linear.gather [hbm4b:s3+s2], $0x6000, $0x38;
	[tilespmem:$0x1E000] =	vst v63  }
0x299: {  	s17 =	sld [smem:$0x7FD];
	s3 =	smov.u32 s4;
	s4 =	smov.u32 s5  }
0x29a: {  	s5 =	smov.u32 s7;
	s7 =	smov.u32 s10;
	s10 =	smov.u32 s12  }
0x29b: {  	s12 =	smov.u32 s13;
	s13 =	smov.u32 s15;
	s15 =	smov.u32 s16  }
0x29c: {  	s16 =	smov.u32 s18;
	s18 =	smov.u32 s19;
	s19 =	smov.u32 s21  }
0x29d: {  	[hbm4b:s17+s2] =	stream.linear.scatter [tilespmem:s30], [sflag:$0x6], $0x6000, $0x38;
	[tilespmem:$0x1E000] =	vst v63  }
0x29e: {  	s21 =	smov.u32 s22;
	s17 =	sld [smem:$0x7E1];
	_ =	swait.ge [sflag:s29], $0x6000  }
0x29f: {  	s22 =	smov.u32 s23;
	s23 =	smov.u32 s24;
	[sflag:s29] =	ssyncset.done $0x0  }
0x2a0: {  	s24 =	smov.u32 s26;
	s26 =	simm.s32 $0x18000;
	[sflag:s29] =	ssyncadd.s32 $0xFFFFA000  }
0x2a1: {  	[tilespmem:s26], [sflag:$0x8] =	stream.linear.gather [hbm4b:s17+s2], $0x6000, $0x38;
	[tilespmem:$0x1E000] =	vst v63  }
0x2a2: {  	_ =	swait.ge [sflag:s14], $0x6000  }
0x2a3: {  	[sflag:s14] =	ssyncset.done $0x0  }
0x2a4: {  	[sflag:s14] =	ssyncadd.s32 $0xFFFFA000  }
0x2a5: {  	_ =	swait.ge [sflag:s9], $0x6000  }
0x2a6: {  	[sflag:s9] =	ssyncset.done $0x0  }
0x2a7: {  	[sflag:s9] =	ssyncadd.s32 $0xFFFFA000  }
0x2a8: {  	[tilespmem:s6], [sflag:$0x2] =	stream.linear.gather [hbm4b:s23+s2], $0x6000, $0x38;
	[tilespmem:$0x1E000] =	vst v63  }
0x2a9: {  	_ = 	snop  }
0x2aa: {  	[hbm4b:s24+s2] =	stream.linear.scatter [tilespmem:s2], [sflag:$0x4], $0x6000, $0x38;
	[tilespmem:$0x1E000] =	vst v63  }
0x2ab: {  	_ =	swait.ge [sflag:s8], $0x6000  }
0x2ac: {  	[sflag:s8] =	ssyncset.done $0x0  }
0x2ad: {  	[sflag:s8] =	ssyncadd.s32 $0xFFFFA000  }
0x2ae: {  	_ =	swait.ge [sflag:s25], $0x6000  }
0x2af: {  	[sflag:s25] =	ssyncset.done $0x0  }
0x2b0: {  	[sflag:s25] =	ssyncadd.s32 $0xFFFFA000  }
0x2b1: {  	[tilespmem:s30], [sflag:$0x3] =	stream.linear.gather [hbm4b:s21+s2], $0x6000, $0x38;
	[tilespmem:$0x1E000] =	vst v63  }
0x2b2: {  	_ = 	snop  }
0x2b3: {  	[hbm4b:s22+s2] =	stream.linear.scatter [tilespmem:s6], [sflag:$0x5], $0x6000, $0x38;
	[tilespmem:$0x1E000] =	vst v63  }
0x2b4: {  	_ =	swait.ge [sflag:s20], $0x6000  }
0x2b5: {  	[sflag:s20] =	ssyncset.done $0x0  }
0x2b6: {  	[sflag:s20] =	ssyncadd.s32 $0xFFFFA000  }
0x2b7: {  	_ =	swait.ge [sflag:s11], $0x6000  }
0x2b8: {  	[sflag:s11] =	ssyncset.done $0x0  }
0x2b9: {  	[sflag:s11] =	ssyncadd.s32 $0xFFFFA000  }
0x2ba: {  	[tilespmem:s2], [sflag:$0x1] =	stream.linear.gather [hbm4b:s18+s2], $0x6000, $0x38;
	[tilespmem:$0x1E000] =	vst v63  }
0x2bb: {  	_ = 	snop  }
0x2bc: {  	[hbm4b:s19+s2] =	stream.linear.scatter [tilespmem:s30], [sflag:$0x6], $0x6000, $0x38;
	[tilespmem:$0x1E000] =	vst v63  }
0x2bd: {  	_ =	swait.ge [sflag:s14], $0x6000  }
0x2be: {  	[sflag:s14] =	ssyncset.done $0x0  }
0x2bf: {  	[sflag:s14] =	ssyncadd.s32 $0xFFFFA000  }
0x2c0: {  	_ =	swait.ge [sflag:s9], $0x6000  }
0x2c1: {  	[sflag:s9] =	ssyncset.done $0x0  }
0x2c2: {  	[sflag:s9] =	ssyncadd.s32 $0xFFFFA000  }
0x2c3: {  	[tilespmem:s6], [sflag:$0x2] =	stream.linear.gather [hbm4b:s15+s2], $0x6000, $0x38;
	[tilespmem:$0x1E000] =	vst v63  }
0x2c4: {  	_ = 	snop  }
0x2c5: {  	[hbm4b:s16+s2] =	stream.linear.scatter [tilespmem:s2], [sflag:$0x4], $0x6000, $0x38;
	[tilespmem:$0x1E000] =	vst v63  }
0x2c6: {  	_ =	swait.ge [sflag:s28], $0x6000  }
0x2c7: {  	[sflag:s28] =	ssyncset.done $0x0  }
0x2c8: {  	[sflag:s28] =	ssyncadd.s32 $0xFFFFA000  }
0x2c9: {  	_ =	swait.ge [sflag:s8], $0x6000  }
0x2ca: {  	[sflag:s8] =	ssyncset.done $0x0  }
0x2cb: {  	[sflag:s8] =	ssyncadd.s32 $0xFFFFA000  }
0x2cc: {  	_ =	swait.ge [sflag:s25], $0x6000  }
0x2cd: {  	[sflag:s25] =	ssyncset.done $0x0  }
0x2ce: {  	[sflag:s25] =	ssyncadd.s32 $0xFFFFA000  }
0x2cf: {  	[tilespmem:s30], [sflag:$0x3] =	stream.linear.gather [hbm4b:s12+s2], $0x6000, $0x38;
	[tilespmem:$0x1E000] =	vst v63  }
0x2d0: {  	_ = 	snop  }
0x2d1: {  	[hbm4b:s13+s2] =	stream.linear.scatter [tilespmem:s6], [sflag:$0x5], $0x6000, $0x38;
	[tilespmem:$0x1E000] =	vst v63  }
0x2d2: {  	_ =	swait.ge [sflag:s20], $0x6000  }
0x2d3: {  	[sflag:s20] =	ssyncset.done $0x0  }
0x2d4: {  	[sflag:s20] =	ssyncadd.s32 $0xFFFFA000  }
0x2d5: {  	_ =	swait.ge [sflag:s11], $0x6000  }
0x2d6: {  	[sflag:s11] =	ssyncset.done $0x0  }
0x2d7: {  	[sflag:s11] =	ssyncadd.s32 $0xFFFFA000  }
0x2d8: {  	[tilespmem:s2], [sflag:$0x1] =	stream.linear.gather [hbm4b:s7+s2], $0x6000, $0x38;
	[tilespmem:$0x1E000] =	vst v63  }
0x2d9: {  	_ = 	snop  }
0x2da: {  	[hbm4b:s10+s2] =	stream.linear.scatter [tilespmem:s30], [sflag:$0x6], $0x6000, $0x38;
	[tilespmem:$0x1E000] =	vst v63  }
0x2db: {  	_ =	swait.ge [sflag:s14], $0x6000  }
0x2dc: {  	[sflag:s14] =	ssyncset.done $0x0  }
0x2dd: {  	[sflag:s14] =	ssyncadd.s32 $0xFFFFA000  }
0x2de: {  	_ =	swait.ge [sflag:s9], $0x6000  }
0x2df: {  	[sflag:s9] =	ssyncset.done $0x0  }
0x2e0: {  	[sflag:s9] =	ssyncadd.s32 $0xFFFFA000  }
0x2e1: {  	[tilespmem:s6], [sflag:$0x2] =	stream.linear.gather [hbm4b:s4+s2], $0x6000, $0x38;
	[tilespmem:$0x1E000] =	vst v63  }
0x2e2: {  	_ = 	snop  }
0x2e3: {  	[hbm4b:s5+s2] =	stream.linear.scatter [tilespmem:s2], [sflag:$0x4], $0x6000, $0x38;
	[tilespmem:$0x1E000] =	vst v63  }
0x2e4: {  	_ =	swait.ge [sflag:s8], $0x6000  }
0x2e5: {  	[sflag:s8] =	ssyncset.done $0x0  }
0x2e6: {  	p1 =	sne.s32 s1, $0x1;
	[sflag:s8] =	ssyncadd.s32 $0xFFFFA000  }
0x2e7: {  	[hbm4b:s3+s2] =	stream.linear.scatter [tilespmem:s6], [sflag:$0x5], $0x6000, $0x38;
	[tilespmem:$0x1E000] =	vst v63  }
.Ltmp2:
0x2e8: {  	_ =	swait.ge [sflag:s11], $0x6000;
	(pc) =	sbr.rel @p1 .LBB2_2-.Ltmp2, $4  }
0x2e9: {  	[sflag:s11] =	ssyncset.done $0x0  }
0x2ea: {  	[sflag:s11] =	ssyncadd.s32 $0xFFFFA000  }
0x2eb: {  	_ =	swait.ge [sflag:s9], $0x6000  }
0x2ec: {  	s1 =	sadd.s32 $0xFFFFFFFF, s1;
	s0 =	rddreg [dreg:$0x4];
	[sflag:s9] =	ssyncset.done $0x0  }
.LBB2_3:
0x2ed: {  	[sflag:s9] =	ssyncadd.s32 @p0 $0xFFFFA000  }
0x2ee: {  	[tilespmem:s31], [sflag:$0x7] =	stream.linear.gather [hbm4b:s0+s2], $0x6000, $0x38;
	[tilespmem:$0x1E000] =	vst v63  }
0x2ef: {  	s1 =	rddreg [dreg:$0x5]  }
0x2f0: {  	[tilespmem:s2], [sflag:$0x1] =	stream.linear.gather [hbm4b:s1+s2], $0x6000, $0x38;
	[tilespmem:$0x1E000] =	vst v63  }
0x2f1: {  	_ =	swait.ge [sflag:s29], $0x6000  }
0x2f2: {  	[sflag:s29] =	ssyncset.done $0x0  }
0x2f3: {  	s1 =	rddreg [dreg:$0x6];
	[sflag:s29] =	ssyncadd.s32 $0xFFFFA000  }
0x2f4: {  	[tilespmem:s26], [sflag:$0x8] =	stream.linear.gather [hbm4b:s1+s2], $0x6000, $0x38;
	[tilespmem:$0x1E000] =	vst v63  }
0x2f5: {  	_ =	swait.ge [sflag:s14], $0x6000  }
0x2f6: {  	[sflag:s14] =	ssyncset.done $0x0  }
0x2f7: {  	s0 =	rddreg [dreg:$0x7];
	[sflag:s14] =	ssyncadd.s32 $0xFFFFA000  }
0x2f8: {  	[tilespmem:s6], [sflag:$0x2] =	stream.linear.gather [hbm4b:s0+s2], $0x6000, $0x38;
	[tilespmem:$0x1E000] =	vst v63  }
0x2f9: {  	s1 =	rddreg [dreg:$0x8]  }
0x2fa: {  	[hbm4b:s1+s2] =	stream.linear.scatter [tilespmem:s2], [sflag:$0x4], $0x6000, $0x38;
	[tilespmem:$0x1E000] =	vst v63  }
0x2fb: {  	_ =	swait.ge [sflag:s8], $0x6000  }
0x2fc: {  	[sflag:s8] =	ssyncset.done $0x0  }
0x2fd: {  	s0 =	rddreg [dreg:$0x9];
	[sflag:s8] =	ssyncadd.s32 $0xFFFFA000  }
0x2fe: {  	[tilespmem:s30], [sflag:$0x3] =	stream.linear.gather [hbm4b:s0+s2], $0x6000, $0x38;
	[tilespmem:$0x1E000] =	vst v63  }
0x2ff: {  	s1 =	rddreg [dreg:$0xa]  }
0x300: {  	[hbm4b:s1+s2] =	stream.linear.scatter [tilespmem:s6], [sflag:$0x5], $0x6000, $0x38;
	[tilespmem:$0x1E000] =	vst v63  }
0x301: {  	_ =	swait.ge [sflag:s20], $0x6000  }
0x302: {  	[sflag:s20] =	ssyncset.done $0x0  }
0x303: {  	[sflag:s20] =	ssyncadd.s32 $0xFFFFA000  }
0x304: {  	_ =	swait.ge [sflag:s11], $0x6000  }
0x305: {  	[sflag:s11] =	ssyncset.done $0x0  }
0x306: {  	s0 =	rddreg [dreg:$0xb];
	[sflag:s11] =	ssyncadd.s32 $0xFFFFA000  }
0x307: {  	[tilespmem:s2], [sflag:$0x1] =	stream.linear.gather [hbm4b:s0+s2], $0x6000, $0x38;
	[tilespmem:$0x1E000] =	vst v63  }
0x308: {  	s1 =	rddreg [dreg:$0xc]  }
0x309: {  	[hbm4b:s1+s2] =	stream.linear.scatter [tilespmem:s30], [sflag:$0x6], $0x6000, $0x38;
	[tilespmem:$0x1E000] =	vst v63  }
0x30a: {  	_ =	swait.ge [sflag:s14], $0x6000  }
0x30b: {  	[sflag:s14] =	ssyncset.done $0x0  }
0x30c: {  	[sflag:s14] =	ssyncadd.s32 $0xFFFFA000  }
0x30d: {  	_ =	swait.ge [sflag:s9], $0x6000  }
0x30e: {  	[sflag:s9] =	ssyncset.done $0x0  }
0x30f: {  	s0 =	rddreg [dreg:$0xd];
	[sflag:s9] =	ssyncadd.s32 $0xFFFFA000  }
0x310: {  	[tilespmem:s6], [sflag:$0x2] =	stream.linear.gather [hbm4b:s0+s2], $0x6000, $0x38;
	[tilespmem:$0x1E000] =	vst v63  }
0x311: {  	s1 =	rddreg [dreg:$0xe]  }
0x312: {  	[hbm4b:s1+s2] =	stream.linear.scatter [tilespmem:s2], [sflag:$0x4], $0x6000, $0x38;
	[tilespmem:$0x1E000] =	vst v63  }
0x313: {  	_ =	swait.ge [sflag:s28], $0x6000  }
0x314: {  	[sflag:s28] =	ssyncset.done $0x0  }
0x315: {  	s1 =	rddreg [dreg:$0xf];
	[sflag:s28] =	ssyncadd.s32 $0xFFFFA000  }
0x316: {  	[tilespmem:s31], [sflag:$0x7] =	stream.linear.gather [hbm4b:s1+s2], $0x6000, $0x38;
	[tilespmem:$0x1E000] =	vst v63  }
0x317: {  	_ =	swait.ge [sflag:s8], $0x6000  }
0x318: {  	[sflag:s8] =	ssyncset.done $0x0  }
0x319: {  	[sflag:s8] =	ssyncadd.s32 $0xFFFFA000  }
0x31a: {  	_ =	swait.ge [sflag:s25], $0x6000  }
0x31b: {  	[sflag:s25] =	ssyncset.done $0x0  }
0x31c: {  	s0 =	rddreg [dreg:$0x10];
	[sflag:s25] =	ssyncadd.s32 $0xFFFFA000  }
0x31d: {  	[tilespmem:s30], [sflag:$0x3] =	stream.linear.gather [hbm4b:s0+s2], $0x6000, $0x38;
	[tilespmem:$0x1E000] =	vst v63  }
0x31e: {  	s1 =	rddreg [dreg:$0x11]  }
0x31f: {  	[hbm4b:s1+s2] =	stream.linear.scatter [tilespmem:s6], [sflag:$0x5], $0x6000, $0x38;
	[tilespmem:$0x1E000] =	vst v63  }
0x320: {  	_ =	swait.ge [sflag:s20], $0x6000  }
0x321: {  	[sflag:s20] =	ssyncset.done $0x0  }
0x322: {  	[sflag:s20] =	ssyncadd.s32 $0xFFFFA000  }
0x323: {  	_ =	swait.ge [sflag:s11], $0x6000  }
0x324: {  	[sflag:s11] =	ssyncset.done $0x0  }
0x325: {  	s0 =	rddreg [dreg:$0x12];
	[sflag:s11] =	ssyncadd.s32 $0xFFFFA000  }
0x326: {  	[tilespmem:s2], [sflag:$0x1] =	stream.linear.gather [hbm4b:s0+s2], $0x6000, $0x38;
	[tilespmem:$0x1E000] =	vst v63  }
0x327: {  	s1 =	rddreg [dreg:$0x13]  }
0x328: {  	[hbm4b:s1+s2] =	stream.linear.scatter [tilespmem:s30], [sflag:$0x6], $0x6000, $0x38;
	[tilespmem:$0x1E000] =	vst v63  }
0x329: {  	_ =	swait.ge [sflag:s14], $0x6000  }
0x32a: {  	[sflag:s14] =	ssyncset.done $0x0  }
0x32b: {  	[sflag:s14] =	ssyncadd.s32 $0xFFFFA000  }
0x32c: {  	_ =	swait.ge [sflag:s9], $0x6000  }
0x32d: {  	[sflag:s9] =	ssyncset.done $0x0  }
0x32e: {  	s0 =	rddreg [dreg:$0x14];
	[sflag:s9] =	ssyncadd.s32 $0xFFFFA000  }
0x32f: {  	[tilespmem:s6], [sflag:$0x2] =	stream.linear.gather [hbm4b:s0+s2], $0x6000, $0x38;
	[tilespmem:$0x1E000] =	vst v63  }
0x330: {  	s1 =	rddreg [dreg:$0x15]  }
0x331: {  	[hbm4b:s1+s2] =	stream.linear.scatter [tilespmem:s2], [sflag:$0x4], $0x6000, $0x38;
	[tilespmem:$0x1E000] =	vst v63  }
0x332: {  	_ =	swait.ge [sflag:s8], $0x6000  }
0x333: {  	[sflag:s8] =	ssyncset.done $0x0  }
0x334: {  	[sflag:s8] =	ssyncadd.s32 $0xFFFFA000  }
0x335: {  	_ =	swait.ge [sflag:s25], $0x6000  }
0x336: {  	[sflag:s25] =	ssyncset.done $0x0  }
0x337: {  	s0 =	rddreg [dreg:$0x16];
	[sflag:s25] =	ssyncadd.s32 $0xFFFFA000  }
0x338: {  	[tilespmem:s30], [sflag:$0x3] =	stream.linear.gather [hbm4b:s0+s2], $0x6000, $0x38;
	[tilespmem:$0x1E000] =	vst v63  }
0x339: {  	s1 =	rddreg [dreg:$0x17]  }
0x33a: {  	[hbm4b:s1+s2] =	stream.linear.scatter [tilespmem:s6], [sflag:$0x5], $0x6000, $0x38;
	[tilespmem:$0x1E000] =	vst v63  }
0x33b: {  	_ =	swait.ge [sflag:s29], $0x6000  }
0x33c: {  	[sflag:s29] =	ssyncset.done $0x0  }
0x33d: {  	s1 =	rddreg [dreg:$0x18];
	[sflag:s29] =	ssyncadd.s32 $0xFFFFA000  }
0x33e: {  	[tilespmem:s26], [sflag:$0x8] =	stream.linear.gather [hbm4b:s1+s2], $0x6000, $0x38;
	[tilespmem:$0x1E000] =	vst v63  }
0x33f: {  	_ =	swait.ge [sflag:s20], $0x6000  }
0x340: {  	[sflag:s20] =	ssyncset.done $0x0  }
0x341: {  	[sflag:s20] =	ssyncadd.s32 $0xFFFFA000  }
0x342: {  	_ =	swait.ge [sflag:s11], $0x6000  }
0x343: {  	[sflag:s11] =	ssyncset.done $0x0  }
0x344: {  	s0 =	rddreg [dreg:$0x19];
	[sflag:s11] =	ssyncadd.s32 $0xFFFFA000  }
0x345: {  	[tilespmem:s2], [sflag:$0x1] =	stream.linear.gather [hbm4b:s0+s2], $0x6000, $0x38;
	[tilespmem:$0x1E000] =	vst v63  }
0x346: {  	s1 =	rddreg [dreg:$0x1a]  }
0x347: {  	[hbm4b:s1+s2] =	stream.linear.scatter [tilespmem:s30], [sflag:$0x6], $0x6000, $0x38;
	[tilespmem:$0x1E000] =	vst v63  }
0x348: {  	_ =	swait.ge [sflag:s14], $0x6000  }
0x349: {  	[sflag:s14] =	ssyncset.done $0x0  }
0x34a: {  	[sflag:s14] =	ssyncadd.s32 $0xFFFFA000  }
0x34b: {  	_ =	swait.ge [sflag:s9], $0x6000  }
0x34c: {  	[sflag:s9] =	ssyncset.done $0x0  }
0x34d: {  	s0 =	rddreg [dreg:$0x1b];
	[sflag:s9] =	ssyncadd.s32 $0xFFFFA000  }
0x34e: {  	[tilespmem:s6], [sflag:$0x2] =	stream.linear.gather [hbm4b:s0+s2], $0x6000, $0x38;
	[tilespmem:$0x1E000] =	vst v63  }
0x34f: {  	s1 =	rddreg [dreg:$0x1c]  }
0x350: {  	[hbm4b:s1+s2] =	stream.linear.scatter [tilespmem:s2], [sflag:$0x4], $0x6000, $0x38;
	[tilespmem:$0x1E000] =	vst v63  }
0x351: {  	_ =	swait.ge [sflag:s8], $0x6000  }
0x352: {  	[sflag:s8] =	ssyncset.done $0x0  }
0x353: {  	[sflag:s8] =	ssyncadd.s32 $0xFFFFA000  }
0x354: {  	_ =	swait.ge [sflag:s25], $0x6000  }
0x355: {  	[sflag:s25] =	ssyncset.done $0x0  }
0x356: {  	s0 =	rddreg [dreg:$0x1d];
	[sflag:s25] =	ssyncadd.s32 $0xFFFFA000  }
0x357: {  	[tilespmem:s30], [sflag:$0x3] =	stream.linear.gather [hbm4b:s0+s2], $0x6000, $0x38;
	[tilespmem:$0x1E000] =	vst v63  }
0x358: {  	s1 =	rddreg [dreg:$0x1e]  }
0x359: {  	[hbm4b:s1+s2] =	stream.linear.scatter [tilespmem:s6], [sflag:$0x5], $0x6000, $0x38;
	[tilespmem:$0x1E000] =	vst v63  }
0x35a: {  	_ =	swait.ge [sflag:s20], $0x6000  }
0x35b: {  	[sflag:s20] =	ssyncset.done $0x0  }
0x35c: {  	[sflag:s20] =	ssyncadd.s32 $0xFFFFA000  }
0x35d: {  	_ =	swait.ge [sflag:s11], $0x6000  }
0x35e: {  	s0 =	rddreg [dreg:$0x1f];
	[sflag:s11] =	ssyncset.done $0x0  }
0x35f: {  	s1 =	sld [smem:$0x7E2];
	[sflag:s11] =	ssyncadd.s32 $0xFFFFA000  }
0x360: {  	[tilespmem:s2], [sflag:$0x1] =	stream.linear.gather [hbm4b:s0+s2], $0x6000, $0x38;
	[tilespmem:$0x1E000] =	vst v63  }
0x361: {  	_ = 	snop  }
0x362: {  	[hbm4b:s1+s2] =	stream.linear.scatter [tilespmem:s30], [sflag:$0x6], $0x6000, $0x38;
	[tilespmem:$0x1E000] =	vst v63  }
0x363: {  	_ =	swait.ge [sflag:s28], $0x6000  }
0x364: {  	s1 =	sld [smem:$0x7E3]  }
0x365: {  	[sflag:s28] =	ssyncset.done $0x0  }
0x366: {  	[sflag:s28] =	ssyncadd.s32 $0xFFFFA000  }
0x367: {  	[tilespmem:s31], [sflag:$0x7] =	stream.linear.gather [hbm4b:s1+s2], $0x6000, $0x38;
	[tilespmem:$0x1E000] =	vst v63  }
0x368: {  	_ =	swait.ge [sflag:s14], $0x6000  }
0x369: {  	[sflag:s14] =	ssyncset.done $0x0  }
0x36a: {  	[sflag:s14] =	ssyncadd.s32 $0xFFFFA000  }
0x36b: {  	_ =	swait.ge [sflag:s9], $0x6000  }
0x36c: {  	s0 =	sld [smem:$0x7E4]  }
0x36d: {  	[sflag:s9] =	ssyncset.done $0x0  }
0x36e: {  	s1 =	sld [smem:$0x7E5];
	[sflag:s9] =	ssyncadd.s32 $0xFFFFA000  }
0x36f: {  	[tilespmem:s6], [sflag:$0x2] =	stream.linear.gather [hbm4b:s0+s2], $0x6000, $0x38;
	[tilespmem:$0x1E000] =	vst v63  }
0x370: {  	_ = 	snop  }
0x371: {  	[hbm4b:s1+s2] =	stream.linear.scatter [tilespmem:s2], [sflag:$0x4], $0x6000, $0x38;
	[tilespmem:$0x1E000] =	vst v63  }
0x372: {  	_ =	swait.ge [sflag:s8], $0x6000  }
0x373: {  	[sflag:s8] =	ssyncset.done $0x0  }
0x374: {  	[sflag:s8] =	ssyncadd.s32 $0xFFFFA000  }
0x375: {  	_ =	swait.ge [sflag:s25], $0x6000  }
0x376: {  	s0 =	sld [smem:$0x7E6]  }
0x377: {  	[sflag:s25] =	ssyncset.done $0x0  }
0x378: {  	s1 =	sld [smem:$0x7E7];
	[sflag:s25] =	ssyncadd.s32 $0xFFFFA000  }
0x379: {  	[tilespmem:s30], [sflag:$0x3] =	stream.linear.gather [hbm4b:s0+s2], $0x6000, $0x38;
	[tilespmem:$0x1E000] =	vst v63  }
0x37a: {  	_ = 	snop  }
0x37b: {  	[hbm4b:s1+s2] =	stream.linear.scatter [tilespmem:s6], [sflag:$0x5], $0x6000, $0x38;
	[tilespmem:$0x1E000] =	vst v63  }
0x37c: {  	_ =	swait.ge [sflag:s20], $0x6000  }
0x37d: {  	[sflag:s20] =	ssyncset.done $0x0  }
0x37e: {  	[sflag:s20] =	ssyncadd.s32 $0xFFFFA000  }
0x37f: {  	_ =	swait.ge [sflag:s11], $0x6000  }
0x380: {  	s0 =	sld [smem:$0x7E8]  }
0x381: {  	[sflag:s11] =	ssyncset.done $0x0  }
0x382: {  	s1 =	sld [smem:$0x7E9];
	[sflag:s11] =	ssyncadd.s32 $0xFFFFA000  }
0x383: {  	[tilespmem:s2], [sflag:$0x1] =	stream.linear.gather [hbm4b:s0+s2], $0x6000, $0x38;
	[tilespmem:$0x1E000] =	vst v63  }
0x384: {  	_ = 	snop  }
0x385: {  	[hbm4b:s1+s2] =	stream.linear.scatter [tilespmem:s30], [sflag:$0x6], $0x6000, $0x38;
	[tilespmem:$0x1E000] =	vst v63  }
0x386: {  	_ =	swait.ge [sflag:s14], $0x6000  }
0x387: {  	[sflag:s14] =	ssyncset.done $0x0  }
0x388: {  	[sflag:s14] =	ssyncadd.s32 $0xFFFFA000  }
0x389: {  	_ =	swait.ge [sflag:s9], $0x6000  }
0x38a: {  	s0 =	sld [smem:$0x7EA]  }
0x38b: {  	[sflag:s9] =	ssyncset.done $0x0  }
0x38c: {  	s1 =	sld [smem:$0x7EB];
	[sflag:s9] =	ssyncadd.s32 $0xFFFFA000  }
0x38d: {  	[tilespmem:s6], [sflag:$0x2] =	stream.linear.gather [hbm4b:s0+s2], $0x6000, $0x38;
	[tilespmem:$0x1E000] =	vst v63  }
0x38e: {  	_ = 	snop  }
0x38f: {  	[hbm4b:s1+s2] =	stream.linear.scatter [tilespmem:s2], [sflag:$0x4], $0x6000, $0x38;
	[tilespmem:$0x1E000] =	vst v63  }
0x390: {  	_ =	swait.ge [sflag:s29], $0x6000  }
0x391: {  	s1 =	sld [smem:$0x7EC]  }
0x392: {  	[sflag:s29] =	ssyncset.done $0x0  }
0x393: {  	[sflag:s29] =	ssyncadd.s32 $0xFFFFA000  }
0x394: {  	[tilespmem:s26], [sflag:$0x8] =	stream.linear.gather [hbm4b:s1+s2], $0x6000, $0x38;
	[tilespmem:$0x1E000] =	vst v63  }
0x395: {  	_ =	swait.ge [sflag:s8], $0x6000  }
0x396: {  	[sflag:s8] =	ssyncset.done $0x0  }
0x397: {  	[sflag:s8] =	ssyncadd.s32 $0xFFFFA000  }
0x398: {  	_ =	swait.ge [sflag:s25], $0x6000  }
0x399: {  	s0 =	sld [smem:$0x7ED]  }
0x39a: {  	[sflag:s25] =	ssyncset.done $0x0  }
0x39b: {  	s1 =	sld [smem:$0x7EE];
	[sflag:s25] =	ssyncadd.s32 $0xFFFFA000  }
0x39c: {  	[tilespmem:s30], [sflag:$0x3] =	stream.linear.gather [hbm4b:s0+s2], $0x6000, $0x38;
	[tilespmem:$0x1E000] =	vst v63  }
0x39d: {  	_ = 	snop  }
0x39e: {  	[hbm4b:s1+s2] =	stream.linear.scatter [tilespmem:s6], [sflag:$0x5], $0x6000, $0x38;
	[tilespmem:$0x1E000] =	vst v63  }
0x39f: {  	_ =	swait.ge [sflag:s20], $0x6000  }
0x3a0: {  	[sflag:s20] =	ssyncset.done $0x0  }
0x3a1: {  	[sflag:s20] =	ssyncadd.s32 $0xFFFFA000  }
0x3a2: {  	_ =	swait.ge [sflag:s11], $0x6000  }
0x3a3: {  	s0 =	sld [smem:$0x7EF]  }
0x3a4: {  	[sflag:s11] =	ssyncset.done $0x0  }
0x3a5: {  	s1 =	sld [smem:$0x7F0];
	[sflag:s11] =	ssyncadd.s32 $0xFFFFA000  }
0x3a6: {  	[tilespmem:s2], [sflag:$0x1] =	stream.linear.gather [hbm4b:s0+s2], $0x6000, $0x38;
	[tilespmem:$0x1E000] =	vst v63  }
0x3a7: {  	_ = 	snop  }
0x3a8: {  	[hbm4b:s1+s2] =	stream.linear.scatter [tilespmem:s30], [sflag:$0x6], $0x6000, $0x38;
	[tilespmem:$0x1E000] =	vst v63  }
0x3a9: {  	_ =	swait.ge [sflag:s14], $0x6000  }
0x3aa: {  	[sflag:s14] =	ssyncset.done $0x0  }
0x3ab: {  	[sflag:s14] =	ssyncadd.s32 $0xFFFFA000  }
0x3ac: {  	_ =	swait.ge [sflag:s9], $0x6000  }
0x3ad: {  	s0 =	sld [smem:$0x7F1]  }
0x3ae: {  	[sflag:s9] =	ssyncset.done $0x0  }
0x3af: {  	s1 =	sld [smem:$0x7F2];
	[sflag:s9] =	ssyncadd.s32 $0xFFFFA000  }
0x3b0: {  	[tilespmem:s6], [sflag:$0x2] =	stream.linear.gather [hbm4b:s0+s2], $0x6000, $0x38;
	[tilespmem:$0x1E000] =	vst v63  }
0x3b1: {  	_ = 	snop  }
0x3b2: {  	[hbm4b:s1+s2] =	stream.linear.scatter [tilespmem:s2], [sflag:$0x4], $0x6000, $0x38;
	[tilespmem:$0x1E000] =	vst v63  }
0x3b3: {  	_ =	swait.ge [sflag:s8], $0x6000  }
0x3b4: {  	[sflag:s8] =	ssyncset.done $0x0  }
0x3b5: {  	[sflag:s8] =	ssyncadd.s32 $0xFFFFA000  }
0x3b6: {  	_ =	swait.ge [sflag:s25], $0x6000  }
0x3b7: {  	s0 =	sld [smem:$0x7F3]  }
0x3b8: {  	[sflag:s25] =	ssyncset.done $0x0  }
0x3b9: {  	s1 =	sld [smem:$0x7F4];
	[sflag:s25] =	ssyncadd.s32 $0xFFFFA000  }
0x3ba: {  	[tilespmem:s30], [sflag:$0x3] =	stream.linear.gather [hbm4b:s0+s2], $0x6000, $0x38;
	[tilespmem:$0x1E000] =	vst v63  }
0x3bb: {  	_ = 	snop  }
0x3bc: {  	[hbm4b:s1+s2] =	stream.linear.scatter [tilespmem:s6], [sflag:$0x5], $0x6000, $0x38;
	[tilespmem:$0x1E000] =	vst v63  }
0x3bd: {  	_ =	swait.ge [sflag:s28], $0x6000  }
0x3be: {  	s1 =	sld [smem:$0x7F5]  }
0x3bf: {  	[sflag:s28] =	ssyncset.done $0x0  }
0x3c0: {  	[sflag:s28] =	ssyncadd.s32 $0xFFFFA000  }
0x3c1: {  	[tilespmem:s31], [sflag:$0x7] =	stream.linear.gather [hbm4b:s1+s2], $0x6000, $0x38;
	[tilespmem:$0x1E000] =	vst v63  }
0x3c2: {  	_ =	swait.ge [sflag:s20], $0x6000  }
0x3c3: {  	[sflag:s20] =	ssyncset.done $0x0  }
0x3c4: {  	[sflag:s20] =	ssyncadd.s32 $0xFFFFA000  }
0x3c5: {  	_ =	swait.ge [sflag:s11], $0x6000  }
0x3c6: {  	s1 =	sld [smem:$0x7F6]  }
0x3c7: {  	[sflag:s11] =	ssyncset.done $0x0  }
0x3c8: {  	s31 =	sld [smem:$0x7F7];
	[sflag:s11] =	ssyncadd.s32 $0xFFFFA000  }
0x3c9: {  	[tilespmem:s2], [sflag:$0x1] =	stream.linear.gather [hbm4b:s1+s2], $0x6000, $0x38;
	[tilespmem:$0x1E000] =	vst v63  }
0x3ca: {  	_ = 	snop  }
0x3cb: {  	[hbm4b:s31+s2] =	stream.linear.scatter [tilespmem:s30], [sflag:$0x6], $0x6000, $0x38;
	[tilespmem:$0x1E000] =	vst v63  }
0x3cc: {  	_ =	swait.ge [sflag:s14], $0x6000  }
0x3cd: {  	[sflag:s14] =	ssyncset.done $0x0  }
0x3ce: {  	[sflag:s14] =	ssyncadd.s32 $0xFFFFA000  }
0x3cf: {  	_ =	swait.ge [sflag:s9], $0x6000  }
0x3d0: {  	s1 =	sld [smem:$0x7F8]  }
0x3d1: {  	[sflag:s9] =	ssyncset.done $0x0  }
0x3d2: {  	s31 =	sld [smem:$0x7F9];
	[sflag:s9] =	ssyncadd.s32 $0xFFFFA000  }
0x3d3: {  	[tilespmem:s6], [sflag:$0x2] =	stream.linear.gather [hbm4b:s1+s2], $0x6000, $0x38;
	[tilespmem:$0x1E000] =	vst v63  }
0x3d4: {  	_ = 	snop  }
0x3d5: {  	[hbm4b:s31+s2] =	stream.linear.scatter [tilespmem:s2], [sflag:$0x4], $0x6000, $0x38;
	[tilespmem:$0x1E000] =	vst v63  }
0x3d6: {  	_ =	swait.ge [sflag:s8], $0x6000  }
0x3d7: {  	[sflag:s8] =	ssyncset.done $0x0  }
0x3d8: {  	[sflag:s8] =	ssyncadd.s32 $0xFFFFA000  }
0x3d9: {  	_ =	swait.ge [sflag:s25], $0x6000  }
0x3da: {  	s1 =	sld [smem:$0x7FA]  }
0x3db: {  	[sflag:s25] =	ssyncset.done $0x0  }
0x3dc: {  	s31 =	sld [smem:$0x7FB];
	[sflag:s25] =	ssyncadd.s32 $0xFFFFA000  }
0x3dd: {  	[tilespmem:s30], [sflag:$0x3] =	stream.linear.gather [hbm4b:s1+s2], $0x6000, $0x38;
	[tilespmem:$0x1E000] =	vst v63  }
0x3de: {  	_ = 	snop  }
0x3df: {  	[hbm4b:s31+s2] =	stream.linear.scatter [tilespmem:s6], [sflag:$0x5], $0x6000, $0x38;
	[tilespmem:$0x1E000] =	vst v63  }
0x3e0: {  	_ =	swait.ge [sflag:s20], $0x6000  }
0x3e1: {  	[sflag:s20] =	ssyncset.done $0x0  }
0x3e2: {  	[sflag:s20] =	ssyncadd.s32 $0xFFFFA000  }
0x3e3: {  	_ =	swait.ge [sflag:s11], $0x6000  }
0x3e4: {  	s1 =	sld [smem:$0x7FC]  }
0x3e5: {  	[sflag:s11] =	ssyncset.done $0x0  }
0x3e6: {  	s31 =	sld [smem:$0x7FD];
	[sflag:s11] =	ssyncadd.s32 $0xFFFFA000  }
0x3e7: {  	[tilespmem:s2], [sflag:$0x1] =	stream.linear.gather [hbm4b:s1+s2], $0x6000, $0x38;
	[tilespmem:$0x1E000] =	vst v63  }
0x3e8: {  	_ = 	snop  }
0x3e9: {  	[hbm4b:s31+s2] =	stream.linear.scatter [tilespmem:s30], [sflag:$0x6], $0x6000, $0x38;
	[tilespmem:$0x1E000] =	vst v63  }
0x3ea: {  	_ =	swait.ge [sflag:s29], $0x6000  }
0x3eb: {  	[sflag:s29] =	ssyncset.done $0x0  }
0x3ec: {  	[sflag:s29] =	ssyncadd.s32 $0xFFFFA000  }
0x3ed: {  	[tilespmem:s26], [sflag:$0x8] =	stream.linear.gather [hbm4b:s17+s2], $0x6000, $0x38;
	[tilespmem:$0x1E000] =	vst v63  }
0x3ee: {  	_ =	swait.ge [sflag:s14], $0x6000  }
0x3ef: {  	[sflag:s14] =	ssyncset.done $0x0  }
0x3f0: {  	[sflag:s14] =	ssyncadd.s32 $0xFFFFA000  }
0x3f1: {  	_ =	swait.ge [sflag:s9], $0x6000  }
0x3f2: {  	[sflag:s9] =	ssyncset.done $0x0  }
0x3f3: {  	[sflag:s9] =	ssyncadd.s32 $0xFFFFA000  }
0x3f4: {  	[tilespmem:s6], [sflag:$0x2] =	stream.linear.gather [hbm4b:s23+s2], $0x6000, $0x38;
	[tilespmem:$0x1E000] =	vst v63  }
0x3f5: {  	_ = 	snop  }
0x3f6: {  	[hbm4b:s24+s2] =	stream.linear.scatter [tilespmem:s2], [sflag:$0x4], $0x6000, $0x38;
	[tilespmem:$0x1E000] =	vst v63  }
0x3f7: {  	_ =	swait.ge [sflag:s8], $0x6000  }
0x3f8: {  	[sflag:s8] =	ssyncset.done $0x0  }
0x3f9: {  	[sflag:s8] =	ssyncadd.s32 $0xFFFFA000  }
0x3fa: {  	_ =	swait.ge [sflag:s25], $0x6000  }
0x3fb: {  	[sflag:s25] =	ssyncset.done $0x0  }
0x3fc: {  	[sflag:s25] =	ssyncadd.s32 $0xFFFFA000  }
0x3fd: {  	[tilespmem:s30], [sflag:$0x3] =	stream.linear.gather [hbm4b:s21+s2], $0x6000, $0x38;
	[tilespmem:$0x1E000] =	vst v63  }
0x3fe: {  	_ = 	snop  }
0x3ff: {  	[hbm4b:s22+s2] =	stream.linear.scatter [tilespmem:s6], [sflag:$0x5], $0x6000, $0x38;
	[tilespmem:$0x1E000] =	vst v63  }
0x400: {  	_ =	swait.ge [sflag:s20], $0x6000  }
0x401: {  	[sflag:s20] =	ssyncset.done $0x0  }
0x402: {  	[sflag:s20] =	ssyncadd.s32 $0xFFFFA000  }
0x403: {  	_ =	swait.ge [sflag:s11], $0x6000  }
0x404: {  	[sflag:s11] =	ssyncset.done $0x0  }
0x405: {  	[sflag:s11] =	ssyncadd.s32 $0xFFFFA000  }
0x406: {  	[tilespmem:s2], [sflag:$0x1] =	stream.linear.gather [hbm4b:s18+s2], $0x6000, $0x38;
	[tilespmem:$0x1E000] =	vst v63  }
0x407: {  	_ = 	snop  }
0x408: {  	[hbm4b:s19+s2] =	stream.linear.scatter [tilespmem:s30], [sflag:$0x6], $0x6000, $0x38;
	[tilespmem:$0x1E000] =	vst v63  }
0x409: {  	_ =	swait.ge [sflag:s14], $0x6000  }
0x40a: {  	[sflag:s14] =	ssyncset.done $0x0  }
0x40b: {  	[sflag:s14] =	ssyncadd.s32 $0xFFFFA000  }
0x40c: {  	_ =	swait.ge [sflag:s9], $0x6000  }
0x40d: {  	[sflag:s9] =	ssyncset.done $0x0  }
0x40e: {  	[sflag:s9] =	ssyncadd.s32 $0xFFFFA000  }
0x40f: {  	[tilespmem:s6], [sflag:$0x2] =	stream.linear.gather [hbm4b:s15+s2], $0x6000, $0x38;
	[tilespmem:$0x1E000] =	vst v63  }
0x410: {  	_ = 	snop  }
0x411: {  	[hbm4b:s16+s2] =	stream.linear.scatter [tilespmem:s2], [sflag:$0x4], $0x6000, $0x38;
	[tilespmem:$0x1E000] =	vst v63  }
0x412: {  	_ =	swait.ge [sflag:s28], $0x6000  }
0x413: {  	[sflag:s28] =	ssyncset.done $0x0  }
0x414: {  	[sflag:s28] =	ssyncadd.s32 $0xFFFFA000  }
0x415: {  	_ =	swait.ge [sflag:s8], $0x6000  }
0x416: {  	[sflag:s8] =	ssyncset.done $0x0  }
0x417: {  	[sflag:s8] =	ssyncadd.s32 $0xFFFFA000  }
0x418: {  	_ =	swait.ge [sflag:s25], $0x6000  }
0x419: {  	[sflag:s25] =	ssyncset.done $0x0  }
0x41a: {  	[sflag:s25] =	ssyncadd.s32 $0xFFFFA000  }
0x41b: {  	[tilespmem:s30], [sflag:$0x3] =	stream.linear.gather [hbm4b:s12+s2], $0x6000, $0x38;
	[tilespmem:$0x1E000] =	vst v63  }
0x41c: {  	_ = 	snop  }
0x41d: {  	[hbm4b:s13+s2] =	stream.linear.scatter [tilespmem:s6], [sflag:$0x5], $0x6000, $0x38;
	[tilespmem:$0x1E000] =	vst v63  }
0x41e: {  	_ =	swait.ge [sflag:s20], $0x6000  }
0x41f: {  	[sflag:s20] =	ssyncset.done $0x0  }
0x420: {  	[sflag:s20] =	ssyncadd.s32 $0xFFFFA000  }
0x421: {  	_ =	swait.ge [sflag:s11], $0x6000  }
0x422: {  	[sflag:s11] =	ssyncset.done $0x0  }
0x423: {  	[sflag:s11] =	ssyncadd.s32 $0xFFFFA000  }
0x424: {  	[tilespmem:s2], [sflag:$0x1] =	stream.linear.gather [hbm4b:s7+s2], $0x6000, $0x38;
	[tilespmem:$0x1E000] =	vst v63  }
0x425: {  	_ = 	snop  }
0x426: {  	[hbm4b:s10+s2] =	stream.linear.scatter [tilespmem:s30], [sflag:$0x6], $0x6000, $0x38;
	[tilespmem:$0x1E000] =	vst v63  }
0x427: {  	_ =	swait.ge [sflag:s14], $0x6000  }
0x428: {  	[sflag:s14] =	ssyncset.done $0x0  }
0x429: {  	[sflag:s14] =	ssyncadd.s32 $0xFFFFA000  }
0x42a: {  	_ =	swait.ge [sflag:s9], $0x6000  }
0x42b: {  	[sflag:s9] =	ssyncset.done $0x0  }
0x42c: {  	[sflag:s9] =	ssyncadd.s32 $0xFFFFA000  }
0x42d: {  	[tilespmem:s6], [sflag:$0x2] =	stream.linear.gather [hbm4b:s4+s2], $0x6000, $0x38;
	[tilespmem:$0x1E000] =	vst v63  }
0x42e: {  	_ = 	snop  }
0x42f: {  	[hbm4b:s5+s2] =	stream.linear.scatter [tilespmem:s2], [sflag:$0x4], $0x6000, $0x38;
	[tilespmem:$0x1E000] =	vst v63  }
0x430: {  	_ =	swait.ge [sflag:s8], $0x6000  }
0x431: {  	[sflag:s8] =	ssyncset.done $0x0  }
0x432: {  	[sflag:s8] =	ssyncadd.s32 $0xFFFFA000  }
0x433: {  	[hbm4b:s3+s2] =	stream.linear.scatter [tilespmem:s6], [sflag:$0x5], $0x6000, $0x38;
	[tilespmem:$0x1E000] =	vst v63  }
0x434: {  	_ =	swait.ge [sflag:s11], $0x6000  }
0x435: {  	[sflag:s11] =	ssyncset.done $0x0  }
0x436: {  	[sflag:s11] =	ssyncadd.s32 $0xFFFFA000  }
0x437: {  	_ =	swait.ge [sflag:s9], $0x6000  }
0x438: {  	[sflag:s9] =	ssyncset.done $0x0  }
0x439: {  	[sflag:s9] =	ssyncadd.s32 $0xFFFFA000  }
0x43a: {  	_ =	sfence.sel $0x180000  }
0x43b: {  	[bflag:$0x0] =	sbarrier.arrive $0xFFFF  }
0x43c: {  	_ =	strace $0x90000047  }
0x43d: {  	s31 =	stileid.u32;
	[bflag:$0x2] =	sbarrier.arrive $0xFFFF  }
0x43e: {  	p0 =	sne.s32 s31, $0x0;
	s0 =	rddreg [dreg:$0x3]  }
0x43f: {  	s0 =	sadd.s32 @!p0 $0x100000, s0  }
0x440: {  	[sflag:s0] =	ssyncadd.tile.s32 @!p0 $0x1;
	_ =	shalt  }
.Lfunc_end2:
_tile_overlayer_lowered:
.L_overlay_start_2:
0x441: {  	(tag) =	ssettag $0x2  }
0x442: {  	s0 =	rddreg [dreg:$0x0];
	s2 =	stileid.u32  }
0x443: {  	s1 =	rddreg [dreg:$0x1];
	p0 =	sne.s32 s2, $0x0  }
0x444: {  	s3 =	rddreg [dreg:$0x2];
	[bflag:$0x3] =	sbarrier.arrive $0xFFFF;
	s2 =	simm.s32 @!p0 $0x1C09  }
0x445: {  	[timem:s3], [sflag:s2] =	dma.local @!p0 [hbm:s0], s1  }
0x446: {  	s0 =	simm.s32 @!p0 $0x9  }
0x447: {  	_ =	swait.ge @!p0 [sflag:s0], s1  }
0x448: {  	s1 =	ssub.s32 @!p0 $0x0, s1;
	[sflag:s0] =	ssyncset.done @!p0 $0x0  }
0x449: {  	[sflag:s0] =	ssyncadd.s32 @!p0 s1  }
0x44a: {  	[bflag:$0x3] =	sbarrier.arrive $0xFFFF  }
0x44b: {  	_ =	shalt  }

</sc_bundles>
